<compile_context>
chip_gen: v7x
topology: tpu7x:2x2x1
jax: 0.10.2.dev20260603
libtpu: 0.0.44.dev20260713+nightly
codegen_flags: <defaults>
</compile_context>

<pallas_src>
import functools

import jax
import jax.numpy as jnp
import numpy as np
from jax import lax
from jax.experimental import pallas as pl
from jax.experimental.pallas import tpu as pltpu
from jax.experimental.pallas import tpu_sc as plsc

N_TOK = 8192
D_MODEL = 2048
NE = 5
MPE = 1024
CAP = MPE + (N_TOK - MPE * NE) // NE + 1
REM = N_TOK - NE * MPE
TOK_TILE = 256
NEG = np.int32(-2147483648)



def _gate_body(x_ref, w1_ref, b1_ref, w2_ref, b2_ref, w3_ref, b3_ref,
               w4_ref, b4_ref, out_ref):
    h = jnp.maximum(
        jnp.dot(x_ref[...], w1_ref[...], preferred_element_type=jnp.float32)
        + b1_ref[...], 0.0)
    h = jnp.maximum(
        jnp.dot(h, w2_ref[...], preferred_element_type=jnp.float32)
        + b2_ref[...], 0.0)
    h = jnp.maximum(
        jnp.dot(h, w3_ref[...], preferred_element_type=jnp.float32)
        + b3_ref[...], 0.0)
    out_ref[...] = (jnp.dot(h, w4_ref[...], preferred_element_type=jnp.float32)
                    + b4_ref[...])


def _gate_logits(x, W1, b1, W2, b2, W3, b3, W4, b4):
    W4p = jnp.zeros((128, 8), jnp.float32).at[:, :NE].set(W4)
    b4p = jnp.zeros((1, 8), jnp.float32).at[:, :NE].set(b4)
    return pl.pallas_call(
        _gate_body,
        grid=(N_TOK // TOK_TILE,),
        in_specs=[
            pl.BlockSpec((TOK_TILE, D_MODEL), lambda i: (i, 0)),
            pl.BlockSpec((D_MODEL, 1024), lambda i: (0, 0)),
            pl.BlockSpec((1, 1024), lambda i: (0, 0)),
            pl.BlockSpec((1024, 512), lambda i: (0, 0)),
            pl.BlockSpec((1, 512), lambda i: (0, 0)),
            pl.BlockSpec((512, 128), lambda i: (0, 0)),
            pl.BlockSpec((1, 128), lambda i: (0, 0)),
            pl.BlockSpec((128, 8), lambda i: (0, 0)),
            pl.BlockSpec((1, 8), lambda i: (0, 0)),
        ],
        out_specs=pl.BlockSpec((TOK_TILE, 8), lambda i: (i, 0)),
        out_shape=jax.ShapeDtypeStruct((N_TOK, 8), jnp.float32),
    )(x, W1, b1.reshape(1, -1), W2, b2.reshape(1, -1), W3,
      b3.reshape(1, -1), W4p, b4p)



_I16 = lambda: lax.iota(jnp.int32, 16)
_ONES = lambda: jnp.ones((16,), jnp.int32)


def _ext(vec, k):
    return jnp.max(jnp.where(_I16() == k, vec, NEG))


def _gat(vec, idx):
    return lax.gather(
        vec, idx.reshape(16, 1),
        lax.GatherDimensionNumbers(offset_dims=(), collapsed_slice_dims=(0,),
                                   start_index_map=(0,)),
        (1,), mode=lax.GatherScatterMode.PROMISE_IN_BOUNDS)


def _bc(s):
    return jnp.broadcast_to(s, (16,))


def _alloc_body(pbits_hbm, allidx_hbm, stats_hbm,
                pball, sidxb, ownr, slotv, cand, rlist,
                hist, cbase, cntv, c0v, statsv):
    wid = lax.axis_index("s") * 2 + lax.axis_index("c")

    @pl.when(wid == 0)
    def _main():
        i16 = _I16()
        SORTB = NE * N_TOK

        def fkk(kk, _):
            pltpu.sync_copy(pbits_hbm.at[pl.ds(kk * 16384, 16384)],
                            sidxb.at[pl.ds(0, 16384)])

            def fst(c, _):
                tl = c * 16 + _I16()
                for e in range(NE):
                    v = plsc.load_gather(sidxb, [tl * 8 + e])
                    pball[pl.ds(e * N_TOK + kk * 2048 + c * 16, 16)] = v
                return 0
            lax.fori_loop(0, 128, fst, 0)
            return 0
        lax.fori_loop(0, 4, fkk, 0)

        c0v[...] = jnp.zeros((16,), jnp.int32)

        def fch(c, _):
            t0 = c * 16
            best = pball[pl.ds(t0, 16)]
            ch = jnp.zeros((16,), jnp.int32)
            for e in range(1, NE):
                ve = pball[pl.ds(e * N_TOK + t0, 16)]
                m = ve > best
                best = jnp.where(m, ve, best)
                ch = jnp.where(m, jnp.int32(e), ch)
            ownr[pl.ds(t0, 16)] = ch
            plsc.addupdate_scatter(c0v, [ch], _ONES())
            return 0
        lax.fori_loop(0, N_TOK // 16, fch, 0)
        cntv[...] = c0v[...]

        def sort_col(o, _):
            c0_o = _ext(c0v[...], o)
            donor = c0_o > MPE
            recip = c0_o < MPE
            plane = o * N_TOK
            npass = jnp.where(donor, 4, jnp.where(recip, 9, 0))

            def run_pass(p, _):
                @pl.when(p < npass)
                def _run():
                    par = jnp.bitwise_and(p, 1)
                    d_src_sel = jnp.where(p == 0, 0, 2)
                    d_src_base = jnp.where(par == 1, SORTB, plane)
                    d_dst_base = jnp.where(par == 0, SORTB, plane)
                    r_src_sel = jnp.where(p == 0, 1, 2)
                    r_src_base = jnp.where(par == 0, SORTB, plane)
                    r_dst_base = jnp.where(par == 0, plane, SORTB)
                    r_mode = jnp.where(p < 4, 1, jnp.where(p == 4, 2, 0))
                    r_sh = jnp.where(p < 4, 8 * p, 8 * (p - 5))
                    src_sel = jnp.where(donor, d_src_sel, r_src_sel)
                    src_base = jnp.where(donor, d_src_base, r_src_base)
                    dst_base = jnp.where(donor, d_dst_base, r_dst_base)
                    mode = jnp.where(donor, 0, r_mode)
                    sh = jnp.where(donor, 8 * p, r_sh)

                    def get_tok(c):
                        it = c * 16 + _I16()
                        buf = sidxb[pl.ds(src_base + c * 16, 16)]
                        return jnp.where(
                            src_sel == 0, it,
                            jnp.where(src_sel == 1,
                                      jnp.int32(N_TOK - 1) - it, buf))

                    def byte_of(tok):
                        sc = plsc.load_gather(pball, [plane + tok])
                        och = plsc.load_gather(ownr, [tok])
                        ob = plsc.load_gather(pball, [och * N_TOK + tok])
                        inv = jnp.bitwise_xor(ob, jnp.int32(-1))
                        key = jnp.where(mode == 0, sc,
                                        jnp.where(mode == 1, inv,
                                                  jnp.int32(NE - 1) - och))
                        return jnp.bitwise_and(
                            lax.shift_right_logical(key, _bc(sh)), 255)

                    def fz(i, _):
                        hist[pl.ds(i * 16, 16)] = jnp.zeros((16,), jnp.int32)
                        return 0
                    lax.fori_loop(0, 16, fz, 0)

                    def fa(c, _):
                        plsc.addupdate_scatter(hist, [byte_of(get_tok(c))],
                                               _ONES())
                        return 0
                    lax.fori_loop(0, N_TOK // 16, fa, 0)

                    def fb(i, carry):
                        h = hist[pl.ds(i * 16, 16)]
                        cs = plsc.cumsum(h)
                        cbase[pl.ds(i * 16, 16)] = cs - h + carry
                        return carry + jnp.max(cs)
                    lax.fori_loop(0, 16, fb, jnp.int32(0))

                    def fc(c, _):
                        tok = get_tok(c)
                        b = byte_of(tok)
                        prior = plsc.scan_count(b)[0] - 1
                        pos = plsc.load_gather(cbase, [b]) + prior
                        plsc.store_scatter(sidxb, [dst_base + pos], tok)
                        plsc.addupdate_scatter(cbase, [b], _ONES())
                        return 0
                    lax.fori_loop(0, N_TOK // 16, fc, 0)
                return 0
            lax.fori_loop(0, 9, run_pass, 0)
            return 0
        lax.fori_loop(0, NE, sort_col, 0)

        def p1_col(e, _):
            need = MPE - _ext(c0v[...], e)

            @pl.when(need > 0)
            def _steal():
                tag = e + 1

                def mark_o(o, _):
                    ovf = _ext(cntv[...], o) - MPE

                    @pl.when(jnp.logical_and(o != e, ovf > 0))
                    def _mark():
                        def cond(st):
                            r, seen = st
                            return jnp.logical_and(r < N_TOK // 16,
                                                   seen < ovf)

                        def body(st):
                            r, seen = st
                            toks = sidxb[pl.ds(o * N_TOK + r * 16, 16)]
                            ow = plsc.load_gather(ownr, [toks])
                            m = ow == o
                            pc = plsc.cumsum(m.astype(jnp.int32))
                            cm = jnp.logical_and(m, (pc + seen) <= ovf)
                            plsc.store_scatter(cand, [toks], _bc(tag),
                                               mask=cm)
                            return r + 1, seen + jnp.max(pc)
                        lax.while_loop(cond, body,
                                       (jnp.int32(0), jnp.int32(0)))
                    return 0
                lax.fori_loop(0, NE, mark_o, 0)
                c0e = _ext(c0v[...], e)

                def cond(st):
                    r, got = st
                    return jnp.logical_and(r >= 0, got < need)

                def body(st):
                    r, got = st
                    toks = lax.rev(sidxb[pl.ds(e * N_TOK + r * 16, 16)],
                                   (0,))
                    cm = plsc.load_gather(cand, [toks]) == tag
                    pc = plsc.cumsum(cm.astype(jnp.int32))
                    pref = pc + got
                    sel = jnp.logical_and(cm, pref <= need)
                    plsc.store_scatter(slotv, [toks], _bc(c0e) + pref - 1,
                                       mask=sel)
                    ow_old = plsc.load_gather(ownr, [toks])
                    plsc.addupdate_scatter(cntv, [ow_old],
                                           jnp.full((16,), -1, jnp.int32),
                                           mask=sel)
                    plsc.store_scatter(ownr, [toks], _bc(e + 8), mask=sel)
                    return r - 1, got + jnp.max(pc)
                lax.while_loop(cond, body,
                               (jnp.int32(N_TOK // 16 - 1), jnp.int32(0)))
                plsc.addupdate_scatter(cntv, [_bc(e)], _bc(need),
                                       mask=(_I16() == 0))
            return 0
        lax.fori_loop(0, NE, p1_col, 0)

        ovfs = [jnp.maximum(_ext(cntv[...], e) - MPE, 0) for e in range(NE)]
        rbase = [jnp.int32(0)] * NE
        for e in range(1, NE):
            rbase[e] = rbase[e - 1] + ovfs[e - 1]

        def fmr(c, kr):
            t0 = c * 16
            toks = t0 + _I16()
            ow = ownr[pl.ds(t0, 16)]
            slc = slotv[pl.ds(t0, 16)]
            new_kr = []
            for e in range(NE):
                m = ow == e
                pc = plsc.cumsum(m.astype(jnp.int32))
                mrank = _bc(kr[e]) + pc - 1
                slc = jnp.where(m, mrank, slc)
                rmask = jnp.logical_and(m, mrank >= MPE)
                plsc.store_scatter(rlist, [_bc(rbase[e] - MPE) + mrank],
                                   toks, mask=rmask)
                new_kr.append(kr[e] + jnp.max(pc))
            slotv[pl.ds(t0, 16)] = slc
            return tuple(new_kr)
        lax.fori_loop(0, N_TOK // 16, fmr, (jnp.int32(0),) * NE)

        cnt0 = jnp.where(i16 < NE, jnp.int32(MPE), jnp.int32(CAP + 1024))

        def fp2(c, cnt):
            toks = rlist[pl.ds(c * 16, 16)]
            v = [plsc.load_gather(pball, [o * N_TOK + toks])
                 for o in range(NE)]
            cs = [_ext(cnt, o) for o in range(NE)]
            vms = [c_ < CAP for c_ in cs]
            any1 = vms[0]
            for o in range(1, NE):
                any1 = jnp.logical_or(any1, vms[o])
            best = jnp.full((16,), -1, jnp.int32)
            ch = jnp.zeros((16,), jnp.int32)
            for o in range(NE):
                allow = jnp.logical_or(vms[o], jnp.logical_not(any1))
                vo = jnp.where(allow, v[o], jnp.full((16,), -1, jnp.int32))
                m = vo > best
                best = jnp.where(m, vo, best)
                ch = jnp.where(m, jnp.int32(o), ch)
            prior = plsc.scan_count(ch)[0] - 1
            slotl = _gat(cnt, ch) + prior
            adds = [jnp.sum((ch == o).astype(jnp.int32)) for o in range(NE)]
            cnt_new = cnt
            for o in range(NE):
                cnt_new = jnp.where(i16 == o, cnt_new + adds[o], cnt_new)
            okall = (cs[0] + adds[0]) <= CAP
            for o in range(1, NE):
                okall = jnp.logical_and(okall, (cs[o] + adds[o]) <= CAP)
            valid = jnp.logical_or(okall, jnp.logical_not(any1))

            def fast(cnt=cnt, cnt_new=cnt_new, toks=toks, ch=ch,
                     slotl=slotl):
                plsc.store_scatter(ownr, [toks], ch)
                plsc.store_scatter(slotv, [toks], slotl)
                return cnt_new

            def slow(cnt=cnt, toks=toks, v=v):
                def fj(j, cc):
                    tv = _gat(toks, _bc(j))
                    ve = jnp.zeros((16,), jnp.int32)
                    for o in range(NE):
                        ve = jnp.where(_I16() == o, _gat(v[o], _bc(j)), ve)
                    vme = jnp.logical_and(cc < CAP, _I16() < NE)
                    anyv = jnp.max(vme.astype(jnp.int32)) > 0
                    vme2 = jnp.where(anyv, vme, _I16() < NE)
                    sb = jnp.where(vme2, ve, jnp.full((16,), -1, jnp.int32))
                    mx = jnp.max(sb)
                    chs = plsc.all_reduce_ffs(sb == mx)
                    chv = _bc(chs) if getattr(chs, "ndim", 1) == 0 else chs
                    slotj = _gat(cc, chv)
                    cc = cc + jnp.where(_I16() == chv, 1, 0).astype(jnp.int32)
                    lane0 = _I16() == 0
                    plsc.store_scatter(ownr, [tv], chv, mask=lane0)
                    plsc.store_scatter(slotv, [tv], slotj, mask=lane0)
                    return cc
                return lax.fori_loop(0, 16, fj, cnt)
            return lax.cond(valid, fast, slow)
        cntf = lax.fori_loop(0, REM // 16, fp2, cnt0)

        fcs = [_ext(cntf, e) for e in range(NE)]
        bases = [jnp.int32(0)] * NE
        for e in range(1, NE):
            bases[e] = bases[e - 1] + fcs[e - 1]
        basev = jnp.zeros((16,), jnp.int32)
        for e in range(NE):
            basev = jnp.where(i16 == e, _bc(bases[e]), basev)

        def fas(c, accs):
            t0 = c * 16
            toks = t0 + _I16()
            ow = jnp.bitwise_and(ownr[pl.ds(t0, 16)], 7)
            sl = slotv[pl.ds(t0, 16)]
            pos = _gat(basev, ow) + sl
            plsc.store_scatter(sidxb, [pos], toks)
            pbits = plsc.load_gather(pball, [ow * N_TOK + toks])
            pv = plsc.bitcast(pbits, jnp.float32)
            return tuple(accs[e] + jnp.where(ow == e, pv, 0.0)
                         for e in range(NE))
        accs = lax.fori_loop(0, N_TOK // 16, fas,
                             (jnp.zeros((16,), jnp.float32),) * NE)

        sv = jnp.zeros((16,), jnp.float32)
        for e in range(NE):
            sv = jnp.where(i16 == e, _bc(jnp.sum(accs[e])), sv)
            sv = jnp.where(i16 == NE + e, _bc(fcs[e].astype(jnp.float32)),
                           sv)
        statsv[...] = sv

        pltpu.sync_copy(sidxb.at[pl.ds(0, N_TOK)], allidx_hbm)
        pltpu.sync_copy(statsv, stats_hbm)


def _alloc(pbits):
    mesh = plsc.VectorSubcoreMesh(core_axis_name="c", subcore_axis_name="s")
    f = pl.kernel(
        _alloc_body,
        out_type=(jax.ShapeDtypeStruct((N_TOK,), jnp.int32),
                  jax.ShapeDtypeStruct((16,), jnp.float32)),
        mesh=mesh,
        scratch_types=[
            pltpu.VMEM((NE * N_TOK,), jnp.int32),
            pltpu.VMEM((NE * N_TOK + N_TOK,), jnp.int32),
            pltpu.VMEM((N_TOK,), jnp.int32),
            pltpu.VMEM((N_TOK,), jnp.int32),
            pltpu.VMEM((N_TOK,), jnp.int32),
            pltpu.VMEM((REM,), jnp.int32),
            pltpu.VMEM((256,), jnp.int32),
            pltpu.VMEM((256,), jnp.int32),
            pltpu.VMEM((16,), jnp.int32),
            pltpu.VMEM((16,), jnp.int32),
            pltpu.VMEM((16,), jnp.float32),
        ],
        compiler_params=pltpu.CompilerParams(needs_layout_passes=False),
    )
    return f(pbits)



def _gather_body(x_hbm, idx_hbm, out_hbm, idxv, rows, sem):
    wid = lax.axis_index("s") * 2 + lax.axis_index("c")
    base = wid * (N_TOK // 32)
    for k in range(N_TOK // 32 // 32):
        pltpu.sync_copy(idx_hbm.at[pl.ds(base + k * 32, 32)], idxv)
        pltpu.async_copy(x_hbm.at[idxv], rows, sem).wait()
        pltpu.sync_copy(rows, out_hbm.at[pl.ds(base + k * 32, 32)])


def _gather(x, all_idx):
    mesh = plsc.VectorSubcoreMesh(core_axis_name="c", subcore_axis_name="s")
    f = pl.kernel(
        _gather_body,
        out_type=jax.ShapeDtypeStruct((N_TOK, D_MODEL), jnp.float32),
        mesh=mesh,
        scratch_types=[
            pltpu.VMEM((32,), jnp.int32),
            pltpu.VMEM((32, D_MODEL), jnp.float32),
            pltpu.SemaphoreType.DMA,
        ],
    )
    return f(x, all_idx)



def kernel(x, W1, b1, W2, b2, W3, b3, W4, b4):
    logits = _gate_logits(x, W1, b1, W2, b2, W3, b3, W4, b4)
    probs = jax.nn.softmax(logits[:, :NE], axis=1)
    probs8 = jnp.concatenate(
        [probs, jnp.zeros((N_TOK, 8 - NE), jnp.float32)], axis=1)
    pbits = lax.bitcast_convert_type(probs8, jnp.int32).reshape(-1)
    all_idx, stats = _alloc(pbits)
    expert_data = _gather(x, all_idx)
    s = stats[0:NE]
    cf = stats[NE:2 * NE]
    mg = jnp.where(cf > 0, s / jnp.where(cf > 0, cf, 1.0),
                   jnp.float32(0.0))
    loss = jnp.sum(cf * mg) / NE
    return (expert_data, loss, all_idx)

# --- scband reference (transcript-rebuilt; emitter-appended) ---
"""Pipeline reference for scband-uniform-mo-erouter5-38165079392681 (READ-ONLY COPY).

The authoritative reference and input builder live on the scoring server;
editing this copy changes nothing except your own understanding.
"""

import jax, jax.numpy as jnp
import numpy as np
from jax import lax

N_TOKENS = 8192
D_MODEL = 2048
NUM_EXPERTS = 5


def _gate(x, W1, b1, W2, b2, W3, b3, W4, b4):
    # Dropout is identity in eval mode.
    h = jnp.maximum(x @ W1 + b1, 0.0)
    h = jnp.maximum(h @ W2 + b2, 0.0)
    h = jnp.maximum(h @ W3 + b3, 0.0)
    return h @ W4 + b4


def _allocate(probs, num_experts):
    # Traced fixed-shape port of the allocation-pool rebalancing logic.
    n = probs.shape[0]
    min_per_expert = (n + 7) // 8
    remaining = n - min_per_expert * num_experts
    while remaining < 0 and min_per_expert > 0:
        min_per_expert -= 1
        remaining = n - min_per_expert * num_experts
    slots = jnp.arange(n)
    expert_choice = jnp.argmax(probs, axis=1)
    counts = jnp.bincount(expert_choice, length=num_experts)
    offsets = jnp.concatenate([jnp.zeros((1,), counts.dtype), jnp.cumsum(counts)[:-1]])
    tok = jnp.argsort(expert_choice, stable=True)
    es = expert_choice[tok]
    posg = slots - offsets[es]
    P = jnp.full((num_experts, n), -1, dtype=tok.dtype)
    P = P.at[es, posg].set(tok)
    for expert in range(num_experts):
        need = jnp.maximum(min_per_expert - counts[expert], 0)
        cand_tok = []
        cand_mask = []
        for other in range(num_experts):
            if other == expert:
                continue
            overflow = jnp.maximum(counts[other] - min_per_expert, 0)
            row = P[other]
            other_probs = jnp.where(slots < counts[other], probs[row, other], jnp.inf)
            sorted_idx = jnp.argsort(other_probs, stable=True)
            cand_tok.append(row[sorted_idx])
            cand_mask.append(slots < overflow)
        cand_tok = jnp.concatenate(cand_tok)
        cand_mask = jnp.concatenate(cand_mask)
        score = jnp.where(cand_mask, probs[cand_tok, expert], -jnp.inf)
        order = jnp.argsort(-score, stable=True)
        tok_sorted = cand_tok[order]
        n_cand = jnp.sum(cand_mask)
        take = jnp.minimum(need, n_cand)
        ranks = jnp.arange(cand_tok.shape[0])
        sel = ranks < take
        sel_flag = jnp.zeros((n,), dtype=bool).at[jnp.where(sel, tok_sorted, n)].set(True, mode='drop')
        tgt = jnp.where(sel, counts[expert] + ranks, n)
        P = P.at[expert, tgt].set(tok_sorted, mode='drop')
        counts = counts.at[expert].add(take)
        for other in range(num_experts):
            if other == expert:
                continue
            row = P[other]
            keep = (slots < counts[other]) & ~sel_flag[row]
            pos = jnp.cumsum(keep) - 1
            new_row = jnp.full((n,), -1, dtype=row.dtype).at[jnp.where(keep, pos, n)].set(row, mode='drop')
            P = P.at[other].set(new_row)
            counts = counts.at[other].set(jnp.sum(keep))
    flat = P.reshape(-1)
    slot2 = jnp.tile(slots, num_experts)
    cnt_rep = jnp.repeat(counts, n)
    valid_rem = (slot2 >= min_per_expert) & (slot2 < cnt_rep)
    posr = jnp.cumsum(valid_rem) - 1
    R = jnp.zeros((n,), dtype=flat.dtype).at[jnp.where(valid_rem, posr, n)].set(flat, mode='drop')
    rem_count = jnp.sum(valid_rem)
    counts = jnp.minimum(counts, min_per_expert)
    cap = min_per_expert + remaining // num_experts + 1

    def body(i, state):
        P_, counts_ = state
        active = i < rem_count
        idx = R[i]
        vm = counts_ < cap
        vm = jnp.where(jnp.any(vm), vm, True)
        scores = jnp.where(vm, probs[idx], -jnp.inf)
        chosen = jnp.argmax(scores)
        tgt_ = jnp.where(active, counts_[chosen], n)
        P_ = P_.at[chosen, tgt_].set(idx, mode='drop')
        counts_ = counts_.at[chosen].add(jnp.where(active, 1, 0))
        return P_, counts_

    P, counts = lax.fori_loop(0, n, body, (P, counts))
    return P, counts


def setup_inputs(seed: int = 0) -> dict:
    key = jax.random.key(seed)
    ks = jax.random.split(key, 9)
    x = jax.random.normal(ks[0], (N_TOKENS, D_MODEL), dtype=jnp.float32)
    W1 = 0.02 * jax.random.normal(ks[1], (D_MODEL, 1024), dtype=jnp.float32)
    b1 = jnp.zeros((1024,), dtype=jnp.float32)
    W2 = 0.02 * jax.random.normal(ks[2], (1024, 512), dtype=jnp.float32)
    b2 = jnp.zeros((512,), dtype=jnp.float32)
    W3 = 0.02 * jax.random.normal(ks[3], (512, 128), dtype=jnp.float32)
    b3 = jnp.zeros((128,), dtype=jnp.float32)
    W4 = 0.02 * jax.random.normal(ks[4], (128, NUM_EXPERTS), dtype=jnp.float32)
    b4 = jnp.zeros((NUM_EXPERTS,), dtype=jnp.float32)
    return {"x": x, "W1": W1, "b1": b1, "W2": W2, "b2": b2, "W3": W3, "b3": b3, "W4": W4, "b4": b4}


def reference(x, W1, b1, W2, b2, W3, b3, W4, b4):
    logits = _gate(x, W1, b1, W2, b2, W3, b3, W4, b4)
    probs = jax.nn.softmax(logits, axis=1)
    P, counts = _allocate(probs, NUM_EXPERTS)
    n = x.shape[0]
    slots = jnp.arange(n)
    valid = slots[None, :] < counts[:, None]
    flat = P.reshape(-1)
    vflat = valid.reshape(-1)
    pos = jnp.cumsum(vflat) - 1
    all_idx = jnp.zeros((n,), dtype=flat.dtype).at[jnp.where(vflat, pos, n)].set(flat, mode='drop')
    expert_data = x[all_idx]
    counts_f = counts.astype(jnp.float32)
    mgs = []
    for e in range(NUM_EXPERTS):
        vals = jnp.where(slots < counts[e], probs[P[e], e], 0.0)
        s = vals.sum()
        mgs.append(jnp.where(counts[e] > 0, s / counts[e], jnp.array(0.0, dtype=jnp.float32)))
    mean_gate = jnp.stack(mgs)
    distribution_loss = (counts_f * mean_gate).sum() / NUM_EXPERTS
    return (expert_data, distribution_loss, all_idx)

if __name__ == "__main__":
    import jax
    _d = setup_inputs()
    print(jax.jit(kernel)(*tuple(_d.values())))

</pallas_src>

<mosaic_0001>
#map = affine_map<(d0, d1) -> (0, 0)>
#map1 = affine_map<(d0, d1) -> (0)>
module attributes {stable_mosaic.version = 14 : i64} {
  func.func @_gather_body(%arg0: i32, %arg1: i32, %arg2: memref<8192x2048xf32, #tpu.memory_space<hbm>>, %arg3: memref<8192xi32, #tpu.memory_space<hbm>>, %arg4: memref<8192x2048xf32, #tpu.memory_space<hbm>>, %arg5: memref<32xi32, #tpu.memory_space<vmem>>, %arg6: memref<32x2048xf32, #tpu.memory_space<vmem>>, %arg7: memref<!tpu.dma_semaphore, #tpu.memory_space<semaphore_mem>>) attributes {dimension_semantics = [#tpu.dimension_semantics<core_parallel>, #tpu.dimension_semantics<subcore_parallel>], iteration_bounds = array<i64: 2, 16>, scalar_prefetch = 0 : i64, scratch_operands = 3 : i64, tpu.core_type = #tpu.core_type<sc_vector_subcore>, window_params = [{transform_indices = #map}, {transform_indices = #map1}, {transform_indices = #map}]} {
    %mul3A = arith.constant 2 : i32
    %mul3A_0 = arith.muli %arg1, %mul3A : i32
    %add3A = arith.addi %mul3A_0, %arg0 : i32
    %mul3A_1 = arith.constant 256 : i32
    %mul3A_2 = arith.muli %add3A, %mul3A_1 : i32
    %add3A_3 = arith.constant 0 : i32
    %add3A_4 = arith.addi %mul3A_2, %add3A_3 : i32
    "tpu.region"() ({
      %run_scoped3A = tpu.sem_alloc : memref<!tpu.dma_semaphore, #tpu.memory_space<semaphore_mem>>
      %dma_start3A_81 = tpu.memref_slice %arg3[%add3A_4] : memref<8192xi32, #tpu.memory_space<hbm>> -> memref<32xi32, #tpu.memory_space<hbm>>
      %dma_start3A_82 = tpu.memref_slice %arg3[%add3A_4] : memref<8192xi32, #tpu.memory_space<hbm>> -> memref<32xi32, #tpu.memory_space<hbm>>
      tpu.enqueue_dma source(%dma_start3A_82 : memref<32xi32, #tpu.memory_space<hbm>>) target(%arg5 : memref<32xi32, #tpu.memory_space<vmem>>) target_semaphore(%run_scoped3A : memref<!tpu.dma_semaphore, #tpu.memory_space<semaphore_mem>>)
      %dma_wait3A_83 = tpu.memref_slice %arg3[%add3A_4] : memref<8192xi32, #tpu.memory_space<hbm>> -> memref<32xi32, #tpu.memory_space<hbm>>
      %dma_wait3A_84 = tpu.memref_slice %arg3[%add3A_4] : memref<8192xi32, #tpu.memory_space<hbm>> -> memref<32xi32, #tpu.memory_space<hbm>>
      tpu.wait_dma2 semaphore(%run_scoped3A : memref<!tpu.dma_semaphore, #tpu.memory_space<semaphore_mem>>) src(%dma_wait3A_84 : memref<32xi32, #tpu.memory_space<hbm>>) dst(%arg5 : memref<32xi32, #tpu.memory_space<vmem>>)
      tpu.yield
    }) : () -> ()
    %dma_start3A = arith.constant 0 : i32
    %dma_start3A_5 = arith.constant 0 : i32
    %dma_start3A_6 = tpu.memref_slice %arg2[%dma_start3A, %dma_start3A_5] : memref<8192x2048xf32, #tpu.memory_space<hbm>> -> memref<8192x2048xf32, #tpu.memory_space<hbm>>
    tpu.enqueue_indirect_dma source(%dma_start3A_6 : memref<8192x2048xf32, #tpu.memory_space<hbm>>) target(%arg6 : memref<32x2048xf32, #tpu.memory_space<vmem>>) offsets(%arg5 : memref<32xi32, #tpu.memory_space<vmem>>) semaphore(%arg7 : memref<!tpu.dma_semaphore, #tpu.memory_space<semaphore_mem>>)
    %dma_wait3A = arith.constant 0 : i32
    %dma_wait3A_7 = arith.constant 0 : i32
    %dma_wait3A_8 = tpu.memref_slice %arg2[%dma_wait3A, %dma_wait3A_7] : memref<8192x2048xf32, #tpu.memory_space<hbm>> -> memref<8192x2048xf32, #tpu.memory_space<hbm>>
    tpu.wait_indirect_dma semaphore(%arg7 : memref<!tpu.dma_semaphore, #tpu.memory_space<semaphore_mem>>) src(%dma_wait3A_8 : memref<8192x2048xf32, #tpu.memory_space<hbm>>) dst(%arg6 : memref<32x2048xf32, #tpu.memory_space<vmem>>)
    %add3A_9 = arith.constant 0 : i32
    %add3A_10 = arith.addi %mul3A_2, %add3A_9 : i32
    "tpu.region"() ({
      %run_scoped3A = tpu.sem_alloc : memref<!tpu.dma_semaphore, #tpu.memory_space<semaphore_mem>>
      %dma_start3A_81 = arith.constant 0 : i32
      %dma_start3A_82 = tpu.memref_slice %arg4[%add3A_10, %dma_start3A_81] : memref<8192x2048xf32, #tpu.memory_space<hbm>> -> memref<32x2048xf32, #tpu.memory_space<hbm>>
      %dma_start3A_83 = arith.constant 0 : i32
      %dma_start3A_84 = tpu.memref_slice %arg4[%add3A_10, %dma_start3A_83] : memref<8192x2048xf32, #tpu.memory_space<hbm>> -> memref<32x2048xf32, #tpu.memory_space<hbm>>
      tpu.enqueue_dma source(%arg6 : memref<32x2048xf32, #tpu.memory_space<vmem>>) target(%dma_start3A_84 : memref<32x2048xf32, #tpu.memory_space<hbm>>) target_semaphore(%run_scoped3A : memref<!tpu.dma_semaphore, #tpu.memory_space<semaphore_mem>>)
      %dma_wait3A_85 = arith.constant 0 : i32
      %dma_wait3A_86 = tpu.memref_slice %arg4[%add3A_10, %dma_wait3A_85] : memref<8192x2048xf32, #tpu.memory_space<hbm>> -> memref<32x2048xf32, #tpu.memory_space<hbm>>
      %dma_wait3A_87 = arith.constant 0 : i32
      %dma_wait3A_88 = tpu.memref_slice %arg4[%add3A_10, %dma_wait3A_87] : memref<8192x2048xf32, #tpu.memory_space<hbm>> -> memref<32x2048xf32, #tpu.memory_space<hbm>>
      tpu.wait_dma2 semaphore(%run_scoped3A : memref<!tpu.dma_semaphore, #tpu.memory_space<semaphore_mem>>) src(%arg6 : memref<32x2048xf32, #tpu.memory_space<vmem>>) dst(%dma_wait3A_88 : memref<32x2048xf32, #tpu.memory_space<hbm>>)
      tpu.yield
    }) : () -> ()
    %add3A_11 = arith.constant 32 : i32
    %add3A_12 = arith.addi %mul3A_2, %add3A_11 : i32
    "tpu.region"() ({
      %run_scoped3A = tpu.sem_alloc : memref<!tpu.dma_semaphore, #tpu.memory_space<semaphore_mem>>
      %dma_start3A_81 = tpu.memref_slice %arg3[%add3A_12] : memref<8192xi32, #tpu.memory_space<hbm>> -> memref<32xi32, #tpu.memory_space<hbm>>
      %dma_start3A_82 = tpu.memref_slice %arg3[%add3A_12] : memref<8192xi32, #tpu.memory_space<hbm>> -> memref<32xi32, #tpu.memory_space<hbm>>
      tpu.enqueue_dma source(%dma_start3A_82 : memref<32xi32, #tpu.memory_space<hbm>>) target(%arg5 : memref<32xi32, #tpu.memory_space<vmem>>) target_semaphore(%run_scoped3A : memref<!tpu.dma_semaphore, #tpu.memory_space<semaphore_mem>>)
      %dma_wait3A_83 = tpu.memref_slice %arg3[%add3A_12] : memref<8192xi32, #tpu.memory_space<hbm>> -> memref<32xi32, #tpu.memory_space<hbm>>
      %dma_wait3A_84 = tpu.memref_slice %arg3[%add3A_12] : memref<8192xi32, #tpu.memory_space<hbm>> -> memref<32xi32, #tpu.memory_space<hbm>>
      tpu.wait_dma2 semaphore(%run_scoped3A : memref<!tpu.dma_semaphore, #tpu.memory_space<semaphore_mem>>) src(%dma_wait3A_84 : memref<32xi32, #tpu.memory_space<hbm>>) dst(%arg5 : memref<32xi32, #tpu.memory_space<vmem>>)
      tpu.yield
    }) : () -> ()
    %dma_start3A_13 = arith.constant 0 : i32
    %dma_start3A_14 = arith.constant 0 : i32
    %dma_start3A_15 = tpu.memref_slice %arg2[%dma_start3A_13, %dma_start3A_14] : memref<8192x2048xf32, #tpu.memory_space<hbm>> -> memref<8192x2048xf32, #tpu.memory_space<hbm>>
    tpu.enqueue_indirect_dma source(%dma_start3A_15 : memref<8192x2048xf32, #tpu.memory_space<hbm>>) target(%arg6 : memref<32x2048xf32, #tpu.memory_space<vmem>>) offsets(%arg5 : memref<32xi32, #tpu.memory_space<vmem>>) semaphore(%arg7 : memref<!tpu.dma_semaphore, #tpu.memory_space<semaphore_mem>>)
    %dma_wait3A_16 = arith.constant 0 : i32
    %dma_wait3A_17 = arith.constant 0 : i32
    %dma_wait3A_18 = tpu.memref_slice %arg2[%dma_wait3A_16, %dma_wait3A_17] : memref<8192x2048xf32, #tpu.memory_space<hbm>> -> memref<8192x2048xf32, #tpu.memory_space<hbm>>
    tpu.wait_indirect_dma semaphore(%arg7 : memref<!tpu.dma_semaphore, #tpu.memory_space<semaphore_mem>>) src(%dma_wait3A_18 : memref<8192x2048xf32, #tpu.memory_space<hbm>>) dst(%arg6 : memref<32x2048xf32, #tpu.memory_space<vmem>>)
    %add3A_19 = arith.constant 32 : i32
    %add3A_20 = arith.addi %mul3A_2, %add3A_19 : i32
    "tpu.region"() ({
      %run_scoped3A = tpu.sem_alloc : memref<!tpu.dma_semaphore, #tpu.memory_space<semaphore_mem>>
      %dma_start3A_81 = arith.constant 0 : i32
      %dma_start3A_82 = tpu.memref_slice %arg4[%add3A_20, %dma_start3A_81] : memref<8192x2048xf32, #tpu.memory_space<hbm>> -> memref<32x2048xf32, #tpu.memory_space<hbm>>
      %dma_start3A_83 = arith.constant 0 : i32
      %dma_start3A_84 = tpu.memref_slice %arg4[%add3A_20, %dma_start3A_83] : memref<8192x2048xf32, #tpu.memory_space<hbm>> -> memref<32x2048xf32, #tpu.memory_space<hbm>>
      tpu.enqueue_dma source(%arg6 : memref<32x2048xf32, #tpu.memory_space<vmem>>) target(%dma_start3A_84 : memref<32x2048xf32, #tpu.memory_space<hbm>>) target_semaphore(%run_scoped3A : memref<!tpu.dma_semaphore, #tpu.memory_space<semaphore_mem>>)
      %dma_wait3A_85 = arith.constant 0 : i32
      %dma_wait3A_86 = tpu.memref_slice %arg4[%add3A_20, %dma_wait3A_85] : memref<8192x2048xf32, #tpu.memory_space<hbm>> -> memref<32x2048xf32, #tpu.memory_space<hbm>>
      %dma_wait3A_87 = arith.constant 0 : i32
      %dma_wait3A_88 = tpu.memref_slice %arg4[%add3A_20, %dma_wait3A_87] : memref<8192x2048xf32, #tpu.memory_space<hbm>> -> memref<32x2048xf32, #tpu.memory_space<hbm>>
      tpu.wait_dma2 semaphore(%run_scoped3A : memref<!tpu.dma_semaphore, #tpu.memory_space<semaphore_mem>>) src(%arg6 : memref<32x2048xf32, #tpu.memory_space<vmem>>) dst(%dma_wait3A_88 : memref<32x2048xf32, #tpu.memory_space<hbm>>)
      tpu.yield
    }) : () -> ()
    %add3A_21 = arith.constant 64 : i32
    %add3A_22 = arith.addi %mul3A_2, %add3A_21 : i32
    "tpu.region"() ({
      %run_scoped3A = tpu.sem_alloc : memref<!tpu.dma_semaphore, #tpu.memory_space<semaphore_mem>>
      %dma_start3A_81 = tpu.memref_slice %arg3[%add3A_22] : memref<8192xi32, #tpu.memory_space<hbm>> -> memref<32xi32, #tpu.memory_space<hbm>>
      %dma_start3A_82 = tpu.memref_slice %arg3[%add3A_22] : memref<8192xi32, #tpu.memory_space<hbm>> -> memref<32xi32, #tpu.memory_space<hbm>>
      tpu.enqueue_dma source(%dma_start3A_82 : memref<32xi32, #tpu.memory_space<hbm>>) target(%arg5 : memref<32xi32, #tpu.memory_space<vmem>>) target_semaphore(%run_scoped3A : memref<!tpu.dma_semaphore, #tpu.memory_space<semaphore_mem>>)
      %dma_wait3A_83 = tpu.memref_slice %arg3[%add3A_22] : memref<8192xi32, #tpu.memory_space<hbm>> -> memref<32xi32, #tpu.memory_space<hbm>>
      %dma_wait3A_84 = tpu.memref_slice %arg3[%add3A_22] : memref<8192xi32, #tpu.memory_space<hbm>> -> memref<32xi32, #tpu.memory_space<hbm>>
      tpu.wait_dma2 semaphore(%run_scoped3A : memref<!tpu.dma_semaphore, #tpu.memory_space<semaphore_mem>>) src(%dma_wait3A_84 : memref<32xi32, #tpu.memory_space<hbm>>) dst(%arg5 : memref<32xi32, #tpu.memory_space<vmem>>)
      tpu.yield
    }) : () -> ()
    %dma_start3A_23 = arith.constant 0 : i32
    %dma_start3A_24 = arith.constant 0 : i32
    %dma_start3A_25 = tpu.memref_slice %arg2[%dma_start3A_23, %dma_start3A_24] : memref<8192x2048xf32, #tpu.memory_space<hbm>> -> memref<8192x2048xf32, #tpu.memory_space<hbm>>
    tpu.enqueue_indirect_dma source(%dma_start3A_25 : memref<8192x2048xf32, #tpu.memory_space<hbm>>) target(%arg6 : memref<32x2048xf32, #tpu.memory_space<vmem>>) offsets(%arg5 : memref<32xi32, #tpu.memory_space<vmem>>) semaphore(%arg7 : memref<!tpu.dma_semaphore, #tpu.memory_space<semaphore_mem>>)
    %dma_wait3A_26 = arith.constant 0 : i32
    %dma_wait3A_27 = arith.constant 0 : i32
    %dma_wait3A_28 = tpu.memref_slice %arg2[%dma_wait3A_26, %dma_wait3A_27] : memref<8192x2048xf32, #tpu.memory_space<hbm>> -> memref<8192x2048xf32, #tpu.memory_space<hbm>>
    tpu.wait_indirect_dma semaphore(%arg7 : memref<!tpu.dma_semaphore, #tpu.memory_space<semaphore_mem>>) src(%dma_wait3A_28 : memref<8192x2048xf32, #tpu.memory_space<hbm>>) dst(%arg6 : memref<32x2048xf32, #tpu.memory_space<vmem>>)
    %add3A_29 = arith.constant 64 : i32
    %add3A_30 = arith.addi %mul3A_2, %add3A_29 : i32
    "tpu.region"() ({
      %run_scoped3A = tpu.sem_alloc : memref<!tpu.dma_semaphore, #tpu.memory_space<semaphore_mem>>
      %dma_start3A_81 = arith.constant 0 : i32
      %dma_start3A_82 = tpu.memref_slice %arg4[%add3A_30, %dma_start3A_81] : memref<8192x2048xf32, #tpu.memory_space<hbm>> -> memref<32x2048xf32, #tpu.memory_space<hbm>>
      %dma_start3A_83 = arith.constant 0 : i32
      %dma_start3A_84 = tpu.memref_slice %arg4[%add3A_30, %dma_start3A_83] : memref<8192x2048xf32, #tpu.memory_space<hbm>> -> memref<32x2048xf32, #tpu.memory_space<hbm>>
      tpu.enqueue_dma source(%arg6 : memref<32x2048xf32, #tpu.memory_space<vmem>>) target(%dma_start3A_84 : memref<32x2048xf32, #tpu.memory_space<hbm>>) target_semaphore(%run_scoped3A : memref<!tpu.dma_semaphore, #tpu.memory_space<semaphore_mem>>)
      %dma_wait3A_85 = arith.constant 0 : i32
      %dma_wait3A_86 = tpu.memref_slice %arg4[%add3A_30, %dma_wait3A_85] : memref<8192x2048xf32, #tpu.memory_space<hbm>> -> memref<32x2048xf32, #tpu.memory_space<hbm>>
      %dma_wait3A_87 = arith.constant 0 : i32
      %dma_wait3A_88 = tpu.memref_slice %arg4[%add3A_30, %dma_wait3A_87] : memref<8192x2048xf32, #tpu.memory_space<hbm>> -> memref<32x2048xf32, #tpu.memory_space<hbm>>
      tpu.wait_dma2 semaphore(%run_scoped3A : memref<!tpu.dma_semaphore, #tpu.memory_space<semaphore_mem>>) src(%arg6 : memref<32x2048xf32, #tpu.memory_space<vmem>>) dst(%dma_wait3A_88 : memref<32x2048xf32, #tpu.memory_space<hbm>>)
      tpu.yield
    }) : () -> ()
    %add3A_31 = arith.constant 96 : i32
    %add3A_32 = arith.addi %mul3A_2, %add3A_31 : i32
    "tpu.region"() ({
      %run_scoped3A = tpu.sem_alloc : memref<!tpu.dma_semaphore, #tpu.memory_space<semaphore_mem>>
      %dma_start3A_81 = tpu.memref_slice %arg3[%add3A_32] : memref<8192xi32, #tpu.memory_space<hbm>> -> memref<32xi32, #tpu.memory_space<hbm>>
      %dma_start3A_82 = tpu.memref_slice %arg3[%add3A_32] : memref<8192xi32, #tpu.memory_space<hbm>> -> memref<32xi32, #tpu.memory_space<hbm>>
      tpu.enqueue_dma source(%dma_start3A_82 : memref<32xi32, #tpu.memory_space<hbm>>) target(%arg5 : memref<32xi32, #tpu.memory_space<vmem>>) target_semaphore(%run_scoped3A : memref<!tpu.dma_semaphore, #tpu.memory_space<semaphore_mem>>)
      %dma_wait3A_83 = tpu.memref_slice %arg3[%add3A_32] : memref<8192xi32, #tpu.memory_space<hbm>> -> memref<32xi32, #tpu.memory_space<hbm>>
      %dma_wait3A_84 = tpu.memref_slice %arg3[%add3A_32] : memref<8192xi32, #tpu.memory_space<hbm>> -> memref<32xi32, #tpu.memory_space<hbm>>
      tpu.wait_dma2 semaphore(%run_scoped3A : memref<!tpu.dma_semaphore, #tpu.memory_space<semaphore_mem>>) src(%dma_wait3A_84 : memref<32xi32, #tpu.memory_space<hbm>>) dst(%arg5 : memref<32xi32, #tpu.memory_space<vmem>>)
      tpu.yield
    }) : () -> ()
    %dma_start3A_33 = arith.constant 0 : i32
    %dma_start3A_34 = arith.constant 0 : i32
    %dma_start3A_35 = tpu.memref_slice %arg2[%dma_start3A_33, %dma_start3A_34] : memref<8192x2048xf32, #tpu.memory_space<hbm>> -> memref<8192x2048xf32, #tpu.memory_space<hbm>>
    tpu.enqueue_indirect_dma source(%dma_start3A_35 : memref<8192x2048xf32, #tpu.memory_space<hbm>>) target(%arg6 : memref<32x2048xf32, #tpu.memory_space<vmem>>) offsets(%arg5 : memref<32xi32, #tpu.memory_space<vmem>>) semaphore(%arg7 : memref<!tpu.dma_semaphore, #tpu.memory_space<semaphore_mem>>)
    %dma_wait3A_36 = arith.constant 0 : i32
    %dma_wait3A_37 = arith.constant 0 : i32
    %dma_wait3A_38 = tpu.memref_slice %arg2[%dma_wait3A_36, %dma_wait3A_37] : memref<8192x2048xf32, #tpu.memory_space<hbm>> -> memref<8192x2048xf32, #tpu.memory_space<hbm>>
    tpu.wait_indirect_dma semaphore(%arg7 : memref<!tpu.dma_semaphore, #tpu.memory_space<semaphore_mem>>) src(%dma_wait3A_38 : memref<8192x2048xf32, #tpu.memory_space<hbm>>) dst(%arg6 : memref<32x2048xf32, #tpu.memory_space<vmem>>)
    %add3A_39 = arith.constant 96 : i32
    %add3A_40 = arith.addi %mul3A_2, %add3A_39 : i32
    "tpu.region"() ({
      %run_scoped3A = tpu.sem_alloc : memref<!tpu.dma_semaphore, #tpu.memory_space<semaphore_mem>>
      %dma_start3A_81 = arith.constant 0 : i32
      %dma_start3A_82 = tpu.memref_slice %arg4[%add3A_40, %dma_start3A_81] : memref<8192x2048xf32, #tpu.memory_space<hbm>> -> memref<32x2048xf32, #tpu.memory_space<hbm>>
      %dma_start3A_83 = arith.constant 0 : i32
      %dma_start3A_84 = tpu.memref_slice %arg4[%add3A_40, %dma_start3A_83] : memref<8192x2048xf32, #tpu.memory_space<hbm>> -> memref<32x2048xf32, #tpu.memory_space<hbm>>
      tpu.enqueue_dma source(%arg6 : memref<32x2048xf32, #tpu.memory_space<vmem>>) target(%dma_start3A_84 : memref<32x2048xf32, #tpu.memory_space<hbm>>) target_semaphore(%run_scoped3A : memref<!tpu.dma_semaphore, #tpu.memory_space<semaphore_mem>>)
      %dma_wait3A_85 = arith.constant 0 : i32
      %dma_wait3A_86 = tpu.memref_slice %arg4[%add3A_40, %dma_wait3A_85] : memref<8192x2048xf32, #tpu.memory_space<hbm>> -> memref<32x2048xf32, #tpu.memory_space<hbm>>
      %dma_wait3A_87 = arith.constant 0 : i32
      %dma_wait3A_88 = tpu.memref_slice %arg4[%add3A_40, %dma_wait3A_87] : memref<8192x2048xf32, #tpu.memory_space<hbm>> -> memref<32x2048xf32, #tpu.memory_space<hbm>>
      tpu.wait_dma2 semaphore(%run_scoped3A : memref<!tpu.dma_semaphore, #tpu.memory_space<semaphore_mem>>) src(%arg6 : memref<32x2048xf32, #tpu.memory_space<vmem>>) dst(%dma_wait3A_88 : memref<32x2048xf32, #tpu.memory_space<hbm>>)
      tpu.yield
    }) : () -> ()
    %add3A_41 = arith.constant 128 : i32
    %add3A_42 = arith.addi %mul3A_2, %add3A_41 : i32
    "tpu.region"() ({
      %run_scoped3A = tpu.sem_alloc : memref<!tpu.dma_semaphore, #tpu.memory_space<semaphore_mem>>
      %dma_start3A_81 = tpu.memref_slice %arg3[%add3A_42] : memref<8192xi32, #tpu.memory_space<hbm>> -> memref<32xi32, #tpu.memory_space<hbm>>
      %dma_start3A_82 = tpu.memref_slice %arg3[%add3A_42] : memref<8192xi32, #tpu.memory_space<hbm>> -> memref<32xi32, #tpu.memory_space<hbm>>
      tpu.enqueue_dma source(%dma_start3A_82 : memref<32xi32, #tpu.memory_space<hbm>>) target(%arg5 : memref<32xi32, #tpu.memory_space<vmem>>) target_semaphore(%run_scoped3A : memref<!tpu.dma_semaphore, #tpu.memory_space<semaphore_mem>>)
      %dma_wait3A_83 = tpu.memref_slice %arg3[%add3A_42] : memref<8192xi32, #tpu.memory_space<hbm>> -> memref<32xi32, #tpu.memory_space<hbm>>
      %dma_wait3A_84 = tpu.memref_slice %arg3[%add3A_42] : memref<8192xi32, #tpu.memory_space<hbm>> -> memref<32xi32, #tpu.memory_space<hbm>>
      tpu.wait_dma2 semaphore(%run_scoped3A : memref<!tpu.dma_semaphore, #tpu.memory_space<semaphore_mem>>) src(%dma_wait3A_84 : memref<32xi32, #tpu.memory_space<hbm>>) dst(%arg5 : memref<32xi32, #tpu.memory_space<vmem>>)
      tpu.yield
    }) : () -> ()
    %dma_start3A_43 = arith.constant 0 : i32
    %dma_start3A_44 = arith.constant 0 : i32
    %dma_start3A_45 = tpu.memref_slice %arg2[%dma_start3A_43, %dma_start3A_44] : memref<8192x2048xf32, #tpu.memory_space<hbm>> -> memref<8192x2048xf32, #tpu.memory_space<hbm>>
    tpu.enqueue_indirect_dma source(%dma_start3A_45 : memref<8192x2048xf32, #tpu.memory_space<hbm>>) target(%arg6 : memref<32x2048xf32, #tpu.memory_space<vmem>>) offsets(%arg5 : memref<32xi32, #tpu.memory_space<vmem>>) semaphore(%arg7 : memref<!tpu.dma_semaphore, #tpu.memory_space<semaphore_mem>>)
    %dma_wait3A_46 = arith.constant 0 : i32
    %dma_wait3A_47 = arith.constant 0 : i32
    %dma_wait3A_48 = tpu.memref_slice %arg2[%dma_wait3A_46, %dma_wait3A_47] : memref<8192x2048xf32, #tpu.memory_space<hbm>> -> memref<8192x2048xf32, #tpu.memory_space<hbm>>
    tpu.wait_indirect_dma semaphore(%arg7 : memref<!tpu.dma_semaphore, #tpu.memory_space<semaphore_mem>>) src(%dma_wait3A_48 : memref<8192x2048xf32, #tpu.memory_space<hbm>>) dst(%arg6 : memref<32x2048xf32, #tpu.memory_space<vmem>>)
    %add3A_49 = arith.constant 128 : i32
    %add3A_50 = arith.addi %mul3A_2, %add3A_49 : i32
    "tpu.region"() ({
      %run_scoped3A = tpu.sem_alloc : memref<!tpu.dma_semaphore, #tpu.memory_space<semaphore_mem>>
      %dma_start3A_81 = arith.constant 0 : i32
      %dma_start3A_82 = tpu.memref_slice %arg4[%add3A_50, %dma_start3A_81] : memref<8192x2048xf32, #tpu.memory_space<hbm>> -> memref<32x2048xf32, #tpu.memory_space<hbm>>
      %dma_start3A_83 = arith.constant 0 : i32
      %dma_start3A_84 = tpu.memref_slice %arg4[%add3A_50, %dma_start3A_83] : memref<8192x2048xf32, #tpu.memory_space<hbm>> -> memref<32x2048xf32, #tpu.memory_space<hbm>>
      tpu.enqueue_dma source(%arg6 : memref<32x2048xf32, #tpu.memory_space<vmem>>) target(%dma_start3A_84 : memref<32x2048xf32, #tpu.memory_space<hbm>>) target_semaphore(%run_scoped3A : memref<!tpu.dma_semaphore, #tpu.memory_space<semaphore_mem>>)
      %dma_wait3A_85 = arith.constant 0 : i32
      %dma_wait3A_86 = tpu.memref_slice %arg4[%add3A_50, %dma_wait3A_85] : memref<8192x2048xf32, #tpu.memory_space<hbm>> -> memref<32x2048xf32, #tpu.memory_space<hbm>>
      %dma_wait3A_87 = arith.constant 0 : i32
      %dma_wait3A_88 = tpu.memref_slice %arg4[%add3A_50, %dma_wait3A_87] : memref<8192x2048xf32, #tpu.memory_space<hbm>> -> memref<32x2048xf32, #tpu.memory_space<hbm>>
      tpu.wait_dma2 semaphore(%run_scoped3A : memref<!tpu.dma_semaphore, #tpu.memory_space<semaphore_mem>>) src(%arg6 : memref<32x2048xf32, #tpu.memory_space<vmem>>) dst(%dma_wait3A_88 : memref<32x2048xf32, #tpu.memory_space<hbm>>)
      tpu.yield
    }) : () -> ()
    %add3A_51 = arith.constant 160 : i32
    %add3A_52 = arith.addi %mul3A_2, %add3A_51 : i32
    "tpu.region"() ({
      %run_scoped3A = tpu.sem_alloc : memref<!tpu.dma_semaphore, #tpu.memory_space<semaphore_mem>>
      %dma_start3A_81 = tpu.memref_slice %arg3[%add3A_52] : memref<8192xi32, #tpu.memory_space<hbm>> -> memref<32xi32, #tpu.memory_space<hbm>>
      %dma_start3A_82 = tpu.memref_slice %arg3[%add3A_52] : memref<8192xi32, #tpu.memory_space<hbm>> -> memref<32xi32, #tpu.memory_space<hbm>>
      tpu.enqueue_dma source(%dma_start3A_82 : memref<32xi32, #tpu.memory_space<hbm>>) target(%arg5 : memref<32xi32, #tpu.memory_space<vmem>>) target_semaphore(%run_scoped3A : memref<!tpu.dma_semaphore, #tpu.memory_space<semaphore_mem>>)
      %dma_wait3A_83 = tpu.memref_slice %arg3[%add3A_52] : memref<8192xi32, #tpu.memory_space<hbm>> -> memref<32xi32, #tpu.memory_space<hbm>>
      %dma_wait3A_84 = tpu.memref_slice %arg3[%add3A_52] : memref<8192xi32, #tpu.memory_space<hbm>> -> memref<32xi32, #tpu.memory_space<hbm>>
      tpu.wait_dma2 semaphore(%run_scoped3A : memref<!tpu.dma_semaphore, #tpu.memory_space<semaphore_mem>>) src(%dma_wait3A_84 : memref<32xi32, #tpu.memory_space<hbm>>) dst(%arg5 : memref<32xi32, #tpu.memory_space<vmem>>)
      tpu.yield
    }) : () -> ()
    %dma_start3A_53 = arith.constant 0 : i32
    %dma_start3A_54 = arith.constant 0 : i32
    %dma_start3A_55 = tpu.memref_slice %arg2[%dma_start3A_53, %dma_start3A_54] : memref<8192x2048xf32, #tpu.memory_space<hbm>> -> memref<8192x2048xf32, #tpu.memory_space<hbm>>
    tpu.enqueue_indirect_dma source(%dma_start3A_55 : memref<8192x2048xf32, #tpu.memory_space<hbm>>) target(%arg6 : memref<32x2048xf32, #tpu.memory_space<vmem>>) offsets(%arg5 : memref<32xi32, #tpu.memory_space<vmem>>) semaphore(%arg7 : memref<!tpu.dma_semaphore, #tpu.memory_space<semaphore_mem>>)
    %dma_wait3A_56 = arith.constant 0 : i32
    %dma_wait3A_57 = arith.constant 0 : i32
    %dma_wait3A_58 = tpu.memref_slice %arg2[%dma_wait3A_56, %dma_wait3A_57] : memref<8192x2048xf32, #tpu.memory_space<hbm>> -> memref<8192x2048xf32, #tpu.memory_space<hbm>>
    tpu.wait_indirect_dma semaphore(%arg7 : memref<!tpu.dma_semaphore, #tpu.memory_space<semaphore_mem>>) src(%dma_wait3A_58 : memref<8192x2048xf32, #tpu.memory_space<hbm>>) dst(%arg6 : memref<32x2048xf32, #tpu.memory_space<vmem>>)
    %add3A_59 = arith.constant 160 : i32
    %add3A_60 = arith.addi %mul3A_2, %add3A_59 : i32
    "tpu.region"() ({
      %run_scoped3A = tpu.sem_alloc : memref<!tpu.dma_semaphore, #tpu.memory_space<semaphore_mem>>
      %dma_start3A_81 = arith.constant 0 : i32
      %dma_start3A_82 = tpu.memref_slice %arg4[%add3A_60, %dma_start3A_81] : memref<8192x2048xf32, #tpu.memory_space<hbm>> -> memref<32x2048xf32, #tpu.memory_space<hbm>>
      %dma_start3A_83 = arith.constant 0 : i32
      %dma_start3A_84 = tpu.memref_slice %arg4[%add3A_60, %dma_start3A_83] : memref<8192x2048xf32, #tpu.memory_space<hbm>> -> memref<32x2048xf32, #tpu.memory_space<hbm>>
      tpu.enqueue_dma source(%arg6 : memref<32x2048xf32, #tpu.memory_space<vmem>>) target(%dma_start3A_84 : memref<32x2048xf32, #tpu.memory_space<hbm>>) target_semaphore(%run_scoped3A : memref<!tpu.dma_semaphore, #tpu.memory_space<semaphore_mem>>)
      %dma_wait3A_85 = arith.constant 0 : i32
      %dma_wait3A_86 = tpu.memref_slice %arg4[%add3A_60, %dma_wait3A_85] : memref<8192x2048xf32, #tpu.memory_space<hbm>> -> memref<32x2048xf32, #tpu.memory_space<hbm>>
      %dma_wait3A_87 = arith.constant 0 : i32
      %dma_wait3A_88 = tpu.memref_slice %arg4[%add3A_60, %dma_wait3A_87] : memref<8192x2048xf32, #tpu.memory_space<hbm>> -> memref<32x2048xf32, #tpu.memory_space<hbm>>
      tpu.wait_dma2 semaphore(%run_scoped3A : memref<!tpu.dma_semaphore, #tpu.memory_space<semaphore_mem>>) src(%arg6 : memref<32x2048xf32, #tpu.memory_space<vmem>>) dst(%dma_wait3A_88 : memref<32x2048xf32, #tpu.memory_space<hbm>>)
      tpu.yield
    }) : () -> ()
    %add3A_61 = arith.constant 192 : i32
    %add3A_62 = arith.addi %mul3A_2, %add3A_61 : i32
    "tpu.region"() ({
      %run_scoped3A = tpu.sem_alloc : memref<!tpu.dma_semaphore, #tpu.memory_space<semaphore_mem>>
      %dma_start3A_81 = tpu.memref_slice %arg3[%add3A_62] : memref<8192xi32, #tpu.memory_space<hbm>> -> memref<32xi32, #tpu.memory_space<hbm>>
      %dma_start3A_82 = tpu.memref_slice %arg3[%add3A_62] : memref<8192xi32, #tpu.memory_space<hbm>> -> memref<32xi32, #tpu.memory_space<hbm>>
      tpu.enqueue_dma source(%dma_start3A_82 : memref<32xi32, #tpu.memory_space<hbm>>) target(%arg5 : memref<32xi32, #tpu.memory_space<vmem>>) target_semaphore(%run_scoped3A : memref<!tpu.dma_semaphore, #tpu.memory_space<semaphore_mem>>)
      %dma_wait3A_83 = tpu.memref_slice %arg3[%add3A_62] : memref<8192xi32, #tpu.memory_space<hbm>> -> memref<32xi32, #tpu.memory_space<hbm>>
      %dma_wait3A_84 = tpu.memref_slice %arg3[%add3A_62] : memref<8192xi32, #tpu.memory_space<hbm>> -> memref<32xi32, #tpu.memory_space<hbm>>
      tpu.wait_dma2 semaphore(%run_scoped3A : memref<!tpu.dma_semaphore, #tpu.memory_space<semaphore_mem>>) src(%dma_wait3A_84 : memref<32xi32, #tpu.memory_space<hbm>>) dst(%arg5 : memref<32xi32, #tpu.memory_space<vmem>>)
      tpu.yield
    }) : () -> ()
    %dma_start3A_63 = arith.constant 0 : i32
    %dma_start3A_64 = arith.constant 0 : i32
    %dma_start3A_65 = tpu.memref_slice %arg2[%dma_start3A_63, %dma_start3A_64] : memref<8192x2048xf32, #tpu.memory_space<hbm>> -> memref<8192x2048xf32, #tpu.memory_space<hbm>>
    tpu.enqueue_indirect_dma source(%dma_start3A_65 : memref<8192x2048xf32, #tpu.memory_space<hbm>>) target(%arg6 : memref<32x2048xf32, #tpu.memory_space<vmem>>) offsets(%arg5 : memref<32xi32, #tpu.memory_space<vmem>>) semaphore(%arg7 : memref<!tpu.dma_semaphore, #tpu.memory_space<semaphore_mem>>)
    %dma_wait3A_66 = arith.constant 0 : i32
    %dma_wait3A_67 = arith.constant 0 : i32
    %dma_wait3A_68 = tpu.memref_slice %arg2[%dma_wait3A_66, %dma_wait3A_67] : memref<8192x2048xf32, #tpu.memory_space<hbm>> -> memref<8192x2048xf32, #tpu.memory_space<hbm>>
    tpu.wait_indirect_dma semaphore(%arg7 : memref<!tpu.dma_semaphore, #tpu.memory_space<semaphore_mem>>) src(%dma_wait3A_68 : memref<8192x2048xf32, #tpu.memory_space<hbm>>) dst(%arg6 : memref<32x2048xf32, #tpu.memory_space<vmem>>)
    %add3A_69 = arith.constant 192 : i32
    %add3A_70 = arith.addi %mul3A_2, %add3A_69 : i32
    "tpu.region"() ({
      %run_scoped3A = tpu.sem_alloc : memref<!tpu.dma_semaphore, #tpu.memory_space<semaphore_mem>>
      %dma_start3A_81 = arith.constant 0 : i32
      %dma_start3A_82 = tpu.memref_slice %arg4[%add3A_70, %dma_start3A_81] : memref<8192x2048xf32, #tpu.memory_space<hbm>> -> memref<32x2048xf32, #tpu.memory_space<hbm>>
      %dma_start3A_83 = arith.constant 0 : i32
      %dma_start3A_84 = tpu.memref_slice %arg4[%add3A_70, %dma_start3A_83] : memref<8192x2048xf32, #tpu.memory_space<hbm>> -> memref<32x2048xf32, #tpu.memory_space<hbm>>
      tpu.enqueue_dma source(%arg6 : memref<32x2048xf32, #tpu.memory_space<vmem>>) target(%dma_start3A_84 : memref<32x2048xf32, #tpu.memory_space<hbm>>) target_semaphore(%run_scoped3A : memref<!tpu.dma_semaphore, #tpu.memory_space<semaphore_mem>>)
      %dma_wait3A_85 = arith.constant 0 : i32
      %dma_wait3A_86 = tpu.memref_slice %arg4[%add3A_70, %dma_wait3A_85] : memref<8192x2048xf32, #tpu.memory_space<hbm>> -> memref<32x2048xf32, #tpu.memory_space<hbm>>
      %dma_wait3A_87 = arith.constant 0 : i32
      %dma_wait3A_88 = tpu.memref_slice %arg4[%add3A_70, %dma_wait3A_87] : memref<8192x2048xf32, #tpu.memory_space<hbm>> -> memref<32x2048xf32, #tpu.memory_space<hbm>>
      tpu.wait_dma2 semaphore(%run_scoped3A : memref<!tpu.dma_semaphore, #tpu.memory_space<semaphore_mem>>) src(%arg6 : memref<32x2048xf32, #tpu.memory_space<vmem>>) dst(%dma_wait3A_88 : memref<32x2048xf32, #tpu.memory_space<hbm>>)
      tpu.yield
    }) : () -> ()
    %add3A_71 = arith.constant 224 : i32
    %add3A_72 = arith.addi %mul3A_2, %add3A_71 : i32
    "tpu.region"() ({
      %run_scoped3A = tpu.sem_alloc : memref<!tpu.dma_semaphore, #tpu.memory_space<semaphore_mem>>
      %dma_start3A_81 = tpu.memref_slice %arg3[%add3A_72] : memref<8192xi32, #tpu.memory_space<hbm>> -> memref<32xi32, #tpu.memory_space<hbm>>
      %dma_start3A_82 = tpu.memref_slice %arg3[%add3A_72] : memref<8192xi32, #tpu.memory_space<hbm>> -> memref<32xi32, #tpu.memory_space<hbm>>
      tpu.enqueue_dma source(%dma_start3A_82 : memref<32xi32, #tpu.memory_space<hbm>>) target(%arg5 : memref<32xi32, #tpu.memory_space<vmem>>) target_semaphore(%run_scoped3A : memref<!tpu.dma_semaphore, #tpu.memory_space<semaphore_mem>>)
      %dma_wait3A_83 = tpu.memref_slice %arg3[%add3A_72] : memref<8192xi32, #tpu.memory_space<hbm>> -> memref<32xi32, #tpu.memory_space<hbm>>
      %dma_wait3A_84 = tpu.memref_slice %arg3[%add3A_72] : memref<8192xi32, #tpu.memory_space<hbm>> -> memref<32xi32, #tpu.memory_space<hbm>>
      tpu.wait_dma2 semaphore(%run_scoped3A : memref<!tpu.dma_semaphore, #tpu.memory_space<semaphore_mem>>) src(%dma_wait3A_84 : memref<32xi32, #tpu.memory_space<hbm>>) dst(%arg5 : memref<32xi32, #tpu.memory_space<vmem>>)
      tpu.yield
    }) : () -> ()
    %dma_start3A_73 = arith.constant 0 : i32
    %dma_start3A_74 = arith.constant 0 : i32
    %dma_start3A_75 = tpu.memref_slice %arg2[%dma_start3A_73, %dma_start3A_74] : memref<8192x2048xf32, #tpu.memory_space<hbm>> -> memref<8192x2048xf32, #tpu.memory_space<hbm>>
    tpu.enqueue_indirect_dma source(%dma_start3A_75 : memref<8192x2048xf32, #tpu.memory_space<hbm>>) target(%arg6 : memref<32x2048xf32, #tpu.memory_space<vmem>>) offsets(%arg5 : memref<32xi32, #tpu.memory_space<vmem>>) semaphore(%arg7 : memref<!tpu.dma_semaphore, #tpu.memory_space<semaphore_mem>>)
    %dma_wait3A_76 = arith.constant 0 : i32
    %dma_wait3A_77 = arith.constant 0 : i32
    %dma_wait3A_78 = tpu.memref_slice %arg2[%dma_wait3A_76, %dma_wait3A_77] : memref<8192x2048xf32, #tpu.memory_space<hbm>> -> memref<8192x2048xf32, #tpu.memory_space<hbm>>
    tpu.wait_indirect_dma semaphore(%arg7 : memref<!tpu.dma_semaphore, #tpu.memory_space<semaphore_mem>>) src(%dma_wait3A_78 : memref<8192x2048xf32, #tpu.memory_space<hbm>>) dst(%arg6 : memref<32x2048xf32, #tpu.memory_space<vmem>>)
    %add3A_79 = arith.constant 224 : i32
    %add3A_80 = arith.addi %mul3A_2, %add3A_79 : i32
    "tpu.region"() ({
      %run_scoped3A = tpu.sem_alloc : memref<!tpu.dma_semaphore, #tpu.memory_space<semaphore_mem>>
      %dma_start3A_81 = arith.constant 0 : i32
      %dma_start3A_82 = tpu.memref_slice %arg4[%add3A_80, %dma_start3A_81] : memref<8192x2048xf32, #tpu.memory_space<hbm>> -> memref<32x2048xf32, #tpu.memory_space<hbm>>
      %dma_start3A_83 = arith.constant 0 : i32
      %dma_start3A_84 = tpu.memref_slice %arg4[%add3A_80, %dma_start3A_83] : memref<8192x2048xf32, #tpu.memory_space<hbm>> -> memref<32x2048xf32, #tpu.memory_space<hbm>>
      tpu.enqueue_dma source(%arg6 : memref<32x2048xf32, #tpu.memory_space<vmem>>) target(%dma_start3A_84 : memref<32x2048xf32, #tpu.memory_space<hbm>>) target_semaphore(%run_scoped3A : memref<!tpu.dma_semaphore, #tpu.memory_space<semaphore_mem>>)
      %dma_wait3A_85 = arith.constant 0 : i32
      %dma_wait3A_86 = tpu.memref_slice %arg4[%add3A_80, %dma_wait3A_85] : memref<8192x2048xf32, #tpu.memory_space<hbm>> -> memref<32x2048xf32, #tpu.memory_space<hbm>>
      %dma_wait3A_87 = arith.constant 0 : i32
      %dma_wait3A_88 = tpu.memref_slice %arg4[%add3A_80, %dma_wait3A_87] : memref<8192x2048xf32, #tpu.memory_space<hbm>> -> memref<32x2048xf32, #tpu.memory_space<hbm>>
      tpu.wait_dma2 semaphore(%run_scoped3A : memref<!tpu.dma_semaphore, #tpu.memory_space<semaphore_mem>>) src(%arg6 : memref<32x2048xf32, #tpu.memory_space<vmem>>) dst(%dma_wait3A_88 : memref<32x2048xf32, #tpu.memory_space<hbm>>)
      tpu.yield
    }) : () -> ()
    return
  }
}

#map = affine_map<(d0, d1) -> (0)>
module attributes {stable_mosaic.version = 14 : i64} {
  func.func @_alloc_body(%arg0: i32, %arg1: i32, %arg2: memref<65536xi32, #tpu.memory_space<hbm>>, %arg3: memref<8192xi32, #tpu.memory_space<hbm>>, %arg4: memref<16xf32, #tpu.memory_space<hbm>>, %arg5: memref<40960xi32, #tpu.memory_space<vmem>>, %arg6: memref<49152xi32, #tpu.memory_space<vmem>>, %arg7: memref<8192xi32, #tpu.memory_space<vmem>>, %arg8: memref<8192xi32, #tpu.memory_space<vmem>>, %arg9: memref<8192xi32, #tpu.memory_space<vmem>>, %arg10: memref<3072xi32, #tpu.memory_space<vmem>>, %arg11: memref<256xi32, #tpu.memory_space<vmem>>, %arg12: memref<256xi32, #tpu.memory_space<vmem>>, %arg13: memref<16xi32, #tpu.memory_space<vmem>>, %arg14: memref<16xi32, #tpu.memory_space<vmem>>, %arg15: memref<16xf32, #tpu.memory_space<vmem>>) attributes {dimension_semantics = [#tpu.dimension_semantics<core_parallel>, #tpu.dimension_semantics<subcore_parallel>], iteration_bounds = array<i64: 2, 16>, scalar_prefetch = 0 : i64, scratch_operands = 11 : i64, tpu.core_type = #tpu.core_type<sc_vector_subcore>, window_params = [{transform_indices = #map}, {transform_indices = #map}, {transform_indices = #map}]} {
    %mul3A = arith.constant 2 : i32
    %mul3A_0 = arith.muli %arg1, %mul3A : i32
    %add3A = arith.addi %mul3A_0, %arg0 : i32
    %eq3A = arith.constant 0 : i32
    %eq3A_1 = arith.cmpi eq, %add3A, %eq3A : i32
    %convert_element_type3A = arith.extui %eq3A_1 : i1 to i32
    %cond3A = arith.constant 0 : i32
    %cond3A_2 = arith.cmpi ne, %convert_element_type3A, %cond3A : i32
    scf.if %cond3A_2 {
      %iota3A = tpu.iota {dimensions = array<i32: 0>} : vector<16xi32>
      %scan3A = arith.constant 0 : i32
      %scan3A_3 = arith.constant 0 : i32
      %scan3A_4 = arith.constant 4 : i32
      %scan3A_5 = arith.addi %scan3A_3, %scan3A_4 : i32
      %scan3A_6 = arith.constant 1 : i32
      %scan3A_7 = scf.for %scan3A_359 = %scan3A_3 to %scan3A_5 step %scan3A_6 iter_args(%scan3A_360 = %scan3A) -> (i32)  : i32 {
        %mul3A_361 = arith.constant 16384 : i32
        %mul3A_362 = arith.muli %scan3A_359, %mul3A_361 : i32
        "tpu.region"() ({
          %run_scoped3A = tpu.sem_alloc : memref<!tpu.dma_semaphore, #tpu.memory_space<semaphore_mem>>
          %dma_start3A = arith.constant 0 : i32
          %dma_start3A_371 = tpu.memref_slice %arg6[%dma_start3A] : memref<49152xi32, #tpu.memory_space<vmem>> -> memref<16384xi32, #tpu.memory_space<vmem>>
          %dma_start3A_372 = tpu.memref_slice %arg2[%mul3A_362] : memref<65536xi32, #tpu.memory_space<hbm>> -> memref<16384xi32, #tpu.memory_space<hbm>>
          %dma_start3A_373 = arith.constant 0 : i32
          %dma_start3A_374 = tpu.memref_slice %arg6[%dma_start3A_373] : memref<49152xi32, #tpu.memory_space<vmem>> -> memref<16384xi32, #tpu.memory_space<vmem>>
          %dma_start3A_375 = tpu.memref_slice %arg2[%mul3A_362] : memref<65536xi32, #tpu.memory_space<hbm>> -> memref<16384xi32, #tpu.memory_space<hbm>>
          tpu.enqueue_dma source(%dma_start3A_375 : memref<16384xi32, #tpu.memory_space<hbm>>) target(%dma_start3A_374 : memref<16384xi32, #tpu.memory_space<vmem>>) target_semaphore(%run_scoped3A : memref<!tpu.dma_semaphore, #tpu.memory_space<semaphore_mem>>)
          %dma_wait3A = arith.constant 0 : i32
          %dma_wait3A_376 = tpu.memref_slice %arg6[%dma_wait3A] : memref<49152xi32, #tpu.memory_space<vmem>> -> memref<16384xi32, #tpu.memory_space<vmem>>
          %dma_wait3A_377 = tpu.memref_slice %arg2[%mul3A_362] : memref<65536xi32, #tpu.memory_space<hbm>> -> memref<16384xi32, #tpu.memory_space<hbm>>
          %dma_wait3A_378 = arith.constant 0 : i32
          %dma_wait3A_379 = tpu.memref_slice %arg6[%dma_wait3A_378] : memref<49152xi32, #tpu.memory_space<vmem>> -> memref<16384xi32, #tpu.memory_space<vmem>>
          %dma_wait3A_380 = tpu.memref_slice %arg2[%mul3A_362] : memref<65536xi32, #tpu.memory_space<hbm>> -> memref<16384xi32, #tpu.memory_space<hbm>>
          tpu.wait_dma2 semaphore(%run_scoped3A : memref<!tpu.dma_semaphore, #tpu.memory_space<semaphore_mem>>) src(%dma_wait3A_380 : memref<16384xi32, #tpu.memory_space<hbm>>) dst(%dma_wait3A_379 : memref<16384xi32, #tpu.memory_space<vmem>>)
          tpu.yield
        }) : () -> ()
        %scan3A_363 = arith.constant 0 : i32
        %scan3A_364 = arith.constant 0 : i32
        %scan3A_365 = arith.constant 128 : i32
        %scan3A_366 = arith.addi %scan3A_364, %scan3A_365 : i32
        %scan3A_367 = arith.constant 1 : i32
        %scan3A_368 = scf.for %scan3A_371 = %scan3A_364 to %scan3A_366 step %scan3A_367 iter_args(%scan3A_372 = %scan3A_363) -> (i32)  : i32 {
          %mul3A_373 = arith.constant 16 : i32
          %mul3A_374 = arith.muli %scan3A_371, %mul3A_373 : i32
          %iota3A_375 = tpu.iota {dimensions = array<i32: 0>} : vector<16xi32>
          %add3A_376 = vector.broadcast %mul3A_374 : i32 to vector<16xi32>
          %add3A_377 = arith.addi %add3A_376, %iota3A_375 : vector<16xi32>
          %mul3A_378 = arith.constant 8 : i32
          %mul3A_379 = vector.broadcast %mul3A_378 : i32 to vector<16xi32>
          %mul3A_380 = arith.muli %add3A_377, %mul3A_379 : vector<16xi32>
          %add3A_381 = arith.constant 0 : i32
          %add3A_382 = vector.broadcast %add3A_381 : i32 to vector<16xi32>
          %add3A_383 = arith.addi %mul3A_380, %add3A_382 : vector<16xi32>
          %gather3A = tpu.vector_load_idx %arg6[%add3A_383] : memref<49152xi32, #tpu.memory_space<vmem>>[vector<16xi32>], vector<16xi32>,
          %mul3A_384 = arith.constant 2048 : i32
          %mul3A_385 = arith.muli %scan3A_359, %mul3A_384 : i32
          %add3A_386 = arith.constant 0 : i32
          %add3A_387 = arith.addi %add3A_386, %mul3A_385 : i32
          %mul3A_388 = arith.constant 16 : i32
          %mul3A_389 = arith.muli %scan3A_371, %mul3A_388 : i32
          %add3A_390 = arith.addi %add3A_387, %mul3A_389 : i32
          %swap3A_391 = arith.index_cast %add3A_390 : i32 to index
          %swap3A_392 = tpu.vector_load %arg5[%swap3A_391] {strides = array<i32>} : memref<40960xi32, #tpu.memory_space<vmem>>, vector<16xi32>,
          tpu.vector_store %arg5[%swap3A_391], %gather3A {strides = array<i32>} : memref<40960xi32, #tpu.memory_space<vmem>>, vector<16xi32>,
          %mul3A_393 = arith.constant 8 : i32
          %mul3A_394 = vector.broadcast %mul3A_393 : i32 to vector<16xi32>
          %mul3A_395 = arith.muli %add3A_377, %mul3A_394 : vector<16xi32>
          %add3A_396 = arith.constant 1 : i32
          %add3A_397 = vector.broadcast %add3A_396 : i32 to vector<16xi32>
          %add3A_398 = arith.addi %mul3A_395, %add3A_397 : vector<16xi32>
          %gather3A_399 = tpu.vector_load_idx %arg6[%add3A_398] : memref<49152xi32, #tpu.memory_space<vmem>>[vector<16xi32>], vector<16xi32>,
          %mul3A_400 = arith.constant 2048 : i32
          %mul3A_401 = arith.muli %scan3A_359, %mul3A_400 : i32
          %add3A_402 = arith.constant 8192 : i32
          %add3A_403 = arith.addi %add3A_402, %mul3A_401 : i32
          %mul3A_404 = arith.constant 16 : i32
          %mul3A_405 = arith.muli %scan3A_371, %mul3A_404 : i32
          %add3A_406 = arith.addi %add3A_403, %mul3A_405 : i32
          %swap3A_407 = arith.index_cast %add3A_406 : i32 to index
          %swap3A_408 = tpu.vector_load %arg5[%swap3A_407] {strides = array<i32>} : memref<40960xi32, #tpu.memory_space<vmem>>, vector<16xi32>,
          tpu.vector_store %arg5[%swap3A_407], %gather3A_399 {strides = array<i32>} : memref<40960xi32, #tpu.memory_space<vmem>>, vector<16xi32>,
          %mul3A_409 = arith.constant 8 : i32
          %mul3A_410 = vector.broadcast %mul3A_409 : i32 to vector<16xi32>
          %mul3A_411 = arith.muli %add3A_377, %mul3A_410 : vector<16xi32>
          %add3A_412 = arith.constant 2 : i32
          %add3A_413 = vector.broadcast %add3A_412 : i32 to vector<16xi32>
          %add3A_414 = arith.addi %mul3A_411, %add3A_413 : vector<16xi32>
          %gather3A_415 = tpu.vector_load_idx %arg6[%add3A_414] : memref<49152xi32, #tpu.memory_space<vmem>>[vector<16xi32>], vector<16xi32>,
          %mul3A_416 = arith.constant 2048 : i32
          %mul3A_417 = arith.muli %scan3A_359, %mul3A_416 : i32
          %add3A_418 = arith.constant 16384 : i32
          %add3A_419 = arith.addi %add3A_418, %mul3A_417 : i32
          %mul3A_420 = arith.constant 16 : i32
          %mul3A_421 = arith.muli %scan3A_371, %mul3A_420 : i32
          %add3A_422 = arith.addi %add3A_419, %mul3A_421 : i32
          %swap3A_423 = arith.index_cast %add3A_422 : i32 to index
          %swap3A_424 = tpu.vector_load %arg5[%swap3A_423] {strides = array<i32>} : memref<40960xi32, #tpu.memory_space<vmem>>, vector<16xi32>,
          tpu.vector_store %arg5[%swap3A_423], %gather3A_415 {strides = array<i32>} : memref<40960xi32, #tpu.memory_space<vmem>>, vector<16xi32>,
          %mul3A_425 = arith.constant 8 : i32
          %mul3A_426 = vector.broadcast %mul3A_425 : i32 to vector<16xi32>
          %mul3A_427 = arith.muli %add3A_377, %mul3A_426 : vector<16xi32>
          %add3A_428 = arith.constant 3 : i32
          %add3A_429 = vector.broadcast %add3A_428 : i32 to vector<16xi32>
          %add3A_430 = arith.addi %mul3A_427, %add3A_429 : vector<16xi32>
          %gather3A_431 = tpu.vector_load_idx %arg6[%add3A_430] : memref<49152xi32, #tpu.memory_space<vmem>>[vector<16xi32>], vector<16xi32>,
          %mul3A_432 = arith.constant 2048 : i32
          %mul3A_433 = arith.muli %scan3A_359, %mul3A_432 : i32
          %add3A_434 = arith.constant 24576 : i32
          %add3A_435 = arith.addi %add3A_434, %mul3A_433 : i32
          %mul3A_436 = arith.constant 16 : i32
          %mul3A_437 = arith.muli %scan3A_371, %mul3A_436 : i32
          %add3A_438 = arith.addi %add3A_435, %mul3A_437 : i32
          %swap3A_439 = arith.index_cast %add3A_438 : i32 to index
          %swap3A_440 = tpu.vector_load %arg5[%swap3A_439] {strides = array<i32>} : memref<40960xi32, #tpu.memory_space<vmem>>, vector<16xi32>,
          tpu.vector_store %arg5[%swap3A_439], %gather3A_431 {strides = array<i32>} : memref<40960xi32, #tpu.memory_space<vmem>>, vector<16xi32>,
          %mul3A_441 = arith.constant 8 : i32
          %mul3A_442 = vector.broadcast %mul3A_441 : i32 to vector<16xi32>
          %mul3A_443 = arith.muli %add3A_377, %mul3A_442 : vector<16xi32>
          %add3A_444 = arith.constant 4 : i32
          %add3A_445 = vector.broadcast %add3A_444 : i32 to vector<16xi32>
          %add3A_446 = arith.addi %mul3A_443, %add3A_445 : vector<16xi32>
          %gather3A_447 = tpu.vector_load_idx %arg6[%add3A_446] : memref<49152xi32, #tpu.memory_space<vmem>>[vector<16xi32>], vector<16xi32>,
          %mul3A_448 = arith.constant 2048 : i32
          %mul3A_449 = arith.muli %scan3A_359, %mul3A_448 : i32
          %add3A_450 = arith.constant 32768 : i32
          %add3A_451 = arith.addi %add3A_450, %mul3A_449 : i32
          %mul3A_452 = arith.constant 16 : i32
          %mul3A_453 = arith.muli %scan3A_371, %mul3A_452 : i32
          %add3A_454 = arith.addi %add3A_451, %mul3A_453 : i32
          %swap3A_455 = arith.index_cast %add3A_454 : i32 to index
          %swap3A_456 = tpu.vector_load %arg5[%swap3A_455] {strides = array<i32>} : memref<40960xi32, #tpu.memory_space<vmem>>, vector<16xi32>,
          tpu.vector_store %arg5[%swap3A_455], %gather3A_447 {strides = array<i32>} : memref<40960xi32, #tpu.memory_space<vmem>>, vector<16xi32>,
          %scan3A_457 = arith.constant 0 : i32
          scf.yield %scan3A_457 : i32
        }
        %scan3A_369 = arith.constant 128 : i32
        %scan3A_370 = arith.constant 0 : i32
        scf.yield %scan3A_370 : i32
      }
      %scan3A_8 = arith.constant 4 : i32
      %broadcast_in_dim3A = arith.constant 0 : i32
      %broadcast_in_dim3A_9 = vector.broadcast %broadcast_in_dim3A : i32 to vector<16xi32>
      %swap3A = arith.constant 0 : index
      %swap3A_10 = tpu.vector_load %arg14[%swap3A] {strides = array<i32>} : memref<16xi32, #tpu.memory_space<vmem>>, vector<16xi32>,
      tpu.vector_store %arg14[%swap3A], %broadcast_in_dim3A_9 {strides = array<i32>} : memref<16xi32, #tpu.memory_space<vmem>>, vector<16xi32>,
      %scan3A_11 = arith.constant 0 : i32
      %scan3A_12 = arith.constant 0 : i32
      %scan3A_13 = arith.constant 512 : i32
      %scan3A_14 = arith.addi %scan3A_12, %scan3A_13 : i32
      %scan3A_15 = arith.constant 1 : i32
      %scan3A_16 = scf.for %scan3A_359 = %scan3A_12 to %scan3A_14 step %scan3A_15 iter_args(%scan3A_360 = %scan3A_11) -> (i32)  : i32 {
        %mul3A_361 = arith.constant 16 : i32
        %mul3A_362 = arith.muli %scan3A_359, %mul3A_361 : i32
        %get3A_363 = arith.index_cast %mul3A_362 : i32 to index
        %get3A_364 = tpu.vector_load %arg5[%get3A_363] {strides = array<i32>} : memref<40960xi32, #tpu.memory_space<vmem>>, vector<16xi32>,
        %broadcast_in_dim3A_365 = arith.constant 0 : i32
        %broadcast_in_dim3A_366 = vector.broadcast %broadcast_in_dim3A_365 : i32 to vector<16xi32>
        %add3A_367 = arith.constant 8192 : i32
        %add3A_368 = arith.addi %add3A_367, %mul3A_362 : i32
        %get3A_369 = arith.index_cast %add3A_368 : i32 to index
        %get3A_370 = tpu.vector_load %arg5[%get3A_369] {strides = array<i32>} : memref<40960xi32, #tpu.memory_space<vmem>>, vector<16xi32>,
        %gt3A = arith.cmpi sgt, %get3A_370, %get3A_364 : vector<16xi32>
        %select_n3A_371 = arith.select %gt3A, %get3A_370, %get3A_364 : vector<16xi1>, vector<16xi32>
        %jit3A_372 = arith.constant 1 : i32
        %broadcast_in_dim3A_373 = vector.broadcast %jit3A_372 : i32 to vector<16xi32>
        %select_n3A_374 = arith.select %gt3A, %broadcast_in_dim3A_373, %broadcast_in_dim3A_366 : vector<16xi1>, vector<16xi32>
        %add3A_375 = arith.constant 16384 : i32
        %add3A_376 = arith.addi %add3A_375, %mul3A_362 : i32
        %get3A_377 = arith.index_cast %add3A_376 : i32 to index
        %get3A_378 = tpu.vector_load %arg5[%get3A_377] {strides = array<i32>} : memref<40960xi32, #tpu.memory_space<vmem>>, vector<16xi32>,
        %gt3A_379 = arith.cmpi sgt, %get3A_378, %select_n3A_371 : vector<16xi32>
        %select_n3A_380 = arith.select %gt3A_379, %get3A_378, %select_n3A_371 : vector<16xi1>, vector<16xi32>
        %jit3A_381 = arith.constant 2 : i32
        %broadcast_in_dim3A_382 = vector.broadcast %jit3A_381 : i32 to vector<16xi32>
        %select_n3A_383 = arith.select %gt3A_379, %broadcast_in_dim3A_382, %select_n3A_374 : vector<16xi1>, vector<16xi32>
        %add3A_384 = arith.constant 24576 : i32
        %add3A_385 = arith.addi %add3A_384, %mul3A_362 : i32
        %get3A_386 = arith.index_cast %add3A_385 : i32 to index
        %get3A_387 = tpu.vector_load %arg5[%get3A_386] {strides = array<i32>} : memref<40960xi32, #tpu.memory_space<vmem>>, vector<16xi32>,
        %gt3A_388 = arith.cmpi sgt, %get3A_387, %select_n3A_380 : vector<16xi32>
        %select_n3A_389 = arith.select %gt3A_388, %get3A_387, %select_n3A_380 : vector<16xi1>, vector<16xi32>
        %jit3A_390 = arith.constant 3 : i32
        %broadcast_in_dim3A_391 = vector.broadcast %jit3A_390 : i32 to vector<16xi32>
        %select_n3A_392 = arith.select %gt3A_388, %broadcast_in_dim3A_391, %select_n3A_383 : vector<16xi1>, vector<16xi32>
        %add3A_393 = arith.constant 32768 : i32
        %add3A_394 = arith.addi %add3A_393, %mul3A_362 : i32
        %get3A_395 = arith.index_cast %add3A_394 : i32 to index
        %get3A_396 = tpu.vector_load %arg5[%get3A_395] {strides = array<i32>} : memref<40960xi32, #tpu.memory_space<vmem>>, vector<16xi32>,
        %gt3A_397 = arith.cmpi sgt, %get3A_396, %select_n3A_389 : vector<16xi32>
        %select_n3A_398 = arith.select %gt3A_397, %get3A_396, %select_n3A_389 : vector<16xi1>, vector<16xi32>
        %jit3A_399 = arith.constant 4 : i32
        %broadcast_in_dim3A_400 = vector.broadcast %jit3A_399 : i32 to vector<16xi32>
        %select_n3A_401 = arith.select %gt3A_397, %broadcast_in_dim3A_400, %select_n3A_392 : vector<16xi1>, vector<16xi32>
        %swap3A_402 = arith.index_cast %mul3A_362 : i32 to index
        %swap3A_403 = tpu.vector_load %arg7[%swap3A_402] {strides = array<i32>} : memref<8192xi32, #tpu.memory_space<vmem>>, vector<16xi32>,
        tpu.vector_store %arg7[%swap3A_402], %select_n3A_401 {strides = array<i32>} : memref<8192xi32, #tpu.memory_space<vmem>>, vector<16xi32>,
        %broadcast_in_dim3A_404 = arith.constant 1 : i32
        %broadcast_in_dim3A_405 = vector.broadcast %broadcast_in_dim3A_404 : i32 to vector<16xi32>
        tpu.vector_store_idx %arg14[%select_n3A_401], %broadcast_in_dim3A_405 {add = true} : memref<16xi32, #tpu.memory_space<vmem>>[vector<16xi32>], vector<16xi32>,
        %scan3A_406 = arith.constant 0 : i32
        scf.yield %scan3A_406 : i32
      }
      %scan3A_17 = arith.constant 512 : i32
      %get3A = arith.constant 0 : index
      %get3A_18 = tpu.vector_load %arg14[%get3A] {strides = array<i32>} : memref<16xi32, #tpu.memory_space<vmem>>, vector<16xi32>,
      %swap3A_19 = arith.constant 0 : index
      %swap3A_20 = tpu.vector_load %arg13[%swap3A_19] {strides = array<i32>} : memref<16xi32, #tpu.memory_space<vmem>>, vector<16xi32>,
      tpu.vector_store %arg13[%swap3A_19], %get3A_18 {strides = array<i32>} : memref<16xi32, #tpu.memory_space<vmem>>, vector<16xi32>,
      %scan3A_21 = arith.constant 0 : i32
      %scan3A_22 = arith.constant 0 : i32
      %scan3A_23 = arith.constant 5 : i32
      %scan3A_24 = arith.addi %scan3A_22, %scan3A_23 : i32
      %scan3A_25 = arith.constant 1 : i32
      %scan3A_26 = scf.for %scan3A_359 = %scan3A_22 to %scan3A_24 step %scan3A_25 iter_args(%scan3A_360 = %scan3A_21) -> (i32)  : i32 {
        %get3A_361 = arith.constant 0 : index
        %get3A_362 = tpu.vector_load %arg14[%get3A_361] {strides = array<i32>} : memref<16xi32, #tpu.memory_space<vmem>>, vector<16xi32>,
        %iota3A_363 = tpu.iota {dimensions = array<i32: 0>} : vector<16xi32>
        %eq3A_364 = vector.broadcast %scan3A_359 : i32 to vector<16xi32>
        %eq3A_365 = arith.cmpi eq, %iota3A_363, %eq3A_364 : vector<16xi32>
        %jit3A_366 = arith.constant -2147483648 : i32
        %broadcast_in_dim3A_367 = vector.broadcast %jit3A_366 : i32 to vector<16xi32>
        %select_n3A_368 = arith.select %eq3A_365, %get3A_362, %broadcast_in_dim3A_367 : vector<16xi1>, vector<16xi32>
        %reduce_max3A_369 = arith.constant true
        %reduce_max3A_370 = vector.broadcast %reduce_max3A_369 : i1 to vector<16xi1>
        %reduce_max3A_371 = arith.constant -2147483648 : i32
        %reduce_max3A_372 = vector.broadcast %reduce_max3A_371 : i32 to vector<16xi32>
        %reduce_max3A_373 = arith.xori %select_n3A_368, %reduce_max3A_372 : vector<16xi32>
        %reduce_max3A_374 = tpu.scan <max>, %reduce_max3A_373 masked %reduce_max3A_370 : vector<16xi32>, vector<16xi1> -> vector<16xi32>
        %reduce_max3A_375 = arith.xori %reduce_max3A_374, %reduce_max3A_372 : vector<16xi32>
        %reduce_max3A_376 = vector.extract %reduce_max3A_375[15] : i32 from vector<16xi32>
        %gt3A = arith.constant 1024 : i32
        %gt3A_377 = arith.cmpi sgt, %reduce_max3A_376, %gt3A : i32
        %lt3A_378 = arith.constant 1024 : i32
        %lt3A_379 = arith.cmpi slt, %reduce_max3A_376, %lt3A_378 : i32
        %mul3A_380 = arith.constant 8192 : i32
        %mul3A_381 = arith.muli %scan3A_359, %mul3A_380 : i32
        %jit3A_382 = arith.constant 9 : i32
        %jit3A_383 = arith.constant 0 : i32
        %select_n3A_384 = arith.select %lt3A_379, %jit3A_382, %jit3A_383 : i32
        %jit3A_385 = arith.constant 4 : i32
        %select_n3A_386 = arith.select %gt3A_377, %jit3A_385, %select_n3A_384 : i32
        %scan3A_387 = arith.constant 0 : i32
        %scan3A_388 = arith.constant 0 : i32
        %scan3A_389 = arith.constant 9 : i32
        %scan3A_390 = arith.addi %scan3A_388, %scan3A_389 : i32
        %scan3A_391 = arith.constant 1 : i32
        %scan3A_392 = scf.for %scan3A_395 = %scan3A_388 to %scan3A_390 step %scan3A_391 iter_args(%scan3A_396 = %scan3A_387) -> (i32)  : i32 {
          %lt3A_397 = arith.cmpi slt, %scan3A_395, %select_n3A_386 : i32
          %convert_element_type3A_398 = arith.extui %lt3A_397 : i1 to i32
          %cond3A_399 = arith.constant 0 : i32
          %cond3A_400 = arith.cmpi ne, %convert_element_type3A_398, %cond3A_399 : i32
          scf.if %cond3A_400 {
            %and3A = arith.constant 1 : i32
            %and3A_402 = arith.andi %scan3A_395, %and3A : i32
            %eq3A_403 = arith.constant 0 : i32
            %eq3A_404 = arith.cmpi eq, %scan3A_395, %eq3A_403 : i32
            %jit3A_405 = arith.constant 0 : i32
            %jit3A_406 = arith.constant 2 : i32
            %select_n3A_407 = arith.select %eq3A_404, %jit3A_405, %jit3A_406 : i32
            %eq3A_408 = arith.constant 1 : i32
            %eq3A_409 = arith.cmpi eq, %and3A_402, %eq3A_408 : i32
            %jit3A_410 = arith.constant 40960 : i32
            %select_n3A_411 = arith.select %eq3A_409, %jit3A_410, %mul3A_381 : i32
            %eq3A_412 = arith.constant 0 : i32
            %eq3A_413 = arith.cmpi eq, %and3A_402, %eq3A_412 : i32
            %jit3A_414 = arith.constant 40960 : i32
            %select_n3A_415 = arith.select %eq3A_413, %jit3A_414, %mul3A_381 : i32
            %eq3A_416 = arith.constant 0 : i32
            %eq3A_417 = arith.cmpi eq, %scan3A_395, %eq3A_416 : i32
            %jit3A_418 = arith.constant 1 : i32
            %jit3A_419 = arith.constant 2 : i32
            %select_n3A_420 = arith.select %eq3A_417, %jit3A_418, %jit3A_419 : i32
            %eq3A_421 = arith.constant 0 : i32
            %eq3A_422 = arith.cmpi eq, %and3A_402, %eq3A_421 : i32
            %jit3A_423 = arith.constant 40960 : i32
            %select_n3A_424 = arith.select %eq3A_422, %jit3A_423, %mul3A_381 : i32
            %eq3A_425 = arith.constant 0 : i32
            %eq3A_426 = arith.cmpi eq, %and3A_402, %eq3A_425 : i32
            %jit3A_427 = arith.constant 40960 : i32
            %select_n3A_428 = arith.select %eq3A_426, %mul3A_381, %jit3A_427 : i32
            %lt3A_429 = arith.constant 4 : i32
            %lt3A_430 = arith.cmpi slt, %scan3A_395, %lt3A_429 : i32
            %eq3A_431 = arith.constant 4 : i32
            %eq3A_432 = arith.cmpi eq, %scan3A_395, %eq3A_431 : i32
            %jit3A_433 = arith.constant 2 : i32
            %jit3A_434 = arith.constant 0 : i32
            %select_n3A_435 = arith.select %eq3A_432, %jit3A_433, %jit3A_434 : i32
            %jit3A_436 = arith.constant 1 : i32
            %select_n3A_437 = arith.select %lt3A_430, %jit3A_436, %select_n3A_435 : i32
            %lt3A_438 = arith.constant 4 : i32
            %lt3A_439 = arith.cmpi slt, %scan3A_395, %lt3A_438 : i32
            %mul3A_440 = arith.constant 8 : i32
            %mul3A_441 = arith.muli %mul3A_440, %scan3A_395 : i32
            %sub3A_442 = arith.constant 5 : i32
            %sub3A_443 = arith.subi %scan3A_395, %sub3A_442 : i32
            %mul3A_444 = arith.constant 8 : i32
            %mul3A_445 = arith.muli %mul3A_444, %sub3A_443 : i32
            %select_n3A_446 = arith.select %lt3A_439, %mul3A_441, %mul3A_445 : i32
            %select_n3A_447 = arith.select %gt3A_377, %select_n3A_407, %select_n3A_420 : i32
            %select_n3A_448 = arith.select %gt3A_377, %select_n3A_411, %select_n3A_424 : i32
            %select_n3A_449 = arith.select %gt3A_377, %select_n3A_415, %select_n3A_428 : i32
            %jit3A_450 = arith.constant 0 : i32
            %select_n3A_451 = arith.select %gt3A_377, %jit3A_450, %select_n3A_437 : i32
            %mul3A_452 = arith.constant 8 : i32
            %mul3A_453 = arith.muli %mul3A_452, %scan3A_395 : i32
            %select_n3A_454 = arith.select %gt3A_377, %mul3A_453, %select_n3A_446 : i32
            %scan3A_455 = arith.constant 0 : i32
            %scan3A_456 = arith.constant 0 : i32
            %scan3A_457 = arith.constant 16 : i32
            %scan3A_458 = arith.addi %scan3A_456, %scan3A_457 : i32
            %scan3A_459 = arith.constant 1 : i32
            %scan3A_460 = scf.for %scan3A_483 = %scan3A_456 to %scan3A_458 step %scan3A_459 iter_args(%scan3A_484 = %scan3A_455) -> (i32)  : i32 {
              %broadcast_in_dim3A_485 = arith.constant 0 : i32
              %broadcast_in_dim3A_486 = vector.broadcast %broadcast_in_dim3A_485 : i32 to vector<16xi32>
              %mul3A_487 = arith.constant 16 : i32
              %mul3A_488 = arith.muli %scan3A_483, %mul3A_487 : i32
              %swap3A_489 = arith.index_cast %mul3A_488 : i32 to index
              %swap3A_490 = tpu.vector_load %arg11[%swap3A_489] {strides = array<i32>} : memref<256xi32, #tpu.memory_space<vmem>>, vector<16xi32>,
              tpu.vector_store %arg11[%swap3A_489], %broadcast_in_dim3A_486 {strides = array<i32>} : memref<256xi32, #tpu.memory_space<vmem>>, vector<16xi32>,
              %scan3A_491 = arith.constant 0 : i32
              scf.yield %scan3A_491 : i32
            }
            %scan3A_461 = arith.constant 16 : i32
            %scan3A_462 = arith.constant 0 : i32
            %scan3A_463 = arith.constant 0 : i32
            %scan3A_464 = arith.constant 512 : i32
            %scan3A_465 = arith.addi %scan3A_463, %scan3A_464 : i32
            %scan3A_466 = arith.constant 1 : i32
            %scan3A_467 = scf.for %scan3A_483 = %scan3A_463 to %scan3A_465 step %scan3A_466 iter_args(%scan3A_484 = %scan3A_462) -> (i32)  : i32 {
              %mul3A_485 = arith.constant 16 : i32
              %mul3A_486 = arith.muli %scan3A_483, %mul3A_485 : i32
              %iota3A_487 = tpu.iota {dimensions = array<i32: 0>} : vector<16xi32>
              %add3A_488 = vector.broadcast %mul3A_486 : i32 to vector<16xi32>
              %add3A_489 = arith.addi %add3A_488, %iota3A_487 : vector<16xi32>
              %mul3A_490 = arith.constant 16 : i32
              %mul3A_491 = arith.muli %scan3A_483, %mul3A_490 : i32
              %add3A_492 = arith.addi %select_n3A_448, %mul3A_491 : i32
              %get3A_493 = arith.index_cast %add3A_492 : i32 to index
              %get3A_494 = tpu.vector_load %arg6[%get3A_493] {strides = array<i32>} : memref<49152xi32, #tpu.memory_space<vmem>>, vector<16xi32>,
              %eq3A_495 = arith.constant 0 : i32
              %eq3A_496 = arith.cmpi eq, %select_n3A_447, %eq3A_495 : i32
              %eq3A_497 = arith.constant 1 : i32
              %eq3A_498 = arith.cmpi eq, %select_n3A_447, %eq3A_497 : i32
              %sub3A_499 = arith.constant 8191 : i32
              %sub3A_500 = vector.broadcast %sub3A_499 : i32 to vector<16xi32>
              %sub3A_501 = arith.subi %sub3A_500, %add3A_489 : vector<16xi32>
              %select_n3A_502 = arith.select %eq3A_498, %sub3A_501, %get3A_494 : vector<16xi32>
              %select_n3A_503 = arith.select %eq3A_496, %add3A_489, %select_n3A_502 : vector<16xi32>
              %add3A_504 = vector.broadcast %mul3A_381 : i32 to vector<16xi32>
              %add3A_505 = arith.addi %add3A_504, %select_n3A_503 : vector<16xi32>
              %gather3A = tpu.vector_load_idx %arg5[%add3A_505] : memref<40960xi32, #tpu.memory_space<vmem>>[vector<16xi32>], vector<16xi32>,
              %gather3A_506 = tpu.vector_load_idx %arg7[%select_n3A_503] : memref<8192xi32, #tpu.memory_space<vmem>>[vector<16xi32>], vector<16xi32>,
              %mul3A_507 = arith.constant 8192 : i32
              %mul3A_508 = vector.broadcast %mul3A_507 : i32 to vector<16xi32>
              %mul3A_509 = arith.muli %gather3A_506, %mul3A_508 : vector<16xi32>
              %add3A_510 = arith.addi %mul3A_509, %select_n3A_503 : vector<16xi32>
              %gather3A_511 = tpu.vector_load_idx %arg5[%add3A_510] : memref<40960xi32, #tpu.memory_space<vmem>>[vector<16xi32>], vector<16xi32>,
              %xor3A = arith.constant -1 : i32
              %xor3A_512 = vector.broadcast %xor3A : i32 to vector<16xi32>
              %xor3A_513 = arith.xori %gather3A_511, %xor3A_512 : vector<16xi32>
              %eq3A_514 = arith.constant 0 : i32
              %eq3A_515 = arith.cmpi eq, %select_n3A_451, %eq3A_514 : i32
              %eq3A_516 = arith.constant 1 : i32
              %eq3A_517 = arith.cmpi eq, %select_n3A_451, %eq3A_516 : i32
              %sub3A_518 = arith.constant 4 : i32
              %sub3A_519 = vector.broadcast %sub3A_518 : i32 to vector<16xi32>
              %sub3A_520 = arith.subi %sub3A_519, %gather3A_506 : vector<16xi32>
              %select_n3A_521 = arith.select %eq3A_517, %xor3A_513, %sub3A_520 : vector<16xi32>
              %select_n3A_522 = arith.select %eq3A_515, %gather3A, %select_n3A_521 : vector<16xi32>
              %broadcast_in_dim3A_523 = vector.broadcast %select_n3A_454 : i32 to vector<16xi32>
              %shift_right_logical3A = arith.shrui %select_n3A_522, %broadcast_in_dim3A_523 : vector<16xi32>
              %and3A_524 = arith.constant 255 : i32
              %and3A_525 = vector.broadcast %and3A_524 : i32 to vector<16xi32>
              %and3A_526 = arith.andi %shift_right_logical3A, %and3A_525 : vector<16xi32>
              %broadcast_in_dim3A_527 = arith.constant 1 : i32
              %broadcast_in_dim3A_528 = vector.broadcast %broadcast_in_dim3A_527 : i32 to vector<16xi32>
              tpu.vector_store_idx %arg11[%and3A_526], %broadcast_in_dim3A_528 {add = true} : memref<256xi32, #tpu.memory_space<vmem>>[vector<16xi32>], vector<16xi32>,
              %scan3A_529 = arith.constant 0 : i32
              scf.yield %scan3A_529 : i32
            }
            %scan3A_468 = arith.constant 512 : i32
            %scan3A_469 = arith.constant 0 : i32
            %scan3A_470 = arith.constant 0 : i32
            %scan3A_471 = arith.constant 16 : i32
            %scan3A_472 = arith.addi %scan3A_470, %scan3A_471 : i32
            %scan3A_473 = arith.constant 1 : i32
            %scan3A_474 = scf.for %scan3A_483 = %scan3A_470 to %scan3A_472 step %scan3A_473 iter_args(%scan3A_484 = %scan3A_469) -> (i32)  : i32 {
              %mul3A_485 = arith.constant 16 : i32
              %mul3A_486 = arith.muli %scan3A_483, %mul3A_485 : i32
              %get3A_487 = arith.index_cast %mul3A_486 : i32 to index
              %get3A_488 = tpu.vector_load %arg11[%get3A_487] {strides = array<i32>} : memref<256xi32, #tpu.memory_space<vmem>>, vector<16xi32>,
              %broadcast_in_dim3A_489 = arith.constant true
              %broadcast_in_dim3A_490 = vector.broadcast %broadcast_in_dim3A_489 : i1 to vector<16xi1>
              %masked_cumsum3A = tpu.scan <sum>, %get3A_488 masked %broadcast_in_dim3A_490 : vector<16xi32>, vector<16xi1> -> vector<16xi32>
              %sub3A_491 = arith.subi %masked_cumsum3A, %get3A_488 : vector<16xi32>
              %add3A_492 = vector.broadcast %scan3A_484 : i32 to vector<16xi32>
              %add3A_493 = arith.addi %sub3A_491, %add3A_492 : vector<16xi32>
              %mul3A_494 = arith.constant 16 : i32
              %mul3A_495 = arith.muli %scan3A_483, %mul3A_494 : i32
              %swap3A_496 = arith.index_cast %mul3A_495 : i32 to index
              %swap3A_497 = tpu.vector_load %arg12[%swap3A_496] {strides = array<i32>} : memref<256xi32, #tpu.memory_space<vmem>>, vector<16xi32>,
              tpu.vector_store %arg12[%swap3A_496], %add3A_493 {strides = array<i32>} : memref<256xi32, #tpu.memory_space<vmem>>, vector<16xi32>,
              %reduce_max3A_498 = arith.constant true
              %reduce_max3A_499 = vector.broadcast %reduce_max3A_498 : i1 to vector<16xi1>
              %reduce_max3A_500 = arith.constant -2147483648 : i32
              %reduce_max3A_501 = vector.broadcast %reduce_max3A_500 : i32 to vector<16xi32>
              %reduce_max3A_502 = arith.xori %masked_cumsum3A, %reduce_max3A_501 : vector<16xi32>
              %reduce_max3A_503 = tpu.scan <max>, %reduce_max3A_502 masked %reduce_max3A_499 : vector<16xi32>, vector<16xi1> -> vector<16xi32>
              %reduce_max3A_504 = arith.xori %reduce_max3A_503, %reduce_max3A_501 : vector<16xi32>
              %reduce_max3A_505 = vector.extract %reduce_max3A_504[15] : i32 from vector<16xi32>
              %add3A_506 = arith.addi %scan3A_484, %reduce_max3A_505 : i32
              scf.yield %add3A_506 : i32
            }
            %scan3A_475 = arith.constant 16 : i32
            %scan3A_476 = arith.constant 0 : i32
            %scan3A_477 = arith.constant 0 : i32
            %scan3A_478 = arith.constant 512 : i32
            %scan3A_479 = arith.addi %scan3A_477, %scan3A_478 : i32
            %scan3A_480 = arith.constant 1 : i32
            %scan3A_481 = scf.for %scan3A_483 = %scan3A_477 to %scan3A_479 step %scan3A_480 iter_args(%scan3A_484 = %scan3A_476) -> (i32)  : i32 {
              %mul3A_485 = arith.constant 16 : i32
              %mul3A_486 = arith.muli %scan3A_483, %mul3A_485 : i32
              %iota3A_487 = tpu.iota {dimensions = array<i32: 0>} : vector<16xi32>
              %add3A_488 = vector.broadcast %mul3A_486 : i32 to vector<16xi32>
              %add3A_489 = arith.addi %add3A_488, %iota3A_487 : vector<16xi32>
              %mul3A_490 = arith.constant 16 : i32
              %mul3A_491 = arith.muli %scan3A_483, %mul3A_490 : i32
              %add3A_492 = arith.addi %select_n3A_448, %mul3A_491 : i32
              %get3A_493 = arith.index_cast %add3A_492 : i32 to index
              %get3A_494 = tpu.vector_load %arg6[%get3A_493] {strides = array<i32>} : memref<49152xi32, #tpu.memory_space<vmem>>, vector<16xi32>,
              %eq3A_495 = arith.constant 0 : i32
              %eq3A_496 = arith.cmpi eq, %select_n3A_447, %eq3A_495 : i32
              %eq3A_497 = arith.constant 1 : i32
              %eq3A_498 = arith.cmpi eq, %select_n3A_447, %eq3A_497 : i32
              %sub3A_499 = arith.constant 8191 : i32
              %sub3A_500 = vector.broadcast %sub3A_499 : i32 to vector<16xi32>
              %sub3A_501 = arith.subi %sub3A_500, %add3A_489 : vector<16xi32>
              %select_n3A_502 = arith.select %eq3A_498, %sub3A_501, %get3A_494 : vector<16xi32>
              %select_n3A_503 = arith.select %eq3A_496, %add3A_489, %select_n3A_502 : vector<16xi32>
              %add3A_504 = vector.broadcast %mul3A_381 : i32 to vector<16xi32>
              %add3A_505 = arith.addi %add3A_504, %select_n3A_503 : vector<16xi32>
              %gather3A = tpu.vector_load_idx %arg5[%add3A_505] : memref<40960xi32, #tpu.memory_space<vmem>>[vector<16xi32>], vector<16xi32>,
              %gather3A_506 = tpu.vector_load_idx %arg7[%select_n3A_503] : memref<8192xi32, #tpu.memory_space<vmem>>[vector<16xi32>], vector<16xi32>,
              %mul3A_507 = arith.constant 8192 : i32
              %mul3A_508 = vector.broadcast %mul3A_507 : i32 to vector<16xi32>
              %mul3A_509 = arith.muli %gather3A_506, %mul3A_508 : vector<16xi32>
              %add3A_510 = arith.addi %mul3A_509, %select_n3A_503 : vector<16xi32>
              %gather3A_511 = tpu.vector_load_idx %arg5[%add3A_510] : memref<40960xi32, #tpu.memory_space<vmem>>[vector<16xi32>], vector<16xi32>,
              %xor3A = arith.constant -1 : i32
              %xor3A_512 = vector.broadcast %xor3A : i32 to vector<16xi32>
              %xor3A_513 = arith.xori %gather3A_511, %xor3A_512 : vector<16xi32>
              %eq3A_514 = arith.constant 0 : i32
              %eq3A_515 = arith.cmpi eq, %select_n3A_451, %eq3A_514 : i32
              %eq3A_516 = arith.constant 1 : i32
              %eq3A_517 = arith.cmpi eq, %select_n3A_451, %eq3A_516 : i32
              %sub3A_518 = arith.constant 4 : i32
              %sub3A_519 = vector.broadcast %sub3A_518 : i32 to vector<16xi32>
              %sub3A_520 = arith.subi %sub3A_519, %gather3A_506 : vector<16xi32>
              %select_n3A_521 = arith.select %eq3A_517, %xor3A_513, %sub3A_520 : vector<16xi32>
              %select_n3A_522 = arith.select %eq3A_515, %gather3A, %select_n3A_521 : vector<16xi32>
              %broadcast_in_dim3A_523 = vector.broadcast %select_n3A_454 : i32 to vector<16xi32>
              %shift_right_logical3A = arith.shrui %select_n3A_522, %broadcast_in_dim3A_523 : vector<16xi32>
              %and3A_524 = arith.constant 255 : i32
              %and3A_525 = vector.broadcast %and3A_524 : i32 to vector<16xi32>
              %and3A_526 = arith.andi %shift_right_logical3A, %and3A_525 : vector<16xi32>
              %broadcast_in_dim3A_527 = arith.constant true
              %broadcast_in_dim3A_528 = vector.broadcast %broadcast_in_dim3A_527 : i1 to vector<16xi1>
              %unique3A, %unique3A_529 = tpu.scan_count mask(%broadcast_in_dim3A_528 : vector<16xi1>) value(%and3A_526 : vector<16xi32>) : vector<16xi1>, vector<16xi32>
              %sub3A_530 = arith.constant 1 : i32
              %sub3A_531 = vector.broadcast %sub3A_530 : i32 to vector<16xi32>
              %sub3A_532 = arith.subi %unique3A_529, %sub3A_531 : vector<16xi32>
              %gather3A_533 = tpu.vector_load_idx %arg12[%and3A_526] : memref<256xi32, #tpu.memory_space<vmem>>[vector<16xi32>], vector<16xi32>,
              %add3A_534 = arith.addi %gather3A_533, %sub3A_532 : vector<16xi32>
              %add3A_535 = vector.broadcast %select_n3A_449 : i32 to vector<16xi32>
              %add3A_536 = arith.addi %add3A_535, %add3A_534 : vector<16xi32>
              tpu.vector_store_idx %arg6[%add3A_536], %select_n3A_503 : memref<49152xi32, #tpu.memory_space<vmem>>[vector<16xi32>], vector<16xi32>,
              %broadcast_in_dim3A_537 = arith.constant 1 : i32
              %broadcast_in_dim3A_538 = vector.broadcast %broadcast_in_dim3A_537 : i32 to vector<16xi32>
              tpu.vector_store_idx %arg12[%and3A_526], %broadcast_in_dim3A_538 {add = true} : memref<256xi32, #tpu.memory_space<vmem>>[vector<16xi32>], vector<16xi32>,
              %scan3A_539 = arith.constant 0 : i32
              scf.yield %scan3A_539 : i32
            }
            %scan3A_482 = arith.constant 512 : i32
          } else {
          }
          %scan3A_401 = arith.constant 0 : i32
          scf.yield %scan3A_401 : i32
        }
        %scan3A_393 = arith.constant 9 : i32
        %scan3A_394 = arith.constant 0 : i32
        scf.yield %scan3A_394 : i32
      }
      %scan3A_27 = arith.constant 5 : i32
      %scan3A_28 = arith.constant 0 : i32
      %scan3A_29 = arith.constant 0 : i32
      %scan3A_30 = arith.constant 5 : i32
      %scan3A_31 = arith.addi %scan3A_29, %scan3A_30 : i32
      %scan3A_32 = arith.constant 1 : i32
      %scan3A_33 = scf.for %scan3A_359 = %scan3A_29 to %scan3A_31 step %scan3A_32 iter_args(%scan3A_360 = %scan3A_28) -> (i32)  : i32 {
        %get3A_361 = arith.constant 0 : index
        %get3A_362 = tpu.vector_load %arg14[%get3A_361] {strides = array<i32>} : memref<16xi32, #tpu.memory_space<vmem>>, vector<16xi32>,
        %iota3A_363 = tpu.iota {dimensions = array<i32: 0>} : vector<16xi32>
        %eq3A_364 = vector.broadcast %scan3A_359 : i32 to vector<16xi32>
        %eq3A_365 = arith.cmpi eq, %iota3A_363, %eq3A_364 : vector<16xi32>
        %jit3A_366 = arith.constant -2147483648 : i32
        %broadcast_in_dim3A_367 = vector.broadcast %jit3A_366 : i32 to vector<16xi32>
        %select_n3A_368 = arith.select %eq3A_365, %get3A_362, %broadcast_in_dim3A_367 : vector<16xi1>, vector<16xi32>
        %reduce_max3A_369 = arith.constant true
        %reduce_max3A_370 = vector.broadcast %reduce_max3A_369 : i1 to vector<16xi1>
        %reduce_max3A_371 = arith.constant -2147483648 : i32
        %reduce_max3A_372 = vector.broadcast %reduce_max3A_371 : i32 to vector<16xi32>
        %reduce_max3A_373 = arith.xori %select_n3A_368, %reduce_max3A_372 : vector<16xi32>
        %reduce_max3A_374 = tpu.scan <max>, %reduce_max3A_373 masked %reduce_max3A_370 : vector<16xi32>, vector<16xi1> -> vector<16xi32>
        %reduce_max3A_375 = arith.xori %reduce_max3A_374, %reduce_max3A_372 : vector<16xi32>
        %reduce_max3A_376 = vector.extract %reduce_max3A_375[15] : i32 from vector<16xi32>
        %sub3A_377 = arith.constant 1024 : i32
        %sub3A_378 = arith.subi %sub3A_377, %reduce_max3A_376 : i32
        %gt3A = arith.constant 0 : i32
        %gt3A_379 = arith.cmpi sgt, %sub3A_378, %gt3A : i32
        %convert_element_type3A_380 = arith.extui %gt3A_379 : i1 to i32
        %cond3A_381 = arith.constant 0 : i32
        %cond3A_382 = arith.cmpi ne, %convert_element_type3A_380, %cond3A_381 : i32
        scf.if %cond3A_382 {
          %add3A_384 = arith.constant 1 : i32
          %add3A_385 = arith.addi %scan3A_359, %add3A_384 : i32
          %scan3A_386 = arith.constant 0 : i32
          %scan3A_387 = arith.constant 0 : i32
          %scan3A_388 = arith.constant 5 : i32
          %scan3A_389 = arith.addi %scan3A_387, %scan3A_388 : i32
          %scan3A_390 = arith.constant 1 : i32
          %scan3A_391 = scf.for %scan3A_417 = %scan3A_387 to %scan3A_389 step %scan3A_390 iter_args(%scan3A_418 = %scan3A_386) -> (i32)  : i32 {
            %get3A_419 = arith.constant 0 : index
            %get3A_420 = tpu.vector_load %arg13[%get3A_419] {strides = array<i32>} : memref<16xi32, #tpu.memory_space<vmem>>, vector<16xi32>,
            %iota3A_421 = tpu.iota {dimensions = array<i32: 0>} : vector<16xi32>
            %eq3A_422 = vector.broadcast %scan3A_417 : i32 to vector<16xi32>
            %eq3A_423 = arith.cmpi eq, %iota3A_421, %eq3A_422 : vector<16xi32>
            %jit3A_424 = arith.constant -2147483648 : i32
            %broadcast_in_dim3A_425 = vector.broadcast %jit3A_424 : i32 to vector<16xi32>
            %select_n3A_426 = arith.select %eq3A_423, %get3A_420, %broadcast_in_dim3A_425 : vector<16xi1>, vector<16xi32>
            %reduce_max3A_427 = arith.constant true
            %reduce_max3A_428 = vector.broadcast %reduce_max3A_427 : i1 to vector<16xi1>
            %reduce_max3A_429 = arith.constant -2147483648 : i32
            %reduce_max3A_430 = vector.broadcast %reduce_max3A_429 : i32 to vector<16xi32>
            %reduce_max3A_431 = arith.xori %select_n3A_426, %reduce_max3A_430 : vector<16xi32>
            %reduce_max3A_432 = tpu.scan <max>, %reduce_max3A_431 masked %reduce_max3A_428 : vector<16xi32>, vector<16xi1> -> vector<16xi32>
            %reduce_max3A_433 = arith.xori %reduce_max3A_432, %reduce_max3A_430 : vector<16xi32>
            %reduce_max3A_434 = vector.extract %reduce_max3A_433[15] : i32 from vector<16xi32>
            %sub3A_435 = arith.constant 1024 : i32
            %sub3A_436 = arith.subi %reduce_max3A_434, %sub3A_435 : i32
            %ne3A = arith.cmpi ne, %scan3A_417, %scan3A_359 : i32
            %gt3A_437 = arith.constant 0 : i32
            %gt3A_438 = arith.cmpi sgt, %sub3A_436, %gt3A_437 : i32
            %and3A = arith.andi %ne3A, %gt3A_438 : i1
            %convert_element_type3A_439 = arith.extui %and3A : i1 to i32
            %cond3A_440 = arith.constant 0 : i32
            %cond3A_441 = arith.cmpi ne, %convert_element_type3A_439, %cond3A_440 : i32
            scf.if %cond3A_441 {
              %while3A_443 = arith.constant 0 : i32
              %while3A_444 = arith.constant 0 : i32
              %while3A_445:2 = scf.while (%while3A_446 = %while3A_443, %while3A_447 = %while3A_444) : (i32, i32) -> (i32, i32) {
                %lt3A_448 = arith.constant 512 : i32
                %lt3A_449 = arith.cmpi slt, %while3A_446, %lt3A_448 : i32
                %lt3A_450 = arith.cmpi slt, %while3A_447, %sub3A_436 : i32
                %and3A_451 = arith.andi %lt3A_449, %lt3A_450 : i1
                scf.condition(%and3A_451) %while3A_446, %while3A_447 : i32, i32
              } do {
              ^bb0(%while3A_446: i32, %while3A_447: i32):
                %mul3A_448 = arith.constant 8192 : i32
                %mul3A_449 = arith.muli %scan3A_417, %mul3A_448 : i32
                %mul3A_450 = arith.constant 16 : i32
                %mul3A_451 = arith.muli %while3A_446, %mul3A_450 : i32
                %add3A_452 = arith.addi %mul3A_449, %mul3A_451 : i32
                %get3A_453 = arith.index_cast %add3A_452 : i32 to index
                %get3A_454 = tpu.vector_load %arg6[%get3A_453] {strides = array<i32>} : memref<49152xi32, #tpu.memory_space<vmem>>, vector<16xi32>,
                %gather3A = tpu.vector_load_idx %arg7[%get3A_454] : memref<8192xi32, #tpu.memory_space<vmem>>[vector<16xi32>], vector<16xi32>,
                %eq3A_455 = vector.broadcast %scan3A_417 : i32 to vector<16xi32>
                %eq3A_456 = arith.cmpi eq, %gather3A, %eq3A_455 : vector<16xi32>
                %convert_element_type3A_457 = arith.extui %eq3A_456 : vector<16xi1> to vector<16xi32>
                %broadcast_in_dim3A_458 = arith.constant true
                %broadcast_in_dim3A_459 = vector.broadcast %broadcast_in_dim3A_458 : i1 to vector<16xi1>
                %masked_cumsum3A = tpu.scan <sum>, %convert_element_type3A_457 masked %broadcast_in_dim3A_459 : vector<16xi32>, vector<16xi1> -> vector<16xi32>
                %add3A_460 = vector.broadcast %while3A_447 : i32 to vector<16xi32>
                %add3A_461 = arith.addi %masked_cumsum3A, %add3A_460 : vector<16xi32>
                %le3A = vector.broadcast %sub3A_436 : i32 to vector<16xi32>
                %le3A_462 = arith.cmpi sle, %add3A_461, %le3A : vector<16xi32>
                %and3A_463 = arith.andi %eq3A_456, %le3A_462 : vector<16xi1>
                %broadcast_in_dim3A_464 = vector.broadcast %add3A_385 : i32 to vector<16xi32>
                tpu.vector_store_idx %arg9[%get3A_454], %broadcast_in_dim3A_464 masked %and3A_463 : memref<8192xi32, #tpu.memory_space<vmem>>[vector<16xi32>], vector<16xi32>, vector<16xi1>
                %add3A_465 = arith.constant 1 : i32
                %add3A_466 = arith.addi %while3A_446, %add3A_465 : i32
                %reduce_max3A_467 = arith.constant true
                %reduce_max3A_468 = vector.broadcast %reduce_max3A_467 : i1 to vector<16xi1>
                %reduce_max3A_469 = arith.constant -2147483648 : i32
                %reduce_max3A_470 = vector.broadcast %reduce_max3A_469 : i32 to vector<16xi32>
                %reduce_max3A_471 = arith.xori %masked_cumsum3A, %reduce_max3A_470 : vector<16xi32>
                %reduce_max3A_472 = tpu.scan <max>, %reduce_max3A_471 masked %reduce_max3A_468 : vector<16xi32>, vector<16xi1> -> vector<16xi32>
                %reduce_max3A_473 = arith.xori %reduce_max3A_472, %reduce_max3A_470 : vector<16xi32>
                %reduce_max3A_474 = vector.extract %reduce_max3A_473[15] : i32 from vector<16xi32>
                %add3A_475 = arith.addi %while3A_447, %reduce_max3A_474 : i32
                scf.yield %add3A_466, %add3A_475 : i32, i32
              }
            } else {
            }
            %scan3A_442 = arith.constant 0 : i32
            scf.yield %scan3A_442 : i32
          }
          %scan3A_392 = arith.constant 5 : i32
          %get3A_393 = arith.constant 0 : index
          %get3A_394 = tpu.vector_load %arg14[%get3A_393] {strides = array<i32>} : memref<16xi32, #tpu.memory_space<vmem>>, vector<16xi32>,
          %iota3A_395 = tpu.iota {dimensions = array<i32: 0>} : vector<16xi32>
          %eq3A_396 = vector.broadcast %scan3A_359 : i32 to vector<16xi32>
          %eq3A_397 = arith.cmpi eq, %iota3A_395, %eq3A_396 : vector<16xi32>
          %jit3A_398 = arith.constant -2147483648 : i32
          %broadcast_in_dim3A_399 = vector.broadcast %jit3A_398 : i32 to vector<16xi32>
          %select_n3A_400 = arith.select %eq3A_397, %get3A_394, %broadcast_in_dim3A_399 : vector<16xi1>, vector<16xi32>
          %reduce_max3A_401 = arith.constant true
          %reduce_max3A_402 = vector.broadcast %reduce_max3A_401 : i1 to vector<16xi1>
          %reduce_max3A_403 = arith.constant -2147483648 : i32
          %reduce_max3A_404 = vector.broadcast %reduce_max3A_403 : i32 to vector<16xi32>
          %reduce_max3A_405 = arith.xori %select_n3A_400, %reduce_max3A_404 : vector<16xi32>
          %reduce_max3A_406 = tpu.scan <max>, %reduce_max3A_405 masked %reduce_max3A_402 : vector<16xi32>, vector<16xi1> -> vector<16xi32>
          %reduce_max3A_407 = arith.xori %reduce_max3A_406, %reduce_max3A_404 : vector<16xi32>
          %reduce_max3A_408 = vector.extract %reduce_max3A_407[15] : i32 from vector<16xi32>
          %while3A = arith.constant 511 : i32
          %while3A_409 = arith.constant 0 : i32
          %while3A_410:2 = scf.while (%while3A_417 = %while3A, %while3A_418 = %while3A_409) : (i32, i32) -> (i32, i32) {
            %ge3A = arith.constant 0 : i32
            %ge3A_419 = arith.cmpi sge, %while3A_417, %ge3A : i32
            %lt3A_420 = arith.cmpi slt, %while3A_418, %sub3A_378 : i32
            %and3A = arith.andi %ge3A_419, %lt3A_420 : i1
            scf.condition(%and3A) %while3A_417, %while3A_418 : i32, i32
          } do {
          ^bb0(%while3A_417: i32, %while3A_418: i32):
            %mul3A_419 = arith.constant 8192 : i32
            %mul3A_420 = arith.muli %scan3A_359, %mul3A_419 : i32
            %mul3A_421 = arith.constant 16 : i32
            %mul3A_422 = arith.muli %while3A_417, %mul3A_421 : i32
            %add3A_423 = arith.addi %mul3A_420, %mul3A_422 : i32
            %get3A_424 = arith.index_cast %add3A_423 : i32 to index
            %get3A_425 = tpu.vector_load %arg6[%get3A_424] {strides = array<i32>} : memref<49152xi32, #tpu.memory_space<vmem>>, vector<16xi32>,
            %rev3A = arith.constant 15 : i32
            %rev3A_426 = vector.broadcast %rev3A : i32 to vector<16xi32>
            %rev3A_427 = tpu.iota {dimensions = array<i32: 0>} : vector<16xi32>
            %rev3A_428 = arith.subi %rev3A_426, %rev3A_427 : vector<16xi32>
            %rev3A_429 = tpu.dynamic_gather %get3A_425[%rev3A_428] in [0] : vector<16xi32>, vector<16xi32> -> vector<16xi32>
            %gather3A = tpu.vector_load_idx %arg9[%rev3A_429] : memref<8192xi32, #tpu.memory_space<vmem>>[vector<16xi32>], vector<16xi32>,
            %eq3A_430 = vector.broadcast %add3A_385 : i32 to vector<16xi32>
            %eq3A_431 = arith.cmpi eq, %gather3A, %eq3A_430 : vector<16xi32>
            %convert_element_type3A_432 = arith.extui %eq3A_431 : vector<16xi1> to vector<16xi32>
            %broadcast_in_dim3A_433 = arith.constant true
            %broadcast_in_dim3A_434 = vector.broadcast %broadcast_in_dim3A_433 : i1 to vector<16xi1>
            %masked_cumsum3A = tpu.scan <sum>, %convert_element_type3A_432 masked %broadcast_in_dim3A_434 : vector<16xi32>, vector<16xi1> -> vector<16xi32>
            %add3A_435 = vector.broadcast %while3A_418 : i32 to vector<16xi32>
            %add3A_436 = arith.addi %masked_cumsum3A, %add3A_435 : vector<16xi32>
            %le3A = vector.broadcast %sub3A_378 : i32 to vector<16xi32>
            %le3A_437 = arith.cmpi sle, %add3A_436, %le3A : vector<16xi32>
            %and3A = arith.andi %eq3A_431, %le3A_437 : vector<16xi1>
            %broadcast_in_dim3A_438 = vector.broadcast %reduce_max3A_408 : i32 to vector<16xi32>
            %add3A_439 = arith.addi %broadcast_in_dim3A_438, %add3A_436 : vector<16xi32>
            %sub3A_440 = arith.constant 1 : i32
            %sub3A_441 = vector.broadcast %sub3A_440 : i32 to vector<16xi32>
            %sub3A_442 = arith.subi %add3A_439, %sub3A_441 : vector<16xi32>
            tpu.vector_store_idx %arg8[%rev3A_429], %sub3A_442 masked %and3A : memref<8192xi32, #tpu.memory_space<vmem>>[vector<16xi32>], vector<16xi32>, vector<16xi1>
            %gather3A_443 = tpu.vector_load_idx %arg7[%rev3A_429] : memref<8192xi32, #tpu.memory_space<vmem>>[vector<16xi32>], vector<16xi32>,
            %broadcast_in_dim3A_444 = arith.constant -1 : i32
            %broadcast_in_dim3A_445 = vector.broadcast %broadcast_in_dim3A_444 : i32 to vector<16xi32>
            tpu.vector_store_idx %arg13[%gather3A_443], %broadcast_in_dim3A_445 masked %and3A {add = true} : memref<16xi32, #tpu.memory_space<vmem>>[vector<16xi32>], vector<16xi32>, vector<16xi1>
            %add3A_446 = arith.constant 8 : i32
            %add3A_447 = arith.addi %scan3A_359, %add3A_446 : i32
            %broadcast_in_dim3A_448 = vector.broadcast %add3A_447 : i32 to vector<16xi32>
            tpu.vector_store_idx %arg7[%rev3A_429], %broadcast_in_dim3A_448 masked %and3A : memref<8192xi32, #tpu.memory_space<vmem>>[vector<16xi32>], vector<16xi32>, vector<16xi1>
            %sub3A_449 = arith.constant 1 : i32
            %sub3A_450 = arith.subi %while3A_417, %sub3A_449 : i32
            %reduce_max3A_451 = arith.constant true
            %reduce_max3A_452 = vector.broadcast %reduce_max3A_451 : i1 to vector<16xi1>
            %reduce_max3A_453 = arith.constant -2147483648 : i32
            %reduce_max3A_454 = vector.broadcast %reduce_max3A_453 : i32 to vector<16xi32>
            %reduce_max3A_455 = arith.xori %masked_cumsum3A, %reduce_max3A_454 : vector<16xi32>
            %reduce_max3A_456 = tpu.scan <max>, %reduce_max3A_455 masked %reduce_max3A_452 : vector<16xi32>, vector<16xi1> -> vector<16xi32>
            %reduce_max3A_457 = arith.xori %reduce_max3A_456, %reduce_max3A_454 : vector<16xi32>
            %reduce_max3A_458 = vector.extract %reduce_max3A_457[15] : i32 from vector<16xi32>
            %add3A_459 = arith.addi %while3A_418, %reduce_max3A_458 : i32
            scf.yield %sub3A_450, %add3A_459 : i32, i32
          }
          %broadcast_in_dim3A_411 = vector.broadcast %scan3A_359 : i32 to vector<16xi32>
          %broadcast_in_dim3A_412 = vector.broadcast %sub3A_378 : i32 to vector<16xi32>
          %iota3A_413 = tpu.iota {dimensions = array<i32: 0>} : vector<16xi32>
          %eq3A_414 = arith.constant 0 : i32
          %eq3A_415 = vector.broadcast %eq3A_414 : i32 to vector<16xi32>
          %eq3A_416 = arith.cmpi eq, %iota3A_413, %eq3A_415 : vector<16xi32>
          tpu.vector_store_idx %arg13[%broadcast_in_dim3A_411], %broadcast_in_dim3A_412 masked %eq3A_416 {add = true} : memref<16xi32, #tpu.memory_space<vmem>>[vector<16xi32>], vector<16xi32>, vector<16xi1>
        } else {
        }
        %scan3A_383 = arith.constant 0 : i32
        scf.yield %scan3A_383 : i32
      }
      %scan3A_34 = arith.constant 5 : i32
      %get3A_35 = arith.constant 0 : index
      %get3A_36 = tpu.vector_load %arg13[%get3A_35] {strides = array<i32>} : memref<16xi32, #tpu.memory_space<vmem>>, vector<16xi32>,
      %iota3A_37 = tpu.iota {dimensions = array<i32: 0>} : vector<16xi32>
      %eq3A_38 = arith.constant 0 : i32
      %eq3A_39 = vector.broadcast %eq3A_38 : i32 to vector<16xi32>
      %eq3A_40 = arith.cmpi eq, %iota3A_37, %eq3A_39 : vector<16xi32>
      %jit3A = arith.constant -2147483648 : i32
      %broadcast_in_dim3A_41 = vector.broadcast %jit3A : i32 to vector<16xi32>
      %select_n3A = arith.select %eq3A_40, %get3A_36, %broadcast_in_dim3A_41 : vector<16xi1>, vector<16xi32>
      %reduce_max3A = arith.constant true
      %reduce_max3A_42 = vector.broadcast %reduce_max3A : i1 to vector<16xi1>
      %reduce_max3A_43 = arith.constant -2147483648 : i32
      %reduce_max3A_44 = vector.broadcast %reduce_max3A_43 : i32 to vector<16xi32>
      %reduce_max3A_45 = arith.xori %select_n3A, %reduce_max3A_44 : vector<16xi32>
      %reduce_max3A_46 = tpu.scan <max>, %reduce_max3A_45 masked %reduce_max3A_42 : vector<16xi32>, vector<16xi1> -> vector<16xi32>
      %reduce_max3A_47 = arith.xori %reduce_max3A_46, %reduce_max3A_44 : vector<16xi32>
      %reduce_max3A_48 = vector.extract %reduce_max3A_47[15] : i32 from vector<16xi32>
      %sub3A = arith.constant 1024 : i32
      %sub3A_49 = arith.subi %reduce_max3A_48, %sub3A : i32
      %max3A = arith.constant 0 : i32
      %max3A_50 = arith.maxsi %sub3A_49, %max3A : i32
      %get3A_51 = arith.constant 0 : index
      %get3A_52 = tpu.vector_load %arg13[%get3A_51] {strides = array<i32>} : memref<16xi32, #tpu.memory_space<vmem>>, vector<16xi32>,
      %iota3A_53 = tpu.iota {dimensions = array<i32: 0>} : vector<16xi32>
      %eq3A_54 = arith.constant 1 : i32
      %eq3A_55 = vector.broadcast %eq3A_54 : i32 to vector<16xi32>
      %eq3A_56 = arith.cmpi eq, %iota3A_53, %eq3A_55 : vector<16xi32>
      %jit3A_57 = arith.constant -2147483648 : i32
      %broadcast_in_dim3A_58 = vector.broadcast %jit3A_57 : i32 to vector<16xi32>
      %select_n3A_59 = arith.select %eq3A_56, %get3A_52, %broadcast_in_dim3A_58 : vector<16xi1>, vector<16xi32>
      %reduce_max3A_60 = arith.constant true
      %reduce_max3A_61 = vector.broadcast %reduce_max3A_60 : i1 to vector<16xi1>
      %reduce_max3A_62 = arith.constant -2147483648 : i32
      %reduce_max3A_63 = vector.broadcast %reduce_max3A_62 : i32 to vector<16xi32>
      %reduce_max3A_64 = arith.xori %select_n3A_59, %reduce_max3A_63 : vector<16xi32>
      %reduce_max3A_65 = tpu.scan <max>, %reduce_max3A_64 masked %reduce_max3A_61 : vector<16xi32>, vector<16xi1> -> vector<16xi32>
      %reduce_max3A_66 = arith.xori %reduce_max3A_65, %reduce_max3A_63 : vector<16xi32>
      %reduce_max3A_67 = vector.extract %reduce_max3A_66[15] : i32 from vector<16xi32>
      %sub3A_68 = arith.constant 1024 : i32
      %sub3A_69 = arith.subi %reduce_max3A_67, %sub3A_68 : i32
      %max3A_70 = arith.constant 0 : i32
      %max3A_71 = arith.maxsi %sub3A_69, %max3A_70 : i32
      %get3A_72 = arith.constant 0 : index
      %get3A_73 = tpu.vector_load %arg13[%get3A_72] {strides = array<i32>} : memref<16xi32, #tpu.memory_space<vmem>>, vector<16xi32>,
      %iota3A_74 = tpu.iota {dimensions = array<i32: 0>} : vector<16xi32>
      %eq3A_75 = arith.constant 2 : i32
      %eq3A_76 = vector.broadcast %eq3A_75 : i32 to vector<16xi32>
      %eq3A_77 = arith.cmpi eq, %iota3A_74, %eq3A_76 : vector<16xi32>
      %jit3A_78 = arith.constant -2147483648 : i32
      %broadcast_in_dim3A_79 = vector.broadcast %jit3A_78 : i32 to vector<16xi32>
      %select_n3A_80 = arith.select %eq3A_77, %get3A_73, %broadcast_in_dim3A_79 : vector<16xi1>, vector<16xi32>
      %reduce_max3A_81 = arith.constant true
      %reduce_max3A_82 = vector.broadcast %reduce_max3A_81 : i1 to vector<16xi1>
      %reduce_max3A_83 = arith.constant -2147483648 : i32
      %reduce_max3A_84 = vector.broadcast %reduce_max3A_83 : i32 to vector<16xi32>
      %reduce_max3A_85 = arith.xori %select_n3A_80, %reduce_max3A_84 : vector<16xi32>
      %reduce_max3A_86 = tpu.scan <max>, %reduce_max3A_85 masked %reduce_max3A_82 : vector<16xi32>, vector<16xi1> -> vector<16xi32>
      %reduce_max3A_87 = arith.xori %reduce_max3A_86, %reduce_max3A_84 : vector<16xi32>
      %reduce_max3A_88 = vector.extract %reduce_max3A_87[15] : i32 from vector<16xi32>
      %sub3A_89 = arith.constant 1024 : i32
      %sub3A_90 = arith.subi %reduce_max3A_88, %sub3A_89 : i32
      %max3A_91 = arith.constant 0 : i32
      %max3A_92 = arith.maxsi %sub3A_90, %max3A_91 : i32
      %get3A_93 = arith.constant 0 : index
      %get3A_94 = tpu.vector_load %arg13[%get3A_93] {strides = array<i32>} : memref<16xi32, #tpu.memory_space<vmem>>, vector<16xi32>,
      %iota3A_95 = tpu.iota {dimensions = array<i32: 0>} : vector<16xi32>
      %eq3A_96 = arith.constant 3 : i32
      %eq3A_97 = vector.broadcast %eq3A_96 : i32 to vector<16xi32>
      %eq3A_98 = arith.cmpi eq, %iota3A_95, %eq3A_97 : vector<16xi32>
      %jit3A_99 = arith.constant -2147483648 : i32
      %broadcast_in_dim3A_100 = vector.broadcast %jit3A_99 : i32 to vector<16xi32>
      %select_n3A_101 = arith.select %eq3A_98, %get3A_94, %broadcast_in_dim3A_100 : vector<16xi1>, vector<16xi32>
      %reduce_max3A_102 = arith.constant true
      %reduce_max3A_103 = vector.broadcast %reduce_max3A_102 : i1 to vector<16xi1>
      %reduce_max3A_104 = arith.constant -2147483648 : i32
      %reduce_max3A_105 = vector.broadcast %reduce_max3A_104 : i32 to vector<16xi32>
      %reduce_max3A_106 = arith.xori %select_n3A_101, %reduce_max3A_105 : vector<16xi32>
      %reduce_max3A_107 = tpu.scan <max>, %reduce_max3A_106 masked %reduce_max3A_103 : vector<16xi32>, vector<16xi1> -> vector<16xi32>
      %reduce_max3A_108 = arith.xori %reduce_max3A_107, %reduce_max3A_105 : vector<16xi32>
      %reduce_max3A_109 = vector.extract %reduce_max3A_108[15] : i32 from vector<16xi32>
      %sub3A_110 = arith.constant 1024 : i32
      %sub3A_111 = arith.subi %reduce_max3A_109, %sub3A_110 : i32
      %max3A_112 = arith.constant 0 : i32
      %max3A_113 = arith.maxsi %sub3A_111, %max3A_112 : i32
      %get3A_114 = arith.constant 0 : index
      %get3A_115 = tpu.vector_load %arg13[%get3A_114] {strides = array<i32>} : memref<16xi32, #tpu.memory_space<vmem>>, vector<16xi32>,
      %iota3A_116 = tpu.iota {dimensions = array<i32: 0>} : vector<16xi32>
      %eq3A_117 = arith.constant 4 : i32
      %eq3A_118 = vector.broadcast %eq3A_117 : i32 to vector<16xi32>
      %eq3A_119 = arith.cmpi eq, %iota3A_116, %eq3A_118 : vector<16xi32>
      %jit3A_120 = arith.constant -2147483648 : i32
      %broadcast_in_dim3A_121 = vector.broadcast %jit3A_120 : i32 to vector<16xi32>
      %select_n3A_122 = arith.select %eq3A_119, %get3A_115, %broadcast_in_dim3A_121 : vector<16xi1>, vector<16xi32>
      %reduce_max3A_123 = arith.constant true
      %reduce_max3A_124 = vector.broadcast %reduce_max3A_123 : i1 to vector<16xi1>
      %reduce_max3A_125 = arith.constant -2147483648 : i32
      %reduce_max3A_126 = vector.broadcast %reduce_max3A_125 : i32 to vector<16xi32>
      %reduce_max3A_127 = arith.xori %select_n3A_122, %reduce_max3A_126 : vector<16xi32>
      %reduce_max3A_128 = tpu.scan <max>, %reduce_max3A_127 masked %reduce_max3A_124 : vector<16xi32>, vector<16xi1> -> vector<16xi32>
      %reduce_max3A_129 = arith.xori %reduce_max3A_128, %reduce_max3A_126 : vector<16xi32>
      %reduce_max3A_130 = vector.extract %reduce_max3A_129[15] : i32 from vector<16xi32>
      %sub3A_131 = arith.constant 1024 : i32
      %sub3A_132 = arith.subi %reduce_max3A_130, %sub3A_131 : i32
      %max3A_133 = arith.constant 0 : i32
      %max3A_134 = arith.maxsi %sub3A_132, %max3A_133 : i32
      %add3A_135 = arith.constant 0 : i32
      %add3A_136 = arith.addi %add3A_135, %max3A_50 : i32
      %add3A_137 = arith.addi %add3A_136, %max3A_71 : i32
      %add3A_138 = arith.addi %add3A_137, %max3A_92 : i32
      %add3A_139 = arith.addi %add3A_138, %max3A_113 : i32
      %scan3A_140 = arith.constant 0 : i32
      %scan3A_141 = arith.constant 0 : i32
      %scan3A_142 = arith.constant 0 : i32
      %scan3A_143 = arith.constant 0 : i32
      %scan3A_144 = arith.constant 0 : i32
      %scan3A_145 = arith.constant 0 : i32
      %scan3A_146 = arith.constant 0 : i32
      %scan3A_147 = arith.constant 512 : i32
      %scan3A_148 = arith.addi %scan3A_146, %scan3A_147 : i32
      %scan3A_149 = arith.constant 1 : i32
      %scan3A_150:5 = scf.for %scan3A_359 = %scan3A_146 to %scan3A_148 step %scan3A_149 iter_args(%scan3A_360 = %scan3A_141, %scan3A_361 = %scan3A_142, %scan3A_362 = %scan3A_143, %scan3A_363 = %scan3A_144, %scan3A_364 = %scan3A_145) -> (i32, i32, i32, i32, i32)  : i32 {
        %mul3A_365 = arith.constant 16 : i32
        %mul3A_366 = arith.muli %scan3A_359, %mul3A_365 : i32
        %iota3A_367 = tpu.iota {dimensions = array<i32: 0>} : vector<16xi32>
        %add3A_368 = vector.broadcast %mul3A_366 : i32 to vector<16xi32>
        %add3A_369 = arith.addi %add3A_368, %iota3A_367 : vector<16xi32>
        %get3A_370 = arith.index_cast %mul3A_366 : i32 to index
        %get3A_371 = tpu.vector_load %arg7[%get3A_370] {strides = array<i32>} : memref<8192xi32, #tpu.memory_space<vmem>>, vector<16xi32>,
        %get3A_372 = arith.index_cast %mul3A_366 : i32 to index
        %get3A_373 = tpu.vector_load %arg8[%get3A_372] {strides = array<i32>} : memref<8192xi32, #tpu.memory_space<vmem>>, vector<16xi32>,
        %eq3A_374 = arith.constant 0 : i32
        %eq3A_375 = vector.broadcast %eq3A_374 : i32 to vector<16xi32>
        %eq3A_376 = arith.cmpi eq, %get3A_371, %eq3A_375 : vector<16xi32>
        %convert_element_type3A_377 = arith.extui %eq3A_376 : vector<16xi1> to vector<16xi32>
        %broadcast_in_dim3A_378 = arith.constant true
        %broadcast_in_dim3A_379 = vector.broadcast %broadcast_in_dim3A_378 : i1 to vector<16xi1>
        %masked_cumsum3A = tpu.scan <sum>, %convert_element_type3A_377 masked %broadcast_in_dim3A_379 : vector<16xi32>, vector<16xi1> -> vector<16xi32>
        %broadcast_in_dim3A_380 = vector.broadcast %scan3A_360 : i32 to vector<16xi32>
        %add3A_381 = arith.addi %broadcast_in_dim3A_380, %masked_cumsum3A : vector<16xi32>
        %sub3A_382 = arith.constant 1 : i32
        %sub3A_383 = vector.broadcast %sub3A_382 : i32 to vector<16xi32>
        %sub3A_384 = arith.subi %add3A_381, %sub3A_383 : vector<16xi32>
        %select_n3A_385 = arith.select %eq3A_376, %sub3A_384, %get3A_373 : vector<16xi1>, vector<16xi32>
        %ge3A = arith.constant 1024 : i32
        %ge3A_386 = vector.broadcast %ge3A : i32 to vector<16xi32>
        %ge3A_387 = arith.cmpi sge, %sub3A_384, %ge3A_386 : vector<16xi32>
        %and3A = arith.andi %eq3A_376, %ge3A_387 : vector<16xi1>
        %sub3A_388 = arith.constant 1024 : i32
        %sub3A_389 = arith.subi %scan3A_140, %sub3A_388 : i32
        %broadcast_in_dim3A_390 = vector.broadcast %sub3A_389 : i32 to vector<16xi32>
        %add3A_391 = arith.addi %broadcast_in_dim3A_390, %sub3A_384 : vector<16xi32>
        tpu.vector_store_idx %arg10[%add3A_391], %add3A_369 masked %and3A : memref<3072xi32, #tpu.memory_space<vmem>>[vector<16xi32>], vector<16xi32>, vector<16xi1>
        %reduce_max3A_392 = arith.constant true
        %reduce_max3A_393 = vector.broadcast %reduce_max3A_392 : i1 to vector<16xi1>
        %reduce_max3A_394 = arith.constant -2147483648 : i32
        %reduce_max3A_395 = vector.broadcast %reduce_max3A_394 : i32 to vector<16xi32>
        %reduce_max3A_396 = arith.xori %masked_cumsum3A, %reduce_max3A_395 : vector<16xi32>
        %reduce_max3A_397 = tpu.scan <max>, %reduce_max3A_396 masked %reduce_max3A_393 : vector<16xi32>, vector<16xi1> -> vector<16xi32>
        %reduce_max3A_398 = arith.xori %reduce_max3A_397, %reduce_max3A_395 : vector<16xi32>
        %reduce_max3A_399 = vector.extract %reduce_max3A_398[15] : i32 from vector<16xi32>
        %add3A_400 = arith.addi %scan3A_360, %reduce_max3A_399 : i32
        %eq3A_401 = arith.constant 1 : i32
        %eq3A_402 = vector.broadcast %eq3A_401 : i32 to vector<16xi32>
        %eq3A_403 = arith.cmpi eq, %get3A_371, %eq3A_402 : vector<16xi32>
        %convert_element_type3A_404 = arith.extui %eq3A_403 : vector<16xi1> to vector<16xi32>
        %broadcast_in_dim3A_405 = arith.constant true
        %broadcast_in_dim3A_406 = vector.broadcast %broadcast_in_dim3A_405 : i1 to vector<16xi1>
        %masked_cumsum3A_407 = tpu.scan <sum>, %convert_element_type3A_404 masked %broadcast_in_dim3A_406 : vector<16xi32>, vector<16xi1> -> vector<16xi32>
        %broadcast_in_dim3A_408 = vector.broadcast %scan3A_361 : i32 to vector<16xi32>
        %add3A_409 = arith.addi %broadcast_in_dim3A_408, %masked_cumsum3A_407 : vector<16xi32>
        %sub3A_410 = arith.constant 1 : i32
        %sub3A_411 = vector.broadcast %sub3A_410 : i32 to vector<16xi32>
        %sub3A_412 = arith.subi %add3A_409, %sub3A_411 : vector<16xi32>
        %select_n3A_413 = arith.select %eq3A_403, %sub3A_412, %select_n3A_385 : vector<16xi1>, vector<16xi32>
        %ge3A_414 = arith.constant 1024 : i32
        %ge3A_415 = vector.broadcast %ge3A_414 : i32 to vector<16xi32>
        %ge3A_416 = arith.cmpi sge, %sub3A_412, %ge3A_415 : vector<16xi32>
        %and3A_417 = arith.andi %eq3A_403, %ge3A_416 : vector<16xi1>
        %sub3A_418 = arith.constant 1024 : i32
        %sub3A_419 = arith.subi %add3A_136, %sub3A_418 : i32
        %broadcast_in_dim3A_420 = vector.broadcast %sub3A_419 : i32 to vector<16xi32>
        %add3A_421 = arith.addi %broadcast_in_dim3A_420, %sub3A_412 : vector<16xi32>
        tpu.vector_store_idx %arg10[%add3A_421], %add3A_369 masked %and3A_417 : memref<3072xi32, #tpu.memory_space<vmem>>[vector<16xi32>], vector<16xi32>, vector<16xi1>
        %reduce_max3A_422 = arith.constant true
        %reduce_max3A_423 = vector.broadcast %reduce_max3A_422 : i1 to vector<16xi1>
        %reduce_max3A_424 = arith.constant -2147483648 : i32
        %reduce_max3A_425 = vector.broadcast %reduce_max3A_424 : i32 to vector<16xi32>
        %reduce_max3A_426 = arith.xori %masked_cumsum3A_407, %reduce_max3A_425 : vector<16xi32>
        %reduce_max3A_427 = tpu.scan <max>, %reduce_max3A_426 masked %reduce_max3A_423 : vector<16xi32>, vector<16xi1> -> vector<16xi32>
        %reduce_max3A_428 = arith.xori %reduce_max3A_427, %reduce_max3A_425 : vector<16xi32>
        %reduce_max3A_429 = vector.extract %reduce_max3A_428[15] : i32 from vector<16xi32>
        %add3A_430 = arith.addi %scan3A_361, %reduce_max3A_429 : i32
        %eq3A_431 = arith.constant 2 : i32
        %eq3A_432 = vector.broadcast %eq3A_431 : i32 to vector<16xi32>
        %eq3A_433 = arith.cmpi eq, %get3A_371, %eq3A_432 : vector<16xi32>
        %convert_element_type3A_434 = arith.extui %eq3A_433 : vector<16xi1> to vector<16xi32>
        %broadcast_in_dim3A_435 = arith.constant true
        %broadcast_in_dim3A_436 = vector.broadcast %broadcast_in_dim3A_435 : i1 to vector<16xi1>
        %masked_cumsum3A_437 = tpu.scan <sum>, %convert_element_type3A_434 masked %broadcast_in_dim3A_436 : vector<16xi32>, vector<16xi1> -> vector<16xi32>
        %broadcast_in_dim3A_438 = vector.broadcast %scan3A_362 : i32 to vector<16xi32>
        %add3A_439 = arith.addi %broadcast_in_dim3A_438, %masked_cumsum3A_437 : vector<16xi32>
        %sub3A_440 = arith.constant 1 : i32
        %sub3A_441 = vector.broadcast %sub3A_440 : i32 to vector<16xi32>
        %sub3A_442 = arith.subi %add3A_439, %sub3A_441 : vector<16xi32>
        %select_n3A_443 = arith.select %eq3A_433, %sub3A_442, %select_n3A_413 : vector<16xi1>, vector<16xi32>
        %ge3A_444 = arith.constant 1024 : i32
        %ge3A_445 = vector.broadcast %ge3A_444 : i32 to vector<16xi32>
        %ge3A_446 = arith.cmpi sge, %sub3A_442, %ge3A_445 : vector<16xi32>
        %and3A_447 = arith.andi %eq3A_433, %ge3A_446 : vector<16xi1>
        %sub3A_448 = arith.constant 1024 : i32
        %sub3A_449 = arith.subi %add3A_137, %sub3A_448 : i32
        %broadcast_in_dim3A_450 = vector.broadcast %sub3A_449 : i32 to vector<16xi32>
        %add3A_451 = arith.addi %broadcast_in_dim3A_450, %sub3A_442 : vector<16xi32>
        tpu.vector_store_idx %arg10[%add3A_451], %add3A_369 masked %and3A_447 : memref<3072xi32, #tpu.memory_space<vmem>>[vector<16xi32>], vector<16xi32>, vector<16xi1>
        %reduce_max3A_452 = arith.constant true
        %reduce_max3A_453 = vector.broadcast %reduce_max3A_452 : i1 to vector<16xi1>
        %reduce_max3A_454 = arith.constant -2147483648 : i32
        %reduce_max3A_455 = vector.broadcast %reduce_max3A_454 : i32 to vector<16xi32>
        %reduce_max3A_456 = arith.xori %masked_cumsum3A_437, %reduce_max3A_455 : vector<16xi32>
        %reduce_max3A_457 = tpu.scan <max>, %reduce_max3A_456 masked %reduce_max3A_453 : vector<16xi32>, vector<16xi1> -> vector<16xi32>
        %reduce_max3A_458 = arith.xori %reduce_max3A_457, %reduce_max3A_455 : vector<16xi32>
        %reduce_max3A_459 = vector.extract %reduce_max3A_458[15] : i32 from vector<16xi32>
        %add3A_460 = arith.addi %scan3A_362, %reduce_max3A_459 : i32
        %eq3A_461 = arith.constant 3 : i32
        %eq3A_462 = vector.broadcast %eq3A_461 : i32 to vector<16xi32>
        %eq3A_463 = arith.cmpi eq, %get3A_371, %eq3A_462 : vector<16xi32>
        %convert_element_type3A_464 = arith.extui %eq3A_463 : vector<16xi1> to vector<16xi32>
        %broadcast_in_dim3A_465 = arith.constant true
        %broadcast_in_dim3A_466 = vector.broadcast %broadcast_in_dim3A_465 : i1 to vector<16xi1>
        %masked_cumsum3A_467 = tpu.scan <sum>, %convert_element_type3A_464 masked %broadcast_in_dim3A_466 : vector<16xi32>, vector<16xi1> -> vector<16xi32>
        %broadcast_in_dim3A_468 = vector.broadcast %scan3A_363 : i32 to vector<16xi32>
        %add3A_469 = arith.addi %broadcast_in_dim3A_468, %masked_cumsum3A_467 : vector<16xi32>
        %sub3A_470 = arith.constant 1 : i32
        %sub3A_471 = vector.broadcast %sub3A_470 : i32 to vector<16xi32>
        %sub3A_472 = arith.subi %add3A_469, %sub3A_471 : vector<16xi32>
        %select_n3A_473 = arith.select %eq3A_463, %sub3A_472, %select_n3A_443 : vector<16xi1>, vector<16xi32>
        %ge3A_474 = arith.constant 1024 : i32
        %ge3A_475 = vector.broadcast %ge3A_474 : i32 to vector<16xi32>
        %ge3A_476 = arith.cmpi sge, %sub3A_472, %ge3A_475 : vector<16xi32>
        %and3A_477 = arith.andi %eq3A_463, %ge3A_476 : vector<16xi1>
        %sub3A_478 = arith.constant 1024 : i32
        %sub3A_479 = arith.subi %add3A_138, %sub3A_478 : i32
        %broadcast_in_dim3A_480 = vector.broadcast %sub3A_479 : i32 to vector<16xi32>
        %add3A_481 = arith.addi %broadcast_in_dim3A_480, %sub3A_472 : vector<16xi32>
        tpu.vector_store_idx %arg10[%add3A_481], %add3A_369 masked %and3A_477 : memref<3072xi32, #tpu.memory_space<vmem>>[vector<16xi32>], vector<16xi32>, vector<16xi1>
        %reduce_max3A_482 = arith.constant true
        %reduce_max3A_483 = vector.broadcast %reduce_max3A_482 : i1 to vector<16xi1>
        %reduce_max3A_484 = arith.constant -2147483648 : i32
        %reduce_max3A_485 = vector.broadcast %reduce_max3A_484 : i32 to vector<16xi32>
        %reduce_max3A_486 = arith.xori %masked_cumsum3A_467, %reduce_max3A_485 : vector<16xi32>
        %reduce_max3A_487 = tpu.scan <max>, %reduce_max3A_486 masked %reduce_max3A_483 : vector<16xi32>, vector<16xi1> -> vector<16xi32>
        %reduce_max3A_488 = arith.xori %reduce_max3A_487, %reduce_max3A_485 : vector<16xi32>
        %reduce_max3A_489 = vector.extract %reduce_max3A_488[15] : i32 from vector<16xi32>
        %add3A_490 = arith.addi %scan3A_363, %reduce_max3A_489 : i32
        %eq3A_491 = arith.constant 4 : i32
        %eq3A_492 = vector.broadcast %eq3A_491 : i32 to vector<16xi32>
        %eq3A_493 = arith.cmpi eq, %get3A_371, %eq3A_492 : vector<16xi32>
        %convert_element_type3A_494 = arith.extui %eq3A_493 : vector<16xi1> to vector<16xi32>
        %broadcast_in_dim3A_495 = arith.constant true
        %broadcast_in_dim3A_496 = vector.broadcast %broadcast_in_dim3A_495 : i1 to vector<16xi1>
        %masked_cumsum3A_497 = tpu.scan <sum>, %convert_element_type3A_494 masked %broadcast_in_dim3A_496 : vector<16xi32>, vector<16xi1> -> vector<16xi32>
        %broadcast_in_dim3A_498 = vector.broadcast %scan3A_364 : i32 to vector<16xi32>
        %add3A_499 = arith.addi %broadcast_in_dim3A_498, %masked_cumsum3A_497 : vector<16xi32>
        %sub3A_500 = arith.constant 1 : i32
        %sub3A_501 = vector.broadcast %sub3A_500 : i32 to vector<16xi32>
        %sub3A_502 = arith.subi %add3A_499, %sub3A_501 : vector<16xi32>
        %select_n3A_503 = arith.select %eq3A_493, %sub3A_502, %select_n3A_473 : vector<16xi1>, vector<16xi32>
        %ge3A_504 = arith.constant 1024 : i32
        %ge3A_505 = vector.broadcast %ge3A_504 : i32 to vector<16xi32>
        %ge3A_506 = arith.cmpi sge, %sub3A_502, %ge3A_505 : vector<16xi32>
        %and3A_507 = arith.andi %eq3A_493, %ge3A_506 : vector<16xi1>
        %sub3A_508 = arith.constant 1024 : i32
        %sub3A_509 = arith.subi %add3A_139, %sub3A_508 : i32
        %broadcast_in_dim3A_510 = vector.broadcast %sub3A_509 : i32 to vector<16xi32>
        %add3A_511 = arith.addi %broadcast_in_dim3A_510, %sub3A_502 : vector<16xi32>
        tpu.vector_store_idx %arg10[%add3A_511], %add3A_369 masked %and3A_507 : memref<3072xi32, #tpu.memory_space<vmem>>[vector<16xi32>], vector<16xi32>, vector<16xi1>
        %reduce_max3A_512 = arith.constant true
        %reduce_max3A_513 = vector.broadcast %reduce_max3A_512 : i1 to vector<16xi1>
        %reduce_max3A_514 = arith.constant -2147483648 : i32
        %reduce_max3A_515 = vector.broadcast %reduce_max3A_514 : i32 to vector<16xi32>
        %reduce_max3A_516 = arith.xori %masked_cumsum3A_497, %reduce_max3A_515 : vector<16xi32>
        %reduce_max3A_517 = tpu.scan <max>, %reduce_max3A_516 masked %reduce_max3A_513 : vector<16xi32>, vector<16xi1> -> vector<16xi32>
        %reduce_max3A_518 = arith.xori %reduce_max3A_517, %reduce_max3A_515 : vector<16xi32>
        %reduce_max3A_519 = vector.extract %reduce_max3A_518[15] : i32 from vector<16xi32>
        %add3A_520 = arith.addi %scan3A_364, %reduce_max3A_519 : i32
        %swap3A_521 = arith.index_cast %mul3A_366 : i32 to index
        %swap3A_522 = tpu.vector_load %arg8[%swap3A_521] {strides = array<i32>} : memref<8192xi32, #tpu.memory_space<vmem>>, vector<16xi32>,
        tpu.vector_store %arg8[%swap3A_521], %select_n3A_503 {strides = array<i32>} : memref<8192xi32, #tpu.memory_space<vmem>>, vector<16xi32>,
        scf.yield %add3A_400, %add3A_430, %add3A_460, %add3A_490, %add3A_520 : i32, i32, i32, i32, i32
      }
      %scan3A_151 = arith.constant 512 : i32
      %lt3A = arith.constant 5 : i32
      %lt3A_152 = vector.broadcast %lt3A : i32 to vector<16xi32>
      %lt3A_153 = arith.cmpi slt, %iota3A, %lt3A_152 : vector<16xi32>
      %jit3A_154 = arith.constant 1024 : i32
      %jit3A_155 = arith.constant 2663 : i32
      %broadcast_in_dim3A_156 = vector.broadcast %jit3A_154 : i32 to vector<16xi32>
      %broadcast_in_dim3A_157 = vector.broadcast %jit3A_155 : i32 to vector<16xi32>
      %select_n3A_158 = arith.select %lt3A_153, %broadcast_in_dim3A_156, %broadcast_in_dim3A_157 : vector<16xi1>, vector<16xi32>
      %scan3A_159 = arith.constant 0 : i32
      %scan3A_160 = arith.constant 192 : i32
      %scan3A_161 = arith.addi %scan3A_159, %scan3A_160 : i32
      %scan3A_162 = arith.constant 1 : i32
      %scan3A_163 = scf.for %scan3A_359 = %scan3A_159 to %scan3A_161 step %scan3A_162 iter_args(%scan3A_360 = %select_n3A_158) -> (vector<16xi32>)  : i32 {
        %mul3A_361 = arith.constant 16 : i32
        %mul3A_362 = arith.muli %scan3A_359, %mul3A_361 : i32
        %get3A_363 = arith.index_cast %mul3A_362 : i32 to index
        %get3A_364 = tpu.vector_load %arg10[%get3A_363] {strides = array<i32>} : memref<3072xi32, #tpu.memory_space<vmem>>, vector<16xi32>,
        %add3A_365 = arith.constant 0 : i32
        %add3A_366 = vector.broadcast %add3A_365 : i32 to vector<16xi32>
        %add3A_367 = arith.addi %add3A_366, %get3A_364 : vector<16xi32>
        %gather3A = tpu.vector_load_idx %arg5[%add3A_367] : memref<40960xi32, #tpu.memory_space<vmem>>[vector<16xi32>], vector<16xi32>,
        %add3A_368 = arith.constant 8192 : i32
        %add3A_369 = vector.broadcast %add3A_368 : i32 to vector<16xi32>
        %add3A_370 = arith.addi %add3A_369, %get3A_364 : vector<16xi32>
        %gather3A_371 = tpu.vector_load_idx %arg5[%add3A_370] : memref<40960xi32, #tpu.memory_space<vmem>>[vector<16xi32>], vector<16xi32>,
        %add3A_372 = arith.constant 16384 : i32
        %add3A_373 = vector.broadcast %add3A_372 : i32 to vector<16xi32>
        %add3A_374 = arith.addi %add3A_373, %get3A_364 : vector<16xi32>
        %gather3A_375 = tpu.vector_load_idx %arg5[%add3A_374] : memref<40960xi32, #tpu.memory_space<vmem>>[vector<16xi32>], vector<16xi32>,
        %add3A_376 = arith.constant 24576 : i32
        %add3A_377 = vector.broadcast %add3A_376 : i32 to vector<16xi32>
        %add3A_378 = arith.addi %add3A_377, %get3A_364 : vector<16xi32>
        %gather3A_379 = tpu.vector_load_idx %arg5[%add3A_378] : memref<40960xi32, #tpu.memory_space<vmem>>[vector<16xi32>], vector<16xi32>,
        %add3A_380 = arith.constant 32768 : i32
        %add3A_381 = vector.broadcast %add3A_380 : i32 to vector<16xi32>
        %add3A_382 = arith.addi %add3A_381, %get3A_364 : vector<16xi32>
        %gather3A_383 = tpu.vector_load_idx %arg5[%add3A_382] : memref<40960xi32, #tpu.memory_space<vmem>>[vector<16xi32>], vector<16xi32>,
        %iota3A_384 = tpu.iota {dimensions = array<i32: 0>} : vector<16xi32>
        %eq3A_385 = arith.constant 0 : i32
        %eq3A_386 = vector.broadcast %eq3A_385 : i32 to vector<16xi32>
        %eq3A_387 = arith.cmpi eq, %iota3A_384, %eq3A_386 : vector<16xi32>
        %jit3A_388 = arith.constant -2147483648 : i32
        %broadcast_in_dim3A_389 = vector.broadcast %jit3A_388 : i32 to vector<16xi32>
        %select_n3A_390 = arith.select %eq3A_387, %scan3A_360, %broadcast_in_dim3A_389 : vector<16xi1>, vector<16xi32>
        %reduce_max3A_391 = arith.constant true
        %reduce_max3A_392 = vector.broadcast %reduce_max3A_391 : i1 to vector<16xi1>
        %reduce_max3A_393 = arith.constant -2147483648 : i32
        %reduce_max3A_394 = vector.broadcast %reduce_max3A_393 : i32 to vector<16xi32>
        %reduce_max3A_395 = arith.xori %select_n3A_390, %reduce_max3A_394 : vector<16xi32>
        %reduce_max3A_396 = tpu.scan <max>, %reduce_max3A_395 masked %reduce_max3A_392 : vector<16xi32>, vector<16xi1> -> vector<16xi32>
        %reduce_max3A_397 = arith.xori %reduce_max3A_396, %reduce_max3A_394 : vector<16xi32>
        %reduce_max3A_398 = vector.extract %reduce_max3A_397[15] : i32 from vector<16xi32>
        %iota3A_399 = tpu.iota {dimensions = array<i32: 0>} : vector<16xi32>
        %eq3A_400 = arith.constant 1 : i32
        %eq3A_401 = vector.broadcast %eq3A_400 : i32 to vector<16xi32>
        %eq3A_402 = arith.cmpi eq, %iota3A_399, %eq3A_401 : vector<16xi32>
        %jit3A_403 = arith.constant -2147483648 : i32
        %broadcast_in_dim3A_404 = vector.broadcast %jit3A_403 : i32 to vector<16xi32>
        %select_n3A_405 = arith.select %eq3A_402, %scan3A_360, %broadcast_in_dim3A_404 : vector<16xi1>, vector<16xi32>
        %reduce_max3A_406 = arith.constant true
        %reduce_max3A_407 = vector.broadcast %reduce_max3A_406 : i1 to vector<16xi1>
        %reduce_max3A_408 = arith.constant -2147483648 : i32
        %reduce_max3A_409 = vector.broadcast %reduce_max3A_408 : i32 to vector<16xi32>
        %reduce_max3A_410 = arith.xori %select_n3A_405, %reduce_max3A_409 : vector<16xi32>
        %reduce_max3A_411 = tpu.scan <max>, %reduce_max3A_410 masked %reduce_max3A_407 : vector<16xi32>, vector<16xi1> -> vector<16xi32>
        %reduce_max3A_412 = arith.xori %reduce_max3A_411, %reduce_max3A_409 : vector<16xi32>
        %reduce_max3A_413 = vector.extract %reduce_max3A_412[15] : i32 from vector<16xi32>
        %iota3A_414 = tpu.iota {dimensions = array<i32: 0>} : vector<16xi32>
        %eq3A_415 = arith.constant 2 : i32
        %eq3A_416 = vector.broadcast %eq3A_415 : i32 to vector<16xi32>
        %eq3A_417 = arith.cmpi eq, %iota3A_414, %eq3A_416 : vector<16xi32>
        %jit3A_418 = arith.constant -2147483648 : i32
        %broadcast_in_dim3A_419 = vector.broadcast %jit3A_418 : i32 to vector<16xi32>
        %select_n3A_420 = arith.select %eq3A_417, %scan3A_360, %broadcast_in_dim3A_419 : vector<16xi1>, vector<16xi32>
        %reduce_max3A_421 = arith.constant true
        %reduce_max3A_422 = vector.broadcast %reduce_max3A_421 : i1 to vector<16xi1>
        %reduce_max3A_423 = arith.constant -2147483648 : i32
        %reduce_max3A_424 = vector.broadcast %reduce_max3A_423 : i32 to vector<16xi32>
        %reduce_max3A_425 = arith.xori %select_n3A_420, %reduce_max3A_424 : vector<16xi32>
        %reduce_max3A_426 = tpu.scan <max>, %reduce_max3A_425 masked %reduce_max3A_422 : vector<16xi32>, vector<16xi1> -> vector<16xi32>
        %reduce_max3A_427 = arith.xori %reduce_max3A_426, %reduce_max3A_424 : vector<16xi32>
        %reduce_max3A_428 = vector.extract %reduce_max3A_427[15] : i32 from vector<16xi32>
        %iota3A_429 = tpu.iota {dimensions = array<i32: 0>} : vector<16xi32>
        %eq3A_430 = arith.constant 3 : i32
        %eq3A_431 = vector.broadcast %eq3A_430 : i32 to vector<16xi32>
        %eq3A_432 = arith.cmpi eq, %iota3A_429, %eq3A_431 : vector<16xi32>
        %jit3A_433 = arith.constant -2147483648 : i32
        %broadcast_in_dim3A_434 = vector.broadcast %jit3A_433 : i32 to vector<16xi32>
        %select_n3A_435 = arith.select %eq3A_432, %scan3A_360, %broadcast_in_dim3A_434 : vector<16xi1>, vector<16xi32>
        %reduce_max3A_436 = arith.constant true
        %reduce_max3A_437 = vector.broadcast %reduce_max3A_436 : i1 to vector<16xi1>
        %reduce_max3A_438 = arith.constant -2147483648 : i32
        %reduce_max3A_439 = vector.broadcast %reduce_max3A_438 : i32 to vector<16xi32>
        %reduce_max3A_440 = arith.xori %select_n3A_435, %reduce_max3A_439 : vector<16xi32>
        %reduce_max3A_441 = tpu.scan <max>, %reduce_max3A_440 masked %reduce_max3A_437 : vector<16xi32>, vector<16xi1> -> vector<16xi32>
        %reduce_max3A_442 = arith.xori %reduce_max3A_441, %reduce_max3A_439 : vector<16xi32>
        %reduce_max3A_443 = vector.extract %reduce_max3A_442[15] : i32 from vector<16xi32>
        %iota3A_444 = tpu.iota {dimensions = array<i32: 0>} : vector<16xi32>
        %eq3A_445 = arith.constant 4 : i32
        %eq3A_446 = vector.broadcast %eq3A_445 : i32 to vector<16xi32>
        %eq3A_447 = arith.cmpi eq, %iota3A_444, %eq3A_446 : vector<16xi32>
        %jit3A_448 = arith.constant -2147483648 : i32
        %broadcast_in_dim3A_449 = vector.broadcast %jit3A_448 : i32 to vector<16xi32>
        %select_n3A_450 = arith.select %eq3A_447, %scan3A_360, %broadcast_in_dim3A_449 : vector<16xi1>, vector<16xi32>
        %reduce_max3A_451 = arith.constant true
        %reduce_max3A_452 = vector.broadcast %reduce_max3A_451 : i1 to vector<16xi1>
        %reduce_max3A_453 = arith.constant -2147483648 : i32
        %reduce_max3A_454 = vector.broadcast %reduce_max3A_453 : i32 to vector<16xi32>
        %reduce_max3A_455 = arith.xori %select_n3A_450, %reduce_max3A_454 : vector<16xi32>
        %reduce_max3A_456 = tpu.scan <max>, %reduce_max3A_455 masked %reduce_max3A_452 : vector<16xi32>, vector<16xi1> -> vector<16xi32>
        %reduce_max3A_457 = arith.xori %reduce_max3A_456, %reduce_max3A_454 : vector<16xi32>
        %reduce_max3A_458 = vector.extract %reduce_max3A_457[15] : i32 from vector<16xi32>
        %lt3A_459 = arith.constant 1639 : i32
        %lt3A_460 = arith.cmpi slt, %reduce_max3A_398, %lt3A_459 : i32
        %lt3A_461 = arith.constant 1639 : i32
        %lt3A_462 = arith.cmpi slt, %reduce_max3A_413, %lt3A_461 : i32
        %lt3A_463 = arith.constant 1639 : i32
        %lt3A_464 = arith.cmpi slt, %reduce_max3A_428, %lt3A_463 : i32
        %lt3A_465 = arith.constant 1639 : i32
        %lt3A_466 = arith.cmpi slt, %reduce_max3A_443, %lt3A_465 : i32
        %lt3A_467 = arith.constant 1639 : i32
        %lt3A_468 = arith.cmpi slt, %reduce_max3A_458, %lt3A_467 : i32
        %or3A = arith.ori %lt3A_460, %lt3A_462 : i1
        %or3A_469 = arith.ori %or3A, %lt3A_464 : i1
        %or3A_470 = arith.ori %or3A_469, %lt3A_466 : i1
        %or3A_471 = arith.ori %or3A_470, %lt3A_468 : i1
        %broadcast_in_dim3A_472 = arith.constant -1 : i32
        %broadcast_in_dim3A_473 = vector.broadcast %broadcast_in_dim3A_472 : i32 to vector<16xi32>
        %broadcast_in_dim3A_474 = arith.constant 0 : i32
        %broadcast_in_dim3A_475 = vector.broadcast %broadcast_in_dim3A_474 : i32 to vector<16xi32>
        %not3A = arith.constant true
        %not3A_476 = arith.xori %or3A_471, %not3A : i1
        %or3A_477 = arith.ori %lt3A_460, %not3A_476 : i1
        %broadcast_in_dim3A_478 = arith.constant -1 : i32
        %broadcast_in_dim3A_479 = vector.broadcast %broadcast_in_dim3A_478 : i32 to vector<16xi32>
        %select_n3A_480 = arith.select %or3A_477, %gather3A, %broadcast_in_dim3A_479 : vector<16xi32>
        %gt3A = arith.cmpi sgt, %select_n3A_480, %broadcast_in_dim3A_473 : vector<16xi32>
        %select_n3A_481 = arith.select %gt3A, %select_n3A_480, %broadcast_in_dim3A_473 : vector<16xi1>, vector<16xi32>
        %jit3A_482 = arith.constant 0 : i32
        %broadcast_in_dim3A_483 = vector.broadcast %jit3A_482 : i32 to vector<16xi32>
        %select_n3A_484 = arith.select %gt3A, %broadcast_in_dim3A_483, %broadcast_in_dim3A_475 : vector<16xi1>, vector<16xi32>
        %not3A_485 = arith.constant true
        %not3A_486 = arith.xori %or3A_471, %not3A_485 : i1
        %or3A_487 = arith.ori %lt3A_462, %not3A_486 : i1
        %broadcast_in_dim3A_488 = arith.constant -1 : i32
        %broadcast_in_dim3A_489 = vector.broadcast %broadcast_in_dim3A_488 : i32 to vector<16xi32>
        %select_n3A_490 = arith.select %or3A_487, %gather3A_371, %broadcast_in_dim3A_489 : vector<16xi32>
        %gt3A_491 = arith.cmpi sgt, %select_n3A_490, %select_n3A_481 : vector<16xi32>
        %select_n3A_492 = arith.select %gt3A_491, %select_n3A_490, %select_n3A_481 : vector<16xi1>, vector<16xi32>
        %jit3A_493 = arith.constant 1 : i32
        %broadcast_in_dim3A_494 = vector.broadcast %jit3A_493 : i32 to vector<16xi32>
        %select_n3A_495 = arith.select %gt3A_491, %broadcast_in_dim3A_494, %select_n3A_484 : vector<16xi1>, vector<16xi32>
        %not3A_496 = arith.constant true
        %not3A_497 = arith.xori %or3A_471, %not3A_496 : i1
        %or3A_498 = arith.ori %lt3A_464, %not3A_497 : i1
        %broadcast_in_dim3A_499 = arith.constant -1 : i32
        %broadcast_in_dim3A_500 = vector.broadcast %broadcast_in_dim3A_499 : i32 to vector<16xi32>
        %select_n3A_501 = arith.select %or3A_498, %gather3A_375, %broadcast_in_dim3A_500 : vector<16xi32>
        %gt3A_502 = arith.cmpi sgt, %select_n3A_501, %select_n3A_492 : vector<16xi32>
        %select_n3A_503 = arith.select %gt3A_502, %select_n3A_501, %select_n3A_492 : vector<16xi1>, vector<16xi32>
        %jit3A_504 = arith.constant 2 : i32
        %broadcast_in_dim3A_505 = vector.broadcast %jit3A_504 : i32 to vector<16xi32>
        %select_n3A_506 = arith.select %gt3A_502, %broadcast_in_dim3A_505, %select_n3A_495 : vector<16xi1>, vector<16xi32>
        %not3A_507 = arith.constant true
        %not3A_508 = arith.xori %or3A_471, %not3A_507 : i1
        %or3A_509 = arith.ori %lt3A_466, %not3A_508 : i1
        %broadcast_in_dim3A_510 = arith.constant -1 : i32
        %broadcast_in_dim3A_511 = vector.broadcast %broadcast_in_dim3A_510 : i32 to vector<16xi32>
        %select_n3A_512 = arith.select %or3A_509, %gather3A_379, %broadcast_in_dim3A_511 : vector<16xi32>
        %gt3A_513 = arith.cmpi sgt, %select_n3A_512, %select_n3A_503 : vector<16xi32>
        %select_n3A_514 = arith.select %gt3A_513, %select_n3A_512, %select_n3A_503 : vector<16xi1>, vector<16xi32>
        %jit3A_515 = arith.constant 3 : i32
        %broadcast_in_dim3A_516 = vector.broadcast %jit3A_515 : i32 to vector<16xi32>
        %select_n3A_517 = arith.select %gt3A_513, %broadcast_in_dim3A_516, %select_n3A_506 : vector<16xi1>, vector<16xi32>
        %not3A_518 = arith.constant true
        %not3A_519 = arith.xori %or3A_471, %not3A_518 : i1
        %or3A_520 = arith.ori %lt3A_468, %not3A_519 : i1
        %broadcast_in_dim3A_521 = arith.constant -1 : i32
        %broadcast_in_dim3A_522 = vector.broadcast %broadcast_in_dim3A_521 : i32 to vector<16xi32>
        %select_n3A_523 = arith.select %or3A_520, %gather3A_383, %broadcast_in_dim3A_522 : vector<16xi32>
        %gt3A_524 = arith.cmpi sgt, %select_n3A_523, %select_n3A_514 : vector<16xi32>
        %select_n3A_525 = arith.select %gt3A_524, %select_n3A_523, %select_n3A_514 : vector<16xi1>, vector<16xi32>
        %jit3A_526 = arith.constant 4 : i32
        %broadcast_in_dim3A_527 = vector.broadcast %jit3A_526 : i32 to vector<16xi32>
        %select_n3A_528 = arith.select %gt3A_524, %broadcast_in_dim3A_527, %select_n3A_517 : vector<16xi1>, vector<16xi32>
        %broadcast_in_dim3A_529 = arith.constant true
        %broadcast_in_dim3A_530 = vector.broadcast %broadcast_in_dim3A_529 : i1 to vector<16xi1>
        %unique3A, %unique3A_531 = tpu.scan_count mask(%broadcast_in_dim3A_530 : vector<16xi1>) value(%select_n3A_528 : vector<16xi32>) : vector<16xi1>, vector<16xi32>
        %sub3A_532 = arith.constant 1 : i32
        %sub3A_533 = vector.broadcast %sub3A_532 : i32 to vector<16xi32>
        %sub3A_534 = arith.subi %unique3A_531, %sub3A_533 : vector<16xi32>
        %reshape3A = vector.shape_cast %select_n3A_528 : vector<16xi32> to vector<16x1xi32>
        %gather3A_535 = vector.shape_cast %reshape3A : vector<16x1xi32> to vector<16xi32>
        %gather3A_536 = tpu.dynamic_gather %scan3A_360[%gather3A_535] in [0] : vector<16xi32>, vector<16xi32> -> vector<16xi32>
        %add3A_537 = arith.addi %gather3A_536, %sub3A_534 : vector<16xi32>
        %eq3A_538 = arith.constant 0 : i32
        %eq3A_539 = vector.broadcast %eq3A_538 : i32 to vector<16xi32>
        %eq3A_540 = arith.cmpi eq, %select_n3A_528, %eq3A_539 : vector<16xi32>
        %convert_element_type3A_541 = arith.extui %eq3A_540 : vector<16xi1> to vector<16xi32>
        %reduce_sum3A_542 = arith.constant true
        %reduce_sum3A_543 = vector.broadcast %reduce_sum3A_542 : i1 to vector<16xi1>
        %reduce_sum3A_544 = tpu.scan <sum>, %convert_element_type3A_541 masked %reduce_sum3A_543 : vector<16xi32>, vector<16xi1> -> vector<16xi32>
        %reduce_sum3A_545 = vector.extract %reduce_sum3A_544[15] : i32 from vector<16xi32>
        %eq3A_546 = arith.constant 1 : i32
        %eq3A_547 = vector.broadcast %eq3A_546 : i32 to vector<16xi32>
        %eq3A_548 = arith.cmpi eq, %select_n3A_528, %eq3A_547 : vector<16xi32>
        %convert_element_type3A_549 = arith.extui %eq3A_548 : vector<16xi1> to vector<16xi32>
        %reduce_sum3A_550 = arith.constant true
        %reduce_sum3A_551 = vector.broadcast %reduce_sum3A_550 : i1 to vector<16xi1>
        %reduce_sum3A_552 = tpu.scan <sum>, %convert_element_type3A_549 masked %reduce_sum3A_551 : vector<16xi32>, vector<16xi1> -> vector<16xi32>
        %reduce_sum3A_553 = vector.extract %reduce_sum3A_552[15] : i32 from vector<16xi32>
        %eq3A_554 = arith.constant 2 : i32
        %eq3A_555 = vector.broadcast %eq3A_554 : i32 to vector<16xi32>
        %eq3A_556 = arith.cmpi eq, %select_n3A_528, %eq3A_555 : vector<16xi32>
        %convert_element_type3A_557 = arith.extui %eq3A_556 : vector<16xi1> to vector<16xi32>
        %reduce_sum3A_558 = arith.constant true
        %reduce_sum3A_559 = vector.broadcast %reduce_sum3A_558 : i1 to vector<16xi1>
        %reduce_sum3A_560 = tpu.scan <sum>, %convert_element_type3A_557 masked %reduce_sum3A_559 : vector<16xi32>, vector<16xi1> -> vector<16xi32>
        %reduce_sum3A_561 = vector.extract %reduce_sum3A_560[15] : i32 from vector<16xi32>
        %eq3A_562 = arith.constant 3 : i32
        %eq3A_563 = vector.broadcast %eq3A_562 : i32 to vector<16xi32>
        %eq3A_564 = arith.cmpi eq, %select_n3A_528, %eq3A_563 : vector<16xi32>
        %convert_element_type3A_565 = arith.extui %eq3A_564 : vector<16xi1> to vector<16xi32>
        %reduce_sum3A_566 = arith.constant true
        %reduce_sum3A_567 = vector.broadcast %reduce_sum3A_566 : i1 to vector<16xi1>
        %reduce_sum3A_568 = tpu.scan <sum>, %convert_element_type3A_565 masked %reduce_sum3A_567 : vector<16xi32>, vector<16xi1> -> vector<16xi32>
        %reduce_sum3A_569 = vector.extract %reduce_sum3A_568[15] : i32 from vector<16xi32>
        %eq3A_570 = arith.constant 4 : i32
        %eq3A_571 = vector.broadcast %eq3A_570 : i32 to vector<16xi32>
        %eq3A_572 = arith.cmpi eq, %select_n3A_528, %eq3A_571 : vector<16xi32>
        %convert_element_type3A_573 = arith.extui %eq3A_572 : vector<16xi1> to vector<16xi32>
        %reduce_sum3A_574 = arith.constant true
        %reduce_sum3A_575 = vector.broadcast %reduce_sum3A_574 : i1 to vector<16xi1>
        %reduce_sum3A_576 = tpu.scan <sum>, %convert_element_type3A_573 masked %reduce_sum3A_575 : vector<16xi32>, vector<16xi1> -> vector<16xi32>
        %reduce_sum3A_577 = vector.extract %reduce_sum3A_576[15] : i32 from vector<16xi32>
        %eq3A_578 = arith.constant 0 : i32
        %eq3A_579 = vector.broadcast %eq3A_578 : i32 to vector<16xi32>
        %eq3A_580 = arith.cmpi eq, %iota3A, %eq3A_579 : vector<16xi32>
        %add3A_581 = vector.broadcast %reduce_sum3A_545 : i32 to vector<16xi32>
        %add3A_582 = arith.addi %scan3A_360, %add3A_581 : vector<16xi32>
        %select_n3A_583 = arith.select %eq3A_580, %add3A_582, %scan3A_360 : vector<16xi1>, vector<16xi32>
        %eq3A_584 = arith.constant 1 : i32
        %eq3A_585 = vector.broadcast %eq3A_584 : i32 to vector<16xi32>
        %eq3A_586 = arith.cmpi eq, %iota3A, %eq3A_585 : vector<16xi32>
        %add3A_587 = vector.broadcast %reduce_sum3A_553 : i32 to vector<16xi32>
        %add3A_588 = arith.addi %select_n3A_583, %add3A_587 : vector<16xi32>
        %select_n3A_589 = arith.select %eq3A_586, %add3A_588, %select_n3A_583 : vector<16xi1>, vector<16xi32>
        %eq3A_590 = arith.constant 2 : i32
        %eq3A_591 = vector.broadcast %eq3A_590 : i32 to vector<16xi32>
        %eq3A_592 = arith.cmpi eq, %iota3A, %eq3A_591 : vector<16xi32>
        %add3A_593 = vector.broadcast %reduce_sum3A_561 : i32 to vector<16xi32>
        %add3A_594 = arith.addi %select_n3A_589, %add3A_593 : vector<16xi32>
        %select_n3A_595 = arith.select %eq3A_592, %add3A_594, %select_n3A_589 : vector<16xi1>, vector<16xi32>
        %eq3A_596 = arith.constant 3 : i32
        %eq3A_597 = vector.broadcast %eq3A_596 : i32 to vector<16xi32>
        %eq3A_598 = arith.cmpi eq, %iota3A, %eq3A_597 : vector<16xi32>
        %add3A_599 = vector.broadcast %reduce_sum3A_569 : i32 to vector<16xi32>
        %add3A_600 = arith.addi %select_n3A_595, %add3A_599 : vector<16xi32>
        %select_n3A_601 = arith.select %eq3A_598, %add3A_600, %select_n3A_595 : vector<16xi1>, vector<16xi32>
        %eq3A_602 = arith.constant 4 : i32
        %eq3A_603 = vector.broadcast %eq3A_602 : i32 to vector<16xi32>
        %eq3A_604 = arith.cmpi eq, %iota3A, %eq3A_603 : vector<16xi32>
        %add3A_605 = vector.broadcast %reduce_sum3A_577 : i32 to vector<16xi32>
        %add3A_606 = arith.addi %select_n3A_601, %add3A_605 : vector<16xi32>
        %select_n3A_607 = arith.select %eq3A_604, %add3A_606, %select_n3A_601 : vector<16xi1>, vector<16xi32>
        %add3A_608 = arith.addi %reduce_max3A_398, %reduce_sum3A_545 : i32
        %le3A = arith.constant 1639 : i32
        %le3A_609 = arith.cmpi sle, %add3A_608, %le3A : i32
        %add3A_610 = arith.addi %reduce_max3A_413, %reduce_sum3A_553 : i32
        %le3A_611 = arith.constant 1639 : i32
        %le3A_612 = arith.cmpi sle, %add3A_610, %le3A_611 : i32
        %and3A = arith.andi %le3A_609, %le3A_612 : i1
        %add3A_613 = arith.addi %reduce_max3A_428, %reduce_sum3A_561 : i32
        %le3A_614 = arith.constant 1639 : i32
        %le3A_615 = arith.cmpi sle, %add3A_613, %le3A_614 : i32
        %and3A_616 = arith.andi %and3A, %le3A_615 : i1
        %add3A_617 = arith.addi %reduce_max3A_443, %reduce_sum3A_569 : i32
        %le3A_618 = arith.constant 1639 : i32
        %le3A_619 = arith.cmpi sle, %add3A_617, %le3A_618 : i32
        %and3A_620 = arith.andi %and3A_616, %le3A_619 : i1
        %add3A_621 = arith.addi %reduce_max3A_458, %reduce_sum3A_577 : i32
        %le3A_622 = arith.constant 1639 : i32
        %le3A_623 = arith.cmpi sle, %add3A_621, %le3A_622 : i32
        %and3A_624 = arith.andi %and3A_620, %le3A_623 : i1
        %not3A_625 = arith.constant true
        %not3A_626 = arith.xori %or3A_471, %not3A_625 : i1
        %or3A_627 = arith.ori %and3A_624, %not3A_626 : i1
        %convert_element_type3A_628 = arith.extui %or3A_627 : i1 to i32
        %cond3A_629 = arith.constant 0 : i32
        %cond3A_630 = arith.cmpi ne, %convert_element_type3A_628, %cond3A_629 : i32
        %cond3A_631 = scf.if %cond3A_630 -> (vector<16xi32>) {
          tpu.vector_store_idx %arg7[%get3A_364], %select_n3A_528 : memref<8192xi32, #tpu.memory_space<vmem>>[vector<16xi32>], vector<16xi32>,
          tpu.vector_store_idx %arg8[%get3A_364], %add3A_537 : memref<8192xi32, #tpu.memory_space<vmem>>[vector<16xi32>], vector<16xi32>,
          scf.yield %select_n3A_607 : vector<16xi32>
        } else {
          %scan3A_632 = arith.constant 0 : i32
          %scan3A_633 = arith.constant 16 : i32
          %scan3A_634 = arith.addi %scan3A_632, %scan3A_633 : i32
          %scan3A_635 = arith.constant 1 : i32
          %scan3A_636 = scf.for %scan3A_638 = %scan3A_632 to %scan3A_634 step %scan3A_635 iter_args(%scan3A_639 = %scan3A_360) -> (vector<16xi32>)  : i32 {
            %broadcast_in_dim3A_640 = vector.broadcast %scan3A_638 : i32 to vector<16xi32>
            %reshape3A_641 = vector.shape_cast %broadcast_in_dim3A_640 : vector<16xi32> to vector<16x1xi32>
            %gather3A_642 = vector.shape_cast %reshape3A_641 : vector<16x1xi32> to vector<16xi32>
            %gather3A_643 = tpu.dynamic_gather %get3A_364[%gather3A_642] in [0] : vector<16xi32>, vector<16xi32> -> vector<16xi32>
            %broadcast_in_dim3A_644 = arith.constant 0 : i32
            %broadcast_in_dim3A_645 = vector.broadcast %broadcast_in_dim3A_644 : i32 to vector<16xi32>
            %iota3A_646 = tpu.iota {dimensions = array<i32: 0>} : vector<16xi32>
            %eq3A_647 = arith.constant 0 : i32
            %eq3A_648 = vector.broadcast %eq3A_647 : i32 to vector<16xi32>
            %eq3A_649 = arith.cmpi eq, %iota3A_646, %eq3A_648 : vector<16xi32>
            %broadcast_in_dim3A_650 = vector.broadcast %scan3A_638 : i32 to vector<16xi32>
            %reshape3A_651 = vector.shape_cast %broadcast_in_dim3A_650 : vector<16xi32> to vector<16x1xi32>
            %gather3A_652 = vector.shape_cast %reshape3A_651 : vector<16x1xi32> to vector<16xi32>
            %gather3A_653 = tpu.dynamic_gather %gather3A[%gather3A_652] in [0] : vector<16xi32>, vector<16xi32> -> vector<16xi32>
            %select_n3A_654 = arith.select %eq3A_649, %gather3A_653, %broadcast_in_dim3A_645 : vector<16xi1>, vector<16xi32>
            %iota3A_655 = tpu.iota {dimensions = array<i32: 0>} : vector<16xi32>
            %eq3A_656 = arith.constant 1 : i32
            %eq3A_657 = vector.broadcast %eq3A_656 : i32 to vector<16xi32>
            %eq3A_658 = arith.cmpi eq, %iota3A_655, %eq3A_657 : vector<16xi32>
            %broadcast_in_dim3A_659 = vector.broadcast %scan3A_638 : i32 to vector<16xi32>
            %reshape3A_660 = vector.shape_cast %broadcast_in_dim3A_659 : vector<16xi32> to vector<16x1xi32>
            %gather3A_661 = vector.shape_cast %reshape3A_660 : vector<16x1xi32> to vector<16xi32>
            %gather3A_662 = tpu.dynamic_gather %gather3A_371[%gather3A_661] in [0] : vector<16xi32>, vector<16xi32> -> vector<16xi32>
            %select_n3A_663 = arith.select %eq3A_658, %gather3A_662, %select_n3A_654 : vector<16xi1>, vector<16xi32>
            %iota3A_664 = tpu.iota {dimensions = array<i32: 0>} : vector<16xi32>
            %eq3A_665 = arith.constant 2 : i32
            %eq3A_666 = vector.broadcast %eq3A_665 : i32 to vector<16xi32>
            %eq3A_667 = arith.cmpi eq, %iota3A_664, %eq3A_666 : vector<16xi32>
            %broadcast_in_dim3A_668 = vector.broadcast %scan3A_638 : i32 to vector<16xi32>
            %reshape3A_669 = vector.shape_cast %broadcast_in_dim3A_668 : vector<16xi32> to vector<16x1xi32>
            %gather3A_670 = vector.shape_cast %reshape3A_669 : vector<16x1xi32> to vector<16xi32>
            %gather3A_671 = tpu.dynamic_gather %gather3A_375[%gather3A_670] in [0] : vector<16xi32>, vector<16xi32> -> vector<16xi32>
            %select_n3A_672 = arith.select %eq3A_667, %gather3A_671, %select_n3A_663 : vector<16xi1>, vector<16xi32>
            %iota3A_673 = tpu.iota {dimensions = array<i32: 0>} : vector<16xi32>
            %eq3A_674 = arith.constant 3 : i32
            %eq3A_675 = vector.broadcast %eq3A_674 : i32 to vector<16xi32>
            %eq3A_676 = arith.cmpi eq, %iota3A_673, %eq3A_675 : vector<16xi32>
            %broadcast_in_dim3A_677 = vector.broadcast %scan3A_638 : i32 to vector<16xi32>
            %reshape3A_678 = vector.shape_cast %broadcast_in_dim3A_677 : vector<16xi32> to vector<16x1xi32>
            %gather3A_679 = vector.shape_cast %reshape3A_678 : vector<16x1xi32> to vector<16xi32>
            %gather3A_680 = tpu.dynamic_gather %gather3A_379[%gather3A_679] in [0] : vector<16xi32>, vector<16xi32> -> vector<16xi32>
            %select_n3A_681 = arith.select %eq3A_676, %gather3A_680, %select_n3A_672 : vector<16xi1>, vector<16xi32>
            %iota3A_682 = tpu.iota {dimensions = array<i32: 0>} : vector<16xi32>
            %eq3A_683 = arith.constant 4 : i32
            %eq3A_684 = vector.broadcast %eq3A_683 : i32 to vector<16xi32>
            %eq3A_685 = arith.cmpi eq, %iota3A_682, %eq3A_684 : vector<16xi32>
            %broadcast_in_dim3A_686 = vector.broadcast %scan3A_638 : i32 to vector<16xi32>
            %reshape3A_687 = vector.shape_cast %broadcast_in_dim3A_686 : vector<16xi32> to vector<16x1xi32>
            %gather3A_688 = vector.shape_cast %reshape3A_687 : vector<16x1xi32> to vector<16xi32>
            %gather3A_689 = tpu.dynamic_gather %gather3A_383[%gather3A_688] in [0] : vector<16xi32>, vector<16xi32> -> vector<16xi32>
            %select_n3A_690 = arith.select %eq3A_685, %gather3A_689, %select_n3A_681 : vector<16xi1>, vector<16xi32>
            %lt3A_691 = arith.constant 1639 : i32
            %lt3A_692 = vector.broadcast %lt3A_691 : i32 to vector<16xi32>
            %lt3A_693 = arith.cmpi slt, %scan3A_639, %lt3A_692 : vector<16xi32>
            %iota3A_694 = tpu.iota {dimensions = array<i32: 0>} : vector<16xi32>
            %lt3A_695 = arith.constant 5 : i32
            %lt3A_696 = vector.broadcast %lt3A_695 : i32 to vector<16xi32>
            %lt3A_697 = arith.cmpi slt, %iota3A_694, %lt3A_696 : vector<16xi32>
            %and3A_698 = arith.andi %lt3A_693, %lt3A_697 : vector<16xi1>
            %convert_element_type3A_699 = arith.extui %and3A_698 : vector<16xi1> to vector<16xi32>
            %reduce_max3A_700 = arith.constant true
            %reduce_max3A_701 = vector.broadcast %reduce_max3A_700 : i1 to vector<16xi1>
            %reduce_max3A_702 = arith.constant -2147483648 : i32
            %reduce_max3A_703 = vector.broadcast %reduce_max3A_702 : i32 to vector<16xi32>
            %reduce_max3A_704 = arith.xori %convert_element_type3A_699, %reduce_max3A_703 : vector<16xi32>
            %reduce_max3A_705 = tpu.scan <max>, %reduce_max3A_704 masked %reduce_max3A_701 : vector<16xi32>, vector<16xi1> -> vector<16xi32>
            %reduce_max3A_706 = arith.xori %reduce_max3A_705, %reduce_max3A_703 : vector<16xi32>
            %reduce_max3A_707 = vector.extract %reduce_max3A_706[15] : i32 from vector<16xi32>
            %gt3A_708 = arith.constant 0 : i32
            %gt3A_709 = arith.cmpi sgt, %reduce_max3A_707, %gt3A_708 : i32
            %iota3A_710 = tpu.iota {dimensions = array<i32: 0>} : vector<16xi32>
            %lt3A_711 = arith.constant 5 : i32
            %lt3A_712 = vector.broadcast %lt3A_711 : i32 to vector<16xi32>
            %lt3A_713 = arith.cmpi slt, %iota3A_710, %lt3A_712 : vector<16xi32>
            %select_n3A_714 = arith.select %gt3A_709, %and3A_698, %lt3A_713 : vector<16xi1>
            %broadcast_in_dim3A_715 = arith.constant -1 : i32
            %broadcast_in_dim3A_716 = vector.broadcast %broadcast_in_dim3A_715 : i32 to vector<16xi32>
            %select_n3A_717 = arith.select %select_n3A_714, %select_n3A_690, %broadcast_in_dim3A_716 : vector<16xi1>, vector<16xi32>
            %reduce_max3A_718 = arith.constant true
            %reduce_max3A_719 = vector.broadcast %reduce_max3A_718 : i1 to vector<16xi1>
            %reduce_max3A_720 = arith.constant -2147483648 : i32
            %reduce_max3A_721 = vector.broadcast %reduce_max3A_720 : i32 to vector<16xi32>
            %reduce_max3A_722 = arith.xori %select_n3A_717, %reduce_max3A_721 : vector<16xi32>
            %reduce_max3A_723 = tpu.scan <max>, %reduce_max3A_722 masked %reduce_max3A_719 : vector<16xi32>, vector<16xi1> -> vector<16xi32>
            %reduce_max3A_724 = arith.xori %reduce_max3A_723, %reduce_max3A_721 : vector<16xi32>
            %reduce_max3A_725 = vector.extract %reduce_max3A_724[15] : i32 from vector<16xi32>
            %eq3A_726 = vector.broadcast %reduce_max3A_725 : i32 to vector<16xi32>
            %eq3A_727 = arith.cmpi eq, %select_n3A_717, %eq3A_726 : vector<16xi32>
            %all_reduce_ffs3A = tpu.all_reduce %eq3A_727 {dim = 0 : i64, kind = #tpu.reduction_kind<find_first_set>} : vector<16xi1> -> vector<16xi32>
            %reshape3A_728 = vector.shape_cast %all_reduce_ffs3A : vector<16xi32> to vector<16x1xi32>
            %gather3A_729 = vector.shape_cast %reshape3A_728 : vector<16x1xi32> to vector<16xi32>
            %gather3A_730 = tpu.dynamic_gather %scan3A_639[%gather3A_729] in [0] : vector<16xi32>, vector<16xi32> -> vector<16xi32>
            %iota3A_731 = tpu.iota {dimensions = array<i32: 0>} : vector<16xi32>
            %eq3A_732 = arith.cmpi eq, %iota3A_731, %all_reduce_ffs3A : vector<16xi32>
            %jit3A_733 = arith.constant 1 : i32
            %jit3A_734 = arith.constant 0 : i32
            %broadcast_in_dim3A_735 = vector.broadcast %jit3A_733 : i32 to vector<16xi32>
            %broadcast_in_dim3A_736 = vector.broadcast %jit3A_734 : i32 to vector<16xi32>
            %select_n3A_737 = arith.select %eq3A_732, %broadcast_in_dim3A_735, %broadcast_in_dim3A_736 : vector<16xi1>, vector<16xi32>
            %add3A_738 = arith.addi %scan3A_639, %select_n3A_737 : vector<16xi32>
            %iota3A_739 = tpu.iota {dimensions = array<i32: 0>} : vector<16xi32>
            %eq3A_740 = arith.constant 0 : i32
            %eq3A_741 = vector.broadcast %eq3A_740 : i32 to vector<16xi32>
            %eq3A_742 = arith.cmpi eq, %iota3A_739, %eq3A_741 : vector<16xi32>
            tpu.vector_store_idx %arg7[%gather3A_643], %all_reduce_ffs3A masked %eq3A_742 : memref<8192xi32, #tpu.memory_space<vmem>>[vector<16xi32>], vector<16xi32>, vector<16xi1>
            tpu.vector_store_idx %arg8[%gather3A_643], %gather3A_730 masked %eq3A_742 : memref<8192xi32, #tpu.memory_space<vmem>>[vector<16xi32>], vector<16xi32>, vector<16xi1>
            scf.yield %add3A_738 : vector<16xi32>
          }
          %scan3A_637 = arith.constant 16 : i32
          scf.yield %scan3A_636 : vector<16xi32>
        }
        scf.yield %cond3A_631 : vector<16xi32>
      }
      %scan3A_164 = arith.constant 192 : i32
      %iota3A_165 = tpu.iota {dimensions = array<i32: 0>} : vector<16xi32>
      %eq3A_166 = arith.constant 0 : i32
      %eq3A_167 = vector.broadcast %eq3A_166 : i32 to vector<16xi32>
      %eq3A_168 = arith.cmpi eq, %iota3A_165, %eq3A_167 : vector<16xi32>
      %jit3A_169 = arith.constant -2147483648 : i32
      %broadcast_in_dim3A_170 = vector.broadcast %jit3A_169 : i32 to vector<16xi32>
      %select_n3A_171 = arith.select %eq3A_168, %scan3A_163, %broadcast_in_dim3A_170 : vector<16xi1>, vector<16xi32>
      %reduce_max3A_172 = arith.constant true
      %reduce_max3A_173 = vector.broadcast %reduce_max3A_172 : i1 to vector<16xi1>
      %reduce_max3A_174 = arith.constant -2147483648 : i32
      %reduce_max3A_175 = vector.broadcast %reduce_max3A_174 : i32 to vector<16xi32>
      %reduce_max3A_176 = arith.xori %select_n3A_171, %reduce_max3A_175 : vector<16xi32>
      %reduce_max3A_177 = tpu.scan <max>, %reduce_max3A_176 masked %reduce_max3A_173 : vector<16xi32>, vector<16xi1> -> vector<16xi32>
      %reduce_max3A_178 = arith.xori %reduce_max3A_177, %reduce_max3A_175 : vector<16xi32>
      %reduce_max3A_179 = vector.extract %reduce_max3A_178[15] : i32 from vector<16xi32>
      %iota3A_180 = tpu.iota {dimensions = array<i32: 0>} : vector<16xi32>
      %eq3A_181 = arith.constant 1 : i32
      %eq3A_182 = vector.broadcast %eq3A_181 : i32 to vector<16xi32>
      %eq3A_183 = arith.cmpi eq, %iota3A_180, %eq3A_182 : vector<16xi32>
      %jit3A_184 = arith.constant -2147483648 : i32
      %broadcast_in_dim3A_185 = vector.broadcast %jit3A_184 : i32 to vector<16xi32>
      %select_n3A_186 = arith.select %eq3A_183, %scan3A_163, %broadcast_in_dim3A_185 : vector<16xi1>, vector<16xi32>
      %reduce_max3A_187 = arith.constant true
      %reduce_max3A_188 = vector.broadcast %reduce_max3A_187 : i1 to vector<16xi1>
      %reduce_max3A_189 = arith.constant -2147483648 : i32
      %reduce_max3A_190 = vector.broadcast %reduce_max3A_189 : i32 to vector<16xi32>
      %reduce_max3A_191 = arith.xori %select_n3A_186, %reduce_max3A_190 : vector<16xi32>
      %reduce_max3A_192 = tpu.scan <max>, %reduce_max3A_191 masked %reduce_max3A_188 : vector<16xi32>, vector<16xi1> -> vector<16xi32>
      %reduce_max3A_193 = arith.xori %reduce_max3A_192, %reduce_max3A_190 : vector<16xi32>
      %reduce_max3A_194 = vector.extract %reduce_max3A_193[15] : i32 from vector<16xi32>
      %iota3A_195 = tpu.iota {dimensions = array<i32: 0>} : vector<16xi32>
      %eq3A_196 = arith.constant 2 : i32
      %eq3A_197 = vector.broadcast %eq3A_196 : i32 to vector<16xi32>
      %eq3A_198 = arith.cmpi eq, %iota3A_195, %eq3A_197 : vector<16xi32>
      %jit3A_199 = arith.constant -2147483648 : i32
      %broadcast_in_dim3A_200 = vector.broadcast %jit3A_199 : i32 to vector<16xi32>
      %select_n3A_201 = arith.select %eq3A_198, %scan3A_163, %broadcast_in_dim3A_200 : vector<16xi1>, vector<16xi32>
      %reduce_max3A_202 = arith.constant true
      %reduce_max3A_203 = vector.broadcast %reduce_max3A_202 : i1 to vector<16xi1>
      %reduce_max3A_204 = arith.constant -2147483648 : i32
      %reduce_max3A_205 = vector.broadcast %reduce_max3A_204 : i32 to vector<16xi32>
      %reduce_max3A_206 = arith.xori %select_n3A_201, %reduce_max3A_205 : vector<16xi32>
      %reduce_max3A_207 = tpu.scan <max>, %reduce_max3A_206 masked %reduce_max3A_203 : vector<16xi32>, vector<16xi1> -> vector<16xi32>
      %reduce_max3A_208 = arith.xori %reduce_max3A_207, %reduce_max3A_205 : vector<16xi32>
      %reduce_max3A_209 = vector.extract %reduce_max3A_208[15] : i32 from vector<16xi32>
      %iota3A_210 = tpu.iota {dimensions = array<i32: 0>} : vector<16xi32>
      %eq3A_211 = arith.constant 3 : i32
      %eq3A_212 = vector.broadcast %eq3A_211 : i32 to vector<16xi32>
      %eq3A_213 = arith.cmpi eq, %iota3A_210, %eq3A_212 : vector<16xi32>
      %jit3A_214 = arith.constant -2147483648 : i32
      %broadcast_in_dim3A_215 = vector.broadcast %jit3A_214 : i32 to vector<16xi32>
      %select_n3A_216 = arith.select %eq3A_213, %scan3A_163, %broadcast_in_dim3A_215 : vector<16xi1>, vector<16xi32>
      %reduce_max3A_217 = arith.constant true
      %reduce_max3A_218 = vector.broadcast %reduce_max3A_217 : i1 to vector<16xi1>
      %reduce_max3A_219 = arith.constant -2147483648 : i32
      %reduce_max3A_220 = vector.broadcast %reduce_max3A_219 : i32 to vector<16xi32>
      %reduce_max3A_221 = arith.xori %select_n3A_216, %reduce_max3A_220 : vector<16xi32>
      %reduce_max3A_222 = tpu.scan <max>, %reduce_max3A_221 masked %reduce_max3A_218 : vector<16xi32>, vector<16xi1> -> vector<16xi32>
      %reduce_max3A_223 = arith.xori %reduce_max3A_222, %reduce_max3A_220 : vector<16xi32>
      %reduce_max3A_224 = vector.extract %reduce_max3A_223[15] : i32 from vector<16xi32>
      %iota3A_225 = tpu.iota {dimensions = array<i32: 0>} : vector<16xi32>
      %eq3A_226 = arith.constant 4 : i32
      %eq3A_227 = vector.broadcast %eq3A_226 : i32 to vector<16xi32>
      %eq3A_228 = arith.cmpi eq, %iota3A_225, %eq3A_227 : vector<16xi32>
      %jit3A_229 = arith.constant -2147483648 : i32
      %broadcast_in_dim3A_230 = vector.broadcast %jit3A_229 : i32 to vector<16xi32>
      %select_n3A_231 = arith.select %eq3A_228, %scan3A_163, %broadcast_in_dim3A_230 : vector<16xi1>, vector<16xi32>
      %reduce_max3A_232 = arith.constant true
      %reduce_max3A_233 = vector.broadcast %reduce_max3A_232 : i1 to vector<16xi1>
      %reduce_max3A_234 = arith.constant -2147483648 : i32
      %reduce_max3A_235 = vector.broadcast %reduce_max3A_234 : i32 to vector<16xi32>
      %reduce_max3A_236 = arith.xori %select_n3A_231, %reduce_max3A_235 : vector<16xi32>
      %reduce_max3A_237 = tpu.scan <max>, %reduce_max3A_236 masked %reduce_max3A_233 : vector<16xi32>, vector<16xi1> -> vector<16xi32>
      %reduce_max3A_238 = arith.xori %reduce_max3A_237, %reduce_max3A_235 : vector<16xi32>
      %reduce_max3A_239 = vector.extract %reduce_max3A_238[15] : i32 from vector<16xi32>
      %add3A_240 = arith.constant 0 : i32
      %add3A_241 = arith.addi %add3A_240, %reduce_max3A_179 : i32
      %add3A_242 = arith.addi %add3A_241, %reduce_max3A_194 : i32
      %add3A_243 = arith.addi %add3A_242, %reduce_max3A_209 : i32
      %add3A_244 = arith.addi %add3A_243, %reduce_max3A_224 : i32
      %broadcast_in_dim3A_245 = arith.constant 0 : i32
      %broadcast_in_dim3A_246 = vector.broadcast %broadcast_in_dim3A_245 : i32 to vector<16xi32>
      %eq3A_247 = arith.constant 0 : i32
      %eq3A_248 = vector.broadcast %eq3A_247 : i32 to vector<16xi32>
      %eq3A_249 = arith.cmpi eq, %iota3A, %eq3A_248 : vector<16xi32>
      %broadcast_in_dim3A_250 = arith.constant 0 : i32
      %broadcast_in_dim3A_251 = vector.broadcast %broadcast_in_dim3A_250 : i32 to vector<16xi32>
      %select_n3A_252 = arith.select %eq3A_249, %broadcast_in_dim3A_251, %broadcast_in_dim3A_246 : vector<16xi1>, vector<16xi32>
      %eq3A_253 = arith.constant 1 : i32
      %eq3A_254 = vector.broadcast %eq3A_253 : i32 to vector<16xi32>
      %eq3A_255 = arith.cmpi eq, %iota3A, %eq3A_254 : vector<16xi32>
      %broadcast_in_dim3A_256 = vector.broadcast %add3A_241 : i32 to vector<16xi32>
      %select_n3A_257 = arith.select %eq3A_255, %broadcast_in_dim3A_256, %select_n3A_252 : vector<16xi1>, vector<16xi32>
      %eq3A_258 = arith.constant 2 : i32
      %eq3A_259 = vector.broadcast %eq3A_258 : i32 to vector<16xi32>
      %eq3A_260 = arith.cmpi eq, %iota3A, %eq3A_259 : vector<16xi32>
      %broadcast_in_dim3A_261 = vector.broadcast %add3A_242 : i32 to vector<16xi32>
      %select_n3A_262 = arith.select %eq3A_260, %broadcast_in_dim3A_261, %select_n3A_257 : vector<16xi1>, vector<16xi32>
      %eq3A_263 = arith.constant 3 : i32
      %eq3A_264 = vector.broadcast %eq3A_263 : i32 to vector<16xi32>
      %eq3A_265 = arith.cmpi eq, %iota3A, %eq3A_264 : vector<16xi32>
      %broadcast_in_dim3A_266 = vector.broadcast %add3A_243 : i32 to vector<16xi32>
      %select_n3A_267 = arith.select %eq3A_265, %broadcast_in_dim3A_266, %select_n3A_262 : vector<16xi1>, vector<16xi32>
      %eq3A_268 = arith.constant 4 : i32
      %eq3A_269 = vector.broadcast %eq3A_268 : i32 to vector<16xi32>
      %eq3A_270 = arith.cmpi eq, %iota3A, %eq3A_269 : vector<16xi32>
      %broadcast_in_dim3A_271 = vector.broadcast %add3A_244 : i32 to vector<16xi32>
      %select_n3A_272 = arith.select %eq3A_270, %broadcast_in_dim3A_271, %select_n3A_267 : vector<16xi1>, vector<16xi32>
      %broadcast_in_dim3A_273 = arith.constant 0.000000e+00 : f32
      %broadcast_in_dim3A_274 = vector.broadcast %broadcast_in_dim3A_273 : f32 to vector<16xf32>
      %scan3A_275 = arith.constant 0 : i32
      %scan3A_276 = arith.constant 512 : i32
      %scan3A_277 = arith.addi %scan3A_275, %scan3A_276 : i32
      %scan3A_278 = arith.constant 1 : i32
      %scan3A_279:5 = scf.for %scan3A_359 = %scan3A_275 to %scan3A_277 step %scan3A_278 iter_args(%scan3A_360 = %broadcast_in_dim3A_274, %scan3A_361 = %broadcast_in_dim3A_274, %scan3A_362 = %broadcast_in_dim3A_274, %scan3A_363 = %broadcast_in_dim3A_274, %scan3A_364 = %broadcast_in_dim3A_274) -> (vector<16xf32>, vector<16xf32>, vector<16xf32>, vector<16xf32>, vector<16xf32>)  : i32 {
        %mul3A_365 = arith.constant 16 : i32
        %mul3A_366 = arith.muli %scan3A_359, %mul3A_365 : i32
        %iota3A_367 = tpu.iota {dimensions = array<i32: 0>} : vector<16xi32>
        %add3A_368 = vector.broadcast %mul3A_366 : i32 to vector<16xi32>
        %add3A_369 = arith.addi %add3A_368, %iota3A_367 : vector<16xi32>
        %get3A_370 = arith.index_cast %mul3A_366 : i32 to index
        %get3A_371 = tpu.vector_load %arg7[%get3A_370] {strides = array<i32>} : memref<8192xi32, #tpu.memory_space<vmem>>, vector<16xi32>,
        %and3A = arith.constant 7 : i32
        %and3A_372 = vector.broadcast %and3A : i32 to vector<16xi32>
        %and3A_373 = arith.andi %get3A_371, %and3A_372 : vector<16xi32>
        %get3A_374 = arith.index_cast %mul3A_366 : i32 to index
        %get3A_375 = tpu.vector_load %arg8[%get3A_374] {strides = array<i32>} : memref<8192xi32, #tpu.memory_space<vmem>>, vector<16xi32>,
        %reshape3A = vector.shape_cast %and3A_373 : vector<16xi32> to vector<16x1xi32>
        %gather3A = vector.shape_cast %reshape3A : vector<16x1xi32> to vector<16xi32>
        %gather3A_376 = tpu.dynamic_gather %select_n3A_272[%gather3A] in [0] : vector<16xi32>, vector<16xi32> -> vector<16xi32>
        %add3A_377 = arith.addi %gather3A_376, %get3A_375 : vector<16xi32>
        tpu.vector_store_idx %arg6[%add3A_377], %add3A_369 : memref<49152xi32, #tpu.memory_space<vmem>>[vector<16xi32>], vector<16xi32>,
        %mul3A_378 = arith.constant 8192 : i32
        %mul3A_379 = vector.broadcast %mul3A_378 : i32 to vector<16xi32>
        %mul3A_380 = arith.muli %and3A_373, %mul3A_379 : vector<16xi32>
        %add3A_381 = arith.addi %mul3A_380, %add3A_369 : vector<16xi32>
        %gather3A_382 = tpu.vector_load_idx %arg5[%add3A_381] : memref<40960xi32, #tpu.memory_space<vmem>>[vector<16xi32>], vector<16xi32>,
        %bitcast3A = vector.bitcast %gather3A_382 : vector<16xi32> to vector<16xf32>
        %eq3A_383 = arith.constant 0 : i32
        %eq3A_384 = vector.broadcast %eq3A_383 : i32 to vector<16xi32>
        %eq3A_385 = arith.cmpi eq, %and3A_373, %eq3A_384 : vector<16xi32>
        %jit3A_386 = arith.constant 0.000000e+00 : f32
        %broadcast_in_dim3A_387 = vector.broadcast %jit3A_386 : f32 to vector<16xf32>
        %select_n3A_388 = arith.select %eq3A_385, %bitcast3A, %broadcast_in_dim3A_387 : vector<16xi1>, vector<16xf32>
        %add3A_389 = arith.addf %scan3A_360, %select_n3A_388 : vector<16xf32>
        %eq3A_390 = arith.constant 1 : i32
        %eq3A_391 = vector.broadcast %eq3A_390 : i32 to vector<16xi32>
        %eq3A_392 = arith.cmpi eq, %and3A_373, %eq3A_391 : vector<16xi32>
        %jit3A_393 = arith.constant 0.000000e+00 : f32
        %broadcast_in_dim3A_394 = vector.broadcast %jit3A_393 : f32 to vector<16xf32>
        %select_n3A_395 = arith.select %eq3A_392, %bitcast3A, %broadcast_in_dim3A_394 : vector<16xi1>, vector<16xf32>
        %add3A_396 = arith.addf %scan3A_361, %select_n3A_395 : vector<16xf32>
        %eq3A_397 = arith.constant 2 : i32
        %eq3A_398 = vector.broadcast %eq3A_397 : i32 to vector<16xi32>
        %eq3A_399 = arith.cmpi eq, %and3A_373, %eq3A_398 : vector<16xi32>
        %jit3A_400 = arith.constant 0.000000e+00 : f32
        %broadcast_in_dim3A_401 = vector.broadcast %jit3A_400 : f32 to vector<16xf32>
        %select_n3A_402 = arith.select %eq3A_399, %bitcast3A, %broadcast_in_dim3A_401 : vector<16xi1>, vector<16xf32>
        %add3A_403 = arith.addf %scan3A_362, %select_n3A_402 : vector<16xf32>
        %eq3A_404 = arith.constant 3 : i32
        %eq3A_405 = vector.broadcast %eq3A_404 : i32 to vector<16xi32>
        %eq3A_406 = arith.cmpi eq, %and3A_373, %eq3A_405 : vector<16xi32>
        %jit3A_407 = arith.constant 0.000000e+00 : f32
        %broadcast_in_dim3A_408 = vector.broadcast %jit3A_407 : f32 to vector<16xf32>
        %select_n3A_409 = arith.select %eq3A_406, %bitcast3A, %broadcast_in_dim3A_408 : vector<16xi1>, vector<16xf32>
        %add3A_410 = arith.addf %scan3A_363, %select_n3A_409 : vector<16xf32>
        %eq3A_411 = arith.constant 4 : i32
        %eq3A_412 = vector.broadcast %eq3A_411 : i32 to vector<16xi32>
        %eq3A_413 = arith.cmpi eq, %and3A_373, %eq3A_412 : vector<16xi32>
        %jit3A_414 = arith.constant 0.000000e+00 : f32
        %broadcast_in_dim3A_415 = vector.broadcast %jit3A_414 : f32 to vector<16xf32>
        %select_n3A_416 = arith.select %eq3A_413, %bitcast3A, %broadcast_in_dim3A_415 : vector<16xi1>, vector<16xf32>
        %add3A_417 = arith.addf %scan3A_364, %select_n3A_416 : vector<16xf32>
        scf.yield %add3A_389, %add3A_396, %add3A_403, %add3A_410, %add3A_417 : vector<16xf32>, vector<16xf32>, vector<16xf32>, vector<16xf32>, vector<16xf32>
      }
      %scan3A_280 = arith.constant 512 : i32
      %broadcast_in_dim3A_281 = arith.constant 0.000000e+00 : f32
      %broadcast_in_dim3A_282 = vector.broadcast %broadcast_in_dim3A_281 : f32 to vector<16xf32>
      %eq3A_283 = arith.constant 0 : i32
      %eq3A_284 = vector.broadcast %eq3A_283 : i32 to vector<16xi32>
      %eq3A_285 = arith.cmpi eq, %iota3A, %eq3A_284 : vector<16xi32>
      %reduce_sum3A = arith.constant true
      %reduce_sum3A_286 = vector.broadcast %reduce_sum3A : i1 to vector<16xi1>
      %reduce_sum3A_287 = tpu.scan <sum>, %scan3A_279#0 masked %reduce_sum3A_286 : vector<16xf32>, vector<16xi1> -> vector<16xf32>
      %reduce_sum3A_288 = vector.extract %reduce_sum3A_287[15] : f32 from vector<16xf32>
      %broadcast_in_dim3A_289 = vector.broadcast %reduce_sum3A_288 : f32 to vector<16xf32>
      %select_n3A_290 = arith.select %eq3A_285, %broadcast_in_dim3A_289, %broadcast_in_dim3A_282 : vector<16xi1>, vector<16xf32>
      %eq3A_291 = arith.constant 5 : i32
      %eq3A_292 = vector.broadcast %eq3A_291 : i32 to vector<16xi32>
      %eq3A_293 = arith.cmpi eq, %iota3A, %eq3A_292 : vector<16xi32>
      %convert_element_type3A_294 = arith.sitofp %reduce_max3A_179 : i32 to f32
      %broadcast_in_dim3A_295 = vector.broadcast %convert_element_type3A_294 : f32 to vector<16xf32>
      %select_n3A_296 = arith.select %eq3A_293, %broadcast_in_dim3A_295, %select_n3A_290 : vector<16xi1>, vector<16xf32>
      %eq3A_297 = arith.constant 1 : i32
      %eq3A_298 = vector.broadcast %eq3A_297 : i32 to vector<16xi32>
      %eq3A_299 = arith.cmpi eq, %iota3A, %eq3A_298 : vector<16xi32>
      %reduce_sum3A_300 = arith.constant true
      %reduce_sum3A_301 = vector.broadcast %reduce_sum3A_300 : i1 to vector<16xi1>
      %reduce_sum3A_302 = tpu.scan <sum>, %scan3A_279#1 masked %reduce_sum3A_301 : vector<16xf32>, vector<16xi1> -> vector<16xf32>
      %reduce_sum3A_303 = vector.extract %reduce_sum3A_302[15] : f32 from vector<16xf32>
      %broadcast_in_dim3A_304 = vector.broadcast %reduce_sum3A_303 : f32 to vector<16xf32>
      %select_n3A_305 = arith.select %eq3A_299, %broadcast_in_dim3A_304, %select_n3A_296 : vector<16xi1>, vector<16xf32>
      %eq3A_306 = arith.constant 6 : i32
      %eq3A_307 = vector.broadcast %eq3A_306 : i32 to vector<16xi32>
      %eq3A_308 = arith.cmpi eq, %iota3A, %eq3A_307 : vector<16xi32>
      %convert_element_type3A_309 = arith.sitofp %reduce_max3A_194 : i32 to f32
      %broadcast_in_dim3A_310 = vector.broadcast %convert_element_type3A_309 : f32 to vector<16xf32>
      %select_n3A_311 = arith.select %eq3A_308, %broadcast_in_dim3A_310, %select_n3A_305 : vector<16xi1>, vector<16xf32>
      %eq3A_312 = arith.constant 2 : i32
      %eq3A_313 = vector.broadcast %eq3A_312 : i32 to vector<16xi32>
      %eq3A_314 = arith.cmpi eq, %iota3A, %eq3A_313 : vector<16xi32>
      %reduce_sum3A_315 = arith.constant true
      %reduce_sum3A_316 = vector.broadcast %reduce_sum3A_315 : i1 to vector<16xi1>
      %reduce_sum3A_317 = tpu.scan <sum>, %scan3A_279#2 masked %reduce_sum3A_316 : vector<16xf32>, vector<16xi1> -> vector<16xf32>
      %reduce_sum3A_318 = vector.extract %reduce_sum3A_317[15] : f32 from vector<16xf32>
      %broadcast_in_dim3A_319 = vector.broadcast %reduce_sum3A_318 : f32 to vector<16xf32>
      %select_n3A_320 = arith.select %eq3A_314, %broadcast_in_dim3A_319, %select_n3A_311 : vector<16xi1>, vector<16xf32>
      %eq3A_321 = arith.constant 7 : i32
      %eq3A_322 = vector.broadcast %eq3A_321 : i32 to vector<16xi32>
      %eq3A_323 = arith.cmpi eq, %iota3A, %eq3A_322 : vector<16xi32>
      %convert_element_type3A_324 = arith.sitofp %reduce_max3A_209 : i32 to f32
      %broadcast_in_dim3A_325 = vector.broadcast %convert_element_type3A_324 : f32 to vector<16xf32>
      %select_n3A_326 = arith.select %eq3A_323, %broadcast_in_dim3A_325, %select_n3A_320 : vector<16xi1>, vector<16xf32>
      %eq3A_327 = arith.constant 3 : i32
      %eq3A_328 = vector.broadcast %eq3A_327 : i32 to vector<16xi32>
      %eq3A_329 = arith.cmpi eq, %iota3A, %eq3A_328 : vector<16xi32>
      %reduce_sum3A_330 = arith.constant true
      %reduce_sum3A_331 = vector.broadcast %reduce_sum3A_330 : i1 to vector<16xi1>
      %reduce_sum3A_332 = tpu.scan <sum>, %scan3A_279#3 masked %reduce_sum3A_331 : vector<16xf32>, vector<16xi1> -> vector<16xf32>
      %reduce_sum3A_333 = vector.extract %reduce_sum3A_332[15] : f32 from vector<16xf32>
      %broadcast_in_dim3A_334 = vector.broadcast %reduce_sum3A_333 : f32 to vector<16xf32>
      %select_n3A_335 = arith.select %eq3A_329, %broadcast_in_dim3A_334, %select_n3A_326 : vector<16xi1>, vector<16xf32>
      %eq3A_336 = arith.constant 8 : i32
      %eq3A_337 = vector.broadcast %eq3A_336 : i32 to vector<16xi32>
      %eq3A_338 = arith.cmpi eq, %iota3A, %eq3A_337 : vector<16xi32>
      %convert_element_type3A_339 = arith.sitofp %reduce_max3A_224 : i32 to f32
      %broadcast_in_dim3A_340 = vector.broadcast %convert_element_type3A_339 : f32 to vector<16xf32>
      %select_n3A_341 = arith.select %eq3A_338, %broadcast_in_dim3A_340, %select_n3A_335 : vector<16xi1>, vector<16xf32>
      %eq3A_342 = arith.constant 4 : i32
      %eq3A_343 = vector.broadcast %eq3A_342 : i32 to vector<16xi32>
      %eq3A_344 = arith.cmpi eq, %iota3A, %eq3A_343 : vector<16xi32>
      %reduce_sum3A_345 = arith.constant true
      %reduce_sum3A_346 = vector.broadcast %reduce_sum3A_345 : i1 to vector<16xi1>
      %reduce_sum3A_347 = tpu.scan <sum>, %scan3A_279#4 masked %reduce_sum3A_346 : vector<16xf32>, vector<16xi1> -> vector<16xf32>
      %reduce_sum3A_348 = vector.extract %reduce_sum3A_347[15] : f32 from vector<16xf32>
      %broadcast_in_dim3A_349 = vector.broadcast %reduce_sum3A_348 : f32 to vector<16xf32>
      %select_n3A_350 = arith.select %eq3A_344, %broadcast_in_dim3A_349, %select_n3A_341 : vector<16xi1>, vector<16xf32>
      %eq3A_351 = arith.constant 9 : i32
      %eq3A_352 = vector.broadcast %eq3A_351 : i32 to vector<16xi32>
      %eq3A_353 = arith.cmpi eq, %iota3A, %eq3A_352 : vector<16xi32>
      %convert_element_type3A_354 = arith.sitofp %reduce_max3A_239 : i32 to f32
      %broadcast_in_dim3A_355 = vector.broadcast %convert_element_type3A_354 : f32 to vector<16xf32>
      %select_n3A_356 = arith.select %eq3A_353, %broadcast_in_dim3A_355, %select_n3A_350 : vector<16xi1>, vector<16xf32>
      %swap3A_357 = arith.constant 0 : index
      %swap3A_358 = tpu.vector_load %arg15[%swap3A_357] {strides = array<i32>} : memref<16xf32, #tpu.memory_space<vmem>>, vector<16xf32>,
      tpu.vector_store %arg15[%swap3A_357], %select_n3A_356 {strides = array<i32>} : memref<16xf32, #tpu.memory_space<vmem>>, vector<16xf32>,
      "tpu.region"() ({
        %run_scoped3A = tpu.sem_alloc : memref<!tpu.dma_semaphore, #tpu.memory_space<semaphore_mem>>
        %dma_start3A = arith.constant 0 : i32
        %dma_start3A_359 = tpu.memref_slice %arg6[%dma_start3A] : memref<49152xi32, #tpu.memory_space<vmem>> -> memref<8192xi32, #tpu.memory_space<vmem>>
        %dma_start3A_360 = arith.constant 0 : i32
        %dma_start3A_361 = tpu.memref_slice %arg6[%dma_start3A_360] : memref<49152xi32, #tpu.memory_space<vmem>> -> memref<8192xi32, #tpu.memory_space<vmem>>
        tpu.enqueue_dma source(%dma_start3A_361 : memref<8192xi32, #tpu.memory_space<vmem>>) target(%arg3 : memref<8192xi32, #tpu.memory_space<hbm>>) target_semaphore(%run_scoped3A : memref<!tpu.dma_semaphore, #tpu.memory_space<semaphore_mem>>)
        %dma_wait3A = arith.constant 0 : i32
        %dma_wait3A_362 = tpu.memref_slice %arg6[%dma_wait3A] : memref<49152xi32, #tpu.memory_space<vmem>> -> memref<8192xi32, #tpu.memory_space<vmem>>
        %dma_wait3A_363 = arith.constant 0 : i32
        %dma_wait3A_364 = tpu.memref_slice %arg6[%dma_wait3A_363] : memref<49152xi32, #tpu.memory_space<vmem>> -> memref<8192xi32, #tpu.memory_space<vmem>>
        tpu.wait_dma2 semaphore(%run_scoped3A : memref<!tpu.dma_semaphore, #tpu.memory_space<semaphore_mem>>) src(%dma_wait3A_364 : memref<8192xi32, #tpu.memory_space<vmem>>) dst(%arg3 : memref<8192xi32, #tpu.memory_space<hbm>>)
        tpu.yield
      }) : () -> ()
      "tpu.region"() ({
        %run_scoped3A = tpu.sem_alloc : memref<!tpu.dma_semaphore, #tpu.memory_space<semaphore_mem>>
        tpu.enqueue_dma source(%arg15 : memref<16xf32, #tpu.memory_space<vmem>>) target(%arg4 : memref<16xf32, #tpu.memory_space<hbm>>) target_semaphore(%run_scoped3A : memref<!tpu.dma_semaphore, #tpu.memory_space<semaphore_mem>>)
        tpu.wait_dma2 semaphore(%run_scoped3A : memref<!tpu.dma_semaphore, #tpu.memory_space<semaphore_mem>>) src(%arg15 : memref<16xf32, #tpu.memory_space<vmem>>) dst(%arg4 : memref<16xf32, #tpu.memory_space<hbm>>)
        tpu.yield
      }) : () -> ()
    } else {
    }
    return
  }
}

module attributes {stable_mosaic.version = 14 : i64} {
  func.func @_gate_body(%arg0: i32, %arg1: memref<256x2048xf32, #tpu.memory_space<vmem>>, %arg2: memref<2048x1024xf32, #tpu.memory_space<vmem>>, %arg3: memref<1x1024xf32, #tpu.memory_space<vmem>>, %arg4: memref<1024x512xf32, #tpu.memory_space<vmem>>, %arg5: memref<1x512xf32, #tpu.memory_space<vmem>>, %arg6: memref<512x128xf32, #tpu.memory_space<vmem>>, %arg7: memref<1x128xf32, #tpu.memory_space<vmem>>, %arg8: memref<128x8xf32, #tpu.memory_space<vmem>>, %arg9: memref<1x8xf32, #tpu.memory_space<vmem>>, %arg10: memref<256x8xf32, #tpu.memory_space<vmem>>) attributes {dimension_semantics = [#tpu.dimension_semantics<arbitrary>], iteration_bounds = array<i64: 32>, scalar_prefetch = 0 : i64, scratch_operands = 0 : i64, tpu.core_type = #tpu.core_type<tc>, window_params = [{transform_indices = @transform_0, window_bounds = array<i64: 256, 2048>}, {pipeline_mode = #tpu.pipeline_mode<synchronous>, transform_indices = @transform_1, window_bounds = array<i64: 2048, 1024>}, {pipeline_mode = #tpu.pipeline_mode<synchronous>, transform_indices = @transform_2, window_bounds = array<i64: 1, 1024>}, {pipeline_mode = #tpu.pipeline_mode<synchronous>, transform_indices = @transform_3, window_bounds = array<i64: 1024, 512>}, {pipeline_mode = #tpu.pipeline_mode<synchronous>, transform_indices = @transform_4, window_bounds = array<i64: 1, 512>}, {pipeline_mode = #tpu.pipeline_mode<synchronous>, transform_indices = @transform_5, window_bounds = array<i64: 512, 128>}, {pipeline_mode = #tpu.pipeline_mode<synchronous>, transform_indices = @transform_6, window_bounds = array<i64: 1, 128>}, {pipeline_mode = #tpu.pipeline_mode<synchronous>, transform_indices = @transform_7, window_bounds = array<i64: 128, 8>}, {pipeline_mode = #tpu.pipeline_mode<synchronous>, transform_indices = @transform_8, window_bounds = array<i64: 1, 8>}, {transform_indices = @transform_9, window_bounds = array<i64: 256, 8>}]} {
    %get3A = arith.constant 0 : index
    %get3A_0 = arith.constant 0 : index
    %get3A_1 = vector.load %arg1[%get3A, %get3A_0] : memref<256x2048xf32, #tpu.memory_space<vmem>>, vector<256x2048xf32>
    %get3A_2 = arith.constant 0 : index
    %get3A_3 = arith.constant 0 : index
    %get3A_4 = vector.load %arg2[%get3A_2, %get3A_3] : memref<2048x1024xf32, #tpu.memory_space<vmem>>, vector<2048x1024xf32>
    %dot_general3A = arith.constant dense<0.000000e+00> : vector<256x1024xf32>
    %dot_general3A_5 = tpu.matmul %get3A_1, %get3A_4, %dot_general3A {dimension_numbers = #tpu.dot_dimension_numbers<[1], [0], [0], [1], [0, 0, 1, 1], [], []>, transpose_lhs_hint = false} : vector<256x2048xf32>, vector<2048x1024xf32>, vector<256x1024xf32> -> vector<256x1024xf32>
    %get3A_6 = arith.constant 0 : index
    %get3A_7 = arith.constant 0 : index
    %get3A_8 = vector.load %arg3[%get3A_6, %get3A_7] : memref<1x1024xf32, #tpu.memory_space<vmem>>, vector<1x1024xf32>
    %add3A = vector.broadcast %get3A_8 : vector<1x1024xf32> to vector<256x1024xf32>
    %add3A_9 = arith.addf %dot_general3A_5, %add3A : vector<256x1024xf32>
    %max3A = arith.constant 0.000000e+00 : f32
    %max3A_10 = vector.broadcast %max3A : f32 to vector<256x1024xf32>
    %max3A_11 = arith.maximumf %add3A_9, %max3A_10 : vector<256x1024xf32>
    %get3A_12 = arith.constant 0 : index
    %get3A_13 = arith.constant 0 : index
    %get3A_14 = vector.load %arg4[%get3A_12, %get3A_13] : memref<1024x512xf32, #tpu.memory_space<vmem>>, vector<1024x512xf32>
    %dot_general3A_15 = arith.constant dense<0.000000e+00> : vector<256x512xf32>
    %dot_general3A_16 = tpu.matmul %max3A_11, %get3A_14, %dot_general3A_15 {dimension_numbers = #tpu.dot_dimension_numbers<[1], [0], [0], [1], [0, 0, 1, 1], [], []>, transpose_lhs_hint = false} : vector<256x1024xf32>, vector<1024x512xf32>, vector<256x512xf32> -> vector<256x512xf32>
    %get3A_17 = arith.constant 0 : index
    %get3A_18 = arith.constant 0 : index
    %get3A_19 = vector.load %arg5[%get3A_17, %get3A_18] : memref<1x512xf32, #tpu.memory_space<vmem>>, vector<1x512xf32>
    %add3A_20 = vector.broadcast %get3A_19 : vector<1x512xf32> to vector<256x512xf32>
    %add3A_21 = arith.addf %dot_general3A_16, %add3A_20 : vector<256x512xf32>
    %max3A_22 = arith.constant 0.000000e+00 : f32
    %max3A_23 = vector.broadcast %max3A_22 : f32 to vector<256x512xf32>
    %max3A_24 = arith.maximumf %add3A_21, %max3A_23 : vector<256x512xf32>
    %get3A_25 = arith.constant 0 : index
    %get3A_26 = arith.constant 0 : index
    %get3A_27 = vector.load %arg6[%get3A_25, %get3A_26] : memref<512x128xf32, #tpu.memory_space<vmem>>, vector<512x128xf32>
    %dot_general3A_28 = arith.constant dense<0.000000e+00> : vector<256x128xf32>
    %dot_general3A_29 = tpu.matmul %max3A_24, %get3A_27, %dot_general3A_28 {dimension_numbers = #tpu.dot_dimension_numbers<[1], [0], [0], [1], [0, 0, 1, 1], [], []>, transpose_lhs_hint = false} : vector<256x512xf32>, vector<512x128xf32>, vector<256x128xf32> -> vector<256x128xf32>
    %get3A_30 = arith.constant 0 : index
    %get3A_31 = arith.constant 0 : index
    %get3A_32 = vector.load %arg7[%get3A_30, %get3A_31] : memref<1x128xf32, #tpu.memory_space<vmem>>, vector<1x128xf32>
    %add3A_33 = vector.broadcast %get3A_32 : vector<1x128xf32> to vector<256x128xf32>
    %add3A_34 = arith.addf %dot_general3A_29, %add3A_33 : vector<256x128xf32>
    %max3A_35 = arith.constant 0.000000e+00 : f32
    %max3A_36 = vector.broadcast %max3A_35 : f32 to vector<256x128xf32>
    %max3A_37 = arith.maximumf %add3A_34, %max3A_36 : vector<256x128xf32>
    %get3A_38 = arith.constant 0 : index
    %get3A_39 = arith.constant 0 : index
    %get3A_40 = vector.load %arg8[%get3A_38, %get3A_39] : memref<128x8xf32, #tpu.memory_space<vmem>>, vector<128x8xf32>
    %dot_general3A_41 = arith.constant dense<0.000000e+00> : vector<256x8xf32>
    %dot_general3A_42 = tpu.matmul %max3A_37, %get3A_40, %dot_general3A_41 {dimension_numbers = #tpu.dot_dimension_numbers<[1], [0], [0], [1], [0, 0, 1, 1], [], []>, transpose_lhs_hint = false} : vector<256x128xf32>, vector<128x8xf32>, vector<256x8xf32> -> vector<256x8xf32>
    %get3A_43 = arith.constant 0 : index
    %get3A_44 = arith.constant 0 : index
    %get3A_45 = vector.load %arg9[%get3A_43, %get3A_44] : memref<1x8xf32, #tpu.memory_space<vmem>>, vector<1x8xf32>
    %add3A_46 = vector.broadcast %get3A_45 : vector<1x8xf32> to vector<256x8xf32>
    %add3A_47 = arith.addf %dot_general3A_42, %add3A_46 : vector<256x8xf32>
    %swap3A = arith.constant 0 : index
    %swap3A_48 = arith.constant 0 : index
    %swap3A_49 = vector.load %arg10[%swap3A, %swap3A_48] : memref<256x8xf32, #tpu.memory_space<vmem>>, vector<256x8xf32>
    tpu.vector_store %arg10[%swap3A, %swap3A_48], %add3A_47 {strides = array<i32>} : memref<256x8xf32, #tpu.memory_space<vmem>>, vector<256x8xf32>,
    return
  }
  func.func @transform_0(%arg0: i32) -> (i32, i32) {
    %c0_i32 = arith.constant 0 : i32
    %c0_i32_0 = arith.constant 0 : i32
    return %arg0, %c0_i32 : i32, i32
  }
  func.func @transform_1(%arg0: i32) -> (i32, i32) {
    %c0_i32 = arith.constant 0 : i32
    %c0_i32_0 = arith.constant 0 : i32
    %c0_i32_1 = arith.constant 0 : i32
    return %c0_i32, %c0_i32_0 : i32, i32
  }
  func.func @transform_2(%arg0: i32) -> (i32, i32) {
    %c0_i32 = arith.constant 0 : i32
    %c0_i32_0 = arith.constant 0 : i32
    %c0_i32_1 = arith.constant 0 : i32
    return %c0_i32, %c0_i32_0 : i32, i32
  }
  func.func @transform_3(%arg0: i32) -> (i32, i32) {
    %c0_i32 = arith.constant 0 : i32
    %c0_i32_0 = arith.constant 0 : i32
    %c0_i32_1 = arith.constant 0 : i32
    return %c0_i32, %c0_i32_0 : i32, i32
  }
  func.func @transform_4(%arg0: i32) -> (i32, i32) {
    %c0_i32 = arith.constant 0 : i32
    %c0_i32_0 = arith.constant 0 : i32
    %c0_i32_1 = arith.constant 0 : i32
    return %c0_i32, %c0_i32_0 : i32, i32
  }
  func.func @transform_5(%arg0: i32) -> (i32, i32) {
    %c0_i32 = arith.constant 0 : i32
    %c0_i32_0 = arith.constant 0 : i32
    %c0_i32_1 = arith.constant 0 : i32
    return %c0_i32, %c0_i32_0 : i32, i32
  }
  func.func @transform_6(%arg0: i32) -> (i32, i32) {
    %c0_i32 = arith.constant 0 : i32
    %c0_i32_0 = arith.constant 0 : i32
    %c0_i32_1 = arith.constant 0 : i32
    return %c0_i32, %c0_i32_0 : i32, i32
  }
  func.func @transform_7(%arg0: i32) -> (i32, i32) {
    %c0_i32 = arith.constant 0 : i32
    %c0_i32_0 = arith.constant 0 : i32
    %c0_i32_1 = arith.constant 0 : i32
    return %c0_i32, %c0_i32_0 : i32, i32
  }
  func.func @transform_8(%arg0: i32) -> (i32, i32) {
    %c0_i32 = arith.constant 0 : i32
    %c0_i32_0 = arith.constant 0 : i32
    %c0_i32_1 = arith.constant 0 : i32
    return %c0_i32, %c0_i32_0 : i32, i32
  }
  func.func @transform_9(%arg0: i32) -> (i32, i32) {
    %c0_i32 = arith.constant 0 : i32
    %c0_i32_0 = arith.constant 0 : i32
    return %arg0, %c0_i32 : i32, i32
  }
}

</mosaic_0001>

<sc_bundles>
// kernel: kernel.5.cloned.1.call-start
scs
__scs_entry_jumppad:
0x0: {  	(pc) =	sbr.rel $0x88, $3  }
0x1: {  	(tag) =	ssettag $0x0;
	lr =	simm.s32 $0x1  }
0x2: {  	[smem:$0x3F98] =	sst lr;
	_ =	strace $0xD0000000  }
0x3: {  	_ = 	snop  }
0x4: {  	_ = 	snop  }
0x5: {  	_ = 	snop  }
0x6: {  	_ = 	snop  }
0x7: {  	_ = 	snop  }
__scs_overlays_trampoline_lowered:
0x8: {  	[smem:$0x3FA7] =	sst s0  }
0x9: {  	[smem:$0x3FA8] =	sst s1  }
0xa: {  	[smem:$0x3FA9] =	sst s2  }
0xb: {  	[smem:$0x3FAA] =	sst s3  }
0xc: {  	[smem:$0x3FAB] =	sst s4  }
0xd: {  	[smem:$0x3FAC] =	sst s5  }
0xe: {  	[smem:$0x3FAD] =	sst s6  }
0xf: {  	[smem:$0x3FAE] =	sst s7  }
0x10: {  	[smem:$0x3FAF] =	sst s8  }
0x11: {  	[smem:$0x3FB0] =	sst s9;
	s0 =	simm.s32 @!p0 $0x0  }
0x12: {  	s1 =	sld [smem:$0x3F96];
	s0 =	simm.s32 @p0 $0x1  }
0x13: {  	[smem:$0x3FB1] =	sst s0;
	s0 =	simm.s32 @!p1 $0x0  }
0x14: {  	s2 =	sld [smem:$0x3F95];
	s0 =	simm.s32 @p1 $0x1  }
0x15: {  	[smem:$0x3FB2] =	sst s0;
	s0 =	simm.s32 @!p2 $0x0  }
0x16: {  	s3 =	sld [smem:$0x3FDB];
	s0 =	simm.s32 @p2 $0x1  }
0x17: {  	s4 =	simm.s32 $0x1BF5;
	[smem:$0x3FB4] =	sst s0  }
0x18: {  	s0 =	sld [smem:$0x3F97];
	_ =	swait.ge [sflag:s4], $0x0  }
0x19: {  	s7 =	sld [smem:$0x3F98]  }
0x1a: {  	s8 =	sadd.s32 $0xFFFFE003, lr  }
0x1b: {  	s9 =	sadd.s32 $0xFFFFFEF7, lr;
	s5 =	simm.s32 $0xFFFFFFFF;
	p2 =	slt.u32 s8, $0xFFFFF086  }
0x1c: {  	p1 =	slt.u32 s9, $0xF7A;
	s5 =	simm.s32 @!p2 $0x0  }
0x1d: {  	s5 =	simm.s32 @p1 $0x1;
	p0 =	seq.s32 s7, s2  }
0x1e: {  	s7 =	smul.u32 @!p0 $0xF7A, s2;
	p2 =	seq.s32 @!p0 s5, $0x0  }
0x1f: {  	s9 =	smul.u32 $0xF7A, s1;
	s8 =	simm.s32 @!p0 $0x1BF5;
	p2 =	por !p2, p0  }
0x20: {  	[sflag:s8] =	ssyncset.s32 @!p0 $0xFFFFF086;
	s6 =	sadd.s32 @!p0 s3, s7;
	s7 =	simm.s32 @!p0 $0x108  }
0x21: {  	s3 =	sadd.s32 s3, s9;
	s6 =	sadd.s32 @!p0 $0x88, s6;
	s7 =	simm.s32 @p2 $0x1082  }
0x22: {  	[simem:s7], [sflag:s8] =	dma.local @!p0 [hbm:s6], $0xF7A  }
0x23: {  	s9 =	sor.u32 $0xD0000000, s2;
	s6 =	simm.s32 $0x108;
	_ =	swait.ge @!p0 [sflag:s8], $0x0  }
0x24: {  	s3 =	sadd.s32 $0x88, s3;
	s6 =	simm.s32 @!p1 $0x1082;
	[sflag:s4] =	ssyncset.s32 $0xFFFFF086  }
0x25: {  	[simem:s6], [sflag:s4] =	dma.local [hbm:s3], $0xF7A  }
0x26: {  	[smem:$0x3F98] =	sst s1;
	(tag) =	ssettag s2;
	_ =	strace s9  }
0x27: {  	s1 =	sld [smem:$0x3FA8]  }
0x28: {  	s2 =	sld [smem:$0x3FA9]  }
0x29: {  	s4 =	sld [smem:$0x3FAB]  }
0x2a: {  	p0 =	seq.s32 s5, $0x0;
	s5 =	sld [smem:$0x3FAC]  }
0x2b: {  	s6 =	sld [smem:$0x3FAD]  }
0x2c: {  	s7 =	sld [smem:$0x3FAE]  }
0x2d: {  	s3 =	simm.s32 $0x108;
	s8 =	sld [smem:$0x3FAF]  }
0x2e: {  	s3 =	simm.s32 @!p0 $0x1082;
	s9 =	sld [smem:$0x3FB0]  }
0x2f: {  	lr =	sadd.s32 s0, s3;
	s0 =	sld [smem:$0x3FA7]  }
0x30: {  	s3 =	sld [smem:$0x3FAA]  }
0x31: {  	[smem:$0x3FB3] =	sst s10  }
0x32: {  	s10 =	sld [smem:$0x3FB1];
	_ =	sdelay $0x3  }
0x33: {  	p0 =	seq.s32 s10, $0x1;
	s10 =	sld [smem:$0x3FB3];
	_ =	sdelay $0x3  }
0x34: {  	[smem:$0x3FB3] =	sst s10  }
0x35: {  	s10 =	sld [smem:$0x3FB2];
	_ =	sdelay $0x3  }
0x36: {  	p1 =	seq.s32 s10, $0x1;
	s10 =	sld [smem:$0x3FB3];
	_ =	sdelay $0x3  }
0x37: {  	[smem:$0x3FB3] =	sst s10  }
0x38: {  	s10 =	sld [smem:$0x3FB4]  }
0x39: {  	_ = 	snop;
	(pc) =	sbr.ind lr, $3  }
0x3a: {  	_ = 	snop  }
0x3b: {  	_ = 	snop  }
0x3c: {  	p2 =	seq.s32 s10, $0x1;
	s10 =	sld [smem:$0x3FB3]  }
0x3d: {  	_ =	shalt  }
0x3e: {  	_ =	shalt  }
0x3f: {  	_ =	shalt  }
0x40: {  	_ =	shalt  }
0x41: {  	_ =	shalt  }
0x42: {  	_ =	shalt  }
0x43: {  	_ =	shalt  }
0x44: {  	_ =	shalt  }
0x45: {  	_ =	shalt  }
0x46: {  	_ =	shalt  }
0x47: {  	_ =	shalt  }
0x48: {  	_ =	shalt  }
0x49: {  	_ =	shalt  }
0x4a: {  	_ =	shalt  }
0x4b: {  	_ =	shalt  }
0x4c: {  	_ =	shalt  }
0x4d: {  	_ =	shalt  }
0x4e: {  	_ =	shalt  }
0x4f: {  	_ =	shalt  }
0x50: {  	_ =	shalt  }
0x51: {  	_ =	shalt  }
0x52: {  	_ =	shalt  }
0x53: {  	_ =	shalt  }
0x54: {  	_ =	shalt  }
0x55: {  	_ =	shalt  }
0x56: {  	_ =	shalt  }
0x57: {  	_ =	shalt  }
0x58: {  	_ =	shalt  }
0x59: {  	_ =	shalt  }
0x5a: {  	_ =	shalt  }
0x5b: {  	_ =	shalt  }
0x5c: {  	_ =	shalt  }
0x5d: {  	_ =	shalt  }
0x5e: {  	_ =	shalt  }
0x5f: {  	_ =	shalt  }
0x60: {  	_ =	shalt  }
0x61: {  	_ =	shalt  }
0x62: {  	_ =	shalt  }
0x63: {  	_ =	shalt  }
0x64: {  	_ =	shalt  }
0x65: {  	_ =	shalt  }
0x66: {  	_ =	shalt  }
0x67: {  	_ =	shalt  }
0x68: {  	_ =	shalt  }
0x69: {  	_ =	shalt  }
0x6a: {  	_ =	shalt  }
0x6b: {  	_ =	shalt  }
0x6c: {  	_ =	shalt  }
0x6d: {  	_ =	shalt  }
0x6e: {  	_ =	shalt  }
0x6f: {  	_ =	shalt  }
0x70: {  	_ =	shalt  }
0x71: {  	_ =	shalt  }
0x72: {  	_ =	shalt  }
0x73: {  	_ =	shalt  }
0x74: {  	_ =	shalt  }
0x75: {  	_ =	shalt  }
0x76: {  	_ =	shalt  }
0x77: {  	_ =	shalt  }
0x78: {  	_ =	shalt  }
0x79: {  	_ =	shalt  }
0x7a: {  	_ =	shalt  }
0x7b: {  	_ =	shalt  }
0x7c: {  	_ =	shalt  }
0x7d: {  	_ =	shalt  }
0x7e: {  	_ =	shalt  }
0x7f: {  	_ =	shalt  }
0x80: {  	_ =	shalt  }
0x81: {  	_ =	shalt  }
0x82: {  	_ =	shalt  }
0x83: {  	_ =	shalt  }
0x84: {  	_ =	shalt  }
0x85: {  	_ =	shalt  }
0x86: {  	_ =	shalt  }
0x87: {  	_ =	shalt  }
.Lfunc_end0:
.L_simem_size_0:
called_computation_lowered:
.L_overlay_start_0:
0x88: {  	s2 =	sld [smem:$0x3FD9]  }
0x89: {  	s3 =	sld [smem:$0x3FFE];
	_ =	sdelay $0x1  }
0x8a: {  	s1 =	srdreg.scid  }
0x8b: {  	s0 =	sand.u32 $0x1, s1  }
0x8c: {  	s15 =	sshll.u32 s0, $0xA;
	s2 =	sadd.s32 s3, s2  }
0x8d: {  	s2 =	sadd.s32 s2, s15  }
0x8e: {  	[smem:$0x3FBF] =	sst s2  }
0x8f: {  	_ = 	snop  }
0x90: {  	s2 =	sld [smem:$0x3FD0];
	_ =	sdelay $0x2  }
0x91: {  	s16 =	simm.s32 $0xA;
	s4 =	simm.s32 $0x10  }
0x92: {  	[smem:s4], [sflag:s16] =	dma.local [hbm:s2], $0x1  }
0x93: {  	_ =	swait.eq [sflag:s16], $0x1  }
0x94: {  	s17 =	sld [smem:$0x10];
	[sflag:s16] =	ssyncset.done $0x0  }
0x95: {  	s18 =	sld [smem:$0x11];
	[sflag:s16] =	ssyncadd.s32 $0xFFFFFFFF  }
0x96: {  	s19 =	sld [smem:$0x12];
	(tm) =	ssettm $0x1  }
0x97: {  	s5 =	sld [smem:$0x3FFB];
	_ =	sdelay $0x3  }
0x98: {  	_ =	strace s5  }
0x99: {  	s5 =	sld [smem:$0x3FFC];
	_ =	sdelay $0x3  }
0x9a: {  	_ =	strace s5  }
0x9b: {  	s5 =	sld [smem:$0x3FFD];
	_ =	sdelay $0x3  }
0x9c: {  	_ =	strace s5  }
0x9d: {  	_ =	strace $0x8FFFFFFF  }
0x9e: {  	s20 =	sld [smem:$0x3FDB];
	_ =	sdelay $0x1  }
0x9f: {  	s6 =	simm.s32 $_scs_section_size  }
0xa0: {  	s7 =	simm.s32 $_size__tile_overlayer_lowered;
	s8 =	simm.s32 $_tile_overlayer_lowered  }
0xa1: {  	s23 =	simm.s32 $0x1BFF;
	s22 =	sshll.u32 s8, $0x1;
	s5 =	sadd.s32 s6, s20  }
0xa2: {  	s9 =	simm.s32 $0x0;
	s21 =	sshll.u32 s7, $0x1;
	s7 =	sadd.s32 s22, s5  }
0xa3: {  	[timem:s9], [sflag:s23] =	dma.local [hbm:s7], s21  }
0xa4: {  	_ =	swait.ge [sflag:s23], s21  }
0xa5: {  	s6 =	ssub.s32 $0x0, s21;
	[sflag:s23] =	ssyncset.done $0x0  }
0xa6: {  	[sflag:s23] =	ssyncadd.s32 s6;
	_ =	sdelay $0x1  }
0xa7: {  	s24 =	simm.s32 $0x1B8B  }
0xa8: {  	_ =	swait.ge [sflag:s24], $0x1  }
0xa9: {  	[sflag:s24] =	ssyncset.done $0x0  }
0xaa: {  	s25 =	simm.s32 $0x1B8E;
	[sflag:s24] =	ssyncadd.s32 $0xFFFFFFFF  }
0xab: {  	s26 =	simm.s32 $execute0_lowered;
	[smem:$0x3FD2] =	sst s25  }
0xac: {  	s6 =	sshll.u32 s26, $0x1;
	_ =	strace $0x80000046;
	[dreg:$0x1] =	wrdreg $0xFFFFFFFF  }
0xad: {  	s28 =	simm.s32 $_size_execute0_lowered;
	s5 =	sadd.s32 s5, s6;
	[dreg:$0x0] =	wrdreg $0x0  }
0xae: {  	s6 =	sshll.u32 s28, $0x1;
	[dreg:$0x2] =	wrdreg s5  }
0xaf: {  	[dreg:$0x3] =	wrdreg s6  }
0xb0: {  	[dreg:$0x4] =	wrdreg $0xC0  }
0xb1: {  	_ =	task [dreg:s9], $0x5FFFF  }
0xb2: {  	[dreg:$0x1] =	wrdreg $0xFFFFFFFF  }
0xb3: {  	[dreg:$0x0] =	wrdreg $0x60  }
0xb4: {  	[dreg:$0x2] =	wrdreg s17  }
0xb5: {  	[dreg:$0x3] =	wrdreg s19  }
0xb6: {  	[dreg:$0x4] =	wrdreg s18  }
0xb7: {  	[dreg:$0x5] =	wrdreg $0x9  }
0xb8: {  	_ =	task.clear_ibuf [dreg:s9], $0x6FFFF;
	_ =	strace $0x90000046  }
0xb9: {  	s29 =	simm.s32 $0x9;
	_ =	strace $0x80000048  }
0xba: {  	_ =	swait.ge [sflag:s29], $0x1  }
0xbb: {  	[sflag:s29] =	ssyncadd.s32 $0xFFFFFFFF  }
0xbc: {  	_ =	strace $0x90000048  }
0xbd: {  	_ =	sfence  }
0xbe: {  	s30 =	sld [smem:$0x0];
	_ =	sdelay $0x2  }
0xbf: {  	s31 =	sshll.u32 s1, $0xD;
	s1 =	sshrl.u32 s1, $0x2  }
0xc0: {  	s3 =	sand.u32 $0x4000, s31;
	s1 =	sadd.s32 s1, s30  }
0xc1: {  	s0 =	sor.u32 s3, s0;
	s1 =	sshll.u32 s1, $0x11  }
0xc2: {  	s0 =	sor.u32 s1, s0  }
0xc3: {  	s0 =	sadd.s32 $0x8F2B, s0  }
0xc4: {  	[sflag:s0] =	ssyncadd.remote.s32 $0x1  }
0xc5: {  	_ =	sfence.sel $0xFFFF  }
0xc6: {  	[dreg:$0x0] =	wrdreg $0xFFFFFFFF;
	(pc) =	sbr.abs _section_cstart, $3  }
0xc7: {  	[dreg:$0x1] =	wrdreg $0xFFFFFFFF  }
0xc8: {  	_ =	task.clear_ibuf [dreg:s9], $0x2FFFF;
	_ =	strace $0x9FFFFFFF  }
0xc9: {  	(tm) =	ssettm $0x7FFFFFFF  }
tec
execute0_lowered:
.L_overlay_start_1:
0x0: {  	(tag) =	ssettag $0x1  }
0x1: {  	s0 =	srdreg.scid  }
0x2: {  	s2 =	stileid.u32;
	s0 =	sand.u32 $0x1, s0  }
0x3: {  	s2 =	sshll.u32 s2, $0x1;
	s3 =	ssub.s32 $0x0, s0  }
0x4: {  	p0 =	sne.s32 s2, s3  }
.Ltmp0:
0x5: {  	_ = 	snop;
	(pc) =	sbr.rel @p0 .LBB2_42-.Ltmp0, $4  }
0x6: {  	_ = 	snop  }
0x7: {  	s5 =	simm.s32 $0x0  }
0x8: {  	[smem:$0x7FF] =	sst s5  }
0x9: {  	s1 =	rddreg [dreg:$0x0];
	_ =	strace $0x80000047  }
0xa: {  	v0 =	vlaneseq.u32  }
0xb: {  	v2 =	vimm.s32 $0x0;
	v3 =	vimm.s32 $0x1;
	v6 =	vimm.s32 $0xFFFFFFFF  }
0xc: {  	s0 =	ssub.s32 $0x2, s0;
	vm0 =	vmmov $0x1;
	vm13 =	vcmask $0x308;
	vm15 =	vcmask $0x70C;
	s7 =	simm.s32 $0xA000;
	s8 =	simm.s32 $0x1  }
0xd: {  	v7 =	vimm.s32 $0xA67;
	vm4 =	vcmask $0x1300;
	s9 =	simm.s32 $0x1CE80;
	vm3 =	vcmask $0xB10;
	s10 =	simm.s32 $0x16000;
	s11 =	simm.s32 $0x1CC00  }
0xe: {  	s12 =	simm.s32 $0x1CD00;
	vm5 =	vcmask $0x314;
	vm6 =	vcmask $0x714;
	s13 =	simm.s32 $0x1A000;
	v5 =	vmul.u32 $0xFFFFFFFF, v0;
	s2 =	sshrl.u32 s0, $0x1  }
0xf: {  	vm7 =	vcmask $0xB14;
	s14 =	simm.s32 $0x18000;
	s15 =	simm.s32 $0x1CE00;
	v1 =	vmul.u32 $0x8, v0;
	v7 =	vsel vm4, $0x400, v7;
	s0 =	ssub.s32 s0, s2  }
0x10: {  	s16 =	simm.s32 $0x1C000;
	s18 =	simm.s32 $0x0;
	vm4 =	vcmask $0xF14;
	v4 =	vadd.s32 $0x1FFF, v5;
	v5 =	vadd.s32 $0xF, v5;
	s6 =	smax.u32 s0, $0x1  }
.LBB2_2:
0x11: {  	s19 =	simm.s32 $0x0;
	s20 =	simm.s32 $0x0  }
.LBB2_3:
0x12: {  	v8 =	vmov s19  }
0x13: {  	s0 =	sshll.u32 s20, $0xB;
	v8 =	vshll.u32 v8, $0x3  }
0x14: {  	s2 =	sadd.s32 s1, s0;
	v8 =	vor.u32 v1, v8  }
0x15: {  	[tilespmem:s7], [sflag:$0x1] =	stream.linear.gather [hbm4b:s2+s19], $0x4000, $0x38;
	[tilespmem:$0x1CF80] =	vst v63  }
0x16: {  	_ =	swait.ge [sflag:s8], $0x4000  }
0x17: {  	[sflag:s8] =	ssyncset.done $0x0  }
0x18: {  	[sflag:s8] =	ssyncadd.s32 $0xFFFFC000  }
0x19: {  	v9 =	vld.idx.msk [tilespmem:v8+s7+$0x0], $0xffff  }
0x1a: {  	v10 =	vor.u32 $0x1, v8  }
0x1b: {  	s31 =	sand.u32 $0x780, s19  }
0x1c: {  	s3 =	sand.u32 $0x70, s19;
	s2 =	sadd.s32 s31, s0  }
0x1d: {  	s21 =	sadd.s32 s3, s2  }
0x1e: {  	[tilespmem:s21+$0x0] =	vst v9  }
0x1f: {  	v9 =	vld.idx.msk [tilespmem:v10+s7+$0x0], $0xffff  }
0x20: {  	v10 =	vor.u32 $0x2, v8;
	_ =	sdelay $0x3  }
0x21: {  	[tilespmem:s21+$0x2000] =	vst v9  }
0x22: {  	v9 =	vld.idx.msk [tilespmem:v10+s7+$0x0], $0xffff  }
0x23: {  	v10 =	vor.u32 $0x3, v8;
	_ =	sdelay $0x3  }
0x24: {  	[tilespmem:s21+$0x4000] =	vst v9  }
0x25: {  	v9 =	vld.idx.msk [tilespmem:v10+s7+$0x0], $0xffff  }
0x26: {  	v8 =	vor.u32 $0x4, v8;
	_ =	sdelay $0x3  }
0x27: {  	s3 =	simm.s32 $0x10;
	[tilespmem:s21+$0x6000] =	vst v9  }
0x28: {  	s22 =	simm.s32 $0x20;
	v9 =	vmov s3;
	v8 =	vld.idx.msk [tilespmem:v8+s7+$0x0], $0xffff  }
.LBB2_4:
0x29: {  	p0 =	sne.s32 s22, $0x7F0;
	v9 =	vshll.u32 v9, $0x3  }
0x2a: {  	v9 =	vor.u32 v1, v9;
	_ =	sdelay $0x3  }
0x2b: {  	[tilespmem:s21+$0x8000] =	vst v8  }
0x2c: {  	v8 =	vld.idx.msk [tilespmem:v9+s7+$0x0], $0xffff;
	_ =	sdelay $0x1  }
0x2d: {  	v10 =	vor.u32 $0x1, v9  }
0x2e: {  	s2 =	sand.u32 $0x780, s3  }
0x2f: {  	s2 =	sadd.s32 s2, s0;
	s21 =	sand.u32 $0x70, s3;
	s3 =	smov.u32 s22  }
0x30: {  	s21 =	sadd.s32 s21, s2  }
0x31: {  	[tilespmem:s21+$0x0] =	vst v8  }
0x32: {  	v8 =	vld.idx.msk [tilespmem:v10+s7+$0x0], $0xffff;
	_ =	sdelay $0x1  }
0x33: {  	v10 =	vor.u32 $0x2, v9;
	_ =	sdelay $0x3  }
0x34: {  	[tilespmem:s21+$0x2000] =	vst v8  }
0x35: {  	v8 =	vld.idx.msk [tilespmem:v10+s7+$0x0], $0xffff;
	_ =	sdelay $0x1  }
0x36: {  	v10 =	vor.u32 $0x3, v9;
	_ =	sdelay $0x3  }
0x37: {  	[tilespmem:s21+$0x4000] =	vst v8  }
0x38: {  	v8 =	vld.idx.msk [tilespmem:v10+s7+$0x0], $0xffff;
	_ =	sdelay $0x1  }
0x39: {  	v10 =	vor.u32 $0x4, v9  }
.Ltmp1:
0x3a: {  	(pc) =	sbr.rel @p0 .LBB2_4-.Ltmp1, $3  }
0x3b: {  	_ =	sdelay $0x1  }
0x3c: {  	[tilespmem:s21+$0x6000] =	vst v8  }
0x3d: {  	s22 =	sadd.s32 $0x10, s22;
	v9 =	vmov s3;
	v8 =	vld.idx.msk [tilespmem:v10+s7+$0x0], $0xffff  }
0x3e: {  	v9 =	vshll.u32 v9, $0x3  }
0x3f: {  	v9 =	vor.u32 v1, v9;
	_ =	sdelay $0x3  }
0x40: {  	[tilespmem:s21+$0x8000] =	vst v8  }
0x41: {  	v8 =	vld.idx.msk [tilespmem:v9+s7+$0x0], $0xffff  }
0x42: {  	v10 =	vor.u32 $0x1, v9  }
0x43: {  	s2 =	sand.u32 $0x780, s3  }
0x44: {  	s31 =	sand.u32 $0x70, s3;
	s0 =	sadd.s32 s2, s0  }
0x45: {  	s0 =	sadd.s32 s31, s0  }
0x46: {  	[tilespmem:s0+$0x0] =	vst v8  }
0x47: {  	v8 =	vld.idx.msk [tilespmem:v10+s7+$0x0], $0xffff  }
0x48: {  	v62 =	vor.u32 $0x2, v9;
	_ =	sdelay $0x3  }
0x49: {  	[tilespmem:s0+$0x2000] =	vst v8  }
0x4a: {  	v8 =	vld.idx.msk [tilespmem:v62+s7+$0x0], $0xffff  }
0x4b: {  	v63 =	vor.u32 $0x3, v9;
	_ =	sdelay $0x3  }
0x4c: {  	[tilespmem:s0+$0x4000] =	vst v8  }
0x4d: {  	v8 =	vld.idx.msk [tilespmem:v63+s7+$0x0], $0xffff  }
0x4e: {  	v9 =	vor.u32 $0x4, v9;
	_ =	sdelay $0x3  }
0x4f: {  	s20 =	sadd.s32 $0x1, s20;
	[tilespmem:s0+$0x6000] =	vst v8  }
0x50: {  	p0 =	sne.s32 s20, $0x4;
	v8 =	vld.idx.msk [tilespmem:v9+s7+$0x0], $0xffff  }
.Ltmp2:
0x51: {  	_ = 	snop;
	(pc) =	sbr.rel @p0 .LBB2_3-.Ltmp2, $2  }
0x52: {  	_ =	sdelay $0x2  }
0x53: {  	[tilespmem:s0+$0x8000] =	vst v8  }
0x54: {  	s0 =	simm.s32 $0x0;
	[tilespmem:$0x1CE80] =	vst v2  }
0x55: {  	s2 =	sand.u32 $0x1FF0, s0;
	v9 =	vld [tilespmem:s0+$0x0]  }
0x56: {  	v8 =	vld [tilespmem:s2+$0x2000];
	_ =	sdelay $0x1  }
0x57: {  	v10 =	vld [tilespmem:s2+$0x4000];
	_ =	sdelay $0x1  }
0x58: {  	v11 =	vld [tilespmem:s2+$0x6000]  }
0x59: {  	vm8 =	vgt.s32 v8, v9  }
0x5a: {  	v8 =	vsel vm8, v8, v9;
	v9 =	vld [tilespmem:s2+$0x8000]  }
0x5b: {  	vm9 =	vgt.s32 v10, v8  }
0x5c: {  	v8 =	vsel vm9, v10, v8  }
0x5d: {  	v10 =	vsel vm8, $0x1, v2;
	vm8 =	vgt.s32 v11, v8  }
0x5e: {  	v10 =	vsel vm9, $0x2, v10;
	v8 =	vsel vm8, v11, v8  }
0x5f: {  	v10 =	vsel vm8, $0x3, v10;
	vm8 =	vgt.s32 v9, v8  }
0x60: {  	v8 =	vsel vm8, $0x4, v10;
	_ =	sdelay $0x2  }
0x61: {  	s0 =	simm.s32 $0x16000  }
0x62: {  	s3 =	simm.s32 $0x10;
	[tilespmem:s0+$0x0] =	vst v8  }
0x63: {  	s19 =	sand.u32 $0x1FF0, s3;
	[tilespmem:v8+s9+$0x0] =	vst.idx.add.s32.msk $0xffff, v3  }
0x64: {  	s2 =	simm.s32 $0x20;
	v8 =	vld [tilespmem:s19+$0x2000]  }
.LBB2_7:
0x65: {  	p0 =	sne.s32 s2, $0x1FF0;
	v9 =	vld [tilespmem:s3+$0x0];
	_ =	sdelay $0x1  }
0x66: {  	v10 =	vld [tilespmem:s19+$0x4000];
	_ =	sdelay $0x1  }
0x67: {  	v11 =	vld [tilespmem:s19+$0x6000]  }
0x68: {  	vm8 =	vgt.s32 v8, v9  }
0x69: {  	v8 =	vsel vm8, v8, v9;
	v9 =	vld [tilespmem:s19+$0x8000]  }
0x6a: {  	vm9 =	vgt.s32 v10, v8  }
0x6b: {  	v8 =	vsel vm9, v10, v8  }
0x6c: {  	v10 =	vsel vm8, $0x1, v2;
	vm8 =	vgt.s32 v11, v8  }
0x6d: {  	v10 =	vsel vm9, $0x2, v10;
	v8 =	vsel vm8, v11, v8  }
0x6e: {  	v10 =	vsel vm8, $0x3, v10;
	vm8 =	vgt.s32 v9, v8  }
0x6f: {  	v8 =	vsel vm8, $0x4, v10;
	_ =	sdelay $0x1  }
.Ltmp3:
0x70: {  	(pc) =	sbr.rel @p0 .LBB2_7-.Ltmp3, $4  }
0x71: {  	s0 =	sadd.s32 $0x10, s0  }
0x72: {  	[tilespmem:s0+$0x0] =	vst v8  }
0x73: {  	s19 =	sand.u32 $0x1FF0, s2;
	[tilespmem:v8+s9+$0x0] =	vst.idx.add.s32.msk $0xffff, v3  }
0x74: {  	s3 =	sadd.s32 $0x10, s3;
	s2 =	sadd.s32 $0x10, s2;
	v8 =	vld [tilespmem:s19+$0x2000]  }
0x75: {  	v9 =	vld [tilespmem:s3+$0x0];
	_ =	sdelay $0x1  }
0x76: {  	v10 =	vld [tilespmem:s19+$0x4000];
	_ =	sdelay $0x1  }
0x77: {  	v11 =	vld [tilespmem:s19+$0x6000]  }
0x78: {  	vm8 =	vgt.s32 v8, v9  }
0x79: {  	v62 =	vld [tilespmem:s19+$0x8000];
	v8 =	vsel vm8, v8, v9  }
0x7a: {  	vm9 =	vgt.s32 v10, v8  }
0x7b: {  	v8 =	vsel vm9, v10, v8  }
0x7c: {  	v63 =	vsel vm8, $0x1, v2;
	vm8 =	vgt.s32 v11, v8  }
0x7d: {  	v10 =	vsel vm9, $0x2, v63;
	v8 =	vsel vm8, v11, v8  }
0x7e: {  	v10 =	vsel vm8, $0x3, v10;
	vm8 =	vgt.s32 v62, v8  }
0x7f: {  	v8 =	vsel vm8, $0x4, v10;
	_ =	sdelay $0x2  }
0x80: {  	s0 =	sadd.s32 $0x10, s0  }
0x81: {  	[tilespmem:s0+$0x0] =	vst v8  }
0x82: {  	[tilespmem:v8+s9+$0x0] =	vst.idx.add.s32.msk $0xffff, v3  }
0x83: {  	v8 =	vld [tilespmem:$0x1CE80]  }
.Ltmp4:
0x84: {  	_ = 	snop;
	(pc) =	sbr.rel .LBB2_9-.Ltmp4, $2  }
0x85: {  	_ =	sdelay $0x2  }
0x86: {  	s19 =	simm.s32 $0x0;
	[tilespmem:$0x1CE00] =	vst v8  }
.LBB2_18:
0x87: {  	s19 =	sadd.s32 $0x1, s19  }
0x88: {  	p0 =	sne.s32 s19, $0x5  }
.Ltmp5:
0x89: {  	_ = 	snop;
	(pc) =	sbr.rel @!p0 .LBB2_19-.Ltmp5, $1  }
0x8a: {  	_ =	sdelay $0x3  }
.LBB2_9:
0x8b: {  	v8 =	vld [tilespmem:$0x1CE80];
	_ =	sdelay $0x3  }
0x8c: {  	v9 =	vmov s19  }
0x8d: {  	vm8 =	veq.s32 v9, v0;
	v8 =	vxor.u32 $0x80000000, v8  }
0x8e: {  	v8 =	vnsel vm8, $0x0, v8  }
0x8f: {  	(xrf0) =	vmax.scan.msk.u32 $0xffff, v8;
	_ =	sdelay $0x5  }
0x90: {  	v8, _, _ =	vpop (xrf0)  }
0x91: {  	(v2sf) =	vpush v8, $0xF;
	_ =	sdelay $0xe  }
.Ltmp6:
0x92: {  	s0 =	spop (v2sf);
	(pc) =	sbr.rel .LBB2_10-.Ltmp6, $4  }
0x93: {  	s0 =	sxor.u32 $0x80000000, s0  }
0x94: {  	s20 =	simm.s32 $0x9;
	p1 =	slt.s32 s0, $0x400  }
0x95: {  	s21 =	sshll.u32 s19, $0xD;
	p0 =	sgt.s32 s0, $0x400;
	s20 =	simm.s32 @!p1 $0x0  }
0x96: {  	s22 =	simm.s32 $0x0;
	v8 =	vmov s21;
	p1 =	slt.s32 s0, $0x401;
	s20 =	simm.s32 @p0 $0x4  }
.LBB2_17:
0x97: {  	s22 =	sadd.s32 $0x1, s22  }
0x98: {  	p2 =	sne.s32 s22, $0x9  }
.Ltmp7:
0x99: {  	_ = 	snop;
	(pc) =	sbr.rel @!p2 .LBB2_18-.Ltmp7, $1  }
0x9a: {  	_ =	sdelay $0x3  }
.LBB2_10:
0x9b: {  	p2 =	sge.u32 s22, s20  }
.Ltmp8:
0x9c: {  	_ = 	snop;
	(pc) =	sbr.rel @p2 .LBB2_17-.Ltmp8, $1  }
0x9d: {  	_ =	sdelay $0x3  }
0x9e: {  	[tilespmem:$0x1CC00] =	vst v2  }
0x9f: {  	[tilespmem:$0x1CC10] =	vst v2  }
0xa0: {  	[tilespmem:$0x1CC20] =	vst v2  }
0xa1: {  	[tilespmem:$0x1CC30] =	vst v2  }
0xa2: {  	[tilespmem:$0x1CC40] =	vst v2  }
0xa3: {  	[tilespmem:$0x1CC50] =	vst v2  }
0xa4: {  	[tilespmem:$0x1CC60] =	vst v2  }
0xa5: {  	[tilespmem:$0x1CC70] =	vst v2;
	s0 =	sand.u32 $0x1, s22  }
0xa6: {  	[tilespmem:$0x1CC80] =	vst v2;
	s24 =	smov.u32 s21;
	s25 =	smov.u32 s21;
	p5 =	slt.u32 s22, $0x4  }
0xa7: {  	[tilespmem:$0x1CC90] =	vst v2;
	p3 =	seq.s32 s22, $0x0;
	p4 =	sgt.u32 s22, $0x4;
	s26 =	simm.s32 $0x0  }
0xa8: {  	[tilespmem:$0x1CCA0] =	vst v2;
	p2 =	seq.s32 s0, $0x1;
	s0 =	sshll.u32 s22, $0x3;
	p6 =	por !p0, !p3  }
0xa9: {  	[tilespmem:$0x1CCB0] =	vst v2;
	p3 =	por !p3, !p1;
	p4 =	por p0, p4;
	s24 =	simm.s32 @!p2 $0xA000  }
0xaa: {  	[tilespmem:$0x1CCC0] =	vst v2;
	s25 =	simm.s32 @p2 $0xA000;
	s2 =	sadd.s32 $0xFFFFFFD8, s0;
	p2 =	por !p6, !p6  }
0xab: {  	[tilespmem:$0x1CCD0] =	vst v2;
	p3 =	por !p3, !p3;
	s3 =	smov.u32 s24;
	s2 =	smov.u32 @p5 s0  }
0xac: {  	[tilespmem:$0x1CCE0] =	vst v2;
	p5 =	por !p5, !p1;
	s3 =	smov.u32 @p0 s25;
	s2 =	smov.u32 @p0 s0  }
0xad: {  	[tilespmem:$0x1CCF0] =	vst v2;
	p5 =	por !p5, !p5;
	s0 =	simm.s32 $0x0;
	s23 =	sadd.s32 $0xA000, s3;
	v9 =	vmov s2  }
.LBB2_12:
0xae: {  	s2 =	sand.u32 $0x1F80, s0  }
0xaf: {  	s3 =	sand.u32 $0x70, s0;
	s2 =	sadd.s32 s2, s23  }
0xb0: {  	s2 =	sadd.s32 s3, s2  }
0xb1: {  	v10 =	vld [tilespmem:s2+$0x0];
	_ =	sdelay $0x2  }
0xb2: {  	v11 =	vmov s0  }
0xb3: {  	v11 =	vsub.s32 v4, v11  }
0xb4: {  	v12 =	vor.u32 s0, v0;
	v10 =	vpsel p3, v11, v10  }
0xb5: {  	v10 =	vpsel p2, v12, v10;
	_ =	sdelay $0x4  }
0xb6: {  	v11 =	vld.idx.msk [tilespmem:v10+s10+$0x0], $0xffff;
	_ =	sdelay $0x4  }
0xb7: {  	v63 =	vshll.u32 v11, $0xD  }
0xb8: {  	v12 =	vadd.s32 v10, v63;
	_ =	sdelay $0x1  }
0xb9: {  	v10 =	vadd.s32 v8, v10;
	_ =	sdelay $0x2  }
0xba: {  	v12 =	vld.idx.msk [tilespmem:v12+s26+$0x0], $0xffff;
	_ =	sdelay $0x1  }
0xbb: {  	v10 =	vld.idx.msk [tilespmem:v10+s26+$0x0], $0xffff;
	_ =	sdelay $0x2  }
0xbc: {  	v11 =	vsub.s32 $0x4, v11;
	v12 =	vxor.u32 $0xFFFFFFFF, v12  }
0xbd: {  	v11 =	vpsel p5, v12, v11  }
0xbe: {  	v10 =	vpsel p4, v10, v11  }
0xbf: {  	v10 =	vshrl.u32 v10, v9  }
0xc0: {  	p6 =	seq.s32 s0, $0x1FF0;
	v10 =	vand.u32 $0xFF, v10  }
.Ltmp9:
0xc1: {  	_ = 	snop;
	(pc) =	sbr.rel @!p6 .LBB2_12-.Ltmp9, $2  }
0xc2: {  	_ =	sdelay $0x2  }
0xc3: {  	s0 =	sadd.s32 $0x10, s0;
	[tilespmem:v10+s11+$0x0] =	vst.idx.add.s32.msk $0xffff, v3  }
0xc4: {  	s30 =	simm.s32 $0x0  }
0xc5: {  	v17 =	vld [tilespmem:s30+$0x1CC00];
	_ =	sdelay $0x4  }
0xc6: {  	s28 =	simm.s32 $0x10;
	(xrf0) =	vadd.scan.msk.s32 $0xffff, v17  }
0xc7: {  	v11 =	vld [tilespmem:s28+$0x1CC00];
	_ =	sdelay $0x2  }
0xc8: {  	s31 =	simm.s32 $0x20  }
0xc9: {  	v10 =	vld [tilespmem:s31+$0x1CC00]  }
0xca: {  	v18, _, _ =	vpop (xrf0);
	(xrf0) =	vadd.scan.msk.s32 $0xffff, v11;
	_ =	sdelay $0x1  }
0xcb: {  	v12 =	vxor.u32 $0x80000000, v18  }
0xcc: {  	(xrf0) =	vmax.scan.msk.u32 $0xffff, v12  }
0xcd: {  	(xrf0) =	vadd.scan.msk.s32 $0xffff, v10  }
0xce: {  	s29 =	simm.s32 $0x30  }
0xcf: {  	v12 =	vld [tilespmem:s29+$0x1CC00];
	v14, _, _ =	vpop (xrf0)  }
0xd0: {  	v13 =	vxor.u32 $0x80000000, v14;
	_ =	sdelay $0x1  }
0xd1: {  	v15, _, _ =	vpop (xrf0)  }
0xd2: {  	(xrf0) =	vmax.scan.msk.u32 $0xffff, v13;
	v13, _, _ =	vpop (xrf0)  }
0xd3: {  	(xrf0) =	vadd.scan.msk.s32 $0xffff, v12;
	v16 =	vxor.u32 $0x80000000, v13  }
0xd4: {  	(xrf0) =	vmax.scan.msk.u32 $0xffff, v16;
	_ =	sdelay $0x2  }
0xd5: {  	(v2sf) =	vpush v15, $0xF  }
0xd6: {  	v19, _, _ =	vpop (xrf0)  }
0xd7: {  	v15, _, _ =	vpop (xrf0)  }
0xd8: {  	s0 =	simm.s32 $0x40;
	(v2sf) =	vpush v19, $0xF;
	v20, _, _ =	vpop (xrf0)  }
0xd9: {  	v16 =	vld [tilespmem:s0+$0x1CC00];
	(v2sf) =	vpush v20, $0xF;
	_ =	sdelay $0x4  }
0xda: {  	s3 =	simm.s32 $0x50;
	(xrf0) =	vadd.scan.msk.s32 $0xffff, v16  }
0xdb: {  	v21 =	vsub.s32 s26, v17;
	v17 =	vld [tilespmem:s3+$0x1CC00];
	v19 =	vxor.u32 $0x80000000, v15  }
0xdc: {  	(xrf0) =	vmax.scan.msk.u32 $0xffff, v19  }
0xdd: {  	s2 =	simm.s32 $0x180;
	v18 =	vadd.s32 v18, v21  }
.LBB2_14:
0xde: {  	s4 =	sshra.s32 s2, $0x2  }
0xdf: {  	[tilespmem:s30+$0x1CD00] =	vst v18;
	s30 =	smov.u32 s28;
	s28 =	smov.u32 s31;
	p6 =	seq.s32 s2, $0x3C0  }
.Ltmp10:
0xe0: {  	s2 =	sadd.s32 $0x40, s2;
	(xrf0) =	vadd.scan.msk.s32 $0xffff, v17;
	v19, _, _ =	vpop (xrf0);
	s31 =	spop (v2sf);
	(pc) =	sbr.rel @!p6 .LBB2_14-.Ltmp10, $4  }
0xe1: {  	v20 =	vmov v17;
	v21 =	vxor.u32 $0x80000000, v19;
	s26 =	sadd.s32 s31, s26;
	v17 =	vld [tilespmem:s4+$0x1CC00];
	s31 =	smov.u32 s29;
	s29 =	smov.u32 s0  }
0xe2: {  	s0 =	smov.u32 s3;
	s3 =	smov.u32 s4;
	(xrf0) =	vmax.scan.msk.u32 $0xffff, v21;
	v18, _, _ =	vpop (xrf0);
	s26 =	sadd.s32 $0x80000000, s26  }
0xe3: {  	(v2sf) =	vpush v18, $0xF;
	v18 =	vsub.s32 s26, v11;
	v11 =	vmovc v10;
	v10 =	vmovc v12;
	v12 =	vmov v16  }
0xe4: {  	v16 =	vmovc v20;
	v18 =	vadd.s32 v14, v18;
	v14 =	vmovc v13;
	v13 =	vmov v15;
	v15 =	vmov v19  }
0xe5: {  	_ = 	snop  }
0xe6: {  	v19, _, _ =	vpop (xrf0)  }
0xe7: {  	(xrf0) =	vadd.scan.msk.s32 $0xffff, v17;
	v20 =	vxor.u32 $0x80000000, v19  }
0xe8: {  	(xrf0) =	vmax.scan.msk.u32 $0xffff, v20;
	_ =	sdelay $0x3  }
0xe9: {  	v61, _, _ =	vpop (xrf0)  }
0xea: {  	(v2sf) =	vpush v61, $0xF;
	v21, _, _ =	vpop (xrf0)  }
0xeb: {  	v22 =	vxor.u32 $0x80000000, v21;
	v62, _, _ =	vpop (xrf0)  }
0xec: {  	(xrf0) =	vmax.scan.msk.u32 $0xffff, v22;
	(v2sf) =	vpush v62, $0xF;
	_ =	sdelay $0x5  }
0xed: {  	v63, _, _ =	vpop (xrf0)  }
0xee: {  	s2 =	spop (v2sf);
	(v2sf) =	vpush v63, $0xF  }
0xef: {  	s2 =	sadd.s32 s2, s26  }
0xf0: {  	s4 =	spop (v2sf);
	s2 =	sadd.s32 $0x80000000, s2  }
0xf1: {  	s4 =	sadd.s32 s4, s2  }
0xf2: {  	s4 =	sadd.s32 $0x80000000, s4;
	s17 =	spop (v2sf)  }
0xf3: {  	s26 =	sadd.s32 s17, s4  }
0xf4: {  	s26 =	sadd.s32 $0x80000000, s26;
	s17 =	spop (v2sf)  }
0xf5: {  	v11 =	vsub.s32 s2, v11;
	s17 =	sadd.s32 s17, s26  }
0xf6: {  	[tilespmem:s30+$0x1CD00] =	vst v18;
	v11 =	vadd.s32 v14, v11;
	v10 =	vsub.s32 s4, v10;
	s2 =	sadd.s32 $0x80000000, s17;
	s17 =	spop (v2sf)  }
0xf7: {  	[tilespmem:s28+$0x1CD00] =	vst v11;
	v10 =	vadd.s32 v13, v10;
	v11 =	vsub.s32 s26, v12;
	s4 =	sadd.s32 s17, s2  }
0xf8: {  	[tilespmem:s31+$0x1CD00] =	vst v10;
	v10 =	vadd.s32 v15, v11;
	v11 =	vsub.s32 s2, v16;
	s30 =	sadd.s32 $0x80000000, s4  }
0xf9: {  	[tilespmem:s29+$0x1CD00] =	vst v10;
	v10 =	vadd.s32 v19, v11;
	v11 =	vsub.s32 s30, v17  }
0xfa: {  	s25 =	smov.u32 @p0 s24;
	[tilespmem:s0+$0x1CD00] =	vst v10;
	v10 =	vadd.s32 v21, v11  }
0xfb: {  	[tilespmem:s3+$0x1CD00] =	vst v10;
	v10 =	vmov s25  }
0xfc: {  	v10 =	vadd.s32 $0xFFFFFFFF, v10  }
0xfd: {  	s0 =	simm.s32 $0x0;
	s31 =	spop (v2sf);
	v10 =	vbroadcast v10, $0x0  }
.LBB2_16:
0xfe: {  	s2 =	sand.u32 $0x1F80, s0  }
0xff: {  	s3 =	sand.u32 $0x70, s0;
	s2 =	sadd.s32 s2, s23  }
0x100: {  	s2 =	sadd.s32 s3, s2  }
0x101: {  	v11 =	vld [tilespmem:s2+$0x0];
	_ =	sdelay $0x2  }
0x102: {  	v12 =	vmov s0  }
0x103: {  	v12 =	vsub.s32 v4, v12  }
0x104: {  	v13 =	vor.u32 s0, v0;
	v11 =	vpsel p3, v12, v11  }
0x105: {  	v11 =	vpsel p2, v13, v11;
	_ =	sdelay $0x4  }
0x106: {  	v60 =	vld.idx.msk [tilespmem:v11+s10+$0x0], $0xffff;
	_ =	sdelay $0x4  }
0x107: {  	v61 =	vshll.u32 v60, $0xD  }
0x108: {  	v13 =	vadd.s32 v11, v61;
	_ =	sdelay $0x1  }
0x109: {  	v14 =	vadd.s32 v8, v11;
	_ =	sdelay $0x2  }
0x10a: {  	v13 =	vld.idx.msk [tilespmem:v13+s5+$0x0], $0xffff;
	_ =	sdelay $0x1  }
0x10b: {  	v14 =	vld.idx.msk [tilespmem:v14+s5+$0x0], $0xffff;
	_ =	sdelay $0x2  }
0x10c: {  	v12 =	vsub.s32 $0x4, v60;
	v13 =	vxor.u32 $0xFFFFFFFF, v13  }
0x10d: {  	v12 =	vpsel p5, v13, v12  }
0x10e: {  	v12 =	vpsel p4, v14, v12  }
0x10f: {  	v12 =	vshrl.u32 v12, v9  }
0x110: {  	v12 =	vand.u32 $0xFF, v12  }
0x111: {  	(xrf1) =	vunique.msk.u32 $0xffff, v12;
	_ =	sdelay $0x8  }
0x112: {  	v62 =	vld.idx.msk [tilespmem:v12+s12+$0x0], $0xffff;
	_ =	sdelay $0x4  }
0x113: {  	v13 =	vadd.s32 v62, v10;
	_, v63, _ =	vpop (xrf1)  }
0x114: {  	v13 =	vadd.s32 v63, v13  }
0x115: {  	p6 =	sne.s32 s0, $0x1FF0  }
.Ltmp11:
0x116: {  	_ = 	snop;
	(pc) =	sbr.rel @p6 .LBB2_16-.Ltmp11, $3  }
0x117: {  	_ =	sdelay $0x1  }
0x118: {  	[tilespmem:v13+s7+$0x0] =	vst.idx.msk $0xffff, v11  }
0x119: {  	s0 =	sadd.s32 $0x10, s0;
	[tilespmem:v12+s12+$0x0] =	vst.idx.add.s32.msk $0xffff, v3  }
.Ltmp12:
0x11a: {  	_ = 	snop;
	(pc) =	sbr.rel .LBB2_17-.Ltmp12, $1  }
0x11b: {  	_ =	sdelay $0x3  }
.LBB2_19:
.Ltmp13:
0x11c: {  	(pc) =	sbr.rel .LBB2_20-.Ltmp13, $2  }
0x11d: {  	_ =	sdelay $0x2  }
0x11e: {  	s0 =	simm.s32 $0x0;
	s19 =	simm.s32 $0x0  }
.LBB2_28:
0x11f: {  	_ =	sdelay $0x3  }
0x120: {  	[tilespmem:v8+s15+$0x0] =	vst.idx.add.s32.msk $0x1, v10  }
.LBB2_29:
0x121: {  	p0 =	sne.s32 s20, $0x5  }
.Ltmp14:
0x122: {  	_ = 	snop;
	(pc) =	sbr.rel @!p0 .LBB2_30-.Ltmp14, $2  }
0x123: {  	_ =	sdelay $0x2  }
0x124: {  	s19 =	sadd.s32 $0x2000, s19;
	s0 =	smov.u32 s20  }
.LBB2_20:
0x125: {  	v9 =	vld [tilespmem:$0x1CE80];
	_ =	sdelay $0x3  }
0x126: {  	v8 =	vmov s0  }
0x127: {  	vm8 =	veq.s32 v8, v0;
	v9 =	vxor.u32 $0x80000000, v9  }
0x128: {  	v9 =	vnsel vm8, $0x0, v9  }
0x129: {  	(xrf0) =	vmax.scan.msk.u32 $0xffff, v9;
	_ =	sdelay $0x5  }
0x12a: {  	v9, _, _ =	vpop (xrf0)  }
0x12b: {  	(v2sf) =	vpush v9, $0xF;
	_ =	sdelay $0xe  }
0x12c: {  	s2 =	spop (v2sf)  }
0x12d: {  	s2 =	sxor.u32 $0x80000000, s2  }
0x12e: {  	s21 =	ssub.s32 $0x400, s2  }
0x12f: {  	p0 =	slt.s32 s21, $0x1  }
.Ltmp15:
0x130: {  	_ = 	snop;
	(pc) =	sbr.rel @p0 .LBB2_29-.Ltmp15, $2  }
0x131: {  	_ =	sdelay $0x2  }
0x132: {  	s20 =	sadd.s32 $0x1, s0  }
.Ltmp16:
0x133: {  	(pc) =	sbr.rel .LBB2_22-.Ltmp16, $2  }
0x134: {  	_ =	sdelay $0x2  }
0x135: {  	v9 =	vmov s20;
	s3 =	simm.s32 $0x0  }
.LBB2_25:
0x136: {  	s3 =	sadd.s32 $0x1, s3  }
0x137: {  	p0 =	sne.s32 s3, $0x5  }
.Ltmp17:
0x138: {  	_ = 	snop;
	(pc) =	sbr.rel @!p0 .LBB2_26-.Ltmp17, $1  }
0x139: {  	_ =	sdelay $0x3  }
.LBB2_22:
0x13a: {  	v11 =	vld [tilespmem:$0x1CE00];
	_ =	sdelay $0x3  }
0x13b: {  	v10 =	vmov s3  }
0x13c: {  	vm9 =	veq.s32 v10, v0;
	v11 =	vxor.u32 $0x80000000, v11  }
0x13d: {  	v11 =	vnsel vm9, $0x0, v11  }
0x13e: {  	(xrf0) =	vmax.scan.msk.u32 $0xffff, v11;
	_ =	sdelay $0x5  }
0x13f: {  	v11, _, _ =	vpop (xrf0)  }
0x140: {  	(v2sf) =	vpush v11, $0xF;
	_ =	sdelay $0xe  }
0x141: {  	s2 =	spop (v2sf)  }
0x142: {  	p0 =	seq.s32 s3, s0;
	s2 =	sadd.s32 $0x7FFFFC00, s2  }
0x143: {  	p1 =	slt.s32 @!p0 s2, $0x1  }
0x144: {  	p0 =	por p0, p1  }
.Ltmp18:
0x145: {  	_ = 	snop;
	(pc) =	sbr.rel @p0 .LBB2_25-.Ltmp18, $1  }
0x146: {  	_ =	sdelay $0x3  }
0x147: {  	s4 =	sshll.u32 s3, $0xD  }
0x148: {  	s25 =	simm.s32 $0x0;
	s4 =	sand.u32 $0x3FFFE000, s4  }
0x149: {  	v11 =	vmov s2;
	s23 =	simm.s32 $0x0;
	s24 =	simm.s32 $0x0;
	s22 =	sadd.s32 $0xA000, s4  }
.LBB2_24:
0x14a: {  	s4 =	sand.u32 $0x1F80, s23  }
0x14b: {  	s17 =	sand.u32 $0x70, s23;
	s4 =	sadd.s32 s4, s22  }
0x14c: {  	s4 =	sadd.s32 s17, s4  }
0x14d: {  	v12 =	vld [tilespmem:s4+$0x0];
	_ =	sdelay $0x7  }
0x14e: {  	v13 =	vld.idx.msk [tilespmem:v12+s10+$0x0], $0xffff;
	_ =	sdelay $0x4  }
0x14f: {  	vm9 =	veq.s32 v13, v10  }
0x150: {  	v13 =	vsel vm9, $0x1, v2  }
0x151: {  	(xrf0) =	vadd.scan.msk.s32 $0xffff, v13;
	_ =	sdelay $0x5  }
0x152: {  	v13, _, _ =	vpop (xrf0)  }
0x153: {  	v14 =	vxor.u32 $0x80000000, v13  }
0x154: {  	(xrf0) =	vmax.scan.msk.u32 $0xffff, v14;
	_ =	sdelay $0x5  }
0x155: {  	v14, _, _ =	vpop (xrf0)  }
0x156: {  	(v2sf) =	vpush v14, $0xF;
	_ =	sdelay $0xe  }
0x157: {  	s31 =	spop (v2sf)  }
0x158: {  	v13 =	vadd.s32 s24, v13;
	s4 =	sadd.s32 s31, s24  }
0x159: {  	p0 =	sgt.u32 s25, $0x1FE;
	vm10 =	vle.s32 v13, v11;
	s24 =	sadd.s32 $0x80000000, s4  }
0x15a: {  	vm9 =	vmand vm9, vm10;
	p1 =	slt.s32 @!p0 s24, s2  }
0x15b: {  	p0 =	por p0, !p1  }
.Ltmp19:
0x15c: {  	_ = 	snop;
	(pc) =	sbr.rel @!p0 .LBB2_24-.Ltmp19, $2  }
0x15d: {  	_ =	sdelay $0x2  }
0x15e: {  	s25 =	sadd.s32 $0x1, s25;
	s23 =	sadd.s32 $0x10, s23;
	[tilespmem:v12+s13+$0x0] =	vst.idx.msk vm9, v9  }
.Ltmp20:
0x15f: {  	_ = 	snop;
	(pc) =	sbr.rel .LBB2_25-.Ltmp20, $1  }
0x160: {  	_ =	sdelay $0x3  }
.LBB2_26:
0x161: {  	v10 =	vld [tilespmem:$0x1CE80];
	_ =	sdelay $0x4  }
0x162: {  	v10 =	vxor.u32 $0x80000000, v10  }
0x163: {  	v10 =	vnsel vm8, $0x0, v10  }
0x164: {  	(xrf0) =	vmax.scan.msk.u32 $0xffff, v10;
	_ =	sdelay $0x5  }
0x165: {  	v10, _, _ =	vpop (xrf0)  }
0x166: {  	(v2sf) =	vpush v10, $0xF;
	_ =	sdelay $0xe  }
0x167: {  	s2 =	spop (v2sf)  }
0x168: {  	s2 =	sxor.u32 $0x80000000, s2  }
0x169: {  	v10 =	vmov s2  }
0x16a: {  	s0 =	sor.u32 $0x8, s0;
	v11 =	vadd.s32 $0xFFFFFFFF, v10  }
0x16b: {  	v12 =	vmov s0;
	s0 =	simm.s32 $0x1FF0;
	s2 =	simm.s32 $0x0;
	v10 =	vmov s21;
	v11 =	vbroadcast v11, $0x0  }
.LBB2_27:
0x16c: {  	s3 =	sadd.s32 s0, s19  }
0x16d: {  	s4 =	sand.u32 $0x70, s0;
	s3 =	sand.u32 $0xFFFFFF80, s3  }
0x16e: {  	s3 =	sor.u32 s4, s3  }
0x16f: {  	v13 =	vld [tilespmem:s3+$0xA000];
	_ =	sdelay $0x4  }
0x170: {  	v13 =	vperm.xlane v13, v5;
	_ =	sdelay $0x5  }
0x171: {  	v14 =	vld.idx.msk [tilespmem:v13+s13+$0x0], $0xffff;
	_ =	sdelay $0x4  }
0x172: {  	vm8 =	veq.s32 v14, v9  }
0x173: {  	v14 =	vsel vm8, $0x1, v2  }
0x174: {  	(xrf0) =	vadd.scan.msk.s32 $0xffff, v14;
	_ =	sdelay $0x5  }
0x175: {  	v14, _, _ =	vpop (xrf0)  }
0x176: {  	v15 =	vxor.u32 $0x80000000, v14  }
0x177: {  	(xrf0) =	vmax.scan.msk.u32 $0xffff, v15;
	_ =	sdelay $0x5  }
0x178: {  	v15, _, _ =	vpop (xrf0)  }
0x179: {  	(v2sf) =	vpush v15, $0xF;
	_ =	sdelay $0x5  }
0x17a: {  	v14 =	vadd.s32 s2, v14  }
0x17b: {  	vm9 =	vle.s32 v14, v10  }
0x17c: {  	vm8 =	vmand vm8, vm9;
	_ =	sdelay $0x4  }
0x17d: {  	v14 =	vadd.s32 v14, v11  }
0x17e: {  	[tilespmem:v13+s14+$0x0] =	vst.idx.msk vm8, v14  }
0x17f: {  	v14 =	vld.idx.msk [tilespmem:v13+s10+$0x0], $0xffff;
	s30 =	spop (v2sf)  }
0x180: {  	s31 =	sadd.s32 s30, s2  }
0x181: {  	p0 =	seq.s32 s0, $0x0;
	s2 =	sadd.s32 $0x80000000, s31  }
0x182: {  	p1 =	slt.s32 @!p0 s2, s21  }
0x183: {  	p0 =	por p0, !p1  }
.Ltmp21:
0x184: {  	_ = 	snop;
	(pc) =	sbr.rel @!p0 .LBB2_27-.Ltmp21, $3  }
0x185: {  	_ =	sdelay $0x1  }
0x186: {  	[tilespmem:v14+s15+$0x0] =	vst.idx.add.s32.msk vm8, v6  }
0x187: {  	s0 =	sadd.s32 $0xFFFFFFF0, s0;
	[tilespmem:v13+s10+$0x0] =	vst.idx.msk vm8, v12  }
.Ltmp22:
0x188: {  	_ = 	snop;
	(pc) =	sbr.rel .LBB2_28-.Ltmp22, $1  }
0x189: {  	_ =	sdelay $0x3  }
.LBB2_30:
0x18a: {  	v8 =	vld [tilespmem:$0x1CE00];
	_ =	sdelay $0x4  }
0x18b: {  	v9 =	vnsel vm0, $0x80000000, v8  }
0x18c: {  	v10 =	vsel vm13, $0x80000000, v8;
	v9 =	vxor.u32 $0x80000000, v9  }
0x18d: {  	(xrf0) =	vmax.scan.msk.u32 $0xffff, v9;
	v9 =	vxor.u32 $0x80000000, v10;
	v10 =	vsel vm15, $0x80000000, v8  }
0x18e: {  	v8 =	vsel vm3, $0x80000000, v8;
	(xrf0) =	vmax.scan.msk.u32 $0xffff, v9;
	v9 =	vxor.u32 $0x80000000, v10  }
0x18f: {  	v8 =	vxor.u32 $0x80000000, v8;
	(xrf0) =	vmax.scan.msk.u32 $0xffff, v9  }
0x190: {  	(xrf0) =	vmax.scan.msk.u32 $0xffff, v8;
	_ =	sdelay $0x2  }
0x191: {  	v8, _, _ =	vpop (xrf0)  }
0x192: {  	(v2sf) =	vpush v8, $0xF;
	v8, _, _ =	vpop (xrf0)  }
0x193: {  	(v2sf) =	vpush v8, $0xF;
	v8, _, _ =	vpop (xrf0)  }
0x194: {  	s0 =	simm.s32 $0x16000;
	(v2sf) =	vpush v8, $0xF;
	v8, _, _ =	vpop (xrf0)  }
0x195: {  	(v2sf) =	vpush v8, $0xF;
	v8 =	vld [tilespmem:s0+$0x0];
	_ =	sdelay $0x4  }
0x196: {  	vm14 =	veq.s32 v8, $0x2  }
0x197: {  	v9 =	vsel vm14, $0x1, v2  }
0x198: {  	vm15 =	veq.s32 v8, $0x0;
	(xrf0) =	vadd.scan.msk.s32 $0xffff, v9  }
0x199: {  	vm8 =	veq.s32 v8, $0x4;
	v10 =	vsel vm15, $0x1, v2  }
0x19a: {  	vm10 =	veq.s32 v8, $0x1;
	v9 =	vsel vm8, $0x1, v2;
	(xrf0) =	vadd.scan.msk.s32 $0xffff, v10  }
0x19b: {  	s19 =	simm.s32 $0x0;
	v10 =	vsel vm10, $0x1, v2;
	(xrf0) =	vadd.scan.msk.s32 $0xffff, v9  }
0x19c: {  	v13 =	vmov s19;
	vm9 =	veq.s32 v8, $0x3;
	(xrf0) =	vadd.scan.msk.s32 $0xffff, v10  }
0x19d: {  	v13 =	vadd.s32 $0xFFFFFFFF, v13;
	v8 =	vsel vm9, $0x1, v2  }
0x19e: {  	s20 =	simm.s32 $0x18000;
	v13 =	vbroadcast v13, $0x0;
	(xrf0) =	vadd.scan.msk.s32 $0xffff, v8;
	s26 =	spop (v2sf);
	v12, _, _ =	vpop (xrf0)  }
0x19f: {  	v19 =	vld [tilespmem:s20+$0x0];
	s0 =	sadd.s32 $0x7FFFFC00, s26;
	s2 =	spop (v2sf);
	v14 =	vxor.u32 $0x80000000, v12  }
0x1a0: {  	p0 =	sgt.s32 s0, $0x0;
	s2 =	sadd.s32 $0x7FFFFC00, s2;
	v11, _, _ =	vpop (xrf0);
	v60 =	vadd.s32 v12, v13  }
0x1a1: {  	s3 =	spop (v2sf);
	v12 =	vor.u32 s19, v0;
	s0 =	simm.s32 @!p0 $0x0;
	p0 =	sgt.s32 s2, $0x0;
	v15, _, _ =	vpop (xrf0);
	v16 =	vadd.s32 s19, v11;
	v11 =	vxor.u32 $0x80000000, v11  }
0x1a2: {  	s3 =	sadd.s32 $0x7FFFFC00, s3;
	(xrf0) =	vmax.scan.msk.u32 $0xffff, v14;
	s2 =	simm.s32 @!p0 $0x0;
	s0 =	sadd.s32 $0xFFFFFC00, s0;
	v17 =	vadd.s32 $0xFFFFFFFF, v16;
	v20 =	vxor.u32 $0x80000000, v15;
	v15 =	vadd.s32 v15, v13;
	v14, _, _ =	vpop (xrf0)  }
0x1a3: {  	p0 =	sgt.s32 s3, $0x0;
	(xrf0) =	vmax.scan.msk.u32 $0xffff, v11;
	v16 =	vadd.s32 $0xFFFFFBFF, v16;
	s2 =	sadd.s32 s2, s0;
	v9 =	vmov s0;
	v18 =	vxor.u32 $0x80000000, v14  }
0x1a4: {  	s4 =	spop (v2sf);
	s3 =	simm.s32 @!p0 $0x0;
	vm11 =	vgt.s32 v17, $0x3FF;
	v17 =	vsel vm15, v17, v19;
	v8 =	vmov s2;
	v21, _, _ =	vpop (xrf0);
	(xrf0) =	vmax.scan.msk.u32 $0xffff, v18  }
0x1a5: {  	s4 =	sadd.s32 $0x7FFFFC00, s4;
	s31 =	sadd.s32 s3, s2;
	v14 =	vadd.s32 v14, v13;
	vm12 =	vmand vm15, vm11;
	v59 =	vxor.u32 $0x80000000, v21;
	(xrf0) =	vmax.scan.msk.u32 $0xffff, v20  }
0x1a6: {  	p0 =	sgt.s32 s4, $0x0;
	v10 =	vmov s31;
	vm11 =	vgt.s32 v14, $0x3FF;
	v61 =	vadd.s32 v21, v13;
	(xrf0) =	vmax.scan.msk.u32 $0xffff, v59  }
0x1a7: {  	s4 =	simm.s32 @!p0 $0x0;
	v62 =	vadd.s32 v9, v14;
	vm13 =	vmand vm10, vm11;
	vm11 =	vgt.s32 v60, $0x3FF  }
0x1a8: {  	s0 =	sadd.s32 s4, s31;
	v63 =	vadd.s32 v8, v60;
	v14 =	vsel vm10, v14, v17;
	v13, _, _ =	vpop (xrf0);
	vm1 =	vmand vm14, vm11  }
0x1a9: {  	v11 =	vmov s0;
	vm10 =	vgt.s32 v15, $0x3FF;
	vm11 =	vgt.s32 v61, $0x3FF;
	v22, _, _ =	vpop (xrf0)  }
0x1aa: {  	v14 =	vsel vm14, v60, v14;
	vm11 =	vmand vm9, vm11;
	(v2sf) =	vpush v13, $0xF;
	v23, _, _ =	vpop (xrf0)  }
0x1ab: {  	vm10 =	vmand vm8, vm10;
	v13 =	vadd.s32 v10, v61;
	(v2sf) =	vpush v23, $0xF;
	v17, _, _ =	vpop (xrf0)  }
0x1ac: {  	s21 =	simm.s32 $0x10;
	s29 =	simm.s32 $0x20;
	s28 =	simm.s32 $0x16010;
	[tilespmem:v16+s16+$0x0] =	vst.idx.msk vm12, v12;
	v16, _, _ =	vpop (xrf0);
	(v2sf) =	vpush v17, $0xF;
	v17 =	vsel vm9, v61, v14;
	v14 =	vadd.s32 v11, v15  }
0x1ad: {  	s30 =	simm.s32 $0x18000;
	s24 =	simm.s32 $0x0;
	s25 =	simm.s32 $0x0;
	[tilespmem:v62+s16+$0x0] =	vst.idx.msk vm13, v12;
	(v2sf) =	vpush v16, $0xF  }
0x1ae: {  	s23 =	simm.s32 $0x0;
	s22 =	simm.s32 $0x0;
	s26 =	simm.s32 $0x0;
	[tilespmem:v63+s16+$0x0] =	vst.idx.msk vm1, v12;
	v15 =	vsel vm8, v15, v17;
	(v2sf) =	vpush v22, $0xF  }
.LBB2_31:
0x1af: {  	p0 =	sne.s32 s29, $0x1FF0  }
0x1b0: {  	[tilespmem:v13+s16+$0x0] =	vst.idx.msk vm11, v12;
	s20 =	sadd.s32 $0x10, s20;
	s0 =	smov.u32 s29;
	s29 =	sadd.s32 $0x10, s29  }
0x1b1: {  	[tilespmem:v14+s16+$0x0] =	vst.idx.msk vm10, v12  }
0x1b2: {  	[tilespmem:s30+$0x0] =	vst v15;
	s30 =	smov.u32 s20  }
0x1b3: {  	v12 =	vld [tilespmem:s28+$0x0];
	_ =	sdelay $0x4  }
0x1b4: {  	vm8 =	veq.s32 v12, $0x2;
	vm15 =	veq.s32 v12, $0x3;
	vm14 =	veq.s32 v12, $0x4  }
0x1b5: {  	vm10 =	veq.s32 v12, $0x0;
	v13 =	vsel vm8, $0x1, v2;
	v14 =	vsel vm14, $0x1, v2  }
0x1b6: {  	vm9 =	veq.s32 v12, $0x1;
	v15 =	vsel vm10, $0x1, v2;
	v16 =	vsel vm15, $0x1, v2;
	(xrf0) =	vadd.scan.msk.s32 $0xffff, v13;
	s2 =	spop (v2sf)  }
0x1b7: {  	v12 =	vsel vm9, $0x1, v2;
	(xrf0) =	vadd.scan.msk.s32 $0xffff, v15;
	s2 =	sadd.s32 s2, s24;
	s3 =	spop (v2sf)  }
0x1b8: {  	(xrf0) =	vadd.scan.msk.s32 $0xffff, v14;
	s3 =	sadd.s32 s3, s25;
	s24 =	sadd.s32 $0x80000000, s2;
	s2 =	spop (v2sf)  }
0x1b9: {  	(xrf0) =	vadd.scan.msk.s32 $0xffff, v12;
	s25 =	sadd.s32 $0x80000000, s3;
	s2 =	sadd.s32 s2, s26;
	s3 =	spop (v2sf)  }
0x1ba: {  	v12 =	vor.u32 s21, v0;
	v14 =	vmov s24;
	v13 =	vmov s25;
	(xrf0) =	vadd.scan.msk.s32 $0xffff, v16;
	s3 =	sadd.s32 s3, s23;
	s26 =	sadd.s32 $0x80000000, s2;
	s2 =	spop (v2sf)  }
0x1bb: {  	s21 =	smov.u32 s0;
	v14 =	vadd.s32 $0xFFFFFFFF, v14;
	v13 =	vadd.s32 $0xFFFFFFFF, v13;
	v15 =	vmov s26;
	s2 =	sadd.s32 s2, s22;
	s23 =	sadd.s32 $0x80000000, s3  }
0x1bc: {  	v14 =	vbroadcast v14, $0x0;
	v16 =	vmov s23;
	v15 =	vadd.s32 $0xFFFFFFFF, v15;
	v17, _, _ =	vpop (xrf0);
	s22 =	sadd.s32 $0x80000000, s2  }
0x1bd: {  	v13 =	vbroadcast v13, $0x0;
	v18 =	vld [tilespmem:s20+$0x0];
	v22 =	vxor.u32 $0x80000000, v17;
	v16 =	vadd.s32 $0xFFFFFFFF, v16;
	v20, _, _ =	vpop (xrf0)  }
0x1be: {  	v15 =	vbroadcast v15, $0x0;
	v21 =	vadd.s32 s22, v20;
	v16 =	vbroadcast v16, $0x0;
	(xrf0) =	vmax.scan.msk.u32 $0xffff, v22;
	v19, _, _ =	vpop (xrf0)  }
0x1bf: {  	v20 =	vxor.u32 $0x80000000, v20;
	v22 =	vadd.s32 $0xFFFFFFFF, v21;
	v23 =	vxor.u32 $0x80000000, v19;
	v24, _, _ =	vpop (xrf0)  }
0x1c0: {  	v15 =	vadd.s32 v19, v15;
	vm1 =	vgt.s32 v22, $0x3FF;
	v25 =	vxor.u32 $0x80000000, v24;
	(xrf0) =	vmax.scan.msk.u32 $0xffff, v20;
	v19, _, _ =	vpop (xrf0)  }
0x1c1: {  	v20 =	vadd.s32 $0xFFFFFBFF, v21;
	v21 =	vadd.s32 v24, v13;
	vm12 =	vmand vm10, vm1;
	(xrf0) =	vmax.scan.msk.u32 $0xffff, v25  }
0x1c2: {  	v16 =	vadd.s32 v19, v16;
	v13 =	vxor.u32 $0x80000000, v19;
	v18 =	vsel vm10, v22, v18;
	(xrf0) =	vmax.scan.msk.u32 $0xffff, v23  }
0x1c3: {  	v14 =	vadd.s32 v17, v14;
	vm1 =	vgt.s32 v21, $0x3FF;
	vm10 =	vgt.s32 v16, $0x3FF;
	(xrf0) =	vmax.scan.msk.u32 $0xffff, v13  }
0x1c4: {  	s28 =	sadd.s32 $0x10, s28;
	vm13 =	vgt.s32 v14, $0x3FF;
	vm1 =	vmand vm9, vm1;
	vm11 =	vmand vm15, vm10;
	v17, _, _ =	vpop (xrf0)  }
0x1c5: {  	vm13 =	vmand vm8, vm13;
	v19 =	vadd.s32 v9, v21;
	v13 =	vadd.s32 v10, v16  }
0x1c6: {  	v23 =	vsel vm9, v21, v18;
	v21 =	vadd.s32 v8, v14;
	vm9 =	vgt.s32 v15, $0x3FF;
	v22, _, _ =	vpop (xrf0)  }
.Ltmp23:
0x1c7: {  	v14 =	vsel vm8, v14, v23;
	vm10 =	vmand vm14, vm9;
	v18, _, _ =	vpop (xrf0);
	(v2sf) =	vpush v17, $0xF;
	(pc) =	sbr.rel @p0 .LBB2_31-.Ltmp23, $4  }
0x1c8: {  	v23 =	vsel vm15, v16, v14;
	v14 =	vadd.s32 v11, v15;
	(v2sf) =	vpush v18, $0xF;
	v17, _, _ =	vpop (xrf0)  }
0x1c9: {  	v15 =	vsel vm14, v15, v23;
	[tilespmem:v20+s16+$0x0] =	vst.idx.msk vm12, v12;
	v16, _, _ =	vpop (xrf0);
	(v2sf) =	vpush v17, $0xF  }
0x1ca: {  	[tilespmem:v19+s16+$0x0] =	vst.idx.msk vm1, v12;
	(v2sf) =	vpush v16, $0xF  }
0x1cb: {  	[tilespmem:v21+s16+$0x0] =	vst.idx.msk vm13, v12;
	(v2sf) =	vpush v22, $0xF  }
0x1cc: {  	_ =	sdelay $0x4  }
0x1cd: {  	[tilespmem:v13+s16+$0x0] =	vst.idx.msk vm11, v12  }
0x1ce: {  	[tilespmem:v14+s16+$0x0] =	vst.idx.msk vm10, v12  }
0x1cf: {  	[tilespmem:s30+$0x0] =	vst v15  }
0x1d0: {  	v12 =	vld [tilespmem:s28+$0x0];
	_ =	sdelay $0x4  }
0x1d1: {  	vm14 =	veq.s32 v12, $0x2  }
0x1d2: {  	vm15 =	veq.s32 v12, $0x0;
	v42 =	vsel vm14, $0x1, v2  }
0x1d3: {  	vm8 =	veq.s32 v12, $0x4;
	v43 =	vsel vm15, $0x1, v2;
	(xrf0) =	vadd.scan.msk.s32 $0xffff, v42  }
0x1d4: {  	vm10 =	veq.s32 v12, $0x1;
	v44 =	vsel vm8, $0x1, v2;
	(xrf0) =	vadd.scan.msk.s32 $0xffff, v43  }
0x1d5: {  	v45 =	vsel vm10, $0x1, v2;
	(xrf0) =	vadd.scan.msk.s32 $0xffff, v44  }
0x1d6: {  	vm9 =	veq.s32 v12, $0x3;
	(xrf0) =	vadd.scan.msk.s32 $0xffff, v45  }
0x1d7: {  	v12 =	vsel vm9, $0x1, v2  }
0x1d8: {  	(xrf0) =	vadd.scan.msk.s32 $0xffff, v12  }
0x1d9: {  	v46, _, _ =	vpop (xrf0)  }
0x1da: {  	v47, _, _ =	vpop (xrf0)  }
0x1db: {  	v48 =	vxor.u32 $0x80000000, v46;
	v49, _, _ =	vpop (xrf0)  }
0x1dc: {  	(xrf0) =	vmax.scan.msk.u32 $0xffff, v48;
	v50 =	vxor.u32 $0x80000000, v47;
	v16, _, _ =	vpop (xrf0)  }
0x1dd: {  	(xrf0) =	vmax.scan.msk.u32 $0xffff, v50;
	v17 =	vxor.u32 $0x80000000, v16  }
0x1de: {  	v51 =	vxor.u32 $0x80000000, v49;
	v18, _, _ =	vpop (xrf0);
	(xrf0) =	vmax.scan.msk.u32 $0xffff, v17  }
0x1df: {  	v52 =	vxor.u32 $0x80000000, v18;
	(xrf0) =	vmax.scan.msk.u32 $0xffff, v51  }
0x1e0: {  	s0 =	spop (v2sf);
	(xrf0) =	vmax.scan.msk.u32 $0xffff, v52  }
0x1e1: {  	s2 =	spop (v2sf)  }
0x1e2: {  	s0 =	sadd.s32 s0, s24;
	s2 =	sadd.s32 s2, s25;
	v53, _, _ =	vpop (xrf0)  }
0x1e3: {  	s3 =	spop (v2sf);
	s0 =	sadd.s32 $0x80000000, s0;
	s2 =	sadd.s32 $0x80000000, s2;
	v54, _, _ =	vpop (xrf0)  }
0x1e4: {  	s3 =	sadd.s32 s3, s26;
	s4 =	spop (v2sf);
	v55 =	vmov s0;
	v19 =	vmov s2;
	(v2sf) =	vpush v53, $0xF;
	v20, _, _ =	vpop (xrf0)  }
0x1e5: {  	s31 =	sadd.s32 s4, s23;
	s4 =	sadd.s32 $0x80000000, s3;
	s17 =	spop (v2sf);
	v14 =	vadd.s32 $0xFFFFFFFF, v55;
	v19 =	vadd.s32 $0xFFFFFFFF, v19;
	(v2sf) =	vpush v20, $0xF;
	v56, _, _ =	vpop (xrf0)  }
0x1e6: {  	v21 =	vmov s4;
	s23 =	sadd.s32 s17, s22;
	s0 =	sadd.s32 $0x80000000, s31;
	v14 =	vbroadcast v14, $0x0;
	v22, _, _ =	vpop (xrf0);
	(v2sf) =	vpush v56, $0xF  }
0x1e7: {  	v57 =	vmov s0;
	v21 =	vadd.s32 $0xFFFFFFFF, v21;
	s24 =	sadd.s32 $0x80000000, s23;
	(v2sf) =	vpush v22, $0xF  }
0x1e8: {  	v19 =	vbroadcast v19, $0x0;
	v13 =	vadd.s32 s24, v47;
	(v2sf) =	vpush v54, $0xF  }
0x1e9: {  	v58 =	vadd.s32 $0xFFFFFFFF, v57;
	v59 =	vbroadcast v21, $0x0;
	v60 =	vadd.s32 $0xFFFFFFFF, v13  }
0x1ea: {  	s25 =	sadd.s32 $0x10, s20;
	v12 =	vadd.s32 v46, v14;
	vm1 =	vgt.s32 v60, $0x3FF;
	v16 =	vadd.s32 v16, v19  }
0x1eb: {  	v61 =	vld [tilespmem:s25+$0x0];
	v17 =	vbroadcast v58, $0x0;
	vm1 =	vmand vm15, vm1;
	vm11 =	vgt.s32 v16, $0x3FF  }
0x1ec: {  	vm12 =	vgt.s32 v12, $0x3FF;
	v13 =	vadd.s32 $0xFFFFFBFF, v13;
	vm11 =	vmand vm10, vm11  }
0x1ed: {  	vm12 =	vmand vm14, vm12;
	v9 =	vadd.s32 v9, v16;
	v17 =	vadd.s32 v18, v17  }
0x1ee: {  	v8 =	vadd.s32 v8, v12;
	v15 =	vadd.s32 v49, v59;
	vm13 =	vgt.s32 v17, $0x3FF  }
0x1ef: {  	v62 =	vor.u32 s21, v0;
	vm2 =	vgt.s32 v15, $0x3FF;
	vm13 =	vmand vm9, vm13  }
0x1f0: {  	v14 =	vsel vm15, v60, v61;
	vm2 =	vmand vm8, vm2;
	v10 =	vadd.s32 v10, v17  }
0x1f1: {  	v11 =	vadd.s32 v11, v15;
	v63 =	vsel vm10, v16, v14;
	[tilespmem:v13+s16+$0x0] =	vst.idx.msk vm1, v62  }
0x1f2: {  	[tilespmem:v9+s16+$0x0] =	vst.idx.msk vm11, v62;
	v9 =	vsel vm14, v12, v63  }
.Ltmp24:
0x1f3: {  	[tilespmem:v8+s16+$0x0] =	vst.idx.msk vm12, v62;
	v8 =	vsel vm9, v17, v9;
	s26 =	spop (v2sf);
	(pc) =	sbr.rel .LBB2_33-.Ltmp24, $4  }
0x1f4: {  	v8 =	vsel vm8, v15, v8;
	s28 =	spop (v2sf)  }
0x1f5: {  	[tilespmem:v10+s16+$0x0] =	vst.idx.msk vm13, v62;
	s29 =	spop (v2sf)  }
0x1f6: {  	vm15 =	vcmask $0x70C;
	[tilespmem:v11+s16+$0x0] =	vst.idx.msk vm2, v62;
	s30 =	spop (v2sf)  }
0x1f7: {  	vm10 =	vcmask $0x30C;
	vm11 =	vcmask $0x710;
	vm13 =	vcmask $0x308;
	[tilespmem:s25+$0x0] =	vst v8;
	v8 =	vmovc v7;
	s31 =	spop (v2sf)  }
.LBB2_34:
0x1f8: {  	(xrf1) =	vunique.msk.u32 $0xffff, v15;
	_ =	sdelay $0x9  }
0x1f9: {  	v10 =	vbroadcast v19, $0xF  }
0x1fa: {  	v11 =	vbroadcast v20, $0xF  }
0x1fb: {  	v12 =	vperm.xlane v8, v15;
	v13 =	vbroadcast v18, $0xF;
	v10 =	vadd.s32 v8, v10  }
0x1fc: {  	v10 =	vsel vm0, v10, v8;
	v8 =	vadd.s32 v11, v8;
	v11 =	vbroadcast v16, $0xF  }
0x1fd: {  	v63 =	vbroadcast v17, $0xF;
	v8 =	vsel vm10, v10, v8;
	v10 =	vadd.s32 v13, v10;
	_, v14, _ =	vpop (xrf1)  }
0x1fe: {  	v10 =	vsel vm11, v8, v10;
	v8 =	vadd.s32 v11, v8;
	v11 =	vadd.s32 v14, v12  }
0x1ff: {  	[tilespmem:v9+s10+$0x0] =	vst.idx.msk $0xffff, v15;
	v8 =	vsel vm7, v10, v8;
	v10 =	vadd.s32 v63, v10;
	v11 =	vadd.s32 $0xFFFFFFFF, v11  }
0x200: {  	v8 =	vsel vm4, v8, v10;
	[tilespmem:v9+s14+$0x0] =	vst.idx.msk $0xffff, v11  }
.LBB2_38:
0x201: {  	s19 =	sadd.s32 $0x1, s19  }
0x202: {  	p0 =	sne.s32 s19, $0xC0  }
.Ltmp25:
0x203: {  	_ = 	snop;
	(pc) =	sbr.rel @!p0 .LBB2_39-.Ltmp25, $1  }
0x204: {  	_ =	sdelay $0x3  }
.LBB2_33:
0x205: {  	v9 =	vnsel vm0, $0x80000000, v8  }
0x206: {  	v10 =	vsel vm13, $0x80000000, v8;
	v9 =	vxor.u32 $0x80000000, v9  }
0x207: {  	(xrf0) =	vmax.scan.msk.u32 $0xffff, v9;
	v9 =	vxor.u32 $0x80000000, v10;
	v10 =	vsel vm15, $0x80000000, v8  }
0x208: {  	(xrf0) =	vmax.scan.msk.u32 $0xffff, v9;
	v9 =	vxor.u32 $0x80000000, v10;
	v10 =	vsel vm3, $0x80000000, v8  }
0x209: {  	(xrf0) =	vmax.scan.msk.u32 $0xffff, v9;
	v9 =	vxor.u32 $0x80000000, v10  }
0x20a: {  	(xrf0) =	vmax.scan.msk.u32 $0xffff, v9;
	v9 =	vsel vm4, $0x80000000, v8  }
0x20b: {  	v9 =	vxor.u32 $0x80000000, v9;
	_ =	sdelay $0x1  }
0x20c: {  	(xrf0) =	vmax.scan.msk.u32 $0xffff, v9  }
0x20d: {  	v9, _, _ =	vpop (xrf0)  }
0x20e: {  	(v2sf) =	vpush v9, $0xF;
	v9, _, _ =	vpop (xrf0)  }
0x20f: {  	(v2sf) =	vpush v9, $0xF;
	v9, _, _ =	vpop (xrf0)  }
0x210: {  	(v2sf) =	vpush v9, $0xF;
	v9, _, _ =	vpop (xrf0)  }
0x211: {  	(v2sf) =	vpush v9, $0xF  }
0x212: {  	v9, _, _ =	vpop (xrf0)  }
0x213: {  	(v2sf) =	vpush v9, $0xF;
	_ =	sdelay $0x1  }
0x214: {  	s0 =	sshll.u32 s19, $0x4  }
0x215: {  	s0 =	sand.u32 $0x3FFFFFF0, s0  }
0x216: {  	v9 =	vld [tilespmem:s0+$0x1C000];
	_ =	sdelay $0x4  }
0x217: {  	v11 =	vadd.s32 $0x2000, v9  }
0x218: {  	s23 =	spop (v2sf)  }
0x219: {  	s20 =	simm.s32 $0x0;
	v12 =	vadd.s32 $0x4000, v9;
	s2 =	spop (v2sf)  }
0x21a: {  	v10 =	vld.idx.msk [tilespmem:v9+s20+$0x0], $0xffff;
	s0 =	sxor.u32 $0x80000000, s23;
	s3 =	spop (v2sf)  }
0x21b: {  	v13 =	vadd.s32 $0x6000, v9;
	s22 =	sxor.u32 $0x80000000, s2;
	p4 =	slt.s32 s0, $0x667;
	s24 =	spop (v2sf)  }
0x21c: {  	v11 =	vld.idx.msk [tilespmem:v11+s20+$0x0], $0xffff;
	s3 =	sxor.u32 $0x80000000, s3;
	p5 =	slt.s32 s22, $0x667;
	s21 =	sxor.u32 $0x80000000, s24  }
0x21d: {  	v14 =	vadd.s32 $0x8000, v9;
	s25 =	spop (v2sf);
	p2 =	slt.s32 s3, $0x667;
	p0 =	por p4, p5  }
0x21e: {  	v12 =	vld.idx.msk [tilespmem:v12+s20+$0x0], $0xffff;
	s23 =	sxor.u32 $0x80000000, s25;
	p3 =	slt.s32 s21, $0x667;
	p0 =	por p2, p0  }
0x21f: {  	v15 =	vshra.s32 v10, $0x1F;
	p1 =	slt.s32 s23, $0x667;
	p0 =	por p3, p0  }
0x220: {  	v13 =	vld.idx.msk [tilespmem:v13+s20+$0x0], $0xffff;
	v15 =	vor.u32 v15, v10;
	p0 =	por p1, p0  }
0x221: {  	v16 =	vpsel p0, $0xFFFFFFFF, v15;
	v17 =	vpsel p0, $0xFFFFFFFF, v11  }
0x222: {  	v14 =	vld.idx.msk [tilespmem:v14+s20+$0x0], $0xffff;
	v15 =	vpsel p4, v15, v16;
	v16 =	vpsel p5, v11, v17  }
0x223: {  	v17 =	vpsel p0, $0xFFFFFFFF, v12;
	vm1 =	vgt.s32 v16, v15  }
0x224: {  	v15 =	vsel vm1, v16, v15;
	v16 =	vpsel p2, v12, v17  }
0x225: {  	v17 =	vpsel p0, $0xFFFFFFFF, v13;
	vm2 =	vgt.s32 v16, v15  }
0x226: {  	v15 =	vsel vm2, v16, v15;
	v16 =	vpsel p3, v13, v17  }
0x227: {  	v18 =	vpsel p0, $0xFFFFFFFF, v14;
	v17 =	vsel vm1, $0x1, v2;
	vm1 =	vgt.s32 v16, v15  }
0x228: {  	v18 =	vpsel p1, v14, v18;
	v17 =	vsel vm2, $0x2, v17;
	v16 =	vsel vm1, v16, v15  }
0x229: {  	v15 =	vsel vm1, $0x3, v17;
	vm2 =	vgt.s32 v18, v16  }
0x22a: {  	v15 =	vsel vm2, $0x4, v15  }
0x22b: {  	vm8 =	veq.s32 v15, $0x0  }
0x22c: {  	v17 =	vsel vm8, $0x1, v2;
	vm8 =	veq.s32 v15, $0x1  }
0x22d: {  	vm9 =	vle.s32 v18, v16;
	(xrf0) =	vadd.scan.msk.s32 $0xffff, v17;
	v16 =	vsel vm8, $0x1, v2;
	vm8 =	veq.s32 v15, $0x2  }
0x22e: {  	vm1 =	vmand vm9, vm1;
	(xrf0) =	vadd.scan.msk.s32 $0xffff, v16;
	v16 =	vsel vm8, $0x1, v2  }
0x22f: {  	(xrf0) =	vadd.scan.msk.s32 $0xffff, v16;
	v16 =	vsel vm1, $0x1, v2  }
0x230: {  	(xrf0) =	vadd.scan.msk.s32 $0xffff, v16;
	v16 =	vsel vm2, $0x1, v2  }
0x231: {  	(xrf0) =	vadd.scan.msk.s32 $0xffff, v16;
	_ =	sdelay $0x1  }
0x232: {  	v19, _, _ =	vpop (xrf0)  }
0x233: {  	v20, _, _ =	vpop (xrf0);
	(v2sf) =	vpush v19, $0xF  }
0x234: {  	v18, _, _ =	vpop (xrf0);
	(v2sf) =	vpush v20, $0xF  }
0x235: {  	v16, _, _ =	vpop (xrf0);
	(v2sf) =	vpush v18, $0xF  }
0x236: {  	(v2sf) =	vpush v16, $0xF;
	v17, _, _ =	vpop (xrf0)  }
0x237: {  	(v2sf) =	vpush v17, $0xF;
	_ =	sdelay $0xa  }
0x238: {  	s26 =	spop (v2sf)  }
0x239: {  	s4 =	spop (v2sf)  }
0x23a: {  	s0 =	sadd.s32 s0, s26;
	s17 =	spop (v2sf)  }
0x23b: {  	s28 =	sadd.s32 s22, s4;
	p2 =	sgt.s32 s0, $0x667;
	s24 =	spop (v2sf)  }
0x23c: {  	p3 =	sgt.s32 s28, $0x667;
	s29 =	sadd.s32 s3, s17;
	s25 =	spop (v2sf)  }
0x23d: {  	p1 =	por p2, p3;
	p4 =	sgt.s32 s29, $0x667;
	s30 =	sadd.s32 s21, s24  }
0x23e: {  	p1 =	por p4, p1;
	p5 =	sgt.s32 s30, $0x667;
	s31 =	sadd.s32 s23, s25  }
0x23f: {  	p1 =	por p5, p1;
	p6 =	sgt.s32 s31, $0x667  }
0x240: {  	p1 =	por p6, p1  }
0x241: {  	p0 =	por !p0, !p1  }
.Ltmp26:
0x242: {  	_ = 	snop;
	(pc) =	sbr.rel @p0 .LBB2_34-.Ltmp26, $1  }
0x243: {  	_ =	sdelay $0x3  }
0x244: {  	vm1 =	vlt.s32 v8, $0x667;
	vm14 =	vmmov $0x1f  }
0x245: {  	vm1 =	vmand vm1, vm14  }
0x246: {  	v15 =	vsel vm1, $0x1, v2  }
0x247: {  	v15 =	vor.u32 $0x80000000, v15  }
0x248: {  	(xrf0) =	vmax.scan.msk.u32 $0xffff, v15;
	_ =	sdelay $0x5  }
0x249: {  	v15, _, _ =	vpop (xrf0)  }
0x24a: {  	(v2sf) =	vpush v15, $0xF;
	_ =	sdelay $0x9  }
0x24b: {  	v15 =	vmov s20  }
0x24c: {  	v16 =	vperm.xlane v10, v15  }
0x24d: {  	v17 =	vperm.xlane v11, v15  }
0x24e: {  	v18 =	vperm.xlane v12, v15;
	v16 =	vnsel vm0, $0x0, v16  }
0x24f: {  	v16 =	vsel vm5, v16, v17;
	v17 =	vperm.xlane v13, v15  }
0x250: {  	v16 =	vsel vm6, v16, v18;
	v18 =	vperm.xlane v14, v15;
	s0 =	spop (v2sf)  }
0x251: {  	vm2 =	vmmov vm14;
	v16 =	vsel vm7, v16, v17;
	p0 =	sgt.u32 s0, $0x80000000  }
0x252: {  	v16 =	vsel vm4, v16, v18;
	vm2 =	vmmov @p0 vm1  }
0x253: {  	v16 =	vnsel vm2, $0xFFFFFFFF, v16  }
0x254: {  	v17 =	vxor.u32 $0x80000000, v16  }
0x255: {  	(xrf0) =	vmax.scan.msk.u32 $0xffff, v17;
	_ =	sdelay $0x5  }
0x256: {  	v17, _, _ =	vpop (xrf0)  }
0x257: {  	(v2sf) =	vpush v17, $0xF;
	_ =	sdelay $0xe  }
0x258: {  	v15 =	vperm.xlane v9, v15;
	s31 =	spop (v2sf)  }
0x259: {  	s0 =	sxor.u32 $0x80000000, s31  }
0x25a: {  	vm1 =	veq.s32 v16, s0  }
0x25b: {  	v18 =	vmctz.xlane vm1;
	_ =	sdelay $0x1  }
0x25c: {  	vm1 =	veq.s32 v18, v0;
	v16 =	vperm.xlane v8, v18  }
0x25d: {  	s20 =	simm.s32 $0x1;
	[tilespmem:v15+s10+$0x0] =	vst.idx.msk $0x1, v18;
	v17 =	vsel vm1, $0x1, v2  }
.LBB2_36:
0x25e: {  	p0 =	sne.s32 s20, $0xF;
	v8 =	vadd.s32 v17, v8;
	[tilespmem:v15+s14+$0x0] =	vst.idx.msk $0x1, v16;
	s0 =	smov.u32 s20;
	s20 =	sadd.s32 $0x1, s20  }
0x25f: {  	vm1 =	vlt.s32 v8, $0x667  }
0x260: {  	vm8 =	vmand vm1, vm14  }
0x261: {  	v15 =	vsel vm8, $0x1, v2  }
0x262: {  	v15 =	vor.u32 $0x80000000, v15  }
0x263: {  	(xrf0) =	vmax.scan.msk.u32 $0xffff, v15;
	_ =	sdelay $0x5  }
0x264: {  	v15, _, _ =	vpop (xrf0)  }
0x265: {  	(v2sf) =	vpush v15, $0xF;
	_ =	sdelay $0x9  }
0x266: {  	v15 =	vmov s0  }
0x267: {  	v16 =	vperm.xlane v10, v15  }
0x268: {  	v17 =	vperm.xlane v11, v15  }
0x269: {  	v18 =	vperm.xlane v12, v15;
	v16 =	vnsel vm0, $0x0, v16  }
0x26a: {  	v16 =	vsel vm5, v16, v17;
	v17 =	vperm.xlane v13, v15  }
0x26b: {  	v16 =	vsel vm6, v16, v18;
	v18 =	vperm.xlane v14, v15;
	s0 =	spop (v2sf)  }
0x26c: {  	vm1 =	vmmov vm14;
	v16 =	vsel vm7, v16, v17;
	p1 =	sgt.u32 s0, $0x80000000  }
0x26d: {  	v16 =	vsel vm4, v16, v18;
	vm1 =	vmmov @p1 vm8  }
0x26e: {  	v16 =	vnsel vm1, $0xFFFFFFFF, v16  }
0x26f: {  	v17 =	vxor.u32 $0x80000000, v16  }
0x270: {  	(xrf0) =	vmax.scan.msk.u32 $0xffff, v17;
	_ =	sdelay $0x5  }
0x271: {  	v17, _, _ =	vpop (xrf0)  }
0x272: {  	(v2sf) =	vpush v17, $0xF;
	_ =	sdelay $0xe  }
0x273: {  	v15 =	vperm.xlane v9, v15;
	s0 =	spop (v2sf)  }
0x274: {  	s0 =	sxor.u32 $0x80000000, s0  }
.Ltmp27:
0x275: {  	vm1 =	veq.s32 v16, s0;
	(pc) =	sbr.rel @p0 .LBB2_36-.Ltmp27, $3  }
0x276: {  	v18 =	vmctz.xlane vm1;
	_ =	sdelay $0x1  }
0x277: {  	v16 =	vperm.xlane v8, v18;
	vm1 =	veq.s32 v18, v0  }
0x278: {  	v17 =	vsel vm1, $0x1, v2;
	[tilespmem:v15+s10+$0x0] =	vst.idx.msk $0x1, v18  }
.Ltmp28:
0x279: {  	_ = 	snop;
	(pc) =	sbr.rel .LBB2_38-.Ltmp28, $2  }
0x27a: {  	_ =	sdelay $0x2  }
0x27b: {  	v8 =	vadd.s32 v17, v8;
	[tilespmem:v15+s14+$0x0] =	vst.idx.msk $0x1, v16  }
.LBB2_39:
0x27c: {  	v9 =	vnsel vm0, $0x80000000, v8  }
0x27d: {  	v10 =	vsel vm13, $0x80000000, v8;
	v9 =	vxor.u32 $0x80000000, v9  }
0x27e: {  	(xrf0) =	vmax.scan.msk.u32 $0xffff, v9;
	v9 =	vxor.u32 $0x80000000, v10;
	v10 =	vsel vm15, $0x80000000, v8  }
0x27f: {  	(xrf0) =	vmax.scan.msk.u32 $0xffff, v9;
	v9 =	vxor.u32 $0x80000000, v10  }
0x280: {  	(xrf0) =	vmax.scan.msk.u32 $0xffff, v9;
	v9 =	vsel vm3, $0x80000000, v8  }
0x281: {  	v9 =	vxor.u32 $0x80000000, v9  }
0x282: {  	(xrf0) =	vmax.scan.msk.u32 $0xffff, v9;
	_ =	sdelay $0x2  }
0x283: {  	v9, _, _ =	vpop (xrf0)  }
0x284: {  	v10, _, _ =	vpop (xrf0);
	(v2sf) =	vpush v9, $0xF  }
0x285: {  	v9, _, _ =	vpop (xrf0);
	(v2sf) =	vpush v10, $0xF  }
0x286: {  	(v2sf) =	vpush v9, $0xF;
	v9, _, _ =	vpop (xrf0)  }
0x287: {  	(v2sf) =	vpush v9, $0xF;
	_ =	sdelay $0xb  }
0x288: {  	s3 =	simm.s32 $0x16000;
	s0 =	spop (v2sf)  }
0x289: {  	v9 =	vld [tilespmem:s3+$0x0];
	s2 =	spop (v2sf);
	s22 =	sxor.u32 $0x80000000, s0  }
0x28a: {  	vm2 =	vcmask $0x704;
	s26 =	simm.s32 $0x18000;
	s4 =	spop (v2sf);
	s21 =	sxor.u32 $0x80000000, s2;
	v10 =	vmov s22  }
0x28b: {  	vm1 =	vcmask $0xB08;
	s19 =	sxor.u32 $0x80000000, s4;
	s2 =	sadd.s32 s21, s22;
	v10 =	vnsel vm2, $0x0, v10;
	s25 =	spop (v2sf)  }
0x28c: {  	v11 =	vld [tilespmem:s26+$0x0];
	s28 =	sadd.s32 s19, s2;
	v10 =	vsel vm1, s2, v10;
	vm1 =	vcmask $0xF0C;
	s20 =	sxor.u32 $0x80000000, s25  }
0x28d: {  	v10 =	vsel vm1, s28, v10;
	vm1 =	vcmask $0x1310;
	s29 =	sadd.s32 s20, s28  }
0x28e: {  	v12 =	vsel vm1, s29, v10;
	v10 =	vand.u32 $0x7, v9  }
0x28f: {  	v9 =	vperm.xlane v12, v10;
	_ =	sdelay $0x1  }
0x290: {  	v9 =	vadd.s32 v11, v9;
	_ =	sdelay $0x2  }
0x291: {  	s30 =	simm.s32 $0x0  }
0x292: {  	v13 =	vshll.u32 v10, $0xD;
	v11 =	vor.u32 s30, v0  }
0x293: {  	[tilespmem:v9+s7+$0x0] =	vst.idx.msk $0xffff, v11;
	v11 =	vadd.s32 v11, v13;
	_ =	sdelay $0x1  }
0x294: {  	s0 =	simm.s32 $0x16010  }
0x295: {  	v9 =	vld [tilespmem:s0+$0x0];
	_ =	sdelay $0x1  }
0x296: {  	s31 =	simm.s32 $0x10;
	v15 =	vimm.f32 $0.0e+00;
	v16 =	vimm.f32 $0.0e+00;
	s3 =	simm.s32 $0x18010;
	v14 =	vld.idx.msk [tilespmem:v11+s5+$0x0], $0xffff  }
0x297: {  	v17 =	vor.u32 s31, v0;
	vm8 =	veq.s32 v10, $0x2;
	vm10 =	veq.s32 v10, $0x3;
	v18 =	vld [tilespmem:s3+$0x0]  }
0x298: {  	vm9 =	veq.s32 v10, $0x4;
	vm12 =	veq.s32 v10, $0x0;
	vm11 =	veq.s32 v10, $0x1  }
0x299: {  	v10 =	vimm.f32 $0.0e+00;
	v13 =	vimm.f32 $0.0e+00;
	v9 =	vand.u32 $0x7, v9  }
0x29a: {  	s23 =	simm.s32 $0x20;
	v11 =	vimm.f32 $0.0e+00;
	v19 =	vperm.xlane v12, v9;
	v20 =	vshll.u32 v9, $0xD  }
.LBB2_40:
0x29b: {  	p0 =	sne.s32 s23, $0x1FF0;
	v20 =	vadd.s32 v17, v20;
	v21 =	vnsel vm12, $0x0, v14;
	v22 =	vnsel vm11, $0x0, v14;
	s2 =	smov.u32 s23;
	s23 =	sadd.s32 $0x10, s23  }
0x29c: {  	v18 =	vadd.s32 v18, v19;
	v13 =	vadd.f32 v21, v13;
	v19 =	vnsel vm10, $0x0, v14  }
0x29d: {  	v21 =	vnsel vm8, $0x0, v14;
	v14 =	vnsel vm9, $0x0, v14;
	v11 =	vadd.f32 v19, v11  }
0x29e: {  	vm8 =	veq.s32 v9, $0x2;
	v15 =	vadd.f32 v21, v15;
	v10 =	vadd.f32 v14, v10  }
0x29f: {  	v16 =	vadd.f32 v22, v16;
	_ =	sdelay $0x1  }
0x2a0: {  	s0 =	sadd.s32 $0x10, s0;
	[tilespmem:v18+s7+$0x0] =	vst.idx.msk $0xffff, v17  }
0x2a1: {  	v17 =	vld [tilespmem:s0+$0x0]  }
0x2a2: {  	v14 =	vld.idx.msk [tilespmem:v20+s5+$0x0], $0xffff  }
.Ltmp29:
0x2a3: {  	s3 =	sadd.s32 $0x10, s3;
	(pc) =	sbr.rel @p0 .LBB2_40-.Ltmp29, $4  }
0x2a4: {  	v18 =	vld [tilespmem:s3+$0x0]  }
0x2a5: {  	vm10 =	veq.s32 v9, $0x3;
	vm9 =	veq.s32 v9, $0x4  }
0x2a6: {  	vm12 =	veq.s32 v9, $0x0;
	vm11 =	veq.s32 v9, $0x1;
	v9 =	vand.u32 $0x7, v17  }
0x2a7: {  	v17 =	vor.u32 s2, v0;
	v19 =	vperm.xlane v12, v9;
	v20 =	vshll.u32 v9, $0xD  }
0x2a8: {  	_ = 	snop  }
0x2a9: {  	v12 =	vadd.s32 v18, v19  }
0x2aa: {  	v45 =	vadd.s32 v17, v20;
	_ =	sdelay $0x3  }
0x2ab: {  	[tilespmem:v12+s7+$0x0] =	vst.idx.msk $0xffff, v17  }
0x2ac: {  	v12 =	vld.idx.msk [tilespmem:v45+s5+$0x0], $0xffff;
	_ =	sdelay $0x1  }
0x2ad: {  	v8 =	vsel vm4, $0x80000000, v8  }
0x2ae: {  	v46 =	vnsel vm12, $0x0, v14;
	v8 =	vxor.u32 $0x80000000, v8  }
0x2af: {  	vm1 =	veq.s32 v9, $0x0;
	v13 =	vadd.f32 v46, v13;
	(xrf0) =	vmax.scan.msk.u32 $0xffff, v8  }
0x2b0: {  	v8 =	vnsel vm11, $0x0, v14;
	v47 =	vnsel vm1, $0x0, v12  }
0x2b1: {  	v8 =	vadd.f32 v8, v16;
	vm1 =	veq.s32 v9, $0x1;
	v13 =	vadd.f32 v47, v13  }
0x2b2: {  	v48 =	vnsel vm8, $0x0, v14;
	v49 =	vnsel vm1, $0x0, v12  }
0x2b3: {  	v15 =	vadd.f32 v48, v15;
	vm1 =	veq.s32 v9, $0x2;
	v8 =	vadd.f32 v49, v8;
	(xrf2) =	vadd.scan.msk.f32 $0xffff, v13  }
0x2b4: {  	v50 =	vnsel vm10, $0x0, v14;
	v51 =	vnsel vm1, $0x0, v12  }
0x2b5: {  	v11 =	vadd.f32 v50, v11;
	v53, _, _ =	vpop (xrf0);
	vm1 =	veq.s32 v9, $0x3;
	v52 =	vadd.f32 v51, v15;
	(xrf2) =	vadd.scan.msk.f32 $0xffff, v8  }
0x2b6: {  	(v2sf) =	vpush v53, $0xF;
	v54 =	vnsel vm1, $0x0, v12;
	v8 =	vnsel vm9, $0x0, v14  }
0x2b7: {  	vm1 =	veq.s32 v9, $0x4;
	v55 =	vadd.f32 v54, v11;
	v8 =	vadd.f32 v8, v10;
	(xrf2) =	vadd.scan.msk.f32 $0xffff, v52  }
0x2b8: {  	v56 =	vnsel vm1, $0x0, v12  }
0x2b9: {  	(xrf2) =	vadd.scan.msk.f32 $0xffff, v55;
	v8 =	vadd.f32 v56, v8;
	_ =	sdelay $0x1  }
0x2ba: {  	(xrf2) =	vadd.scan.msk.f32 $0xffff, v8;
	_ =	sdelay $0x1  }
0x2bb: {  	v8, _, _ =	vpop (xrf2)  }
0x2bc: {  	v8 =	vbroadcast v8, $0xF  }
0x2bd: {  	s0 =	scvt.s32.f32 s22;
	v57, _, _ =	vpop (xrf2)  }
0x2be: {  	vm1 =	veq.s32 v0, $0x5;
	v9 =	vbroadcast v57, $0xF;
	v8 =	vnsel vm0, $0x0, v8  }
0x2bf: {  	s24 =	scvt.s32.f32 s21;
	v58, _, _ =	vpop (xrf2);
	v8 =	vsel vm1, s0, v8  }
0x2c0: {  	v59 =	vbroadcast v58, $0xF;
	vm1 =	veq.s32 v0, $0x6;
	v8 =	vsel vm2, v9, v8  }
0x2c1: {  	s25 =	scvt.s32.f32 s19;
	v60, _, _ =	vpop (xrf2);
	v8 =	vsel vm1, s24, v8;
	vm1 =	vcmask $0xB08  }
0x2c2: {  	v61 =	vbroadcast v60, $0xF;
	v8 =	vsel vm1, v59, v8;
	vm1 =	veq.s32 v0, $0x7  }
0x2c3: {  	s26 =	scvt.s32.f32 s20;
	s2 =	spop (v2sf);
	v62, _, _ =	vpop (xrf2);
	v8 =	vsel vm1, s25, v8;
	vm1 =	vcmask $0xF0C  }
0x2c4: {  	s2 =	sxor.u32 $0x80000000, s2;
	v63 =	vbroadcast v62, $0xF;
	v8 =	vsel vm1, v61, v8;
	vm1 =	veq.s32 v0, $0x8  }
0x2c5: {  	s28 =	scvt.s32.f32 s2;
	v8 =	vsel vm1, s26, v8;
	vm1 =	vcmask $0x1310  }
0x2c6: {  	v8 =	vsel vm1, v63, v8;
	vm1 =	veq.s32 v0, $0x9  }
0x2c7: {  	v8 =	vsel vm1, s28, v8  }
0x2c8: {  	s29 =	rddreg [dreg:$0x1];
	[tilespmem:$0x1CF00] =	vst v8  }
0x2c9: {  	[hbm4b:s29+s5] =	stream.linear.scatter [tilespmem:s7], [sflag:$0x1], $0x2000, $0x38;
	[tilespmem:$0x1CF80] =	vst v63  }
0x2ca: {  	_ =	swait.ge [sflag:s8], $0x2000  }
0x2cb: {  	s18 =	sadd.s32 $0x1, s18;
	[sflag:s8] =	ssyncset.done $0x0  }
0x2cc: {  	p0 =	sne.s32 s18, s6;
	[sflag:s8] =	ssyncadd.s32 $0xFFFFE000  }
.Ltmp30:
0x2cd: {  	s31 =	simm.s32 $0x1CF00;
	s30 =	rddreg [dreg:$0x2];
	(pc) =	sbr.rel @p0 .LBB2_2-.Ltmp30, $4  }
0x2ce: {  	[hbm4b:s30+s5] =	stream.linear.scatter [tilespmem:s31], [sflag:$0x1], $0x80, $0x38;
	[tilespmem:$0x1CF80] =	vst v63  }
0x2cf: {  	_ =	swait.ge [sflag:s8], $0x80  }
0x2d0: {  	[sflag:s8] =	ssyncset.done $0x0  }
0x2d1: {  	[sflag:s8] =	ssyncadd.s32 $0xFFFFFF80  }
.LBB2_42:
0x2d2: {  	_ =	sfence.sel $0x180000  }
0x2d3: {  	[bflag:$0x0] =	sbarrier.arrive $0xFFFF  }
0x2d4: {  	_ =	strace $0x90000047  }
0x2d5: {  	s0 =	stileid.u32;
	[bflag:$0x2] =	sbarrier.arrive $0xFFFF  }
0x2d6: {  	p0 =	sne.s32 s0, $0x0;
	s0 =	rddreg [dreg:$0x3]  }
0x2d7: {  	s0 =	sadd.s32 @!p0 $0x100000, s0  }
0x2d8: {  	[sflag:s0] =	ssyncadd.tile.s32 @!p0 $0x1;
	_ =	shalt  }
.Lfunc_end2:
_tile_overlayer_lowered:
.L_overlay_start_2:
0x2d9: {  	(tag) =	ssettag $0x2  }
0x2da: {  	s0 =	rddreg [dreg:$0x0];
	s2 =	stileid.u32  }
0x2db: {  	s1 =	rddreg [dreg:$0x1];
	p0 =	sne.s32 s2, $0x0  }
0x2dc: {  	s3 =	rddreg [dreg:$0x2];
	[bflag:$0x3] =	sbarrier.arrive $0xFFFF;
	s2 =	simm.s32 @!p0 $0x1C01  }
0x2dd: {  	[timem:s3], [sflag:s2] =	dma.local @!p0 [hbm:s0], s1  }
0x2de: {  	s0 =	simm.s32 @!p0 $0x1  }
0x2df: {  	_ =	swait.ge @!p0 [sflag:s0], s1  }
0x2e0: {  	s1 =	ssub.s32 @!p0 $0x0, s1;
	[sflag:s0] =	ssyncset.done @!p0 $0x0  }
0x2e1: {  	[sflag:s0] =	ssyncadd.s32 @!p0 s1  }
0x2e2: {  	[bflag:$0x3] =	sbarrier.arrive $0xFFFF  }
0x2e3: {  	_ =	shalt  }

// kernel: kernel.8.cloned.1.call-start
scs
__scs_entry_jumppad:
0x0: {  	(pc) =	sbr.rel $0x88, $3  }
0x1: {  	(tag) =	ssettag $0x0;
	lr =	simm.s32 $0x1  }
0x2: {  	[smem:$0x3F98] =	sst lr;
	_ =	strace $0xD0000000  }
0x3: {  	_ = 	snop  }
0x4: {  	_ = 	snop  }
0x5: {  	_ = 	snop  }
0x6: {  	_ = 	snop  }
0x7: {  	_ = 	snop  }
__scs_overlays_trampoline_lowered:
0x8: {  	[smem:$0x3FA7] =	sst s0  }
0x9: {  	[smem:$0x3FA8] =	sst s1  }
0xa: {  	[smem:$0x3FA9] =	sst s2  }
0xb: {  	[smem:$0x3FAA] =	sst s3  }
0xc: {  	[smem:$0x3FAB] =	sst s4  }
0xd: {  	[smem:$0x3FAC] =	sst s5  }
0xe: {  	[smem:$0x3FAD] =	sst s6  }
0xf: {  	[smem:$0x3FAE] =	sst s7  }
0x10: {  	[smem:$0x3FAF] =	sst s8  }
0x11: {  	[smem:$0x3FB0] =	sst s9;
	s0 =	simm.s32 @!p0 $0x0  }
0x12: {  	s1 =	sld [smem:$0x3F96];
	s0 =	simm.s32 @p0 $0x1  }
0x13: {  	[smem:$0x3FB1] =	sst s0;
	s0 =	simm.s32 @!p1 $0x0  }
0x14: {  	s2 =	sld [smem:$0x3F95];
	s0 =	simm.s32 @p1 $0x1  }
0x15: {  	[smem:$0x3FB2] =	sst s0;
	s0 =	simm.s32 @!p2 $0x0  }
0x16: {  	s3 =	sld [smem:$0x3FDB];
	s0 =	simm.s32 @p2 $0x1  }
0x17: {  	s4 =	simm.s32 $0x1BF5;
	[smem:$0x3FB4] =	sst s0  }
0x18: {  	s0 =	sld [smem:$0x3F97];
	_ =	swait.ge [sflag:s4], $0x0  }
0x19: {  	s7 =	sld [smem:$0x3F98]  }
0x1a: {  	s8 =	sadd.s32 $0xFFFFE003, lr  }
0x1b: {  	s9 =	sadd.s32 $0xFFFFFEF7, lr;
	s5 =	simm.s32 $0xFFFFFFFF;
	p2 =	slt.u32 s8, $0xFFFFF086  }
0x1c: {  	p1 =	slt.u32 s9, $0xF7A;
	s5 =	simm.s32 @!p2 $0x0  }
0x1d: {  	s5 =	simm.s32 @p1 $0x1;
	p0 =	seq.s32 s7, s2  }
0x1e: {  	s7 =	smul.u32 @!p0 $0xF7A, s2;
	p2 =	seq.s32 @!p0 s5, $0x0  }
0x1f: {  	s9 =	smul.u32 $0xF7A, s1;
	s8 =	simm.s32 @!p0 $0x1BF5;
	p2 =	por !p2, p0  }
0x20: {  	[sflag:s8] =	ssyncset.s32 @!p0 $0xFFFFF086;
	s6 =	sadd.s32 @!p0 s3, s7;
	s7 =	simm.s32 @!p0 $0x108  }
0x21: {  	s3 =	sadd.s32 s3, s9;
	s6 =	sadd.s32 @!p0 $0x88, s6;
	s7 =	simm.s32 @p2 $0x1082  }
0x22: {  	[simem:s7], [sflag:s8] =	dma.local @!p0 [hbm:s6], $0xF7A  }
0x23: {  	s9 =	sor.u32 $0xD0000000, s2;
	s6 =	simm.s32 $0x108;
	_ =	swait.ge @!p0 [sflag:s8], $0x0  }
0x24: {  	s3 =	sadd.s32 $0x88, s3;
	s6 =	simm.s32 @!p1 $0x1082;
	[sflag:s4] =	ssyncset.s32 $0xFFFFF086  }
0x25: {  	[simem:s6], [sflag:s4] =	dma.local [hbm:s3], $0xF7A  }
0x26: {  	[smem:$0x3F98] =	sst s1;
	(tag) =	ssettag s2;
	_ =	strace s9  }
0x27: {  	s1 =	sld [smem:$0x3FA8]  }
0x28: {  	s2 =	sld [smem:$0x3FA9]  }
0x29: {  	s4 =	sld [smem:$0x3FAB]  }
0x2a: {  	p0 =	seq.s32 s5, $0x0;
	s5 =	sld [smem:$0x3FAC]  }
0x2b: {  	s6 =	sld [smem:$0x3FAD]  }
0x2c: {  	s7 =	sld [smem:$0x3FAE]  }
0x2d: {  	s3 =	simm.s32 $0x108;
	s8 =	sld [smem:$0x3FAF]  }
0x2e: {  	s3 =	simm.s32 @!p0 $0x1082;
	s9 =	sld [smem:$0x3FB0]  }
0x2f: {  	lr =	sadd.s32 s0, s3;
	s0 =	sld [smem:$0x3FA7]  }
0x30: {  	s3 =	sld [smem:$0x3FAA]  }
0x31: {  	[smem:$0x3FB3] =	sst s10  }
0x32: {  	s10 =	sld [smem:$0x3FB1];
	_ =	sdelay $0x3  }
0x33: {  	p0 =	seq.s32 s10, $0x1;
	s10 =	sld [smem:$0x3FB3];
	_ =	sdelay $0x3  }
0x34: {  	[smem:$0x3FB3] =	sst s10  }
0x35: {  	s10 =	sld [smem:$0x3FB2];
	_ =	sdelay $0x3  }
0x36: {  	p1 =	seq.s32 s10, $0x1;
	s10 =	sld [smem:$0x3FB3];
	_ =	sdelay $0x3  }
0x37: {  	[smem:$0x3FB3] =	sst s10  }
0x38: {  	s10 =	sld [smem:$0x3FB4]  }
0x39: {  	_ = 	snop;
	(pc) =	sbr.ind lr, $3  }
0x3a: {  	_ = 	snop  }
0x3b: {  	_ = 	snop  }
0x3c: {  	p2 =	seq.s32 s10, $0x1;
	s10 =	sld [smem:$0x3FB3]  }
0x3d: {  	_ =	shalt  }
0x3e: {  	_ =	shalt  }
0x3f: {  	_ =	shalt  }
0x40: {  	_ =	shalt  }
0x41: {  	_ =	shalt  }
0x42: {  	_ =	shalt  }
0x43: {  	_ =	shalt  }
0x44: {  	_ =	shalt  }
0x45: {  	_ =	shalt  }
0x46: {  	_ =	shalt  }
0x47: {  	_ =	shalt  }
0x48: {  	_ =	shalt  }
0x49: {  	_ =	shalt  }
0x4a: {  	_ =	shalt  }
0x4b: {  	_ =	shalt  }
0x4c: {  	_ =	shalt  }
0x4d: {  	_ =	shalt  }
0x4e: {  	_ =	shalt  }
0x4f: {  	_ =	shalt  }
0x50: {  	_ =	shalt  }
0x51: {  	_ =	shalt  }
0x52: {  	_ =	shalt  }
0x53: {  	_ =	shalt  }
0x54: {  	_ =	shalt  }
0x55: {  	_ =	shalt  }
0x56: {  	_ =	shalt  }
0x57: {  	_ =	shalt  }
0x58: {  	_ =	shalt  }
0x59: {  	_ =	shalt  }
0x5a: {  	_ =	shalt  }
0x5b: {  	_ =	shalt  }
0x5c: {  	_ =	shalt  }
0x5d: {  	_ =	shalt  }
0x5e: {  	_ =	shalt  }
0x5f: {  	_ =	shalt  }
0x60: {  	_ =	shalt  }
0x61: {  	_ =	shalt  }
0x62: {  	_ =	shalt  }
0x63: {  	_ =	shalt  }
0x64: {  	_ =	shalt  }
0x65: {  	_ =	shalt  }
0x66: {  	_ =	shalt  }
0x67: {  	_ =	shalt  }
0x68: {  	_ =	shalt  }
0x69: {  	_ =	shalt  }
0x6a: {  	_ =	shalt  }
0x6b: {  	_ =	shalt  }
0x6c: {  	_ =	shalt  }
0x6d: {  	_ =	shalt  }
0x6e: {  	_ =	shalt  }
0x6f: {  	_ =	shalt  }
0x70: {  	_ =	shalt  }
0x71: {  	_ =	shalt  }
0x72: {  	_ =	shalt  }
0x73: {  	_ =	shalt  }
0x74: {  	_ =	shalt  }
0x75: {  	_ =	shalt  }
0x76: {  	_ =	shalt  }
0x77: {  	_ =	shalt  }
0x78: {  	_ =	shalt  }
0x79: {  	_ =	shalt  }
0x7a: {  	_ =	shalt  }
0x7b: {  	_ =	shalt  }
0x7c: {  	_ =	shalt  }
0x7d: {  	_ =	shalt  }
0x7e: {  	_ =	shalt  }
0x7f: {  	_ =	shalt  }
0x80: {  	_ =	shalt  }
0x81: {  	_ =	shalt  }
0x82: {  	_ =	shalt  }
0x83: {  	_ =	shalt  }
0x84: {  	_ =	shalt  }
0x85: {  	_ =	shalt  }
0x86: {  	_ =	shalt  }
0x87: {  	_ =	shalt  }
.Lfunc_end0:
.L_simem_size_0:
called_computation.1_lowered:
.L_overlay_start_0:
0x88: {  	s2 =	sld [smem:$0x3FD9]  }
0x89: {  	s3 =	sld [smem:$0x3FFE];
	_ =	sdelay $0x1  }
0x8a: {  	s1 =	srdreg.scid  }
0x8b: {  	s0 =	sand.u32 $0x1, s1  }
0x8c: {  	s15 =	sshll.u32 s0, $0xA;
	s2 =	sadd.s32 s3, s2  }
0x8d: {  	s2 =	sadd.s32 s2, s15  }
0x8e: {  	[smem:$0x3FBF] =	sst s2  }
0x8f: {  	_ = 	snop  }
0x90: {  	s2 =	sld [smem:$0x3FD0];
	_ =	sdelay $0x2  }
0x91: {  	s4 =	simm.s32 $0xA;
	s5 =	simm.s32 $0x10;
	s16 =	sld [smem:$0x3FC9]  }
0x92: {  	[smem:s5], [sflag:s4] =	dma.local [hbm:s2], $0x1  }
0x93: {  	_ =	swait.eq [sflag:s4], $0x1  }
0x94: {  	[sflag:s4] =	ssyncset.done $0x0  }
0x95: {  	s17 =	sld [smem:$0x10];
	[sflag:s4] =	ssyncadd.s32 $0xFFFFFFFF  }
0x96: {  	s18 =	sld [smem:$0x12];
	(tm) =	ssettm $0x1  }
0x97: {  	s19 =	sld [smem:$0x3FFB];
	_ =	sdelay $0x3  }
0x98: {  	_ =	strace s19  }
0x99: {  	s5 =	sld [smem:$0x3FFC];
	_ =	sdelay $0x3  }
0x9a: {  	_ =	strace s5  }
0x9b: {  	s5 =	sld [smem:$0x3FFD];
	_ =	sdelay $0x3  }
0x9c: {  	_ =	strace s5  }
0x9d: {  	_ =	strace $0x8FFFFFFF  }
0x9e: {  	s20 =	sld [smem:$0x3FDB];
	_ =	sdelay $0x1  }
0x9f: {  	s6 =	simm.s32 $_scs_section_size  }
0xa0: {  	s7 =	simm.s32 $_size__tile_overlayer_lowered;
	s8 =	simm.s32 $_tile_overlayer_lowered  }
0xa1: {  	s23 =	simm.s32 $0x1BFF;
	s22 =	sshll.u32 s8, $0x1;
	s5 =	sadd.s32 s6, s20  }
0xa2: {  	s9 =	simm.s32 $0x0;
	s21 =	sshll.u32 s7, $0x1;
	s7 =	sadd.s32 s22, s5  }
0xa3: {  	[timem:s9], [sflag:s23] =	dma.local [hbm:s7], s21  }
0xa4: {  	_ =	swait.ge [sflag:s23], s21  }
0xa5: {  	s6 =	ssub.s32 $0x0, s21;
	[sflag:s23] =	ssyncset.done $0x0  }
0xa6: {  	[sflag:s23] =	ssyncadd.s32 s6;
	_ =	sdelay $0x1  }
0xa7: {  	s24 =	simm.s32 $0x1B8B  }
0xa8: {  	_ =	swait.ge [sflag:s24], $0x1  }
0xa9: {  	[sflag:s24] =	ssyncset.done $0x0  }
0xaa: {  	s25 =	simm.s32 $0x1B8E;
	[sflag:s24] =	ssyncadd.s32 $0xFFFFFFFF  }
0xab: {  	s26 =	simm.s32 $execute0_lowered;
	[smem:$0x3FD2] =	sst s25  }
0xac: {  	s6 =	sshll.u32 s26, $0x1;
	_ =	strace $0x80000049;
	[dreg:$0x1] =	wrdreg $0xFFFFFFFF  }
0xad: {  	s28 =	simm.s32 $_size_execute0_lowered;
	s5 =	sadd.s32 s5, s6;
	[dreg:$0x0] =	wrdreg $0x0  }
0xae: {  	s6 =	sshll.u32 s28, $0x1;
	[dreg:$0x2] =	wrdreg s5  }
0xaf: {  	[dreg:$0x3] =	wrdreg s6  }
0xb0: {  	[dreg:$0x4] =	wrdreg $0xC0  }
0xb1: {  	_ =	task [dreg:s9], $0x5FFFF  }
0xb2: {  	[dreg:$0x1] =	wrdreg $0xFFFFFFFF  }
0xb3: {  	[dreg:$0x0] =	wrdreg $0x60  }
0xb4: {  	[dreg:$0x2] =	wrdreg s16  }
0xb5: {  	[dreg:$0x3] =	wrdreg s18  }
0xb6: {  	[dreg:$0x4] =	wrdreg s17  }
0xb7: {  	[dreg:$0x5] =	wrdreg $0x9  }
0xb8: {  	_ =	task.clear_ibuf [dreg:s9], $0x6FFFF;
	_ =	strace $0x90000049  }
0xb9: {  	s29 =	simm.s32 $0x9;
	_ =	strace $0x8000004B  }
0xba: {  	_ =	swait.ge [sflag:s29], $0x1  }
0xbb: {  	[sflag:s29] =	ssyncadd.s32 $0xFFFFFFFF  }
0xbc: {  	_ =	strace $0x9000004B  }
0xbd: {  	_ =	sfence  }
0xbe: {  	s30 =	sld [smem:$0x0];
	_ =	sdelay $0x2  }
0xbf: {  	s31 =	sshll.u32 s1, $0xD;
	s1 =	sshrl.u32 s1, $0x2  }
0xc0: {  	s3 =	sand.u32 $0x4000, s31;
	s1 =	sadd.s32 s1, s30  }
0xc1: {  	s0 =	sor.u32 s3, s0;
	s1 =	sshll.u32 s1, $0x11  }
0xc2: {  	s0 =	sor.u32 s1, s0  }
0xc3: {  	s0 =	sadd.s32 $0x8F2B, s0  }
0xc4: {  	[sflag:s0] =	ssyncadd.remote.s32 $0x1  }
0xc5: {  	_ =	sfence.sel $0xFFFF  }
0xc6: {  	[dreg:$0x0] =	wrdreg $0xFFFFFFFF;
	(pc) =	sbr.abs _section_cstart, $3  }
0xc7: {  	[dreg:$0x1] =	wrdreg $0xFFFFFFFF  }
0xc8: {  	_ =	task.clear_ibuf [dreg:s9], $0x2FFFF;
	_ =	strace $0x9FFFFFFF  }
0xc9: {  	(tm) =	ssettm $0x7FFFFFFF  }
tec
execute0_lowered:
.L_overlay_start_1:
0x0: {  	(tag) =	ssettag $0x1  }
0x1: {  	s1 =	rddreg [dreg:$0x0]  }
0x2: {  	s0 =	srdreg.scid;
	s2 =	rddreg [dreg:$0x1]  }
0x3: {  	s3 =	stileid.u32;
	s4 =	sand.u32 $0x1, s0;
	s0 =	rddreg [dreg:$0x2]  }
0x4: {  	s5 =	sshll.u32 s3, $0x9;
	s3 =	simm.s32 $0x0;
	s6 =	sshll.u32 s4, $0x8  }
0x5: {  	[smem:$0x7FF] =	sst s3;
	s4 =	ssub.s32 $0x2, s4;
	s10 =	sor.u32 s6, s5  }
0x6: {  	_ =	strace $0x8000004A;
	s12 =	sshrl.u32 s4, $0x1;
	s6 =	sadd.s32 $0x300, s1  }
0x7: {  	s5 =	sshrl.u32 s10, $0x3;
	s11 =	ssub.s32 s4, s12;
	s4 =	sadd.s32 $0x100, s1  }
0x8: {  	s7 =	sshll.u32 s10, $0x8;
	s8 =	sor.u32 $0x20, s10;
	s14 =	sor.u32 $0x40, s10  }
0x9: {  	s12 =	sor.u32 $0x60, s10;
	s20 =	sor.u32 $0x80, s10;
	s26 =	sor.u32 $0xC0, s10  }
0xa: {  	s5 =	sadd.s32 s2, s5;
	s7 =	sadd.s32 s0, s7;
	s9 =	sshrl.u32 s8, $0x3  }
0xb: {  	s8 =	sshll.u32 s8, $0x8;
	s15 =	sshrl.u32 s14, $0x3;
	s17 =	sshrl.u32 s12, $0x3  }
0xc: {  	s19 =	sshll.u32 s12, $0x8;
	s21 =	sshrl.u32 s20, $0x3;
	[dreg:$0x4] =	wrdreg s5  }
0xd: {  	s12 =	sshll.u32 s20, $0x8;
	[dreg:$0x5] =	wrdreg s7;
	s13 =	sadd.s32 s2, s9  }
0xe: {  	s28 =	sshrl.u32 s26, $0x3;
	s8 =	sadd.s32 s0, s8;
	[dreg:$0x6] =	wrdreg s13  }
0xf: {  	s5 =	sadd.s32 $0x200, s1;
	s18 =	sadd.s32 s2, s17;
	[dreg:$0x7] =	wrdreg s8  }
0x10: {  	s7 =	sadd.s32 $0x400, s1;
	s22 =	sadd.s32 s0, s12;
	[dreg:$0xa] =	wrdreg s18  }
0x11: {  	s9 =	sshll.u32 s14, $0x8;
	s8 =	sadd.s32 s2, s15;
	[dreg:$0xd] =	wrdreg s22  }
0x12: {  	s16 =	sadd.s32 s0, s9;
	s9 =	sadd.s32 s0, s19;
	[dreg:$0x8] =	wrdreg s8  }
0x13: {  	s13 =	sor.u32 $0xA0, s10;
	s10 =	sor.u32 $0xE0, s10;
	[dreg:$0x9] =	wrdreg s16  }
0x14: {  	s8 =	sadd.s32 $0x500, s1;
	[dreg:$0xb] =	wrdreg s9;
	s9 =	sadd.s32 s2, s21  }
0x15: {  	s23 =	sshrl.u32 s13, $0x3;
	s25 =	sshll.u32 s13, $0x8;
	s13 =	sshll.u32 s26, $0x8  }
0x16: {  	s30 =	sshrl.u32 s10, $0x3;
	[dreg:$0xc] =	wrdreg s9;
	s24 =	sadd.s32 s2, s23  }
0x17: {  	s31 =	sshll.u32 s10, $0x8;
	s12 =	sadd.s32 s0, s25;
	[dreg:$0xe] =	wrdreg s24  }
0x18: {  	s10 =	sadd.s32 $0x700, s1;
	s29 =	sadd.s32 s0, s13;
	[dreg:$0xf] =	wrdreg s12  }
0x19: {  	s21 =	smax.u32 s11, $0x1;
	s0 =	sadd.s32 s0, s31;
	[dreg:$0x11] =	wrdreg s29  }
0x1a: {  	v2 =	vlaneseq.u32;
	s26 =	simm.s32 $0x1;
	s12 =	sadd.s32 s2, s28;
	[dreg:$0x13] =	wrdreg s0  }
0x1b: {  	vm0 =	vmmov $0xffff;
	v1 =	vshrl.u32 v2, $0x3;
	s9 =	sadd.s32 $0x600, s1;
	s2 =	sadd.s32 s2, s30;
	[dreg:$0x10] =	wrdreg s12  }
0x1c: {  	v0 =	vand.u32 $0x7, v2;
	v2 =	vor.u32 $0x8, v2;
	v1 =	vmul.u32 $0x8, v1;
	s13 =	simm.s32 $0x80;
	[dreg:$0x12] =	wrdreg s2;
	s12 =	simm.s32 $0x2  }
.LBB2_1:
0x1d: {  	s28 =	rddreg [dreg:$0x4]  }
0x1e: {  	[tilespmem:s3], [sflag:$0x2] =	stream.linear.gather [hbm4b:s28+s3], $0x20, $0x38;
	[tilespmem:$0x10080] =	vst v63  }
0x1f: {  	_ =	swait.ge [sflag:s12], $0x20  }
0x20: {  	[sflag:s12] =	ssyncset.done $0x0  }
0x21: {  	[sflag:s12] =	ssyncadd.s32 $0xFFFFFFE0  }
0x22: {  	v3 =	vld [tilespmem:$0x0];
	_ =	sdelay $0x4  }
0x23: {  	v4 =	vshll.u32 v3, $0x4  }
0x24: {  	v3 =	vand.u32 $0x7, v3;
	v4 =	vand.u32 $0xFFFFFF80, v4  }
0x25: {  	v3 =	vor.u32 v3, v4  }
0x26: {  	v4 =	vperm.xlane v3, v0;
	_ =	sdelay $0x1  }
0x27: {  	v4 =	vadd.s32 v1, v4;
	_ =	sdelay $0x4  }
0x28: {  	[tilespmem:s13], [sflag:$0x1] =	stream.indirect_vreg.gather [hbm4b:s1+s3], $0x80, v4, vm0, $0xb8;
	[tilespmem:$0x10080] =	vst v63  }
0x29: {  	s0 =	simm.s32 $0x880  }
0x2a: {  	[tilespmem:s0], [sflag:$0x1] =	stream.indirect_vreg.gather [hbm4b:s4+s3], $0x80, v4, vm0, $0xb8;
	[tilespmem:$0x10080] =	vst v63  }
0x2b: {  	s14 =	simm.s32 $0x1080  }
0x2c: {  	[tilespmem:s14], [sflag:$0x1] =	stream.indirect_vreg.gather [hbm4b:s5+s3], $0x80, v4, vm0, $0xb8;
	[tilespmem:$0x10080] =	vst v63  }
0x2d: {  	s15 =	simm.s32 $0x1880  }
0x2e: {  	[tilespmem:s15], [sflag:$0x1] =	stream.indirect_vreg.gather [hbm4b:s6+s3], $0x80, v4, vm0, $0xb8;
	[tilespmem:$0x10080] =	vst v63  }
0x2f: {  	s16 =	simm.s32 $0x2080  }
0x30: {  	[tilespmem:s16], [sflag:$0x1] =	stream.indirect_vreg.gather [hbm4b:s7+s3], $0x80, v4, vm0, $0xb8;
	[tilespmem:$0x10080] =	vst v63  }
0x31: {  	s17 =	simm.s32 $0x2880;
	v3 =	vperm.xlane v3, v2  }
0x32: {  	[tilespmem:s17], [sflag:$0x1] =	stream.indirect_vreg.gather [hbm4b:s8+s3], $0x80, v4, vm0, $0xb8;
	[tilespmem:$0x10080] =	vst v63  }
0x33: {  	s18 =	simm.s32 $0x3080;
	v3 =	vadd.s32 v1, v3  }
0x34: {  	[tilespmem:s18], [sflag:$0x1] =	stream.indirect_vreg.gather [hbm4b:s9+s3], $0x80, v4, vm0, $0xb8;
	[tilespmem:$0x10080] =	vst v63  }
0x35: {  	s19 =	simm.s32 $0x3880  }
0x36: {  	[tilespmem:s19], [sflag:$0x1] =	stream.indirect_vreg.gather [hbm4b:s10+s3], $0x80, v4, vm0, $0xb8;
	[tilespmem:$0x10080] =	vst v63  }
0x37: {  	s20 =	simm.s32 $0x4080  }
0x38: {  	[tilespmem:s20], [sflag:$0x1] =	stream.indirect_vreg.gather [hbm4b:s1+s3], $0x80, v3, vm0, $0xb8;
	[tilespmem:$0x10080] =	vst v63  }
0x39: {  	s22 =	simm.s32 $0x4880  }
0x3a: {  	[tilespmem:s22], [sflag:$0x1] =	stream.indirect_vreg.gather [hbm4b:s4+s3], $0x80, v3, vm0, $0xb8;
	[tilespmem:$0x10080] =	vst v63  }
0x3b: {  	s23 =	simm.s32 $0x5080  }
0x3c: {  	[tilespmem:s23], [sflag:$0x1] =	stream.indirect_vreg.gather [hbm4b:s5+s3], $0x80, v3, vm0, $0xb8;
	[tilespmem:$0x10080] =	vst v63  }
0x3d: {  	s24 =	simm.s32 $0x5880  }
0x3e: {  	[tilespmem:s24], [sflag:$0x1] =	stream.indirect_vreg.gather [hbm4b:s6+s3], $0x80, v3, vm0, $0xb8;
	[tilespmem:$0x10080] =	vst v63  }
0x3f: {  	s25 =	simm.s32 $0x6080  }
0x40: {  	[tilespmem:s25], [sflag:$0x1] =	stream.indirect_vreg.gather [hbm4b:s7+s3], $0x80, v3, vm0, $0xb8;
	[tilespmem:$0x10080] =	vst v63  }
0x41: {  	s28 =	simm.s32 $0x6880  }
0x42: {  	[tilespmem:s28], [sflag:$0x1] =	stream.indirect_vreg.gather [hbm4b:s8+s3], $0x80, v3, vm0, $0xb8;
	[tilespmem:$0x10080] =	vst v63  }
0x43: {  	s29 =	simm.s32 $0x7080  }
0x44: {  	[tilespmem:s29], [sflag:$0x1] =	stream.indirect_vreg.gather [hbm4b:s9+s3], $0x80, v3, vm0, $0xb8;
	[tilespmem:$0x10080] =	vst v63  }
0x45: {  	s30 =	simm.s32 $0x7880  }
0x46: {  	[tilespmem:s30], [sflag:$0x1] =	stream.indirect_vreg.gather [hbm4b:s10+s3], $0x80, v3, vm0, $0xb8;
	[tilespmem:$0x10080] =	vst v63  }
0x47: {  	v3 =	vld [tilespmem:$0x10];
	_ =	sdelay $0x4  }
0x48: {  	v49 =	vshll.u32 v3, $0x4  }
0x49: {  	v3 =	vand.u32 $0x7, v3;
	v4 =	vand.u32 $0xFFFFFF80, v49  }
0x4a: {  	v3 =	vor.u32 v3, v4  }
0x4b: {  	v4 =	vperm.xlane v3, v0;
	_ =	sdelay $0x1  }
0x4c: {  	v4 =	vadd.s32 v1, v4;
	_ =	sdelay $0x3  }
0x4d: {  	s31 =	simm.s32 $0x8080  }
0x4e: {  	[tilespmem:s31], [sflag:$0x1] =	stream.indirect_vreg.gather [hbm4b:s1+s3], $0x80, v4, vm0, $0xb8;
	[tilespmem:$0x10080] =	vst v63  }
0x4f: {  	s17 =	simm.s32 $0x8880  }
0x50: {  	[tilespmem:s17], [sflag:$0x1] =	stream.indirect_vreg.gather [hbm4b:s4+s3], $0x80, v4, vm0, $0xb8;
	[tilespmem:$0x10080] =	vst v63  }
0x51: {  	s18 =	simm.s32 $0x9080  }
0x52: {  	[tilespmem:s18], [sflag:$0x1] =	stream.indirect_vreg.gather [hbm4b:s5+s3], $0x80, v4, vm0, $0xb8;
	[tilespmem:$0x10080] =	vst v63  }
0x53: {  	s19 =	simm.s32 $0x9880  }
0x54: {  	[tilespmem:s19], [sflag:$0x1] =	stream.indirect_vreg.gather [hbm4b:s6+s3], $0x80, v4, vm0, $0xb8;
	[tilespmem:$0x10080] =	vst v63  }
0x55: {  	s20 =	simm.s32 $0xA080  }
0x56: {  	[tilespmem:s20], [sflag:$0x1] =	stream.indirect_vreg.gather [hbm4b:s7+s3], $0x80, v4, vm0, $0xb8;
	[tilespmem:$0x10080] =	vst v63  }
0x57: {  	s25 =	simm.s32 $0xA880;
	v3 =	vperm.xlane v3, v2  }
0x58: {  	[tilespmem:s25], [sflag:$0x1] =	stream.indirect_vreg.gather [hbm4b:s8+s3], $0x80, v4, vm0, $0xb8;
	[tilespmem:$0x10080] =	vst v63  }
0x59: {  	s29 =	simm.s32 $0xB080;
	v3 =	vadd.s32 v1, v3  }
0x5a: {  	[tilespmem:s29], [sflag:$0x1] =	stream.indirect_vreg.gather [hbm4b:s9+s3], $0x80, v4, vm0, $0xb8;
	[tilespmem:$0x10080] =	vst v63  }
0x5b: {  	s30 =	simm.s32 $0xB880  }
0x5c: {  	[tilespmem:s30], [sflag:$0x1] =	stream.indirect_vreg.gather [hbm4b:s10+s3], $0x80, v4, vm0, $0xb8;
	[tilespmem:$0x10080] =	vst v63  }
0x5d: {  	s31 =	simm.s32 $0xC080  }
0x5e: {  	[tilespmem:s31], [sflag:$0x1] =	stream.indirect_vreg.gather [hbm4b:s1+s3], $0x80, v3, vm0, $0xb8;
	[tilespmem:$0x10080] =	vst v63  }
0x5f: {  	s0 =	simm.s32 $0xC880  }
0x60: {  	[tilespmem:s0], [sflag:$0x1] =	stream.indirect_vreg.gather [hbm4b:s4+s3], $0x80, v3, vm0, $0xb8;
	[tilespmem:$0x10080] =	vst v63  }
0x61: {  	s17 =	simm.s32 $0xD080  }
0x62: {  	[tilespmem:s17], [sflag:$0x1] =	stream.indirect_vreg.gather [hbm4b:s5+s3], $0x80, v3, vm0, $0xb8;
	[tilespmem:$0x10080] =	vst v63  }
0x63: {  	s20 =	simm.s32 $0xD880  }
0x64: {  	[tilespmem:s20], [sflag:$0x1] =	stream.indirect_vreg.gather [hbm4b:s6+s3], $0x80, v3, vm0, $0xb8;
	[tilespmem:$0x10080] =	vst v63  }
0x65: {  	s25 =	simm.s32 $0xE080  }
0x66: {  	[tilespmem:s25], [sflag:$0x1] =	stream.indirect_vreg.gather [hbm4b:s7+s3], $0x80, v3, vm0, $0xb8;
	[tilespmem:$0x10080] =	vst v63  }
0x67: {  	s29 =	simm.s32 $0xE880  }
0x68: {  	[tilespmem:s29], [sflag:$0x1] =	stream.indirect_vreg.gather [hbm4b:s8+s3], $0x80, v3, vm0, $0xb8;
	[tilespmem:$0x10080] =	vst v63  }
0x69: {  	s30 =	simm.s32 $0xF080  }
0x6a: {  	[tilespmem:s30], [sflag:$0x1] =	stream.indirect_vreg.gather [hbm4b:s9+s3], $0x80, v3, vm0, $0xb8;
	[tilespmem:$0x10080] =	vst v63  }
0x6b: {  	s31 =	simm.s32 $0xF880  }
0x6c: {  	[tilespmem:s31], [sflag:$0x1] =	stream.indirect_vreg.gather [hbm4b:s10+s3], $0x80, v3, vm0, $0xb8;
	[tilespmem:$0x10080] =	vst v63  }
0x6d: {  	_ =	swait.ge [sflag:s26], $0x10000  }
0x6e: {  	[sflag:s26] =	ssyncset.done $0x0  }
0x6f: {  	s0 =	rddreg [dreg:$0x5];
	[sflag:s26] =	ssyncadd.s32 $0xFFFF0000  }
0x70: {  	[hbm4b:s0+s3] =	stream.linear.scatter [tilespmem:s13], [sflag:$0x2], $0x10000, $0x38;
	[tilespmem:$0x10080] =	vst v63  }
0x71: {  	_ =	swait.ge [sflag:s12], $0x10000  }
0x72: {  	[sflag:s12] =	ssyncset.done $0x0  }
0x73: {  	s17 =	rddreg [dreg:$0x6];
	[sflag:s12] =	ssyncadd.s32 $0xFFFF0000  }
0x74: {  	[tilespmem:s3], [sflag:$0x2] =	stream.linear.gather [hbm4b:s17+s3], $0x20, $0x38;
	[tilespmem:$0x10080] =	vst v63  }
0x75: {  	_ =	swait.ge [sflag:s12], $0x20  }
0x76: {  	[sflag:s12] =	ssyncset.done $0x0  }
0x77: {  	[sflag:s12] =	ssyncadd.s32 $0xFFFFFFE0  }
0x78: {  	v3 =	vld [tilespmem:$0x0];
	_ =	sdelay $0x4  }
0x79: {  	v50 =	vshll.u32 v3, $0x4  }
0x7a: {  	v3 =	vand.u32 $0x7, v3;
	v4 =	vand.u32 $0xFFFFFF80, v50  }
0x7b: {  	v3 =	vor.u32 v3, v4  }
0x7c: {  	v4 =	vperm.xlane v3, v0;
	_ =	sdelay $0x1  }
0x7d: {  	v4 =	vadd.s32 v1, v4;
	_ =	sdelay $0x4  }
0x7e: {  	[tilespmem:s13], [sflag:$0x1] =	stream.indirect_vreg.gather [hbm4b:s1+s3], $0x80, v4, vm0, $0xb8;
	[tilespmem:$0x10080] =	vst v63  }
0x7f: {  	s2 =	simm.s32 $0x880  }
0x80: {  	[tilespmem:s2], [sflag:$0x1] =	stream.indirect_vreg.gather [hbm4b:s4+s3], $0x80, v4, vm0, $0xb8;
	[tilespmem:$0x10080] =	vst v63  }
0x81: {  	s11 =	simm.s32 $0x1080  }
0x82: {  	[tilespmem:s11], [sflag:$0x1] =	stream.indirect_vreg.gather [hbm4b:s5+s3], $0x80, v4, vm0, $0xb8;
	[tilespmem:$0x10080] =	vst v63  }
0x83: {  	s14 =	simm.s32 $0x1880  }
0x84: {  	[tilespmem:s14], [sflag:$0x1] =	stream.indirect_vreg.gather [hbm4b:s6+s3], $0x80, v4, vm0, $0xb8;
	[tilespmem:$0x10080] =	vst v63  }
0x85: {  	s16 =	simm.s32 $0x2080  }
0x86: {  	[tilespmem:s16], [sflag:$0x1] =	stream.indirect_vreg.gather [hbm4b:s7+s3], $0x80, v4, vm0, $0xb8;
	[tilespmem:$0x10080] =	vst v63  }
0x87: {  	s15 =	simm.s32 $0x2880;
	v3 =	vperm.xlane v3, v2  }
0x88: {  	[tilespmem:s15], [sflag:$0x1] =	stream.indirect_vreg.gather [hbm4b:s8+s3], $0x80, v4, vm0, $0xb8;
	[tilespmem:$0x10080] =	vst v63  }
0x89: {  	s0 =	simm.s32 $0x3080;
	v3 =	vadd.s32 v1, v3  }
0x8a: {  	[tilespmem:s0], [sflag:$0x1] =	stream.indirect_vreg.gather [hbm4b:s9+s3], $0x80, v4, vm0, $0xb8;
	[tilespmem:$0x10080] =	vst v63  }
0x8b: {  	s2 =	simm.s32 $0x3880  }
0x8c: {  	[tilespmem:s2], [sflag:$0x1] =	stream.indirect_vreg.gather [hbm4b:s10+s3], $0x80, v4, vm0, $0xb8;
	[tilespmem:$0x10080] =	vst v63  }
0x8d: {  	s11 =	simm.s32 $0x4080  }
0x8e: {  	[tilespmem:s11], [sflag:$0x1] =	stream.indirect_vreg.gather [hbm4b:s1+s3], $0x80, v3, vm0, $0xb8;
	[tilespmem:$0x10080] =	vst v63  }
0x8f: {  	s25 =	simm.s32 $0x4880  }
0x90: {  	[tilespmem:s25], [sflag:$0x1] =	stream.indirect_vreg.gather [hbm4b:s4+s3], $0x80, v3, vm0, $0xb8;
	[tilespmem:$0x10080] =	vst v63  }
0x91: {  	s29 =	simm.s32 $0x5080  }
0x92: {  	[tilespmem:s29], [sflag:$0x1] =	stream.indirect_vreg.gather [hbm4b:s5+s3], $0x80, v3, vm0, $0xb8;
	[tilespmem:$0x10080] =	vst v63  }
0x93: {  	s30 =	simm.s32 $0x5880  }
0x94: {  	[tilespmem:s30], [sflag:$0x1] =	stream.indirect_vreg.gather [hbm4b:s6+s3], $0x80, v3, vm0, $0xb8;
	[tilespmem:$0x10080] =	vst v63  }
0x95: {  	s31 =	simm.s32 $0x6080  }
0x96: {  	[tilespmem:s31], [sflag:$0x1] =	stream.indirect_vreg.gather [hbm4b:s7+s3], $0x80, v3, vm0, $0xb8;
	[tilespmem:$0x10080] =	vst v63  }
0x97: {  	s14 =	simm.s32 $0x6880  }
0x98: {  	[tilespmem:s14], [sflag:$0x1] =	stream.indirect_vreg.gather [hbm4b:s8+s3], $0x80, v3, vm0, $0xb8;
	[tilespmem:$0x10080] =	vst v63  }
0x99: {  	s15 =	simm.s32 $0x7080  }
0x9a: {  	[tilespmem:s15], [sflag:$0x1] =	stream.indirect_vreg.gather [hbm4b:s9+s3], $0x80, v3, vm0, $0xb8;
	[tilespmem:$0x10080] =	vst v63  }
0x9b: {  	s17 =	simm.s32 $0x7880  }
0x9c: {  	[tilespmem:s17], [sflag:$0x1] =	stream.indirect_vreg.gather [hbm4b:s10+s3], $0x80, v3, vm0, $0xb8;
	[tilespmem:$0x10080] =	vst v63  }
0x9d: {  	v3 =	vld [tilespmem:$0x10];
	_ =	sdelay $0x4  }
0x9e: {  	v51 =	vshll.u32 v3, $0x4  }
0x9f: {  	v3 =	vand.u32 $0x7, v3;
	v4 =	vand.u32 $0xFFFFFF80, v51  }
0xa0: {  	v3 =	vor.u32 v3, v4  }
0xa1: {  	v4 =	vperm.xlane v3, v0;
	_ =	sdelay $0x1  }
0xa2: {  	v4 =	vadd.s32 v1, v4;
	_ =	sdelay $0x3  }
0xa3: {  	s16 =	simm.s32 $0x8080  }
0xa4: {  	[tilespmem:s16], [sflag:$0x1] =	stream.indirect_vreg.gather [hbm4b:s1+s3], $0x80, v4, vm0, $0xb8;
	[tilespmem:$0x10080] =	vst v63  }
0xa5: {  	s22 =	simm.s32 $0x8880  }
0xa6: {  	[tilespmem:s22], [sflag:$0x1] =	stream.indirect_vreg.gather [hbm4b:s4+s3], $0x80, v4, vm0, $0xb8;
	[tilespmem:$0x10080] =	vst v63  }
0xa7: {  	s23 =	simm.s32 $0x9080  }
0xa8: {  	[tilespmem:s23], [sflag:$0x1] =	stream.indirect_vreg.gather [hbm4b:s5+s3], $0x80, v4, vm0, $0xb8;
	[tilespmem:$0x10080] =	vst v63  }
0xa9: {  	s24 =	simm.s32 $0x9880  }
0xaa: {  	[tilespmem:s24], [sflag:$0x1] =	stream.indirect_vreg.gather [hbm4b:s6+s3], $0x80, v4, vm0, $0xb8;
	[tilespmem:$0x10080] =	vst v63  }
0xab: {  	s18 =	simm.s32 $0xA080  }
0xac: {  	[tilespmem:s18], [sflag:$0x1] =	stream.indirect_vreg.gather [hbm4b:s7+s3], $0x80, v4, vm0, $0xb8;
	[tilespmem:$0x10080] =	vst v63  }
0xad: {  	s19 =	simm.s32 $0xA880;
	v3 =	vperm.xlane v3, v2  }
0xae: {  	[tilespmem:s19], [sflag:$0x1] =	stream.indirect_vreg.gather [hbm4b:s8+s3], $0x80, v4, vm0, $0xb8;
	[tilespmem:$0x10080] =	vst v63  }
0xaf: {  	v3 =	vadd.s32 v1, v3;
	s19 =	simm.s32 $0xB080  }
0xb0: {  	[tilespmem:s19], [sflag:$0x1] =	stream.indirect_vreg.gather [hbm4b:s9+s3], $0x80, v4, vm0, $0xb8;
	[tilespmem:$0x10080] =	vst v63  }
0xb1: {  	s24 =	simm.s32 $0xB880  }
0xb2: {  	[tilespmem:s24], [sflag:$0x1] =	stream.indirect_vreg.gather [hbm4b:s10+s3], $0x80, v4, vm0, $0xb8;
	[tilespmem:$0x10080] =	vst v63  }
0xb3: {  	s28 =	simm.s32 $0xC080  }
0xb4: {  	[tilespmem:s28], [sflag:$0x1] =	stream.indirect_vreg.gather [hbm4b:s1+s3], $0x80, v3, vm0, $0xb8;
	[tilespmem:$0x10080] =	vst v63  }
0xb5: {  	s28 =	simm.s32 $0xC880  }
0xb6: {  	[tilespmem:s28], [sflag:$0x1] =	stream.indirect_vreg.gather [hbm4b:s4+s3], $0x80, v3, vm0, $0xb8;
	[tilespmem:$0x10080] =	vst v63  }
0xb7: {  	s28 =	simm.s32 $0xD080  }
0xb8: {  	[tilespmem:s28], [sflag:$0x1] =	stream.indirect_vreg.gather [hbm4b:s5+s3], $0x80, v3, vm0, $0xb8;
	[tilespmem:$0x10080] =	vst v63  }
0xb9: {  	s28 =	simm.s32 $0xD880  }
0xba: {  	[tilespmem:s28], [sflag:$0x1] =	stream.indirect_vreg.gather [hbm4b:s6+s3], $0x80, v3, vm0, $0xb8;
	[tilespmem:$0x10080] =	vst v63  }
0xbb: {  	s28 =	simm.s32 $0xE080  }
0xbc: {  	[tilespmem:s28], [sflag:$0x1] =	stream.indirect_vreg.gather [hbm4b:s7+s3], $0x80, v3, vm0, $0xb8;
	[tilespmem:$0x10080] =	vst v63  }
0xbd: {  	s28 =	simm.s32 $0xE880  }
0xbe: {  	[tilespmem:s28], [sflag:$0x1] =	stream.indirect_vreg.gather [hbm4b:s8+s3], $0x80, v3, vm0, $0xb8;
	[tilespmem:$0x10080] =	vst v63  }
0xbf: {  	s28 =	simm.s32 $0xF080  }
0xc0: {  	[tilespmem:s28], [sflag:$0x1] =	stream.indirect_vreg.gather [hbm4b:s9+s3], $0x80, v3, vm0, $0xb8;
	[tilespmem:$0x10080] =	vst v63  }
0xc1: {  	s20 =	simm.s32 $0xF880  }
0xc2: {  	[tilespmem:s20], [sflag:$0x1] =	stream.indirect_vreg.gather [hbm4b:s10+s3], $0x80, v3, vm0, $0xb8;
	[tilespmem:$0x10080] =	vst v63  }
0xc3: {  	_ =	swait.ge [sflag:s26], $0x10000  }
0xc4: {  	[sflag:s26] =	ssyncset.done $0x0  }
0xc5: {  	s28 =	rddreg [dreg:$0x7];
	[sflag:s26] =	ssyncadd.s32 $0xFFFF0000  }
0xc6: {  	[hbm4b:s28+s3] =	stream.linear.scatter [tilespmem:s13], [sflag:$0x2], $0x10000, $0x38;
	[tilespmem:$0x10080] =	vst v63  }
0xc7: {  	_ =	swait.ge [sflag:s12], $0x10000  }
0xc8: {  	[sflag:s12] =	ssyncset.done $0x0  }
0xc9: {  	s28 =	rddreg [dreg:$0x8];
	[sflag:s12] =	ssyncadd.s32 $0xFFFF0000  }
0xca: {  	[tilespmem:s3], [sflag:$0x2] =	stream.linear.gather [hbm4b:s28+s3], $0x20, $0x38;
	[tilespmem:$0x10080] =	vst v63  }
0xcb: {  	_ =	swait.ge [sflag:s12], $0x20  }
0xcc: {  	[sflag:s12] =	ssyncset.done $0x0  }
0xcd: {  	[sflag:s12] =	ssyncadd.s32 $0xFFFFFFE0  }
0xce: {  	v3 =	vld [tilespmem:$0x0];
	_ =	sdelay $0x4  }
0xcf: {  	v52 =	vshll.u32 v3, $0x4  }
0xd0: {  	v3 =	vand.u32 $0x7, v3;
	v4 =	vand.u32 $0xFFFFFF80, v52  }
0xd1: {  	v3 =	vor.u32 v3, v4  }
0xd2: {  	v4 =	vperm.xlane v3, v0;
	_ =	sdelay $0x1  }
0xd3: {  	v4 =	vadd.s32 v1, v4;
	_ =	sdelay $0x4  }
0xd4: {  	[tilespmem:s13], [sflag:$0x1] =	stream.indirect_vreg.gather [hbm4b:s1+s3], $0x80, v4, vm0, $0xb8;
	[tilespmem:$0x10080] =	vst v63  }
0xd5: {  	s28 =	simm.s32 $0x880  }
0xd6: {  	[tilespmem:s28], [sflag:$0x1] =	stream.indirect_vreg.gather [hbm4b:s4+s3], $0x80, v4, vm0, $0xb8;
	[tilespmem:$0x10080] =	vst v63  }
0xd7: {  	s28 =	simm.s32 $0x1080  }
0xd8: {  	[tilespmem:s28], [sflag:$0x1] =	stream.indirect_vreg.gather [hbm4b:s5+s3], $0x80, v4, vm0, $0xb8;
	[tilespmem:$0x10080] =	vst v63  }
0xd9: {  	s28 =	simm.s32 $0x1880  }
0xda: {  	[tilespmem:s28], [sflag:$0x1] =	stream.indirect_vreg.gather [hbm4b:s6+s3], $0x80, v4, vm0, $0xb8;
	[tilespmem:$0x10080] =	vst v63  }
0xdb: {  	s28 =	simm.s32 $0x2080  }
0xdc: {  	[tilespmem:s28], [sflag:$0x1] =	stream.indirect_vreg.gather [hbm4b:s7+s3], $0x80, v4, vm0, $0xb8;
	[tilespmem:$0x10080] =	vst v63  }
0xdd: {  	v3 =	vperm.xlane v3, v2;
	s28 =	simm.s32 $0x2880  }
0xde: {  	[tilespmem:s28], [sflag:$0x1] =	stream.indirect_vreg.gather [hbm4b:s8+s3], $0x80, v4, vm0, $0xb8;
	[tilespmem:$0x10080] =	vst v63  }
0xdf: {  	v3 =	vadd.s32 v1, v3  }
0xe0: {  	[tilespmem:s0], [sflag:$0x1] =	stream.indirect_vreg.gather [hbm4b:s9+s3], $0x80, v4, vm0, $0xb8;
	[tilespmem:$0x10080] =	vst v63  }
0xe1: {  	_ = 	snop  }
0xe2: {  	[tilespmem:s2], [sflag:$0x1] =	stream.indirect_vreg.gather [hbm4b:s10+s3], $0x80, v4, vm0, $0xb8;
	[tilespmem:$0x10080] =	vst v63  }
0xe3: {  	_ = 	snop  }
0xe4: {  	[tilespmem:s11], [sflag:$0x1] =	stream.indirect_vreg.gather [hbm4b:s1+s3], $0x80, v3, vm0, $0xb8;
	[tilespmem:$0x10080] =	vst v63  }
0xe5: {  	_ = 	snop  }
0xe6: {  	[tilespmem:s25], [sflag:$0x1] =	stream.indirect_vreg.gather [hbm4b:s4+s3], $0x80, v3, vm0, $0xb8;
	[tilespmem:$0x10080] =	vst v63  }
0xe7: {  	_ = 	snop  }
0xe8: {  	[tilespmem:s29], [sflag:$0x1] =	stream.indirect_vreg.gather [hbm4b:s5+s3], $0x80, v3, vm0, $0xb8;
	[tilespmem:$0x10080] =	vst v63  }
0xe9: {  	_ = 	snop  }
0xea: {  	[tilespmem:s30], [sflag:$0x1] =	stream.indirect_vreg.gather [hbm4b:s6+s3], $0x80, v3, vm0, $0xb8;
	[tilespmem:$0x10080] =	vst v63  }
0xeb: {  	_ = 	snop  }
0xec: {  	[tilespmem:s31], [sflag:$0x1] =	stream.indirect_vreg.gather [hbm4b:s7+s3], $0x80, v3, vm0, $0xb8;
	[tilespmem:$0x10080] =	vst v63  }
0xed: {  	_ = 	snop  }
0xee: {  	[tilespmem:s14], [sflag:$0x1] =	stream.indirect_vreg.gather [hbm4b:s8+s3], $0x80, v3, vm0, $0xb8;
	[tilespmem:$0x10080] =	vst v63  }
0xef: {  	_ = 	snop  }
0xf0: {  	[tilespmem:s15], [sflag:$0x1] =	stream.indirect_vreg.gather [hbm4b:s9+s3], $0x80, v3, vm0, $0xb8;
	[tilespmem:$0x10080] =	vst v63  }
0xf1: {  	_ = 	snop  }
0xf2: {  	[tilespmem:s17], [sflag:$0x1] =	stream.indirect_vreg.gather [hbm4b:s10+s3], $0x80, v3, vm0, $0xb8;
	[tilespmem:$0x10080] =	vst v63  }
0xf3: {  	v3 =	vld [tilespmem:$0x10];
	_ =	sdelay $0x4  }
0xf4: {  	v53 =	vshll.u32 v3, $0x4  }
0xf5: {  	v3 =	vand.u32 $0x7, v3;
	v4 =	vand.u32 $0xFFFFFF80, v53  }
0xf6: {  	v3 =	vor.u32 v3, v4  }
0xf7: {  	v4 =	vperm.xlane v3, v0;
	_ =	sdelay $0x1  }
0xf8: {  	v4 =	vadd.s32 v1, v4;
	_ =	sdelay $0x4  }
0xf9: {  	[tilespmem:s16], [sflag:$0x1] =	stream.indirect_vreg.gather [hbm4b:s1+s3], $0x80, v4, vm0, $0xb8;
	[tilespmem:$0x10080] =	vst v63  }
0xfa: {  	s28 =	simm.s32 $0x8880  }
0xfb: {  	[tilespmem:s28], [sflag:$0x1] =	stream.indirect_vreg.gather [hbm4b:s4+s3], $0x80, v4, vm0, $0xb8;
	[tilespmem:$0x10080] =	vst v63  }
0xfc: {  	s22 =	simm.s32 $0x9080  }
0xfd: {  	[tilespmem:s22], [sflag:$0x1] =	stream.indirect_vreg.gather [hbm4b:s5+s3], $0x80, v4, vm0, $0xb8;
	[tilespmem:$0x10080] =	vst v63  }
0xfe: {  	s23 =	simm.s32 $0x9880  }
0xff: {  	[tilespmem:s23], [sflag:$0x1] =	stream.indirect_vreg.gather [hbm4b:s6+s3], $0x80, v4, vm0, $0xb8;
	[tilespmem:$0x10080] =	vst v63  }
0x100: {  	s28 =	simm.s32 $0xA080  }
0x101: {  	[tilespmem:s28], [sflag:$0x1] =	stream.indirect_vreg.gather [hbm4b:s7+s3], $0x80, v4, vm0, $0xb8;
	[tilespmem:$0x10080] =	vst v63  }
0x102: {  	v3 =	vperm.xlane v3, v2;
	s28 =	simm.s32 $0xA880  }
0x103: {  	[tilespmem:s28], [sflag:$0x1] =	stream.indirect_vreg.gather [hbm4b:s8+s3], $0x80, v4, vm0, $0xb8;
	[tilespmem:$0x10080] =	vst v63  }
0x104: {  	s18 =	simm.s32 $0xB080;
	v3 =	vadd.s32 v1, v3  }
0x105: {  	[tilespmem:s18], [sflag:$0x1] =	stream.indirect_vreg.gather [hbm4b:s9+s3], $0x80, v4, vm0, $0xb8;
	[tilespmem:$0x10080] =	vst v63  }
0x106: {  	s19 =	simm.s32 $0xB880  }
0x107: {  	[tilespmem:s19], [sflag:$0x1] =	stream.indirect_vreg.gather [hbm4b:s10+s3], $0x80, v4, vm0, $0xb8;
	[tilespmem:$0x10080] =	vst v63  }
0x108: {  	s24 =	simm.s32 $0xC080  }
0x109: {  	[tilespmem:s24], [sflag:$0x1] =	stream.indirect_vreg.gather [hbm4b:s1+s3], $0x80, v3, vm0, $0xb8;
	[tilespmem:$0x10080] =	vst v63  }
0x10a: {  	s28 =	simm.s32 $0xC880  }
0x10b: {  	[tilespmem:s28], [sflag:$0x1] =	stream.indirect_vreg.gather [hbm4b:s4+s3], $0x80, v3, vm0, $0xb8;
	[tilespmem:$0x10080] =	vst v63  }
0x10c: {  	s28 =	simm.s32 $0xD080  }
0x10d: {  	[tilespmem:s28], [sflag:$0x1] =	stream.indirect_vreg.gather [hbm4b:s5+s3], $0x80, v3, vm0, $0xb8;
	[tilespmem:$0x10080] =	vst v63  }
0x10e: {  	s28 =	simm.s32 $0xD880  }
0x10f: {  	[tilespmem:s28], [sflag:$0x1] =	stream.indirect_vreg.gather [hbm4b:s6+s3], $0x80, v3, vm0, $0xb8;
	[tilespmem:$0x10080] =	vst v63  }
0x110: {  	s28 =	simm.s32 $0xE080  }
0x111: {  	[tilespmem:s28], [sflag:$0x1] =	stream.indirect_vreg.gather [hbm4b:s7+s3], $0x80, v3, vm0, $0xb8;
	[tilespmem:$0x10080] =	vst v63  }
0x112: {  	s28 =	simm.s32 $0xE880  }
0x113: {  	[tilespmem:s28], [sflag:$0x1] =	stream.indirect_vreg.gather [hbm4b:s8+s3], $0x80, v3, vm0, $0xb8;
	[tilespmem:$0x10080] =	vst v63  }
0x114: {  	s28 =	simm.s32 $0xF080  }
0x115: {  	[tilespmem:s28], [sflag:$0x1] =	stream.indirect_vreg.gather [hbm4b:s9+s3], $0x80, v3, vm0, $0xb8;
	[tilespmem:$0x10080] =	vst v63  }
0x116: {  	s20 =	simm.s32 $0xF880  }
0x117: {  	[tilespmem:s20], [sflag:$0x1] =	stream.indirect_vreg.gather [hbm4b:s10+s3], $0x80, v3, vm0, $0xb8;
	[tilespmem:$0x10080] =	vst v63  }
0x118: {  	_ =	swait.ge [sflag:s26], $0x10000  }
0x119: {  	[sflag:s26] =	ssyncset.done $0x0  }
0x11a: {  	s28 =	rddreg [dreg:$0x9];
	[sflag:s26] =	ssyncadd.s32 $0xFFFF0000  }
0x11b: {  	[hbm4b:s28+s3] =	stream.linear.scatter [tilespmem:s13], [sflag:$0x2], $0x10000, $0x38;
	[tilespmem:$0x10080] =	vst v63  }
0x11c: {  	_ =	swait.ge [sflag:s12], $0x10000  }
0x11d: {  	[sflag:s12] =	ssyncset.done $0x0  }
0x11e: {  	s28 =	rddreg [dreg:$0xa];
	[sflag:s12] =	ssyncadd.s32 $0xFFFF0000  }
0x11f: {  	[tilespmem:s3], [sflag:$0x2] =	stream.linear.gather [hbm4b:s28+s3], $0x20, $0x38;
	[tilespmem:$0x10080] =	vst v63  }
0x120: {  	_ =	swait.ge [sflag:s12], $0x20  }
0x121: {  	[sflag:s12] =	ssyncset.done $0x0  }
0x122: {  	[sflag:s12] =	ssyncadd.s32 $0xFFFFFFE0  }
0x123: {  	v3 =	vld [tilespmem:$0x0];
	_ =	sdelay $0x4  }
0x124: {  	v54 =	vshll.u32 v3, $0x4  }
0x125: {  	v3 =	vand.u32 $0x7, v3;
	v4 =	vand.u32 $0xFFFFFF80, v54  }
0x126: {  	v3 =	vor.u32 v3, v4  }
0x127: {  	v4 =	vperm.xlane v3, v0;
	_ =	sdelay $0x1  }
0x128: {  	v4 =	vadd.s32 v1, v4;
	_ =	sdelay $0x4  }
0x129: {  	[tilespmem:s13], [sflag:$0x1] =	stream.indirect_vreg.gather [hbm4b:s1+s3], $0x80, v4, vm0, $0xb8;
	[tilespmem:$0x10080] =	vst v63  }
0x12a: {  	s28 =	simm.s32 $0x880  }
0x12b: {  	[tilespmem:s28], [sflag:$0x1] =	stream.indirect_vreg.gather [hbm4b:s4+s3], $0x80, v4, vm0, $0xb8;
	[tilespmem:$0x10080] =	vst v63  }
0x12c: {  	s28 =	simm.s32 $0x1080  }
0x12d: {  	[tilespmem:s28], [sflag:$0x1] =	stream.indirect_vreg.gather [hbm4b:s5+s3], $0x80, v4, vm0, $0xb8;
	[tilespmem:$0x10080] =	vst v63  }
0x12e: {  	s28 =	simm.s32 $0x1880  }
0x12f: {  	[tilespmem:s28], [sflag:$0x1] =	stream.indirect_vreg.gather [hbm4b:s6+s3], $0x80, v4, vm0, $0xb8;
	[tilespmem:$0x10080] =	vst v63  }
0x130: {  	s28 =	simm.s32 $0x2080  }
0x131: {  	[tilespmem:s28], [sflag:$0x1] =	stream.indirect_vreg.gather [hbm4b:s7+s3], $0x80, v4, vm0, $0xb8;
	[tilespmem:$0x10080] =	vst v63  }
0x132: {  	v3 =	vperm.xlane v3, v2;
	s28 =	simm.s32 $0x2880  }
0x133: {  	[tilespmem:s28], [sflag:$0x1] =	stream.indirect_vreg.gather [hbm4b:s8+s3], $0x80, v4, vm0, $0xb8;
	[tilespmem:$0x10080] =	vst v63  }
0x134: {  	s0 =	simm.s32 $0x3080;
	v3 =	vadd.s32 v1, v3  }
0x135: {  	[tilespmem:s0], [sflag:$0x1] =	stream.indirect_vreg.gather [hbm4b:s9+s3], $0x80, v4, vm0, $0xb8;
	[tilespmem:$0x10080] =	vst v63  }
0x136: {  	s2 =	simm.s32 $0x3880  }
0x137: {  	[tilespmem:s2], [sflag:$0x1] =	stream.indirect_vreg.gather [hbm4b:s10+s3], $0x80, v4, vm0, $0xb8;
	[tilespmem:$0x10080] =	vst v63  }
0x138: {  	s11 =	simm.s32 $0x4080  }
0x139: {  	[tilespmem:s11], [sflag:$0x1] =	stream.indirect_vreg.gather [hbm4b:s1+s3], $0x80, v3, vm0, $0xb8;
	[tilespmem:$0x10080] =	vst v63  }
0x13a: {  	s25 =	simm.s32 $0x4880  }
0x13b: {  	[tilespmem:s25], [sflag:$0x1] =	stream.indirect_vreg.gather [hbm4b:s4+s3], $0x80, v3, vm0, $0xb8;
	[tilespmem:$0x10080] =	vst v63  }
0x13c: {  	s29 =	simm.s32 $0x5080  }
0x13d: {  	[tilespmem:s29], [sflag:$0x1] =	stream.indirect_vreg.gather [hbm4b:s5+s3], $0x80, v3, vm0, $0xb8;
	[tilespmem:$0x10080] =	vst v63  }
0x13e: {  	s30 =	simm.s32 $0x5880  }
0x13f: {  	[tilespmem:s30], [sflag:$0x1] =	stream.indirect_vreg.gather [hbm4b:s6+s3], $0x80, v3, vm0, $0xb8;
	[tilespmem:$0x10080] =	vst v63  }
0x140: {  	s31 =	simm.s32 $0x6080  }
0x141: {  	[tilespmem:s31], [sflag:$0x1] =	stream.indirect_vreg.gather [hbm4b:s7+s3], $0x80, v3, vm0, $0xb8;
	[tilespmem:$0x10080] =	vst v63  }
0x142: {  	s14 =	simm.s32 $0x6880  }
0x143: {  	[tilespmem:s14], [sflag:$0x1] =	stream.indirect_vreg.gather [hbm4b:s8+s3], $0x80, v3, vm0, $0xb8;
	[tilespmem:$0x10080] =	vst v63  }
0x144: {  	s15 =	simm.s32 $0x7080  }
0x145: {  	[tilespmem:s15], [sflag:$0x1] =	stream.indirect_vreg.gather [hbm4b:s9+s3], $0x80, v3, vm0, $0xb8;
	[tilespmem:$0x10080] =	vst v63  }
0x146: {  	s17 =	simm.s32 $0x7880  }
0x147: {  	[tilespmem:s17], [sflag:$0x1] =	stream.indirect_vreg.gather [hbm4b:s10+s3], $0x80, v3, vm0, $0xb8;
	[tilespmem:$0x10080] =	vst v63  }
0x148: {  	v3 =	vld [tilespmem:$0x10];
	_ =	sdelay $0x4  }
0x149: {  	v55 =	vshll.u32 v3, $0x4  }
0x14a: {  	v3 =	vand.u32 $0x7, v3;
	v4 =	vand.u32 $0xFFFFFF80, v55  }
0x14b: {  	v3 =	vor.u32 v3, v4  }
0x14c: {  	v4 =	vperm.xlane v3, v0;
	_ =	sdelay $0x1  }
0x14d: {  	v4 =	vadd.s32 v1, v4;
	_ =	sdelay $0x3  }
0x14e: {  	s16 =	simm.s32 $0x8080  }
0x14f: {  	[tilespmem:s16], [sflag:$0x1] =	stream.indirect_vreg.gather [hbm4b:s1+s3], $0x80, v4, vm0, $0xb8;
	[tilespmem:$0x10080] =	vst v63  }
0x150: {  	s28 =	simm.s32 $0x8880  }
0x151: {  	[tilespmem:s28], [sflag:$0x1] =	stream.indirect_vreg.gather [hbm4b:s4+s3], $0x80, v4, vm0, $0xb8;
	[tilespmem:$0x10080] =	vst v63  }
0x152: {  	s22 =	simm.s32 $0x9080  }
0x153: {  	[tilespmem:s22], [sflag:$0x1] =	stream.indirect_vreg.gather [hbm4b:s5+s3], $0x80, v4, vm0, $0xb8;
	[tilespmem:$0x10080] =	vst v63  }
0x154: {  	s23 =	simm.s32 $0x9880  }
0x155: {  	[tilespmem:s23], [sflag:$0x1] =	stream.indirect_vreg.gather [hbm4b:s6+s3], $0x80, v4, vm0, $0xb8;
	[tilespmem:$0x10080] =	vst v63  }
0x156: {  	s28 =	simm.s32 $0xA080  }
0x157: {  	[tilespmem:s28], [sflag:$0x1] =	stream.indirect_vreg.gather [hbm4b:s7+s3], $0x80, v4, vm0, $0xb8;
	[tilespmem:$0x10080] =	vst v63  }
0x158: {  	v3 =	vperm.xlane v3, v2;
	s28 =	simm.s32 $0xA880  }
0x159: {  	[tilespmem:s28], [sflag:$0x1] =	stream.indirect_vreg.gather [hbm4b:s8+s3], $0x80, v4, vm0, $0xb8;
	[tilespmem:$0x10080] =	vst v63  }
0x15a: {  	s18 =	simm.s32 $0xB080;
	v3 =	vadd.s32 v1, v3  }
0x15b: {  	[tilespmem:s18], [sflag:$0x1] =	stream.indirect_vreg.gather [hbm4b:s9+s3], $0x80, v4, vm0, $0xb8;
	[tilespmem:$0x10080] =	vst v63  }
0x15c: {  	s19 =	simm.s32 $0xB880  }
0x15d: {  	[tilespmem:s19], [sflag:$0x1] =	stream.indirect_vreg.gather [hbm4b:s10+s3], $0x80, v4, vm0, $0xb8;
	[tilespmem:$0x10080] =	vst v63  }
0x15e: {  	s24 =	simm.s32 $0xC080  }
0x15f: {  	[tilespmem:s24], [sflag:$0x1] =	stream.indirect_vreg.gather [hbm4b:s1+s3], $0x80, v3, vm0, $0xb8;
	[tilespmem:$0x10080] =	vst v63  }
0x160: {  	s28 =	simm.s32 $0xC880  }
0x161: {  	[tilespmem:s28], [sflag:$0x1] =	stream.indirect_vreg.gather [hbm4b:s4+s3], $0x80, v3, vm0, $0xb8;
	[tilespmem:$0x10080] =	vst v63  }
0x162: {  	s28 =	simm.s32 $0xD080  }
0x163: {  	[tilespmem:s28], [sflag:$0x1] =	stream.indirect_vreg.gather [hbm4b:s5+s3], $0x80, v3, vm0, $0xb8;
	[tilespmem:$0x10080] =	vst v63  }
0x164: {  	s28 =	simm.s32 $0xD880  }
0x165: {  	[tilespmem:s28], [sflag:$0x1] =	stream.indirect_vreg.gather [hbm4b:s6+s3], $0x80, v3, vm0, $0xb8;
	[tilespmem:$0x10080] =	vst v63  }
0x166: {  	s28 =	simm.s32 $0xE080  }
0x167: {  	[tilespmem:s28], [sflag:$0x1] =	stream.indirect_vreg.gather [hbm4b:s7+s3], $0x80, v3, vm0, $0xb8;
	[tilespmem:$0x10080] =	vst v63  }
0x168: {  	s28 =	simm.s32 $0xE880  }
0x169: {  	[tilespmem:s28], [sflag:$0x1] =	stream.indirect_vreg.gather [hbm4b:s8+s3], $0x80, v3, vm0, $0xb8;
	[tilespmem:$0x10080] =	vst v63  }
0x16a: {  	s28 =	simm.s32 $0xF080  }
0x16b: {  	[tilespmem:s28], [sflag:$0x1] =	stream.indirect_vreg.gather [hbm4b:s9+s3], $0x80, v3, vm0, $0xb8;
	[tilespmem:$0x10080] =	vst v63  }
0x16c: {  	s20 =	simm.s32 $0xF880  }
0x16d: {  	[tilespmem:s20], [sflag:$0x1] =	stream.indirect_vreg.gather [hbm4b:s10+s3], $0x80, v3, vm0, $0xb8;
	[tilespmem:$0x10080] =	vst v63  }
0x16e: {  	_ =	swait.ge [sflag:s26], $0x10000  }
0x16f: {  	[sflag:s26] =	ssyncset.done $0x0  }
0x170: {  	s28 =	rddreg [dreg:$0xb];
	[sflag:s26] =	ssyncadd.s32 $0xFFFF0000  }
0x171: {  	[hbm4b:s28+s3] =	stream.linear.scatter [tilespmem:s13], [sflag:$0x2], $0x10000, $0x38;
	[tilespmem:$0x10080] =	vst v63  }
0x172: {  	_ =	swait.ge [sflag:s12], $0x10000  }
0x173: {  	[sflag:s12] =	ssyncset.done $0x0  }
0x174: {  	s28 =	rddreg [dreg:$0xc];
	[sflag:s12] =	ssyncadd.s32 $0xFFFF0000  }
0x175: {  	[tilespmem:s3], [sflag:$0x2] =	stream.linear.gather [hbm4b:s28+s3], $0x20, $0x38;
	[tilespmem:$0x10080] =	vst v63  }
0x176: {  	_ =	swait.ge [sflag:s12], $0x20  }
0x177: {  	[sflag:s12] =	ssyncset.done $0x0  }
0x178: {  	[sflag:s12] =	ssyncadd.s32 $0xFFFFFFE0  }
0x179: {  	v3 =	vld [tilespmem:$0x0];
	_ =	sdelay $0x4  }
0x17a: {  	v56 =	vshll.u32 v3, $0x4  }
0x17b: {  	v3 =	vand.u32 $0x7, v3;
	v4 =	vand.u32 $0xFFFFFF80, v56  }
0x17c: {  	v3 =	vor.u32 v3, v4  }
0x17d: {  	v4 =	vperm.xlane v3, v0;
	_ =	sdelay $0x1  }
0x17e: {  	v4 =	vadd.s32 v1, v4;
	_ =	sdelay $0x4  }
0x17f: {  	[tilespmem:s13], [sflag:$0x1] =	stream.indirect_vreg.gather [hbm4b:s1+s3], $0x80, v4, vm0, $0xb8;
	[tilespmem:$0x10080] =	vst v63  }
0x180: {  	s28 =	simm.s32 $0x880  }
0x181: {  	[tilespmem:s28], [sflag:$0x1] =	stream.indirect_vreg.gather [hbm4b:s4+s3], $0x80, v4, vm0, $0xb8;
	[tilespmem:$0x10080] =	vst v63  }
0x182: {  	s28 =	simm.s32 $0x1080  }
0x183: {  	[tilespmem:s28], [sflag:$0x1] =	stream.indirect_vreg.gather [hbm4b:s5+s3], $0x80, v4, vm0, $0xb8;
	[tilespmem:$0x10080] =	vst v63  }
0x184: {  	s28 =	simm.s32 $0x1880  }
0x185: {  	[tilespmem:s28], [sflag:$0x1] =	stream.indirect_vreg.gather [hbm4b:s6+s3], $0x80, v4, vm0, $0xb8;
	[tilespmem:$0x10080] =	vst v63  }
0x186: {  	s28 =	simm.s32 $0x2080  }
0x187: {  	[tilespmem:s28], [sflag:$0x1] =	stream.indirect_vreg.gather [hbm4b:s7+s3], $0x80, v4, vm0, $0xb8;
	[tilespmem:$0x10080] =	vst v63  }
0x188: {  	v3 =	vperm.xlane v3, v2;
	s28 =	simm.s32 $0x2880  }
0x189: {  	[tilespmem:s28], [sflag:$0x1] =	stream.indirect_vreg.gather [hbm4b:s8+s3], $0x80, v4, vm0, $0xb8;
	[tilespmem:$0x10080] =	vst v63  }
0x18a: {  	s0 =	simm.s32 $0x3080;
	v3 =	vadd.s32 v1, v3  }
0x18b: {  	[tilespmem:s0], [sflag:$0x1] =	stream.indirect_vreg.gather [hbm4b:s9+s3], $0x80, v4, vm0, $0xb8;
	[tilespmem:$0x10080] =	vst v63  }
0x18c: {  	s2 =	simm.s32 $0x3880  }
0x18d: {  	[tilespmem:s2], [sflag:$0x1] =	stream.indirect_vreg.gather [hbm4b:s10+s3], $0x80, v4, vm0, $0xb8;
	[tilespmem:$0x10080] =	vst v63  }
0x18e: {  	s11 =	simm.s32 $0x4080  }
0x18f: {  	[tilespmem:s11], [sflag:$0x1] =	stream.indirect_vreg.gather [hbm4b:s1+s3], $0x80, v3, vm0, $0xb8;
	[tilespmem:$0x10080] =	vst v63  }
0x190: {  	s25 =	simm.s32 $0x4880  }
0x191: {  	[tilespmem:s25], [sflag:$0x1] =	stream.indirect_vreg.gather [hbm4b:s4+s3], $0x80, v3, vm0, $0xb8;
	[tilespmem:$0x10080] =	vst v63  }
0x192: {  	s29 =	simm.s32 $0x5080  }
0x193: {  	[tilespmem:s29], [sflag:$0x1] =	stream.indirect_vreg.gather [hbm4b:s5+s3], $0x80, v3, vm0, $0xb8;
	[tilespmem:$0x10080] =	vst v63  }
0x194: {  	s30 =	simm.s32 $0x5880  }
0x195: {  	[tilespmem:s30], [sflag:$0x1] =	stream.indirect_vreg.gather [hbm4b:s6+s3], $0x80, v3, vm0, $0xb8;
	[tilespmem:$0x10080] =	vst v63  }
0x196: {  	s31 =	simm.s32 $0x6080  }
0x197: {  	[tilespmem:s31], [sflag:$0x1] =	stream.indirect_vreg.gather [hbm4b:s7+s3], $0x80, v3, vm0, $0xb8;
	[tilespmem:$0x10080] =	vst v63  }
0x198: {  	s14 =	simm.s32 $0x6880  }
0x199: {  	[tilespmem:s14], [sflag:$0x1] =	stream.indirect_vreg.gather [hbm4b:s8+s3], $0x80, v3, vm0, $0xb8;
	[tilespmem:$0x10080] =	vst v63  }
0x19a: {  	s15 =	simm.s32 $0x7080  }
0x19b: {  	[tilespmem:s15], [sflag:$0x1] =	stream.indirect_vreg.gather [hbm4b:s9+s3], $0x80, v3, vm0, $0xb8;
	[tilespmem:$0x10080] =	vst v63  }
0x19c: {  	s28 =	simm.s32 $0x7880  }
0x19d: {  	[tilespmem:s28], [sflag:$0x1] =	stream.indirect_vreg.gather [hbm4b:s10+s3], $0x80, v3, vm0, $0xb8;
	[tilespmem:$0x10080] =	vst v63  }
0x19e: {  	v3 =	vld [tilespmem:$0x10];
	_ =	sdelay $0x4  }
0x19f: {  	v57 =	vshll.u32 v3, $0x4  }
0x1a0: {  	v3 =	vand.u32 $0x7, v3;
	v4 =	vand.u32 $0xFFFFFF80, v57  }
0x1a1: {  	v3 =	vor.u32 v3, v4  }
0x1a2: {  	v4 =	vperm.xlane v3, v0;
	_ =	sdelay $0x1  }
0x1a3: {  	v4 =	vadd.s32 v1, v4;
	_ =	sdelay $0x3  }
0x1a4: {  	s16 =	simm.s32 $0x8080  }
0x1a5: {  	[tilespmem:s16], [sflag:$0x1] =	stream.indirect_vreg.gather [hbm4b:s1+s3], $0x80, v4, vm0, $0xb8;
	[tilespmem:$0x10080] =	vst v63  }
0x1a6: {  	s28 =	simm.s32 $0x8880  }
0x1a7: {  	[tilespmem:s28], [sflag:$0x1] =	stream.indirect_vreg.gather [hbm4b:s4+s3], $0x80, v4, vm0, $0xb8;
	[tilespmem:$0x10080] =	vst v63  }
0x1a8: {  	s17 =	simm.s32 $0x9080  }
0x1a9: {  	[tilespmem:s17], [sflag:$0x1] =	stream.indirect_vreg.gather [hbm4b:s5+s3], $0x80, v4, vm0, $0xb8;
	[tilespmem:$0x10080] =	vst v63  }
0x1aa: {  	s23 =	simm.s32 $0x9880  }
0x1ab: {  	[tilespmem:s23], [sflag:$0x1] =	stream.indirect_vreg.gather [hbm4b:s6+s3], $0x80, v4, vm0, $0xb8;
	[tilespmem:$0x10080] =	vst v63  }
0x1ac: {  	s28 =	simm.s32 $0xA080  }
0x1ad: {  	[tilespmem:s28], [sflag:$0x1] =	stream.indirect_vreg.gather [hbm4b:s7+s3], $0x80, v4, vm0, $0xb8;
	[tilespmem:$0x10080] =	vst v63  }
0x1ae: {  	v3 =	vperm.xlane v3, v2;
	s28 =	simm.s32 $0xA880  }
0x1af: {  	[tilespmem:s28], [sflag:$0x1] =	stream.indirect_vreg.gather [hbm4b:s8+s3], $0x80, v4, vm0, $0xb8;
	[tilespmem:$0x10080] =	vst v63  }
0x1b0: {  	s22 =	simm.s32 $0xB080;
	v3 =	vadd.s32 v1, v3  }
0x1b1: {  	[tilespmem:s22], [sflag:$0x1] =	stream.indirect_vreg.gather [hbm4b:s9+s3], $0x80, v4, vm0, $0xb8;
	[tilespmem:$0x10080] =	vst v63  }
0x1b2: {  	s18 =	simm.s32 $0xB880  }
0x1b3: {  	[tilespmem:s18], [sflag:$0x1] =	stream.indirect_vreg.gather [hbm4b:s10+s3], $0x80, v4, vm0, $0xb8;
	[tilespmem:$0x10080] =	vst v63  }
0x1b4: {  	s19 =	simm.s32 $0xC080  }
0x1b5: {  	[tilespmem:s19], [sflag:$0x1] =	stream.indirect_vreg.gather [hbm4b:s1+s3], $0x80, v3, vm0, $0xb8;
	[tilespmem:$0x10080] =	vst v63  }
0x1b6: {  	s24 =	simm.s32 $0xC880  }
0x1b7: {  	[tilespmem:s24], [sflag:$0x1] =	stream.indirect_vreg.gather [hbm4b:s4+s3], $0x80, v3, vm0, $0xb8;
	[tilespmem:$0x10080] =	vst v63  }
0x1b8: {  	s28 =	simm.s32 $0xD080  }
0x1b9: {  	[tilespmem:s28], [sflag:$0x1] =	stream.indirect_vreg.gather [hbm4b:s5+s3], $0x80, v3, vm0, $0xb8;
	[tilespmem:$0x10080] =	vst v63  }
0x1ba: {  	s28 =	simm.s32 $0xD880  }
0x1bb: {  	[tilespmem:s28], [sflag:$0x1] =	stream.indirect_vreg.gather [hbm4b:s6+s3], $0x80, v3, vm0, $0xb8;
	[tilespmem:$0x10080] =	vst v63  }
0x1bc: {  	s28 =	simm.s32 $0xE080  }
0x1bd: {  	[tilespmem:s28], [sflag:$0x1] =	stream.indirect_vreg.gather [hbm4b:s7+s3], $0x80, v3, vm0, $0xb8;
	[tilespmem:$0x10080] =	vst v63  }
0x1be: {  	s28 =	simm.s32 $0xE880  }
0x1bf: {  	[tilespmem:s28], [sflag:$0x1] =	stream.indirect_vreg.gather [hbm4b:s8+s3], $0x80, v3, vm0, $0xb8;
	[tilespmem:$0x10080] =	vst v63  }
0x1c0: {  	s28 =	simm.s32 $0xF080  }
0x1c1: {  	[tilespmem:s28], [sflag:$0x1] =	stream.indirect_vreg.gather [hbm4b:s9+s3], $0x80, v3, vm0, $0xb8;
	[tilespmem:$0x10080] =	vst v63  }
0x1c2: {  	s20 =	simm.s32 $0xF880  }
0x1c3: {  	[tilespmem:s20], [sflag:$0x1] =	stream.indirect_vreg.gather [hbm4b:s10+s3], $0x80, v3, vm0, $0xb8;
	[tilespmem:$0x10080] =	vst v63  }
0x1c4: {  	_ =	swait.ge [sflag:s26], $0x10000  }
0x1c5: {  	[sflag:s26] =	ssyncset.done $0x0  }
0x1c6: {  	s28 =	rddreg [dreg:$0xd];
	[sflag:s26] =	ssyncadd.s32 $0xFFFF0000  }
0x1c7: {  	[hbm4b:s28+s3] =	stream.linear.scatter [tilespmem:s13], [sflag:$0x2], $0x10000, $0x38;
	[tilespmem:$0x10080] =	vst v63  }
0x1c8: {  	_ =	swait.ge [sflag:s12], $0x10000  }
0x1c9: {  	[sflag:s12] =	ssyncset.done $0x0  }
0x1ca: {  	s28 =	rddreg [dreg:$0xe];
	[sflag:s12] =	ssyncadd.s32 $0xFFFF0000  }
0x1cb: {  	[tilespmem:s3], [sflag:$0x2] =	stream.linear.gather [hbm4b:s28+s3], $0x20, $0x38;
	[tilespmem:$0x10080] =	vst v63  }
0x1cc: {  	_ =	swait.ge [sflag:s12], $0x20  }
0x1cd: {  	[sflag:s12] =	ssyncset.done $0x0  }
0x1ce: {  	[sflag:s12] =	ssyncadd.s32 $0xFFFFFFE0  }
0x1cf: {  	v3 =	vld [tilespmem:$0x0];
	_ =	sdelay $0x4  }
0x1d0: {  	v58 =	vshll.u32 v3, $0x4  }
0x1d1: {  	v3 =	vand.u32 $0x7, v3;
	v4 =	vand.u32 $0xFFFFFF80, v58  }
0x1d2: {  	v3 =	vor.u32 v3, v4  }
0x1d3: {  	v4 =	vperm.xlane v3, v0;
	_ =	sdelay $0x1  }
0x1d4: {  	v4 =	vadd.s32 v1, v4;
	_ =	sdelay $0x4  }
0x1d5: {  	[tilespmem:s13], [sflag:$0x1] =	stream.indirect_vreg.gather [hbm4b:s1+s3], $0x80, v4, vm0, $0xb8;
	[tilespmem:$0x10080] =	vst v63  }
0x1d6: {  	s28 =	simm.s32 $0x880  }
0x1d7: {  	[tilespmem:s28], [sflag:$0x1] =	stream.indirect_vreg.gather [hbm4b:s4+s3], $0x80, v4, vm0, $0xb8;
	[tilespmem:$0x10080] =	vst v63  }
0x1d8: {  	s28 =	simm.s32 $0x1080  }
0x1d9: {  	[tilespmem:s28], [sflag:$0x1] =	stream.indirect_vreg.gather [hbm4b:s5+s3], $0x80, v4, vm0, $0xb8;
	[tilespmem:$0x10080] =	vst v63  }
0x1da: {  	s28 =	simm.s32 $0x1880  }
0x1db: {  	[tilespmem:s28], [sflag:$0x1] =	stream.indirect_vreg.gather [hbm4b:s6+s3], $0x80, v4, vm0, $0xb8;
	[tilespmem:$0x10080] =	vst v63  }
0x1dc: {  	s28 =	simm.s32 $0x2080  }
0x1dd: {  	[tilespmem:s28], [sflag:$0x1] =	stream.indirect_vreg.gather [hbm4b:s7+s3], $0x80, v4, vm0, $0xb8;
	[tilespmem:$0x10080] =	vst v63  }
0x1de: {  	v3 =	vperm.xlane v3, v2;
	s28 =	simm.s32 $0x2880  }
0x1df: {  	[tilespmem:s28], [sflag:$0x1] =	stream.indirect_vreg.gather [hbm4b:s8+s3], $0x80, v4, vm0, $0xb8;
	[tilespmem:$0x10080] =	vst v63  }
0x1e0: {  	s0 =	simm.s32 $0x3080;
	v3 =	vadd.s32 v1, v3  }
0x1e1: {  	[tilespmem:s0], [sflag:$0x1] =	stream.indirect_vreg.gather [hbm4b:s9+s3], $0x80, v4, vm0, $0xb8;
	[tilespmem:$0x10080] =	vst v63  }
0x1e2: {  	s2 =	simm.s32 $0x3880  }
0x1e3: {  	[tilespmem:s2], [sflag:$0x1] =	stream.indirect_vreg.gather [hbm4b:s10+s3], $0x80, v4, vm0, $0xb8;
	[tilespmem:$0x10080] =	vst v63  }
0x1e4: {  	s11 =	simm.s32 $0x4080  }
0x1e5: {  	[tilespmem:s11], [sflag:$0x1] =	stream.indirect_vreg.gather [hbm4b:s1+s3], $0x80, v3, vm0, $0xb8;
	[tilespmem:$0x10080] =	vst v63  }
0x1e6: {  	s25 =	simm.s32 $0x4880  }
0x1e7: {  	[tilespmem:s25], [sflag:$0x1] =	stream.indirect_vreg.gather [hbm4b:s4+s3], $0x80, v3, vm0, $0xb8;
	[tilespmem:$0x10080] =	vst v63  }
0x1e8: {  	s29 =	simm.s32 $0x5080  }
0x1e9: {  	[tilespmem:s29], [sflag:$0x1] =	stream.indirect_vreg.gather [hbm4b:s5+s3], $0x80, v3, vm0, $0xb8;
	[tilespmem:$0x10080] =	vst v63  }
0x1ea: {  	s30 =	simm.s32 $0x5880  }
0x1eb: {  	[tilespmem:s30], [sflag:$0x1] =	stream.indirect_vreg.gather [hbm4b:s6+s3], $0x80, v3, vm0, $0xb8;
	[tilespmem:$0x10080] =	vst v63  }
0x1ec: {  	s31 =	simm.s32 $0x6080  }
0x1ed: {  	[tilespmem:s31], [sflag:$0x1] =	stream.indirect_vreg.gather [hbm4b:s7+s3], $0x80, v3, vm0, $0xb8;
	[tilespmem:$0x10080] =	vst v63  }
0x1ee: {  	s14 =	simm.s32 $0x6880  }
0x1ef: {  	[tilespmem:s14], [sflag:$0x1] =	stream.indirect_vreg.gather [hbm4b:s8+s3], $0x80, v3, vm0, $0xb8;
	[tilespmem:$0x10080] =	vst v63  }
0x1f0: {  	s15 =	simm.s32 $0x7080  }
0x1f1: {  	[tilespmem:s15], [sflag:$0x1] =	stream.indirect_vreg.gather [hbm4b:s9+s3], $0x80, v3, vm0, $0xb8;
	[tilespmem:$0x10080] =	vst v63  }
0x1f2: {  	s28 =	simm.s32 $0x7880  }
0x1f3: {  	[tilespmem:s28], [sflag:$0x1] =	stream.indirect_vreg.gather [hbm4b:s10+s3], $0x80, v3, vm0, $0xb8;
	[tilespmem:$0x10080] =	vst v63  }
0x1f4: {  	v3 =	vld [tilespmem:$0x10];
	_ =	sdelay $0x4  }
0x1f5: {  	v59 =	vshll.u32 v3, $0x4  }
0x1f6: {  	v3 =	vand.u32 $0x7, v3;
	v4 =	vand.u32 $0xFFFFFF80, v59  }
0x1f7: {  	v3 =	vor.u32 v3, v4  }
0x1f8: {  	v4 =	vperm.xlane v3, v0;
	_ =	sdelay $0x1  }
0x1f9: {  	v4 =	vadd.s32 v1, v4;
	_ =	sdelay $0x3  }
0x1fa: {  	s16 =	simm.s32 $0x8080  }
0x1fb: {  	[tilespmem:s16], [sflag:$0x1] =	stream.indirect_vreg.gather [hbm4b:s1+s3], $0x80, v4, vm0, $0xb8;
	[tilespmem:$0x10080] =	vst v63  }
0x1fc: {  	s28 =	simm.s32 $0x8880  }
0x1fd: {  	[tilespmem:s28], [sflag:$0x1] =	stream.indirect_vreg.gather [hbm4b:s4+s3], $0x80, v4, vm0, $0xb8;
	[tilespmem:$0x10080] =	vst v63  }
0x1fe: {  	s17 =	simm.s32 $0x9080  }
0x1ff: {  	[tilespmem:s17], [sflag:$0x1] =	stream.indirect_vreg.gather [hbm4b:s5+s3], $0x80, v4, vm0, $0xb8;
	[tilespmem:$0x10080] =	vst v63  }
0x200: {  	s28 =	simm.s32 $0x9880  }
0x201: {  	[tilespmem:s28], [sflag:$0x1] =	stream.indirect_vreg.gather [hbm4b:s6+s3], $0x80, v4, vm0, $0xb8;
	[tilespmem:$0x10080] =	vst v63  }
0x202: {  	s28 =	simm.s32 $0xA080  }
0x203: {  	[tilespmem:s28], [sflag:$0x1] =	stream.indirect_vreg.gather [hbm4b:s7+s3], $0x80, v4, vm0, $0xb8;
	[tilespmem:$0x10080] =	vst v63  }
0x204: {  	v3 =	vperm.xlane v3, v2;
	s28 =	simm.s32 $0xA880  }
0x205: {  	[tilespmem:s28], [sflag:$0x1] =	stream.indirect_vreg.gather [hbm4b:s8+s3], $0x80, v4, vm0, $0xb8;
	[tilespmem:$0x10080] =	vst v63  }
0x206: {  	s23 =	simm.s32 $0xB080;
	v3 =	vadd.s32 v1, v3  }
0x207: {  	[tilespmem:s23], [sflag:$0x1] =	stream.indirect_vreg.gather [hbm4b:s9+s3], $0x80, v4, vm0, $0xb8;
	[tilespmem:$0x10080] =	vst v63  }
0x208: {  	s18 =	simm.s32 $0xB880  }
0x209: {  	[tilespmem:s18], [sflag:$0x1] =	stream.indirect_vreg.gather [hbm4b:s10+s3], $0x80, v4, vm0, $0xb8;
	[tilespmem:$0x10080] =	vst v63  }
0x20a: {  	s19 =	simm.s32 $0xC080  }
0x20b: {  	[tilespmem:s19], [sflag:$0x1] =	stream.indirect_vreg.gather [hbm4b:s1+s3], $0x80, v3, vm0, $0xb8;
	[tilespmem:$0x10080] =	vst v63  }
0x20c: {  	s22 =	simm.s32 $0xC880  }
0x20d: {  	[tilespmem:s22], [sflag:$0x1] =	stream.indirect_vreg.gather [hbm4b:s4+s3], $0x80, v3, vm0, $0xb8;
	[tilespmem:$0x10080] =	vst v63  }
0x20e: {  	s24 =	simm.s32 $0xD080  }
0x20f: {  	[tilespmem:s24], [sflag:$0x1] =	stream.indirect_vreg.gather [hbm4b:s5+s3], $0x80, v3, vm0, $0xb8;
	[tilespmem:$0x10080] =	vst v63  }
0x210: {  	s24 =	simm.s32 $0xD880  }
0x211: {  	[tilespmem:s24], [sflag:$0x1] =	stream.indirect_vreg.gather [hbm4b:s6+s3], $0x80, v3, vm0, $0xb8;
	[tilespmem:$0x10080] =	vst v63  }
0x212: {  	s28 =	simm.s32 $0xE080  }
0x213: {  	[tilespmem:s28], [sflag:$0x1] =	stream.indirect_vreg.gather [hbm4b:s7+s3], $0x80, v3, vm0, $0xb8;
	[tilespmem:$0x10080] =	vst v63  }
0x214: {  	s24 =	simm.s32 $0xE880  }
0x215: {  	[tilespmem:s24], [sflag:$0x1] =	stream.indirect_vreg.gather [hbm4b:s8+s3], $0x80, v3, vm0, $0xb8;
	[tilespmem:$0x10080] =	vst v63  }
0x216: {  	s28 =	simm.s32 $0xF080  }
0x217: {  	[tilespmem:s28], [sflag:$0x1] =	stream.indirect_vreg.gather [hbm4b:s9+s3], $0x80, v3, vm0, $0xb8;
	[tilespmem:$0x10080] =	vst v63  }
0x218: {  	s20 =	simm.s32 $0xF880  }
0x219: {  	[tilespmem:s20], [sflag:$0x1] =	stream.indirect_vreg.gather [hbm4b:s10+s3], $0x80, v3, vm0, $0xb8;
	[tilespmem:$0x10080] =	vst v63  }
0x21a: {  	_ =	swait.ge [sflag:s26], $0x10000  }
0x21b: {  	[sflag:s26] =	ssyncset.done $0x0  }
0x21c: {  	s22 =	rddreg [dreg:$0xf];
	[sflag:s26] =	ssyncadd.s32 $0xFFFF0000  }
0x21d: {  	[hbm4b:s22+s3] =	stream.linear.scatter [tilespmem:s13], [sflag:$0x2], $0x10000, $0x38;
	[tilespmem:$0x10080] =	vst v63  }
0x21e: {  	_ =	swait.ge [sflag:s12], $0x10000  }
0x21f: {  	[sflag:s12] =	ssyncset.done $0x0  }
0x220: {  	s24 =	rddreg [dreg:$0x10];
	[sflag:s12] =	ssyncadd.s32 $0xFFFF0000  }
0x221: {  	[tilespmem:s3], [sflag:$0x2] =	stream.linear.gather [hbm4b:s24+s3], $0x20, $0x38;
	[tilespmem:$0x10080] =	vst v63  }
0x222: {  	_ =	swait.ge [sflag:s12], $0x20  }
0x223: {  	[sflag:s12] =	ssyncset.done $0x0  }
0x224: {  	[sflag:s12] =	ssyncadd.s32 $0xFFFFFFE0  }
0x225: {  	v3 =	vld [tilespmem:$0x0];
	_ =	sdelay $0x4  }
0x226: {  	v60 =	vshll.u32 v3, $0x4  }
0x227: {  	v3 =	vand.u32 $0x7, v3;
	v4 =	vand.u32 $0xFFFFFF80, v60  }
0x228: {  	v3 =	vor.u32 v3, v4  }
0x229: {  	v4 =	vperm.xlane v3, v0;
	_ =	sdelay $0x1  }
0x22a: {  	v4 =	vadd.s32 v1, v4;
	_ =	sdelay $0x4  }
0x22b: {  	[tilespmem:s13], [sflag:$0x1] =	stream.indirect_vreg.gather [hbm4b:s1+s3], $0x80, v4, vm0, $0xb8;
	[tilespmem:$0x10080] =	vst v63  }
0x22c: {  	s28 =	simm.s32 $0x880  }
0x22d: {  	[tilespmem:s28], [sflag:$0x1] =	stream.indirect_vreg.gather [hbm4b:s4+s3], $0x80, v4, vm0, $0xb8;
	[tilespmem:$0x10080] =	vst v63  }
0x22e: {  	s22 =	simm.s32 $0x1080  }
0x22f: {  	[tilespmem:s22], [sflag:$0x1] =	stream.indirect_vreg.gather [hbm4b:s5+s3], $0x80, v4, vm0, $0xb8;
	[tilespmem:$0x10080] =	vst v63  }
0x230: {  	s24 =	simm.s32 $0x1880  }
0x231: {  	[tilespmem:s24], [sflag:$0x1] =	stream.indirect_vreg.gather [hbm4b:s6+s3], $0x80, v4, vm0, $0xb8;
	[tilespmem:$0x10080] =	vst v63  }
0x232: {  	s28 =	simm.s32 $0x2080  }
0x233: {  	[tilespmem:s28], [sflag:$0x1] =	stream.indirect_vreg.gather [hbm4b:s7+s3], $0x80, v4, vm0, $0xb8;
	[tilespmem:$0x10080] =	vst v63  }
0x234: {  	v3 =	vperm.xlane v3, v2;
	s22 =	simm.s32 $0x2880  }
0x235: {  	[tilespmem:s22], [sflag:$0x1] =	stream.indirect_vreg.gather [hbm4b:s8+s3], $0x80, v4, vm0, $0xb8;
	[tilespmem:$0x10080] =	vst v63  }
0x236: {  	s0 =	simm.s32 $0x3080;
	v3 =	vadd.s32 v1, v3  }
0x237: {  	[tilespmem:s0], [sflag:$0x1] =	stream.indirect_vreg.gather [hbm4b:s9+s3], $0x80, v4, vm0, $0xb8;
	[tilespmem:$0x10080] =	vst v63  }
0x238: {  	s2 =	simm.s32 $0x3880  }
0x239: {  	[tilespmem:s2], [sflag:$0x1] =	stream.indirect_vreg.gather [hbm4b:s10+s3], $0x80, v4, vm0, $0xb8;
	[tilespmem:$0x10080] =	vst v63  }
0x23a: {  	s11 =	simm.s32 $0x4080  }
0x23b: {  	[tilespmem:s11], [sflag:$0x1] =	stream.indirect_vreg.gather [hbm4b:s1+s3], $0x80, v3, vm0, $0xb8;
	[tilespmem:$0x10080] =	vst v63  }
0x23c: {  	s25 =	simm.s32 $0x4880  }
0x23d: {  	[tilespmem:s25], [sflag:$0x1] =	stream.indirect_vreg.gather [hbm4b:s4+s3], $0x80, v3, vm0, $0xb8;
	[tilespmem:$0x10080] =	vst v63  }
0x23e: {  	s29 =	simm.s32 $0x5080  }
0x23f: {  	[tilespmem:s29], [sflag:$0x1] =	stream.indirect_vreg.gather [hbm4b:s5+s3], $0x80, v3, vm0, $0xb8;
	[tilespmem:$0x10080] =	vst v63  }
0x240: {  	s30 =	simm.s32 $0x5880  }
0x241: {  	[tilespmem:s30], [sflag:$0x1] =	stream.indirect_vreg.gather [hbm4b:s6+s3], $0x80, v3, vm0, $0xb8;
	[tilespmem:$0x10080] =	vst v63  }
0x242: {  	s31 =	simm.s32 $0x6080  }
0x243: {  	[tilespmem:s31], [sflag:$0x1] =	stream.indirect_vreg.gather [hbm4b:s7+s3], $0x80, v3, vm0, $0xb8;
	[tilespmem:$0x10080] =	vst v63  }
0x244: {  	s14 =	simm.s32 $0x6880  }
0x245: {  	[tilespmem:s14], [sflag:$0x1] =	stream.indirect_vreg.gather [hbm4b:s8+s3], $0x80, v3, vm0, $0xb8;
	[tilespmem:$0x10080] =	vst v63  }
0x246: {  	s15 =	simm.s32 $0x7080  }
0x247: {  	[tilespmem:s15], [sflag:$0x1] =	stream.indirect_vreg.gather [hbm4b:s9+s3], $0x80, v3, vm0, $0xb8;
	[tilespmem:$0x10080] =	vst v63  }
0x248: {  	s24 =	simm.s32 $0x7880  }
0x249: {  	[tilespmem:s24], [sflag:$0x1] =	stream.indirect_vreg.gather [hbm4b:s10+s3], $0x80, v3, vm0, $0xb8;
	[tilespmem:$0x10080] =	vst v63  }
0x24a: {  	v3 =	vld [tilespmem:$0x10];
	_ =	sdelay $0x4  }
0x24b: {  	v61 =	vshll.u32 v3, $0x4  }
0x24c: {  	v3 =	vand.u32 $0x7, v3;
	v4 =	vand.u32 $0xFFFFFF80, v61  }
0x24d: {  	v3 =	vor.u32 v3, v4  }
0x24e: {  	v4 =	vperm.xlane v3, v0;
	_ =	sdelay $0x1  }
0x24f: {  	v4 =	vadd.s32 v1, v4;
	_ =	sdelay $0x3  }
0x250: {  	s16 =	simm.s32 $0x8080  }
0x251: {  	[tilespmem:s16], [sflag:$0x1] =	stream.indirect_vreg.gather [hbm4b:s1+s3], $0x80, v4, vm0, $0xb8;
	[tilespmem:$0x10080] =	vst v63  }
0x252: {  	s28 =	simm.s32 $0x8880  }
0x253: {  	[tilespmem:s28], [sflag:$0x1] =	stream.indirect_vreg.gather [hbm4b:s4+s3], $0x80, v4, vm0, $0xb8;
	[tilespmem:$0x10080] =	vst v63  }
0x254: {  	s17 =	simm.s32 $0x9080  }
0x255: {  	[tilespmem:s17], [sflag:$0x1] =	stream.indirect_vreg.gather [hbm4b:s5+s3], $0x80, v4, vm0, $0xb8;
	[tilespmem:$0x10080] =	vst v63  }
0x256: {  	s24 =	simm.s32 $0x9880  }
0x257: {  	[tilespmem:s24], [sflag:$0x1] =	stream.indirect_vreg.gather [hbm4b:s6+s3], $0x80, v4, vm0, $0xb8;
	[tilespmem:$0x10080] =	vst v63  }
0x258: {  	s28 =	simm.s32 $0xA080  }
0x259: {  	[tilespmem:s28], [sflag:$0x1] =	stream.indirect_vreg.gather [hbm4b:s7+s3], $0x80, v4, vm0, $0xb8;
	[tilespmem:$0x10080] =	vst v63  }
0x25a: {  	v3 =	vperm.xlane v3, v2;
	s28 =	simm.s32 $0xA880  }
0x25b: {  	[tilespmem:s28], [sflag:$0x1] =	stream.indirect_vreg.gather [hbm4b:s8+s3], $0x80, v4, vm0, $0xb8;
	[tilespmem:$0x10080] =	vst v63  }
0x25c: {  	v3 =	vadd.s32 v1, v3;
	s24 =	simm.s32 $0xB080  }
0x25d: {  	[tilespmem:s24], [sflag:$0x1] =	stream.indirect_vreg.gather [hbm4b:s9+s3], $0x80, v4, vm0, $0xb8;
	[tilespmem:$0x10080] =	vst v63  }
0x25e: {  	s18 =	simm.s32 $0xB880  }
0x25f: {  	[tilespmem:s18], [sflag:$0x1] =	stream.indirect_vreg.gather [hbm4b:s10+s3], $0x80, v4, vm0, $0xb8;
	[tilespmem:$0x10080] =	vst v63  }
0x260: {  	s19 =	simm.s32 $0xC080  }
0x261: {  	[tilespmem:s19], [sflag:$0x1] =	stream.indirect_vreg.gather [hbm4b:s1+s3], $0x80, v3, vm0, $0xb8;
	[tilespmem:$0x10080] =	vst v63  }
0x262: {  	s23 =	simm.s32 $0xC880  }
0x263: {  	[tilespmem:s23], [sflag:$0x1] =	stream.indirect_vreg.gather [hbm4b:s4+s3], $0x80, v3, vm0, $0xb8;
	[tilespmem:$0x10080] =	vst v63  }
0x264: {  	s28 =	simm.s32 $0xD080  }
0x265: {  	[tilespmem:s28], [sflag:$0x1] =	stream.indirect_vreg.gather [hbm4b:s5+s3], $0x80, v3, vm0, $0xb8;
	[tilespmem:$0x10080] =	vst v63  }
0x266: {  	s28 =	simm.s32 $0xD880  }
0x267: {  	[tilespmem:s28], [sflag:$0x1] =	stream.indirect_vreg.gather [hbm4b:s6+s3], $0x80, v3, vm0, $0xb8;
	[tilespmem:$0x10080] =	vst v63  }
0x268: {  	s28 =	simm.s32 $0xE080  }
0x269: {  	[tilespmem:s28], [sflag:$0x1] =	stream.indirect_vreg.gather [hbm4b:s7+s3], $0x80, v3, vm0, $0xb8;
	[tilespmem:$0x10080] =	vst v63  }
0x26a: {  	s28 =	simm.s32 $0xE880  }
0x26b: {  	[tilespmem:s28], [sflag:$0x1] =	stream.indirect_vreg.gather [hbm4b:s8+s3], $0x80, v3, vm0, $0xb8;
	[tilespmem:$0x10080] =	vst v63  }
0x26c: {  	s28 =	simm.s32 $0xF080  }
0x26d: {  	[tilespmem:s28], [sflag:$0x1] =	stream.indirect_vreg.gather [hbm4b:s9+s3], $0x80, v3, vm0, $0xb8;
	[tilespmem:$0x10080] =	vst v63  }
0x26e: {  	s28 =	simm.s32 $0xF880  }
0x26f: {  	[tilespmem:s28], [sflag:$0x1] =	stream.indirect_vreg.gather [hbm4b:s10+s3], $0x80, v3, vm0, $0xb8;
	[tilespmem:$0x10080] =	vst v63  }
0x270: {  	_ =	swait.ge [sflag:s26], $0x10000  }
0x271: {  	[sflag:s26] =	ssyncset.done $0x0  }
0x272: {  	s28 =	rddreg [dreg:$0x11];
	[sflag:s26] =	ssyncadd.s32 $0xFFFF0000  }
0x273: {  	[hbm4b:s28+s3] =	stream.linear.scatter [tilespmem:s13], [sflag:$0x2], $0x10000, $0x38;
	[tilespmem:$0x10080] =	vst v63  }
0x274: {  	_ =	swait.ge [sflag:s12], $0x10000  }
0x275: {  	[sflag:s12] =	ssyncset.done $0x0  }
0x276: {  	s28 =	rddreg [dreg:$0x12];
	[sflag:s12] =	ssyncadd.s32 $0xFFFF0000  }
0x277: {  	[tilespmem:s3], [sflag:$0x2] =	stream.linear.gather [hbm4b:s28+s3], $0x20, $0x38;
	[tilespmem:$0x10080] =	vst v63  }
0x278: {  	_ =	swait.ge [sflag:s12], $0x20  }
0x279: {  	[sflag:s12] =	ssyncset.done $0x0  }
0x27a: {  	[sflag:s12] =	ssyncadd.s32 $0xFFFFFFE0  }
0x27b: {  	v3 =	vld [tilespmem:$0x0];
	_ =	sdelay $0x4  }
0x27c: {  	v62 =	vshll.u32 v3, $0x4  }
0x27d: {  	v3 =	vand.u32 $0x7, v3;
	v4 =	vand.u32 $0xFFFFFF80, v62  }
0x27e: {  	v3 =	vor.u32 v3, v4  }
0x27f: {  	v4 =	vperm.xlane v3, v0;
	_ =	sdelay $0x1  }
0x280: {  	v4 =	vadd.s32 v1, v4;
	_ =	sdelay $0x4  }
0x281: {  	[tilespmem:s13], [sflag:$0x1] =	stream.indirect_vreg.gather [hbm4b:s1+s3], $0x80, v4, vm0, $0xb8;
	[tilespmem:$0x10080] =	vst v63  }
0x282: {  	s28 =	simm.s32 $0x880  }
0x283: {  	[tilespmem:s28], [sflag:$0x1] =	stream.indirect_vreg.gather [hbm4b:s4+s3], $0x80, v4, vm0, $0xb8;
	[tilespmem:$0x10080] =	vst v63  }
0x284: {  	s28 =	simm.s32 $0x1080  }
0x285: {  	[tilespmem:s28], [sflag:$0x1] =	stream.indirect_vreg.gather [hbm4b:s5+s3], $0x80, v4, vm0, $0xb8;
	[tilespmem:$0x10080] =	vst v63  }
0x286: {  	s28 =	simm.s32 $0x1880  }
0x287: {  	[tilespmem:s28], [sflag:$0x1] =	stream.indirect_vreg.gather [hbm4b:s6+s3], $0x80, v4, vm0, $0xb8;
	[tilespmem:$0x10080] =	vst v63  }
0x288: {  	s28 =	simm.s32 $0x2080  }
0x289: {  	[tilespmem:s28], [sflag:$0x1] =	stream.indirect_vreg.gather [hbm4b:s7+s3], $0x80, v4, vm0, $0xb8;
	[tilespmem:$0x10080] =	vst v63  }
0x28a: {  	v3 =	vperm.xlane v3, v2;
	s28 =	simm.s32 $0x2880  }
0x28b: {  	[tilespmem:s28], [sflag:$0x1] =	stream.indirect_vreg.gather [hbm4b:s8+s3], $0x80, v4, vm0, $0xb8;
	[tilespmem:$0x10080] =	vst v63  }
0x28c: {  	s0 =	simm.s32 $0x3080;
	v3 =	vadd.s32 v1, v3  }
0x28d: {  	[tilespmem:s0], [sflag:$0x1] =	stream.indirect_vreg.gather [hbm4b:s9+s3], $0x80, v4, vm0, $0xb8;
	[tilespmem:$0x10080] =	vst v63  }
0x28e: {  	s2 =	simm.s32 $0x3880  }
0x28f: {  	[tilespmem:s2], [sflag:$0x1] =	stream.indirect_vreg.gather [hbm4b:s10+s3], $0x80, v4, vm0, $0xb8;
	[tilespmem:$0x10080] =	vst v63  }
0x290: {  	s11 =	simm.s32 $0x4080  }
0x291: {  	[tilespmem:s11], [sflag:$0x1] =	stream.indirect_vreg.gather [hbm4b:s1+s3], $0x80, v3, vm0, $0xb8;
	[tilespmem:$0x10080] =	vst v63  }
0x292: {  	s20 =	simm.s32 $0x4880  }
0x293: {  	[tilespmem:s20], [sflag:$0x1] =	stream.indirect_vreg.gather [hbm4b:s4+s3], $0x80, v3, vm0, $0xb8;
	[tilespmem:$0x10080] =	vst v63  }
0x294: {  	s25 =	simm.s32 $0x5080  }
0x295: {  	[tilespmem:s25], [sflag:$0x1] =	stream.indirect_vreg.gather [hbm4b:s5+s3], $0x80, v3, vm0, $0xb8;
	[tilespmem:$0x10080] =	vst v63  }
0x296: {  	s29 =	simm.s32 $0x5880  }
0x297: {  	[tilespmem:s29], [sflag:$0x1] =	stream.indirect_vreg.gather [hbm4b:s6+s3], $0x80, v3, vm0, $0xb8;
	[tilespmem:$0x10080] =	vst v63  }
0x298: {  	s30 =	simm.s32 $0x6080  }
0x299: {  	[tilespmem:s30], [sflag:$0x1] =	stream.indirect_vreg.gather [hbm4b:s7+s3], $0x80, v3, vm0, $0xb8;
	[tilespmem:$0x10080] =	vst v63  }
0x29a: {  	s14 =	simm.s32 $0x6880  }
0x29b: {  	[tilespmem:s14], [sflag:$0x1] =	stream.indirect_vreg.gather [hbm4b:s8+s3], $0x80, v3, vm0, $0xb8;
	[tilespmem:$0x10080] =	vst v63  }
0x29c: {  	s15 =	simm.s32 $0x7080  }
0x29d: {  	[tilespmem:s15], [sflag:$0x1] =	stream.indirect_vreg.gather [hbm4b:s9+s3], $0x80, v3, vm0, $0xb8;
	[tilespmem:$0x10080] =	vst v63  }
0x29e: {  	s31 =	simm.s32 $0x7880  }
0x29f: {  	[tilespmem:s31], [sflag:$0x1] =	stream.indirect_vreg.gather [hbm4b:s10+s3], $0x80, v3, vm0, $0xb8;
	[tilespmem:$0x10080] =	vst v63  }
0x2a0: {  	v3 =	vld [tilespmem:$0x10];
	_ =	sdelay $0x4  }
0x2a1: {  	v63 =	vshll.u32 v3, $0x4  }
0x2a2: {  	v3 =	vand.u32 $0x7, v3;
	v4 =	vand.u32 $0xFFFFFF80, v63  }
0x2a3: {  	v3 =	vor.u32 v3, v4  }
0x2a4: {  	v4 =	vperm.xlane v3, v0;
	_ =	sdelay $0x1  }
0x2a5: {  	v4 =	vadd.s32 v1, v4;
	_ =	sdelay $0x3  }
0x2a6: {  	s16 =	simm.s32 $0x8080  }
0x2a7: {  	[tilespmem:s16], [sflag:$0x1] =	stream.indirect_vreg.gather [hbm4b:s1+s3], $0x80, v4, vm0, $0xb8;
	[tilespmem:$0x10080] =	vst v63  }
0x2a8: {  	s16 =	simm.s32 $0x8880  }
0x2a9: {  	[tilespmem:s16], [sflag:$0x1] =	stream.indirect_vreg.gather [hbm4b:s4+s3], $0x80, v4, vm0, $0xb8;
	[tilespmem:$0x10080] =	vst v63  }
0x2aa: {  	s17 =	simm.s32 $0x9080  }
0x2ab: {  	[tilespmem:s17], [sflag:$0x1] =	stream.indirect_vreg.gather [hbm4b:s5+s3], $0x80, v4, vm0, $0xb8;
	[tilespmem:$0x10080] =	vst v63  }
0x2ac: {  	s22 =	simm.s32 $0x9880  }
0x2ad: {  	[tilespmem:s22], [sflag:$0x1] =	stream.indirect_vreg.gather [hbm4b:s6+s3], $0x80, v4, vm0, $0xb8;
	[tilespmem:$0x10080] =	vst v63  }
0x2ae: {  	s20 =	simm.s32 $0xA080  }
0x2af: {  	[tilespmem:s20], [sflag:$0x1] =	stream.indirect_vreg.gather [hbm4b:s7+s3], $0x80, v4, vm0, $0xb8;
	[tilespmem:$0x10080] =	vst v63  }
0x2b0: {  	v3 =	vperm.xlane v3, v2;
	s22 =	simm.s32 $0xA880  }
0x2b1: {  	[tilespmem:s22], [sflag:$0x1] =	stream.indirect_vreg.gather [hbm4b:s8+s3], $0x80, v4, vm0, $0xb8;
	[tilespmem:$0x10080] =	vst v63  }
0x2b2: {  	s24 =	simm.s32 $0xB080;
	v3 =	vadd.s32 v1, v3  }
0x2b3: {  	[tilespmem:s24], [sflag:$0x1] =	stream.indirect_vreg.gather [hbm4b:s9+s3], $0x80, v4, vm0, $0xb8;
	[tilespmem:$0x10080] =	vst v63  }
0x2b4: {  	s18 =	simm.s32 $0xB880  }
0x2b5: {  	[tilespmem:s18], [sflag:$0x1] =	stream.indirect_vreg.gather [hbm4b:s10+s3], $0x80, v4, vm0, $0xb8;
	[tilespmem:$0x10080] =	vst v63  }
0x2b6: {  	s19 =	simm.s32 $0xC080  }
0x2b7: {  	[tilespmem:s19], [sflag:$0x1] =	stream.indirect_vreg.gather [hbm4b:s1+s3], $0x80, v3, vm0, $0xb8;
	[tilespmem:$0x10080] =	vst v63  }
0x2b8: {  	s23 =	simm.s32 $0xC880  }
0x2b9: {  	[tilespmem:s23], [sflag:$0x1] =	stream.indirect_vreg.gather [hbm4b:s4+s3], $0x80, v3, vm0, $0xb8;
	[tilespmem:$0x10080] =	vst v63  }
0x2ba: {  	s23 =	simm.s32 $0xD080  }
0x2bb: {  	[tilespmem:s23], [sflag:$0x1] =	stream.indirect_vreg.gather [hbm4b:s5+s3], $0x80, v3, vm0, $0xb8;
	[tilespmem:$0x10080] =	vst v63  }
0x2bc: {  	s24 =	simm.s32 $0xD880  }
0x2bd: {  	[tilespmem:s24], [sflag:$0x1] =	stream.indirect_vreg.gather [hbm4b:s6+s3], $0x80, v3, vm0, $0xb8;
	[tilespmem:$0x10080] =	vst v63  }
0x2be: {  	s25 =	simm.s32 $0xE080  }
0x2bf: {  	[tilespmem:s25], [sflag:$0x1] =	stream.indirect_vreg.gather [hbm4b:s7+s3], $0x80, v3, vm0, $0xb8;
	[tilespmem:$0x10080] =	vst v63  }
0x2c0: {  	s28 =	simm.s32 $0xE880  }
0x2c1: {  	[tilespmem:s28], [sflag:$0x1] =	stream.indirect_vreg.gather [hbm4b:s8+s3], $0x80, v3, vm0, $0xb8;
	[tilespmem:$0x10080] =	vst v63  }
0x2c2: {  	s29 =	simm.s32 $0xF080  }
0x2c3: {  	[tilespmem:s29], [sflag:$0x1] =	stream.indirect_vreg.gather [hbm4b:s9+s3], $0x80, v3, vm0, $0xb8;
	[tilespmem:$0x10080] =	vst v63  }
0x2c4: {  	s30 =	simm.s32 $0xF880  }
0x2c5: {  	[tilespmem:s30], [sflag:$0x1] =	stream.indirect_vreg.gather [hbm4b:s10+s3], $0x80, v3, vm0, $0xb8;
	[tilespmem:$0x10080] =	vst v63  }
0x2c6: {  	_ =	swait.ge [sflag:s26], $0x10000  }
0x2c7: {  	p0 =	sne.s32 s21, $0x1;
	[sflag:s26] =	ssyncset.done $0x0  }
.Ltmp0:
0x2c8: {  	s31 =	rddreg [dreg:$0x13];
	[sflag:s26] =	ssyncadd.s32 $0xFFFF0000;
	(pc) =	sbr.rel @p0 .LBB2_1-.Ltmp0, $4  }
0x2c9: {  	[hbm4b:s31+s3] =	stream.linear.scatter [tilespmem:s13], [sflag:$0x2], $0x10000, $0x38;
	[tilespmem:$0x10080] =	vst v63  }
0x2ca: {  	_ =	swait.ge [sflag:s12], $0x10000  }
0x2cb: {  	[sflag:s12] =	ssyncset.done $0x0  }
0x2cc: {  	s21 =	sadd.s32 $0xFFFFFFFF, s21;
	[sflag:s12] =	ssyncadd.s32 $0xFFFF0000  }
0x2cd: {  	_ =	sfence.sel $0x180000  }
0x2ce: {  	[bflag:$0x0] =	sbarrier.arrive $0xFFFF  }
0x2cf: {  	_ =	strace $0x9000004A  }
0x2d0: {  	s0 =	stileid.u32;
	[bflag:$0x2] =	sbarrier.arrive $0xFFFF  }
0x2d1: {  	p0 =	sne.s32 s0, $0x0;
	s0 =	rddreg [dreg:$0x3]  }
0x2d2: {  	s0 =	sadd.s32 @!p0 $0x100000, s0  }
0x2d3: {  	[sflag:s0] =	ssyncadd.tile.s32 @!p0 $0x1;
	_ =	shalt  }
.Lfunc_end2:
_tile_overlayer_lowered:
.L_overlay_start_2:
0x2d4: {  	(tag) =	ssettag $0x2  }
0x2d5: {  	s0 =	rddreg [dreg:$0x0];
	s2 =	stileid.u32  }
0x2d6: {  	s1 =	rddreg [dreg:$0x1];
	p0 =	sne.s32 s2, $0x0  }
0x2d7: {  	s3 =	rddreg [dreg:$0x2];
	[bflag:$0x3] =	sbarrier.arrive $0xFFFF;
	s2 =	simm.s32 @!p0 $0x1C02  }
0x2d8: {  	[timem:s3], [sflag:s2] =	dma.local @!p0 [hbm:s0], s1  }
0x2d9: {  	s0 =	simm.s32 @!p0 $0x2  }
0x2da: {  	_ =	swait.ge @!p0 [sflag:s0], s1  }
0x2db: {  	s1 =	ssub.s32 @!p0 $0x0, s1;
	[sflag:s0] =	ssyncset.done @!p0 $0x0  }
0x2dc: {  	[sflag:s0] =	ssyncadd.s32 @!p0 s1  }
0x2dd: {  	[bflag:$0x3] =	sbarrier.arrive $0xFFFF  }
0x2de: {  	_ =	shalt  }

</sc_bundles>
